<compile_context>
chip_gen: v7x
topology: tpu7x:2x2x1
jax: 0.10.2.dev20260603
libtpu: 0.0.44.dev20260713+nightly
codegen_flags: <defaults>
</compile_context>

<pallas_src>
import functools

import jax
import jax.numpy as jnp
from jax import lax
from jax.experimental import pallas as pl
from jax.experimental.pallas import tpu as pltpu
from jax.experimental.pallas import tpu_sc as plsc

N = 10000
E = 320000
D = 128
KATTR = 5

NC = 2
NS = 16
NW = NC * NS
EPW = E // NW
CHUNK = 80
NCH = EPW // CHUNK
ZR = 80
NZCH = N // ZR

_mesh = plsc.VectorSubcoreMesh(core_axis_name="c", subcore_axis_name="s")


@functools.partial(
    pl.kernel,
    out_type=jax.ShapeDtypeStruct((2 * N,), jnp.float32),
    mesh=_mesh,
    scratch_types=[
        pltpu.VMEM((NCH, CHUNK), jnp.int32),
        pltpu.VMEM((CHUNK,), jnp.float32),
        pltpu.VMEM((1000,), jnp.float32),
        pltpu.VMEM_SHARED((N,), jnp.float32),
    ],
)
def _sc_degree(dst3, ones, zeros1k, out, didx, onesv, zbuf, accd):
    c = lax.axis_index("c")
    s = lax.axis_index("s")
    wid = c * NS + s
    pltpu.sync_copy(ones, onesv)
    pltpu.sync_copy(dst3.at[wid], didx)

    @pl.when(s < 10)
    def _zero():
        pltpu.sync_copy(zeros1k, zbuf)
        pltpu.sync_copy(zbuf, accd.at[pl.ds(s * 1000, 1000)])

    plsc.subcore_barrier()

    def body(i, carry):
        pltpu.sync_copy(onesv, accd.at[didx.at[i]], add=True)
        return carry

    lax.fori_loop(0, NCH, body, 0)
    plsc.subcore_barrier()

    @pl.when(s < 10)
    def _copy_out():
        pltpu.sync_copy(accd.at[pl.ds(s * 1000, 1000)], zbuf)
        pltpu.sync_copy(zbuf, out.at[pl.ds(c * N + s * 1000, 1000)])


NBUF = 3
PH_A = 64
PH_B = NCH - PH_A


@functools.partial(
    pl.kernel,
    out_type=jax.ShapeDtypeStruct((2 * N, D), jnp.float32),
    mesh=_mesh,
    scratch_types=[
        pltpu.VMEM((PH_A * CHUNK,), jnp.int32),
        pltpu.VMEM((PH_A, CHUNK), jnp.int32),
        [pltpu.VMEM((CHUNK, D), jnp.float32) for _ in range(NBUF)],
        pltpu.VMEM_SHARED((N, D), jnp.float32),
        [pltpu.SemaphoreType.DMA for _ in range(NBUF)],
        [pltpu.SemaphoreType.DMA for _ in range(NBUF)],
    ],
)
def _sc_aggregate(table, src, dst3, zeros, out, sidx, didx, rows, acc, gsem,
                  ssem):
    c = lax.axis_index("c")
    s = lax.axis_index("s")
    wid = c * NS + s
    base = wid * EPW
    pltpu.sync_copy(zeros, rows[0])
    for t in range((NZCH + NS - 1) // NS):
        ch = s + NS * t

        @pl.when(ch < NZCH)
        def _zero():
            pltpu.async_copy(rows[0], acc.at[pl.ds(ch * ZR, ZR)], gsem[0])

    for t in range((NZCH + NS - 1) // NS):
        ch = s + NS * t

        @pl.when(ch < NZCH)
        def _zwait():
            pltpu.make_async_copy(zeros, rows[1], gsem[0]).wait()

    plsc.subcore_barrier()

    def drain(ref, sem):
        pltpu.make_async_copy(table.at[pl.ds(0, CHUNK)], ref, sem).wait()

    def gather(j, b):
        pltpu.async_copy(table.at[sidx.at[pl.ds(j * CHUNK, CHUNK)]], rows[b],
                         gsem[b])

    def phase(ch0, m):
        pltpu.sync_copy(src.at[pl.ds(base + ch0 * CHUNK, m * CHUNK)],
                        sidx.at[pl.ds(0, m * CHUNK)])
        pltpu.sync_copy(dst3.at[wid, pl.ds(ch0, m)], didx.at[pl.ds(0, m)])
        gather(0, 0)
        gather(1, 1)

        def body(k, carry):
            for b in range(NBUF):
                j = k * NBUF + b
                bp = (b + 2) % NBUF

                @pl.when(j < m)
                def _work():
                    drain(rows[b], gsem[b])
                    pltpu.async_copy(rows[b], acc.at[didx.at[j]], ssem[b],
                                    add=True)

                @pl.when(jnp.logical_and(j + 2 < m, j > 0))
                def _next():
                    drain(rows[bp], ssem[bp])
                    gather(j + 2, bp)

                @pl.when(j == 0)
                def _third():
                    gather(2, 2)

            return carry

        lax.fori_loop(0, (m + NBUF - 1) // NBUF, body, 0)
        for q in range(NBUF):
            drain(rows[q], ssem[(m - NBUF + q) % NBUF])

    phase(0, PH_A)
    phase(PH_A, PH_B)
    plsc.subcore_barrier()
    for t in range((NZCH + NS - 1) // NS):
        ch = s + NS * t
        b = t % NBUF

        @pl.when(ch < NZCH)
        def _copy_out():
            if t >= NBUF:
                pltpu.make_async_copy(zeros, rows[b], ssem[b]).wait()
            pltpu.sync_copy(acc.at[pl.ds(ch * ZR, ZR)], rows[b])
            pltpu.async_copy(rows[b], out.at[pl.ds(c * N + ch * ZR, ZR)],
                             ssem[b])

    for b in range(NBUF):
        t_last = b

        @pl.when(s + NS * t_last < NZCH)
        def _cwait():
            pltpu.make_async_copy(zeros, rows[b], ssem[b]).wait()


BLK = 400
GRID = N // BLK

_row = pl.BlockSpec((BLK, D), lambda i: (i, 0))
_col = pl.BlockSpec((BLK, 1), lambda i: (i, 0))
_w = pl.BlockSpec((D, D), lambda i: (0, 0))
_b = pl.BlockSpec((1, D), lambda i: (0, 0))
_wcol = pl.BlockSpec((D, 1), lambda i: (0, 0))
_scal = pl.BlockSpec((1, 1), lambda i: (0, 0))


def _dot(a, b):
    return jnp.dot(a, b, preferred_element_type=jnp.float32)


def _tc1_body(x, d0, d1, ep, w_pre, bp, wg1, wd0, bd0, wd1, bd1, wd2, bd2,
              wd3, bd3, wfb, t1_o, dinv_o, yd_o):
    dinv = lax.rsqrt(d0[...] + d1[...] + 1.0)
    dinv_o[...] = dinv
    h0 = _dot(x[...], w_pre[...]) + bp[...]
    t1_o[...] = _dot(h0, wg1[...]) * dinv
    e = jnp.maximum(_dot(ep[...], wd0[...]) + bd0[...], 0.0)
    e = jnp.maximum(_dot(e, wd1[...]) + bd1[...], 0.0)
    e = jnp.maximum(_dot(e, wd2[...]) + bd2[...], 0.0)
    dist = _dot(e, wd3[...]) + bd3[...]
    yd_o[...] = _dot(dist, wfb[...])


_tc1 = pl.pallas_call(
    _tc1_body,
    grid=(GRID,),
    in_specs=[_row, _col, _col, pl.BlockSpec((BLK, KATTR), lambda i: (i, 0)),
              _w, _b, _w, pl.BlockSpec((KATTR, D), lambda i: (0, 0)), _b, _w,
              _b, _w, _b, _w, _b, _wcol],
    out_specs=[_row, _col, _col],
    out_shape=[
        jax.ShapeDtypeStruct((N, D), jnp.float32),
        jax.ShapeDtypeStruct((N, 1), jnp.float32),
        jax.ShapeDtypeStruct((N, 1), jnp.float32),
    ],
)


def _tc2_body(pa, pb, t1, dinv, bg, wg2, t2_o):
    h = jnp.maximum((pa[...] + pb[...] + t1[...]) * dinv[...] + bg[...], 0.0)
    t2_o[...] = _dot(h, wg2[...]) * dinv[...]


_tc2 = pl.pallas_call(
    _tc2_body,
    grid=(GRID,),
    in_specs=[_row, _row, _row, _col, _b, _w],
    out_specs=_row,
    out_shape=jax.ShapeDtypeStruct((N, D), jnp.float32),
)


def _tc3_body(pa, pb, t2, dinv, bg, w_post, b_post, wfa, yd, bfin, y_o):
    h = jnp.maximum((pa[...] + pb[...] + t2[...]) * dinv[...] + bg[...], 0.0)
    feat = _dot(h, w_post[...]) + b_post[...]
    z = _dot(feat, wfa[...]) + yd[...] + bfin[...]
    y_o[...] = jax.nn.sigmoid(z)


_tc3 = pl.pallas_call(
    _tc3_body,
    grid=(GRID,),
    in_specs=[_row, _row, _row, _col, _b, _w, _b, _wcol, _col, _scal],
    out_specs=_col,
    out_shape=jax.ShapeDtypeStruct((N, 1), jnp.float32),
)


def kernel(x, edge_index, edge_attr, W_pre, b_pre, Wg1, bg1, Wg2, bg2,
           W_post, b_post, Wd0, bd0, Wd1, bd1, Wd2, bd2, Wd3, bd3,
           W_fin, b_fin):
    src = edge_index[0]
    dst3 = edge_index[1].reshape(NW, NCH, CHUNK)
    ones_c = jnp.ones((CHUNK,), jnp.float32)
    zeros1k = jnp.zeros((1000,), jnp.float32)
    zeros2d = jnp.zeros((ZR, D), jnp.float32)

    degs = _sc_degree(dst3, ones_c, zeros1k)
    d0 = degs[:N].reshape(N, 1)
    d1 = degs[N:].reshape(N, 1)

    t1, dinv, yd = _tc1(
        x, d0, d1, edge_attr, W_pre, b_pre.reshape(1, D), Wg1, Wd0,
        bd0.reshape(1, D), Wd1, bd1.reshape(1, D), Wd2, bd2.reshape(1, D),
        Wd3, bd3.reshape(1, D), W_fin[D:])

    p1 = _sc_aggregate(t1, src, dst3, zeros2d)
    t2 = _tc2(p1[:N], p1[N:], t1, dinv, bg1.reshape(1, D), Wg2)

    p2 = _sc_aggregate(t2, src, dst3, zeros2d)
    y = _tc3(p2[:N], p2[N:], t2, dinv, bg2.reshape(1, D), W_post,
             b_post.reshape(1, D), W_fin[:D], yd, b_fin.reshape(1, 1))
    return y.reshape(N)

# --- scband reference (transcript-rebuilt; emitter-appended) ---
"""Pipeline reference for scband-attribute-decoupled-gnn-32031866093971 (READ-ONLY COPY).

The authoritative reference and input builder live on the scoring server;
editing this copy changes nothing except your own understanding.
"""

import jax, jax.numpy as jnp
import numpy as np

N = 10000
E = 320000
D_FEAT = 128
HID = 128
K = 5
NUM_CLASSES = 1


def _lin_init(key, fi, fo):
    kw, kb = jax.random.split(key)
    W = jax.random.normal(kw, (fi, fo), jnp.float32) / np.sqrt(fi)
    b = jnp.zeros((fo,), jnp.float32)
    return W, b


def setup_inputs(seed: int = 0) -> dict:
    key = jax.random.key(seed)
    ks = jax.random.split(key, 16)
    inp = {}
    inp["x"] = jax.random.normal(ks[0], (N, D_FEAT), jnp.float32)
    inp["edge_index"] = jax.random.randint(ks[1], (2, E), 0, N, dtype=jnp.int32)
    inp["edge_attr"] = jax.random.normal(ks[2], (N, K), jnp.float32)
    # NodeAttributeAggregator params
    inp["W_pre"], inp["b_pre"] = _lin_init(ks[3], D_FEAT, HID)
    inp["Wg1"], inp["bg1"] = _lin_init(ks[4], HID, HID)
    inp["Wg2"], inp["bg2"] = _lin_init(ks[5], HID, HID)
    inp["W_post"], inp["b_post"] = _lin_init(ks[6], HID, HID)
    # EdgeAttributeAggregator MLP (3 hidden layers + output)
    inp["Wd0"], inp["bd0"] = _lin_init(ks[7], K, HID)
    inp["Wd1"], inp["bd1"] = _lin_init(ks[8], HID, HID)
    inp["Wd2"], inp["bd2"] = _lin_init(ks[9], HID, HID)
    inp["Wd3"], inp["bd3"] = _lin_init(ks[10], HID, HID)
    # final post_process_mlp on concatenated features
    inp["W_fin"], inp["b_fin"] = _lin_init(ks[11], 2 * HID, NUM_CLASSES)
    return inp


def reference(x, edge_index, edge_attr, W_pre, b_pre, Wg1, bg1, Wg2, bg2,
              W_post, b_post, Wd0, bd0, Wd1, bd1, Wd2, bd2, Wd3, bd3,
              W_fin, b_fin):
    # --- NodeAttributeAggregator (feat branch): pre-MLP -> GCN -> act -> GCN -> act -> post-MLP ---
    src = edge_index[0]
    dst = edge_index[1]
    loop = jnp.arange(N, dtype=src.dtype)
    src = jnp.concatenate([src, loop])
    dst = jnp.concatenate([dst, loop])
    deg = jnp.zeros((N,), jnp.float32).at[dst].add(1.0)
    dinv = 1.0 / jnp.sqrt(jnp.clip(deg, 1.0))
    norm = dinv[src] * dinv[dst]

    def gcn(h, W, b):
        hw = h @ W
        msg = jnp.take(hw, src, axis=0) * norm[:, None]
        agg = jnp.zeros((N, hw.shape[1]), hw.dtype).at[dst].add(msg)
        return agg + b

    h = x @ W_pre + b_pre
    h = jax.nn.relu(gcn(h, Wg1, bg1))
    h = jax.nn.relu(gcn(h, Wg2, bg2))
    feat_out = h @ W_post + b_post

    # --- EdgeAttributeAggregator (dist branch): reshape(-1, K) -> 3-hidden MLP ---
    e = edge_attr.reshape(-1, K)
    e = jax.nn.relu(e @ Wd0 + bd0)
    e = jax.nn.relu(e @ Wd1 + bd1)
    e = jax.nn.relu(e @ Wd2 + bd2)
    dist_out = e @ Wd3 + bd3

    # --- merge='cat' + final MLP + squeeze + sigmoid ---
    merged = jnp.concatenate([feat_out, dist_out], axis=1)
    y = merged @ W_fin + b_fin
    y = jnp.squeeze(y, 1)
    return jax.nn.sigmoid(y)

if __name__ == "__main__":
    import jax
    _d = setup_inputs()
    print(jax.jit(kernel)(*tuple(_d.values())))

</pallas_src>

<mosaic_0001>
#map = affine_map<(d0, d1) -> (0, 0)>
#map1 = affine_map<(d0, d1) -> (0)>
#map2 = affine_map<(d0, d1) -> (0, 0, 0)>
module attributes {stable_mosaic.version = 14 : i64} {
  func.func @_sc_aggregate(%arg0: i32, %arg1: i32, %arg2: memref<10000x128xf32, #tpu.memory_space<hbm>>, %arg3: memref<320000xi32, #tpu.memory_space<hbm>>, %arg4: memref<32x125x80xi32, #tpu.memory_space<hbm>>, %arg5: memref<80x128xf32, #tpu.memory_space<hbm>>, %arg6: memref<20000x128xf32, #tpu.memory_space<hbm>>, %arg7: memref<5120xi32, #tpu.memory_space<vmem>>, %arg8: memref<64x80xi32, #tpu.memory_space<vmem>>, %arg9: memref<80x128xf32, #tpu.memory_space<vmem>>, %arg10: memref<80x128xf32, #tpu.memory_space<vmem>>, %arg11: memref<80x128xf32, #tpu.memory_space<vmem>>, %arg12: memref<10000x128xf32, #tpu.memory_space<vmem_shared>>, %arg13: memref<!tpu.dma_semaphore, #tpu.memory_space<semaphore_mem>>, %arg14: memref<!tpu.dma_semaphore, #tpu.memory_space<semaphore_mem>>, %arg15: memref<!tpu.dma_semaphore, #tpu.memory_space<semaphore_mem>>, %arg16: memref<!tpu.dma_semaphore, #tpu.memory_space<semaphore_mem>>, %arg17: memref<!tpu.dma_semaphore, #tpu.memory_space<semaphore_mem>>, %arg18: memref<!tpu.dma_semaphore, #tpu.memory_space<semaphore_mem>>) attributes {dimension_semantics = [#tpu.dimension_semantics<core_parallel>, #tpu.dimension_semantics<subcore_parallel>], iteration_bounds = array<i64: 2, 16>, scalar_prefetch = 0 : i64, scratch_operands = 12 : i64, tpu.core_type = #tpu.core_type<sc_vector_subcore>, window_params = [{transform_indices = #map}, {transform_indices = #map1}, {transform_indices = #map2}, {transform_indices = #map}, {transform_indices = #map}]} {
    %mul3A = arith.constant 16 : i32
    %mul3A_0 = arith.muli %arg0, %mul3A : i32
    %add3A = arith.addi %mul3A_0, %arg1 : i32
    %mul3A_1 = arith.constant 10000 : i32
    %mul3A_2 = arith.muli %add3A, %mul3A_1 : i32
    "tpu.region"() ({
      %run_scoped3A = tpu.sem_alloc : memref<!tpu.dma_semaphore, #tpu.memory_space<semaphore_mem>>
      tpu.enqueue_dma source(%arg5 : memref<80x128xf32, #tpu.memory_space<hbm>>) target(%arg9 : memref<80x128xf32, #tpu.memory_space<vmem>>) target_semaphore(%run_scoped3A : memref<!tpu.dma_semaphore, #tpu.memory_space<semaphore_mem>>)
      tpu.wait_dma2 semaphore(%run_scoped3A : memref<!tpu.dma_semaphore, #tpu.memory_space<semaphore_mem>>) src(%arg5 : memref<80x128xf32, #tpu.memory_space<hbm>>) dst(%arg9 : memref<80x128xf32, #tpu.memory_space<vmem>>)
      tpu.yield
    }) : () -> ()
    %add3A_3 = arith.constant 0 : i32
    %add3A_4 = arith.addi %arg1, %add3A_3 : i32
    %lt3A = arith.constant 125 : i32
    %lt3A_5 = arith.cmpi slt, %add3A_4, %lt3A : i32
    %convert_element_type3A = arith.extui %lt3A_5 : i1 to i32
    %cond3A = arith.constant 0 : i32
    %cond3A_6 = arith.cmpi ne, %convert_element_type3A, %cond3A : i32
    scf.if %cond3A_6 {
      %mul3A_259 = arith.constant 80 : i32
      %mul3A_260 = arith.muli %add3A_4, %mul3A_259 : i32
      %dma_start3A_261 = arith.constant 0 : i32
      %dma_start3A_262 = tpu.memref_slice %arg12[%mul3A_260, %dma_start3A_261] : memref<10000x128xf32, #tpu.memory_space<vmem_shared>> -> memref<80x128xf32, #tpu.memory_space<vmem_shared>>
      %dma_start3A_263 = arith.constant 0 : i32
      %dma_start3A_264 = tpu.memref_slice %arg12[%mul3A_260, %dma_start3A_263] : memref<10000x128xf32, #tpu.memory_space<vmem_shared>> -> memref<80x128xf32, #tpu.memory_space<vmem_shared>>
      tpu.enqueue_dma source(%arg9 : memref<80x128xf32, #tpu.memory_space<vmem>>) target(%dma_start3A_264 : memref<80x128xf32, #tpu.memory_space<vmem_shared>>) target_semaphore(%arg13 : memref<!tpu.dma_semaphore, #tpu.memory_space<semaphore_mem>>)
    } else {
    }
    %add3A_7 = arith.constant 16 : i32
    %add3A_8 = arith.addi %arg1, %add3A_7 : i32
    %lt3A_9 = arith.constant 125 : i32
    %lt3A_10 = arith.cmpi slt, %add3A_8, %lt3A_9 : i32
    %convert_element_type3A_11 = arith.extui %lt3A_10 : i1 to i32
    %cond3A_12 = arith.constant 0 : i32
    %cond3A_13 = arith.cmpi ne, %convert_element_type3A_11, %cond3A_12 : i32
    scf.if %cond3A_13 {
      %mul3A_259 = arith.constant 80 : i32
      %mul3A_260 = arith.muli %add3A_8, %mul3A_259 : i32
      %dma_start3A_261 = arith.constant 0 : i32
      %dma_start3A_262 = tpu.memref_slice %arg12[%mul3A_260, %dma_start3A_261] : memref<10000x128xf32, #tpu.memory_space<vmem_shared>> -> memref<80x128xf32, #tpu.memory_space<vmem_shared>>
      %dma_start3A_263 = arith.constant 0 : i32
      %dma_start3A_264 = tpu.memref_slice %arg12[%mul3A_260, %dma_start3A_263] : memref<10000x128xf32, #tpu.memory_space<vmem_shared>> -> memref<80x128xf32, #tpu.memory_space<vmem_shared>>
      tpu.enqueue_dma source(%arg9 : memref<80x128xf32, #tpu.memory_space<vmem>>) target(%dma_start3A_264 : memref<80x128xf32, #tpu.memory_space<vmem_shared>>) target_semaphore(%arg13 : memref<!tpu.dma_semaphore, #tpu.memory_space<semaphore_mem>>)
    } else {
    }
    %add3A_14 = arith.constant 32 : i32
    %add3A_15 = arith.addi %arg1, %add3A_14 : i32
    %lt3A_16 = arith.constant 125 : i32
    %lt3A_17 = arith.cmpi slt, %add3A_15, %lt3A_16 : i32
    %convert_element_type3A_18 = arith.extui %lt3A_17 : i1 to i32
    %cond3A_19 = arith.constant 0 : i32
    %cond3A_20 = arith.cmpi ne, %convert_element_type3A_18, %cond3A_19 : i32
    scf.if %cond3A_20 {
      %mul3A_259 = arith.constant 80 : i32
      %mul3A_260 = arith.muli %add3A_15, %mul3A_259 : i32
      %dma_start3A_261 = arith.constant 0 : i32
      %dma_start3A_262 = tpu.memref_slice %arg12[%mul3A_260, %dma_start3A_261] : memref<10000x128xf32, #tpu.memory_space<vmem_shared>> -> memref<80x128xf32, #tpu.memory_space<vmem_shared>>
      %dma_start3A_263 = arith.constant 0 : i32
      %dma_start3A_264 = tpu.memref_slice %arg12[%mul3A_260, %dma_start3A_263] : memref<10000x128xf32, #tpu.memory_space<vmem_shared>> -> memref<80x128xf32, #tpu.memory_space<vmem_shared>>
      tpu.enqueue_dma source(%arg9 : memref<80x128xf32, #tpu.memory_space<vmem>>) target(%dma_start3A_264 : memref<80x128xf32, #tpu.memory_space<vmem_shared>>) target_semaphore(%arg13 : memref<!tpu.dma_semaphore, #tpu.memory_space<semaphore_mem>>)
    } else {
    }
    %add3A_21 = arith.constant 48 : i32
    %add3A_22 = arith.addi %arg1, %add3A_21 : i32
    %lt3A_23 = arith.constant 125 : i32
    %lt3A_24 = arith.cmpi slt, %add3A_22, %lt3A_23 : i32
    %convert_element_type3A_25 = arith.extui %lt3A_24 : i1 to i32
    %cond3A_26 = arith.constant 0 : i32
    %cond3A_27 = arith.cmpi ne, %convert_element_type3A_25, %cond3A_26 : i32
    scf.if %cond3A_27 {
      %mul3A_259 = arith.constant 80 : i32
      %mul3A_260 = arith.muli %add3A_22, %mul3A_259 : i32
      %dma_start3A_261 = arith.constant 0 : i32
      %dma_start3A_262 = tpu.memref_slice %arg12[%mul3A_260, %dma_start3A_261] : memref<10000x128xf32, #tpu.memory_space<vmem_shared>> -> memref<80x128xf32, #tpu.memory_space<vmem_shared>>
      %dma_start3A_263 = arith.constant 0 : i32
      %dma_start3A_264 = tpu.memref_slice %arg12[%mul3A_260, %dma_start3A_263] : memref<10000x128xf32, #tpu.memory_space<vmem_shared>> -> memref<80x128xf32, #tpu.memory_space<vmem_shared>>
      tpu.enqueue_dma source(%arg9 : memref<80x128xf32, #tpu.memory_space<vmem>>) target(%dma_start3A_264 : memref<80x128xf32, #tpu.memory_space<vmem_shared>>) target_semaphore(%arg13 : memref<!tpu.dma_semaphore, #tpu.memory_space<semaphore_mem>>)
    } else {
    }
    %add3A_28 = arith.constant 64 : i32
    %add3A_29 = arith.addi %arg1, %add3A_28 : i32
    %lt3A_30 = arith.constant 125 : i32
    %lt3A_31 = arith.cmpi slt, %add3A_29, %lt3A_30 : i32
    %convert_element_type3A_32 = arith.extui %lt3A_31 : i1 to i32
    %cond3A_33 = arith.constant 0 : i32
    %cond3A_34 = arith.cmpi ne, %convert_element_type3A_32, %cond3A_33 : i32
    scf.if %cond3A_34 {
      %mul3A_259 = arith.constant 80 : i32
      %mul3A_260 = arith.muli %add3A_29, %mul3A_259 : i32
      %dma_start3A_261 = arith.constant 0 : i32
      %dma_start3A_262 = tpu.memref_slice %arg12[%mul3A_260, %dma_start3A_261] : memref<10000x128xf32, #tpu.memory_space<vmem_shared>> -> memref<80x128xf32, #tpu.memory_space<vmem_shared>>
      %dma_start3A_263 = arith.constant 0 : i32
      %dma_start3A_264 = tpu.memref_slice %arg12[%mul3A_260, %dma_start3A_263] : memref<10000x128xf32, #tpu.memory_space<vmem_shared>> -> memref<80x128xf32, #tpu.memory_space<vmem_shared>>
      tpu.enqueue_dma source(%arg9 : memref<80x128xf32, #tpu.memory_space<vmem>>) target(%dma_start3A_264 : memref<80x128xf32, #tpu.memory_space<vmem_shared>>) target_semaphore(%arg13 : memref<!tpu.dma_semaphore, #tpu.memory_space<semaphore_mem>>)
    } else {
    }
    %add3A_35 = arith.constant 80 : i32
    %add3A_36 = arith.addi %arg1, %add3A_35 : i32
    %lt3A_37 = arith.constant 125 : i32
    %lt3A_38 = arith.cmpi slt, %add3A_36, %lt3A_37 : i32
    %convert_element_type3A_39 = arith.extui %lt3A_38 : i1 to i32
    %cond3A_40 = arith.constant 0 : i32
    %cond3A_41 = arith.cmpi ne, %convert_element_type3A_39, %cond3A_40 : i32
    scf.if %cond3A_41 {
      %mul3A_259 = arith.constant 80 : i32
      %mul3A_260 = arith.muli %add3A_36, %mul3A_259 : i32
      %dma_start3A_261 = arith.constant 0 : i32
      %dma_start3A_262 = tpu.memref_slice %arg12[%mul3A_260, %dma_start3A_261] : memref<10000x128xf32, #tpu.memory_space<vmem_shared>> -> memref<80x128xf32, #tpu.memory_space<vmem_shared>>
      %dma_start3A_263 = arith.constant 0 : i32
      %dma_start3A_264 = tpu.memref_slice %arg12[%mul3A_260, %dma_start3A_263] : memref<10000x128xf32, #tpu.memory_space<vmem_shared>> -> memref<80x128xf32, #tpu.memory_space<vmem_shared>>
      tpu.enqueue_dma source(%arg9 : memref<80x128xf32, #tpu.memory_space<vmem>>) target(%dma_start3A_264 : memref<80x128xf32, #tpu.memory_space<vmem_shared>>) target_semaphore(%arg13 : memref<!tpu.dma_semaphore, #tpu.memory_space<semaphore_mem>>)
    } else {
    }
    %add3A_42 = arith.constant 96 : i32
    %add3A_43 = arith.addi %arg1, %add3A_42 : i32
    %lt3A_44 = arith.constant 125 : i32
    %lt3A_45 = arith.cmpi slt, %add3A_43, %lt3A_44 : i32
    %convert_element_type3A_46 = arith.extui %lt3A_45 : i1 to i32
    %cond3A_47 = arith.constant 0 : i32
    %cond3A_48 = arith.cmpi ne, %convert_element_type3A_46, %cond3A_47 : i32
    scf.if %cond3A_48 {
      %mul3A_259 = arith.constant 80 : i32
      %mul3A_260 = arith.muli %add3A_43, %mul3A_259 : i32
      %dma_start3A_261 = arith.constant 0 : i32
      %dma_start3A_262 = tpu.memref_slice %arg12[%mul3A_260, %dma_start3A_261] : memref<10000x128xf32, #tpu.memory_space<vmem_shared>> -> memref<80x128xf32, #tpu.memory_space<vmem_shared>>
      %dma_start3A_263 = arith.constant 0 : i32
      %dma_start3A_264 = tpu.memref_slice %arg12[%mul3A_260, %dma_start3A_263] : memref<10000x128xf32, #tpu.memory_space<vmem_shared>> -> memref<80x128xf32, #tpu.memory_space<vmem_shared>>
      tpu.enqueue_dma source(%arg9 : memref<80x128xf32, #tpu.memory_space<vmem>>) target(%dma_start3A_264 : memref<80x128xf32, #tpu.memory_space<vmem_shared>>) target_semaphore(%arg13 : memref<!tpu.dma_semaphore, #tpu.memory_space<semaphore_mem>>)
    } else {
    }
    %add3A_49 = arith.constant 112 : i32
    %add3A_50 = arith.addi %arg1, %add3A_49 : i32
    %lt3A_51 = arith.constant 125 : i32
    %lt3A_52 = arith.cmpi slt, %add3A_50, %lt3A_51 : i32
    %convert_element_type3A_53 = arith.extui %lt3A_52 : i1 to i32
    %cond3A_54 = arith.constant 0 : i32
    %cond3A_55 = arith.cmpi ne, %convert_element_type3A_53, %cond3A_54 : i32
    scf.if %cond3A_55 {
      %mul3A_259 = arith.constant 80 : i32
      %mul3A_260 = arith.muli %add3A_50, %mul3A_259 : i32
      %dma_start3A_261 = arith.constant 0 : i32
      %dma_start3A_262 = tpu.memref_slice %arg12[%mul3A_260, %dma_start3A_261] : memref<10000x128xf32, #tpu.memory_space<vmem_shared>> -> memref<80x128xf32, #tpu.memory_space<vmem_shared>>
      %dma_start3A_263 = arith.constant 0 : i32
      %dma_start3A_264 = tpu.memref_slice %arg12[%mul3A_260, %dma_start3A_263] : memref<10000x128xf32, #tpu.memory_space<vmem_shared>> -> memref<80x128xf32, #tpu.memory_space<vmem_shared>>
      tpu.enqueue_dma source(%arg9 : memref<80x128xf32, #tpu.memory_space<vmem>>) target(%dma_start3A_264 : memref<80x128xf32, #tpu.memory_space<vmem_shared>>) target_semaphore(%arg13 : memref<!tpu.dma_semaphore, #tpu.memory_space<semaphore_mem>>)
    } else {
    }
    %add3A_56 = arith.constant 0 : i32
    %add3A_57 = arith.addi %arg1, %add3A_56 : i32
    %lt3A_58 = arith.constant 125 : i32
    %lt3A_59 = arith.cmpi slt, %add3A_57, %lt3A_58 : i32
    %convert_element_type3A_60 = arith.extui %lt3A_59 : i1 to i32
    %cond3A_61 = arith.constant 0 : i32
    %cond3A_62 = arith.cmpi ne, %convert_element_type3A_60, %cond3A_61 : i32
    scf.if %cond3A_62 {
      tpu.wait_dma2 semaphore(%arg13 : memref<!tpu.dma_semaphore, #tpu.memory_space<semaphore_mem>>) src(%arg5 : memref<80x128xf32, #tpu.memory_space<hbm>>) dst(%arg10 : memref<80x128xf32, #tpu.memory_space<vmem>>)
    } else {
    }
    %add3A_63 = arith.constant 16 : i32
    %add3A_64 = arith.addi %arg1, %add3A_63 : i32
    %lt3A_65 = arith.constant 125 : i32
    %lt3A_66 = arith.cmpi slt, %add3A_64, %lt3A_65 : i32
    %convert_element_type3A_67 = arith.extui %lt3A_66 : i1 to i32
    %cond3A_68 = arith.constant 0 : i32
    %cond3A_69 = arith.cmpi ne, %convert_element_type3A_67, %cond3A_68 : i32
    scf.if %cond3A_69 {
      tpu.wait_dma2 semaphore(%arg13 : memref<!tpu.dma_semaphore, #tpu.memory_space<semaphore_mem>>) src(%arg5 : memref<80x128xf32, #tpu.memory_space<hbm>>) dst(%arg10 : memref<80x128xf32, #tpu.memory_space<vmem>>)
    } else {
    }
    %add3A_70 = arith.constant 32 : i32
    %add3A_71 = arith.addi %arg1, %add3A_70 : i32
    %lt3A_72 = arith.constant 125 : i32
    %lt3A_73 = arith.cmpi slt, %add3A_71, %lt3A_72 : i32
    %convert_element_type3A_74 = arith.extui %lt3A_73 : i1 to i32
    %cond3A_75 = arith.constant 0 : i32
    %cond3A_76 = arith.cmpi ne, %convert_element_type3A_74, %cond3A_75 : i32
    scf.if %cond3A_76 {
      tpu.wait_dma2 semaphore(%arg13 : memref<!tpu.dma_semaphore, #tpu.memory_space<semaphore_mem>>) src(%arg5 : memref<80x128xf32, #tpu.memory_space<hbm>>) dst(%arg10 : memref<80x128xf32, #tpu.memory_space<vmem>>)
    } else {
    }
    %add3A_77 = arith.constant 48 : i32
    %add3A_78 = arith.addi %arg1, %add3A_77 : i32
    %lt3A_79 = arith.constant 125 : i32
    %lt3A_80 = arith.cmpi slt, %add3A_78, %lt3A_79 : i32
    %convert_element_type3A_81 = arith.extui %lt3A_80 : i1 to i32
    %cond3A_82 = arith.constant 0 : i32
    %cond3A_83 = arith.cmpi ne, %convert_element_type3A_81, %cond3A_82 : i32
    scf.if %cond3A_83 {
      tpu.wait_dma2 semaphore(%arg13 : memref<!tpu.dma_semaphore, #tpu.memory_space<semaphore_mem>>) src(%arg5 : memref<80x128xf32, #tpu.memory_space<hbm>>) dst(%arg10 : memref<80x128xf32, #tpu.memory_space<vmem>>)
    } else {
    }
    %add3A_84 = arith.constant 64 : i32
    %add3A_85 = arith.addi %arg1, %add3A_84 : i32
    %lt3A_86 = arith.constant 125 : i32
    %lt3A_87 = arith.cmpi slt, %add3A_85, %lt3A_86 : i32
    %convert_element_type3A_88 = arith.extui %lt3A_87 : i1 to i32
    %cond3A_89 = arith.constant 0 : i32
    %cond3A_90 = arith.cmpi ne, %convert_element_type3A_88, %cond3A_89 : i32
    scf.if %cond3A_90 {
      tpu.wait_dma2 semaphore(%arg13 : memref<!tpu.dma_semaphore, #tpu.memory_space<semaphore_mem>>) src(%arg5 : memref<80x128xf32, #tpu.memory_space<hbm>>) dst(%arg10 : memref<80x128xf32, #tpu.memory_space<vmem>>)
    } else {
    }
    %add3A_91 = arith.constant 80 : i32
    %add3A_92 = arith.addi %arg1, %add3A_91 : i32
    %lt3A_93 = arith.constant 125 : i32
    %lt3A_94 = arith.cmpi slt, %add3A_92, %lt3A_93 : i32
    %convert_element_type3A_95 = arith.extui %lt3A_94 : i1 to i32
    %cond3A_96 = arith.constant 0 : i32
    %cond3A_97 = arith.cmpi ne, %convert_element_type3A_95, %cond3A_96 : i32
    scf.if %cond3A_97 {
      tpu.wait_dma2 semaphore(%arg13 : memref<!tpu.dma_semaphore, #tpu.memory_space<semaphore_mem>>) src(%arg5 : memref<80x128xf32, #tpu.memory_space<hbm>>) dst(%arg10 : memref<80x128xf32, #tpu.memory_space<vmem>>)
    } else {
    }
    %add3A_98 = arith.constant 96 : i32
    %add3A_99 = arith.addi %arg1, %add3A_98 : i32
    %lt3A_100 = arith.constant 125 : i32
    %lt3A_101 = arith.cmpi slt, %add3A_99, %lt3A_100 : i32
    %convert_element_type3A_102 = arith.extui %lt3A_101 : i1 to i32
    %cond3A_103 = arith.constant 0 : i32
    %cond3A_104 = arith.cmpi ne, %convert_element_type3A_102, %cond3A_103 : i32
    scf.if %cond3A_104 {
      tpu.wait_dma2 semaphore(%arg13 : memref<!tpu.dma_semaphore, #tpu.memory_space<semaphore_mem>>) src(%arg5 : memref<80x128xf32, #tpu.memory_space<hbm>>) dst(%arg10 : memref<80x128xf32, #tpu.memory_space<vmem>>)
    } else {
    }
    %add3A_105 = arith.constant 112 : i32
    %add3A_106 = arith.addi %arg1, %add3A_105 : i32
    %lt3A_107 = arith.constant 125 : i32
    %lt3A_108 = arith.cmpi slt, %add3A_106, %lt3A_107 : i32
    %convert_element_type3A_109 = arith.extui %lt3A_108 : i1 to i32
    %cond3A_110 = arith.constant 0 : i32
    %cond3A_111 = arith.cmpi ne, %convert_element_type3A_109, %cond3A_110 : i32
    scf.if %cond3A_111 {
      tpu.wait_dma2 semaphore(%arg13 : memref<!tpu.dma_semaphore, #tpu.memory_space<semaphore_mem>>) src(%arg5 : memref<80x128xf32, #tpu.memory_space<hbm>>) dst(%arg10 : memref<80x128xf32, #tpu.memory_space<vmem>>)
    } else {
    }
    %barrier3A = arith.constant 0 : index
    tpu.barrier barrier_id(%barrier3A)
    %add3A_112 = arith.constant 0 : i32
    %add3A_113 = arith.addi %mul3A_2, %add3A_112 : i32
    "tpu.region"() ({
      %run_scoped3A = tpu.sem_alloc : memref<!tpu.dma_semaphore, #tpu.memory_space<semaphore_mem>>
      %dma_start3A_259 = arith.constant 0 : i32
      %dma_start3A_260 = tpu.memref_slice %arg7[%dma_start3A_259] : memref<5120xi32, #tpu.memory_space<vmem>> -> memref<5120xi32, #tpu.memory_space<vmem>>
      %dma_start3A_261 = tpu.memref_slice %arg3[%add3A_113] : memref<320000xi32, #tpu.memory_space<hbm>> -> memref<5120xi32, #tpu.memory_space<hbm>>
      %dma_start3A_262 = arith.constant 0 : i32
      %dma_start3A_263 = tpu.memref_slice %arg7[%dma_start3A_262] : memref<5120xi32, #tpu.memory_space<vmem>> -> memref<5120xi32, #tpu.memory_space<vmem>>
      %dma_start3A_264 = tpu.memref_slice %arg3[%add3A_113] : memref<320000xi32, #tpu.memory_space<hbm>> -> memref<5120xi32, #tpu.memory_space<hbm>>
      tpu.enqueue_dma source(%dma_start3A_264 : memref<5120xi32, #tpu.memory_space<hbm>>) target(%dma_start3A_263 : memref<5120xi32, #tpu.memory_space<vmem>>) target_semaphore(%run_scoped3A : memref<!tpu.dma_semaphore, #tpu.memory_space<semaphore_mem>>)
      %dma_wait3A_265 = arith.constant 0 : i32
      %dma_wait3A_266 = tpu.memref_slice %arg7[%dma_wait3A_265] : memref<5120xi32, #tpu.memory_space<vmem>> -> memref<5120xi32, #tpu.memory_space<vmem>>
      %dma_wait3A_267 = tpu.memref_slice %arg3[%add3A_113] : memref<320000xi32, #tpu.memory_space<hbm>> -> memref<5120xi32, #tpu.memory_space<hbm>>
      %dma_wait3A_268 = arith.constant 0 : i32
      %dma_wait3A_269 = tpu.memref_slice %arg7[%dma_wait3A_268] : memref<5120xi32, #tpu.memory_space<vmem>> -> memref<5120xi32, #tpu.memory_space<vmem>>
      %dma_wait3A_270 = tpu.memref_slice %arg3[%add3A_113] : memref<320000xi32, #tpu.memory_space<hbm>> -> memref<5120xi32, #tpu.memory_space<hbm>>
      tpu.wait_dma2 semaphore(%run_scoped3A : memref<!tpu.dma_semaphore, #tpu.memory_space<semaphore_mem>>) src(%dma_wait3A_270 : memref<5120xi32, #tpu.memory_space<hbm>>) dst(%dma_wait3A_269 : memref<5120xi32, #tpu.memory_space<vmem>>)
      tpu.yield
    }) : () -> ()
    "tpu.region"() ({
      %run_scoped3A = tpu.sem_alloc : memref<!tpu.dma_semaphore, #tpu.memory_space<semaphore_mem>>
      %dma_start3A_259 = arith.constant 0 : i32
      %dma_start3A_260 = arith.constant 0 : i32
      %dma_start3A_261 = tpu.memref_slice %arg8[%dma_start3A_259, %dma_start3A_260] : memref<64x80xi32, #tpu.memory_space<vmem>> -> memref<64x80xi32, #tpu.memory_space<vmem>>
      %dma_start3A_262 = arith.constant 0 : i32
      %dma_start3A_263 = arith.constant 0 : i32
      %dma_start3A_264 = tpu.memref_slice %arg4[%add3A, %dma_start3A_262, %dma_start3A_263] : memref<32x125x80xi32, #tpu.memory_space<hbm>> -> memref<1x64x80xi32, #tpu.memory_space<hbm>>
      %dma_start3A_265 = tpu.memref_squeeze %dma_start3A_264 : memref<1x64x80xi32, #tpu.memory_space<hbm>> -> memref<64x80xi32, #tpu.memory_space<hbm>>
      %dma_start3A_266 = arith.constant 0 : i32
      %dma_start3A_267 = arith.constant 0 : i32
      %dma_start3A_268 = tpu.memref_slice %arg8[%dma_start3A_266, %dma_start3A_267] : memref<64x80xi32, #tpu.memory_space<vmem>> -> memref<64x80xi32, #tpu.memory_space<vmem>>
      %dma_start3A_269 = arith.constant 0 : i32
      %dma_start3A_270 = arith.constant 0 : i32
      %dma_start3A_271 = tpu.memref_slice %arg4[%add3A, %dma_start3A_269, %dma_start3A_270] : memref<32x125x80xi32, #tpu.memory_space<hbm>> -> memref<1x64x80xi32, #tpu.memory_space<hbm>>
      %dma_start3A_272 = tpu.memref_squeeze %dma_start3A_271 : memref<1x64x80xi32, #tpu.memory_space<hbm>> -> memref<64x80xi32, #tpu.memory_space<hbm>>
      tpu.enqueue_dma source(%dma_start3A_272 : memref<64x80xi32, #tpu.memory_space<hbm>>) target(%dma_start3A_268 : memref<64x80xi32, #tpu.memory_space<vmem>>) target_semaphore(%run_scoped3A : memref<!tpu.dma_semaphore, #tpu.memory_space<semaphore_mem>>)
      %dma_wait3A_273 = arith.constant 0 : i32
      %dma_wait3A_274 = arith.constant 0 : i32
      %dma_wait3A_275 = tpu.memref_slice %arg8[%dma_wait3A_273, %dma_wait3A_274] : memref<64x80xi32, #tpu.memory_space<vmem>> -> memref<64x80xi32, #tpu.memory_space<vmem>>
      %dma_wait3A_276 = arith.constant 0 : i32
      %dma_wait3A_277 = arith.constant 0 : i32
      %dma_wait3A_278 = tpu.memref_slice %arg4[%add3A, %dma_wait3A_276, %dma_wait3A_277] : memref<32x125x80xi32, #tpu.memory_space<hbm>> -> memref<1x64x80xi32, #tpu.memory_space<hbm>>
      %dma_wait3A_279 = tpu.memref_squeeze %dma_wait3A_278 : memref<1x64x80xi32, #tpu.memory_space<hbm>> -> memref<64x80xi32, #tpu.memory_space<hbm>>
      %dma_wait3A_280 = arith.constant 0 : i32
      %dma_wait3A_281 = arith.constant 0 : i32
      %dma_wait3A_282 = tpu.memref_slice %arg8[%dma_wait3A_280, %dma_wait3A_281] : memref<64x80xi32, #tpu.memory_space<vmem>> -> memref<64x80xi32, #tpu.memory_space<vmem>>
      %dma_wait3A_283 = arith.constant 0 : i32
      %dma_wait3A_284 = arith.constant 0 : i32
      %dma_wait3A_285 = tpu.memref_slice %arg4[%add3A, %dma_wait3A_283, %dma_wait3A_284] : memref<32x125x80xi32, #tpu.memory_space<hbm>> -> memref<1x64x80xi32, #tpu.memory_space<hbm>>
      %dma_wait3A_286 = tpu.memref_squeeze %dma_wait3A_285 : memref<1x64x80xi32, #tpu.memory_space<hbm>> -> memref<64x80xi32, #tpu.memory_space<hbm>>
      tpu.wait_dma2 semaphore(%run_scoped3A : memref<!tpu.dma_semaphore, #tpu.memory_space<semaphore_mem>>) src(%dma_wait3A_286 : memref<64x80xi32, #tpu.memory_space<hbm>>) dst(%dma_wait3A_282 : memref<64x80xi32, #tpu.memory_space<vmem>>)
      tpu.yield
    }) : () -> ()
    %dma_start3A = arith.constant 0 : i32
    %dma_start3A_114 = tpu.memref_slice %arg7[%dma_start3A] : memref<5120xi32, #tpu.memory_space<vmem>> -> memref<80xi32, #tpu.memory_space<vmem>>
    %dma_start3A_115 = arith.constant 0 : i32
    %dma_start3A_116 = arith.constant 0 : i32
    %dma_start3A_117 = tpu.memref_slice %arg2[%dma_start3A_115, %dma_start3A_116] : memref<10000x128xf32, #tpu.memory_space<hbm>> -> memref<10000x128xf32, #tpu.memory_space<hbm>>
    tpu.enqueue_indirect_dma source(%dma_start3A_117 : memref<10000x128xf32, #tpu.memory_space<hbm>>) target(%arg9 : memref<80x128xf32, #tpu.memory_space<vmem>>) offsets(%dma_start3A_114 : memref<80xi32, #tpu.memory_space<vmem>>) semaphore(%arg13 : memref<!tpu.dma_semaphore, #tpu.memory_space<semaphore_mem>>)
    %dma_start3A_118 = arith.constant 80 : i32
    %dma_start3A_119 = tpu.memref_slice %arg7[%dma_start3A_118] : memref<5120xi32, #tpu.memory_space<vmem>> -> memref<80xi32, #tpu.memory_space<vmem>>
    %dma_start3A_120 = arith.constant 0 : i32
    %dma_start3A_121 = arith.constant 0 : i32
    %dma_start3A_122 = tpu.memref_slice %arg2[%dma_start3A_120, %dma_start3A_121] : memref<10000x128xf32, #tpu.memory_space<hbm>> -> memref<10000x128xf32, #tpu.memory_space<hbm>>
    tpu.enqueue_indirect_dma source(%dma_start3A_122 : memref<10000x128xf32, #tpu.memory_space<hbm>>) target(%arg10 : memref<80x128xf32, #tpu.memory_space<vmem>>) offsets(%dma_start3A_119 : memref<80xi32, #tpu.memory_space<vmem>>) semaphore(%arg14 : memref<!tpu.dma_semaphore, #tpu.memory_space<semaphore_mem>>)
    %scan3A = arith.constant 0 : i32
    %scan3A_123 = arith.constant 0 : i32
    %scan3A_124 = arith.constant 22 : i32
    %scan3A_125 = arith.addi %scan3A_123, %scan3A_124 : i32
    %scan3A_126 = arith.constant 1 : i32
    scf.for %scan3A_259 = %scan3A_123 to %scan3A_125 step %scan3A_126  : i32 {
      %mul3A_260 = arith.constant 3 : i32
      %mul3A_261 = arith.muli %scan3A_259, %mul3A_260 : i32
      %add3A_262 = arith.constant 0 : i32
      %add3A_263 = arith.addi %mul3A_261, %add3A_262 : i32
      %lt3A_264 = arith.constant 64 : i32
      %lt3A_265 = arith.cmpi slt, %add3A_263, %lt3A_264 : i32
      %convert_element_type3A_266 = arith.extui %lt3A_265 : i1 to i32
      %cond3A_267 = arith.constant 0 : i32
      %cond3A_268 = arith.cmpi ne, %convert_element_type3A_266, %cond3A_267 : i32
      scf.if %cond3A_268 {
        %dma_wait3A_329 = arith.constant 0 : i32
        %dma_wait3A_330 = arith.constant 0 : i32
        %dma_wait3A_331 = tpu.memref_slice %arg2[%dma_wait3A_329, %dma_wait3A_330] : memref<10000x128xf32, #tpu.memory_space<hbm>> -> memref<80x128xf32, #tpu.memory_space<hbm>>
        %dma_wait3A_332 = arith.constant 0 : i32
        %dma_wait3A_333 = arith.constant 0 : i32
        %dma_wait3A_334 = tpu.memref_slice %arg2[%dma_wait3A_332, %dma_wait3A_333] : memref<10000x128xf32, #tpu.memory_space<hbm>> -> memref<80x128xf32, #tpu.memory_space<hbm>>
        tpu.wait_dma2 semaphore(%arg13 : memref<!tpu.dma_semaphore, #tpu.memory_space<semaphore_mem>>) src(%dma_wait3A_334 : memref<80x128xf32, #tpu.memory_space<hbm>>) dst(%arg9 : memref<80x128xf32, #tpu.memory_space<vmem>>)
        %dma_start3A_335 = arith.constant 0 : i32
        %dma_start3A_336 = tpu.memref_slice %arg8[%add3A_263, %dma_start3A_335] : memref<64x80xi32, #tpu.memory_space<vmem>> -> memref<1x80xi32, #tpu.memory_space<vmem>>
        %dma_start3A_337 = tpu.memref_squeeze %dma_start3A_336 : memref<1x80xi32, #tpu.memory_space<vmem>> -> memref<80xi32, #tpu.memory_space<vmem>>
        %dma_start3A_338 = arith.constant 0 : i32
        %dma_start3A_339 = arith.constant 0 : i32
        %dma_start3A_340 = tpu.memref_slice %arg12[%dma_start3A_338, %dma_start3A_339] : memref<10000x128xf32, #tpu.memory_space<vmem_shared>> -> memref<10000x128xf32, #tpu.memory_space<vmem_shared>>
        tpu.enqueue_indirect_dma source(%arg9 : memref<80x128xf32, #tpu.memory_space<vmem>>) target(%dma_start3A_340 : memref<10000x128xf32, #tpu.memory_space<vmem_shared>>) offsets(%dma_start3A_337 : memref<80xi32, #tpu.memory_space<vmem>>) semaphore(%arg16 : memref<!tpu.dma_semaphore, #tpu.memory_space<semaphore_mem>>) {add = true}
      } else {
      }
      %add3A_269 = arith.constant 2 : i32
      %add3A_270 = arith.addi %add3A_263, %add3A_269 : i32
      %lt3A_271 = arith.constant 64 : i32
      %lt3A_272 = arith.cmpi slt, %add3A_270, %lt3A_271 : i32
      %gt3A = arith.constant 0 : i32
      %gt3A_273 = arith.cmpi sgt, %add3A_263, %gt3A : i32
      %and3A = arith.andi %lt3A_272, %gt3A_273 : i1
      %convert_element_type3A_274 = arith.extui %and3A : i1 to i32
      %cond3A_275 = arith.constant 0 : i32
      %cond3A_276 = arith.cmpi ne, %convert_element_type3A_274, %cond3A_275 : i32
      scf.if %cond3A_276 {
        %dma_wait3A_329 = arith.constant 0 : i32
        %dma_wait3A_330 = arith.constant 0 : i32
        %dma_wait3A_331 = tpu.memref_slice %arg2[%dma_wait3A_329, %dma_wait3A_330] : memref<10000x128xf32, #tpu.memory_space<hbm>> -> memref<80x128xf32, #tpu.memory_space<hbm>>
        %dma_wait3A_332 = arith.constant 0 : i32
        %dma_wait3A_333 = arith.constant 0 : i32
        %dma_wait3A_334 = tpu.memref_slice %arg2[%dma_wait3A_332, %dma_wait3A_333] : memref<10000x128xf32, #tpu.memory_space<hbm>> -> memref<80x128xf32, #tpu.memory_space<hbm>>
        tpu.wait_dma2 semaphore(%arg18 : memref<!tpu.dma_semaphore, #tpu.memory_space<semaphore_mem>>) src(%dma_wait3A_334 : memref<80x128xf32, #tpu.memory_space<hbm>>) dst(%arg11 : memref<80x128xf32, #tpu.memory_space<vmem>>)
        %add3A_335 = arith.constant 2 : i32
        %add3A_336 = arith.addi %add3A_263, %add3A_335 : i32
        %mul3A_337 = arith.constant 80 : i32
        %mul3A_338 = arith.muli %add3A_336, %mul3A_337 : i32
        %dma_start3A_339 = tpu.memref_slice %arg7[%mul3A_338] : memref<5120xi32, #tpu.memory_space<vmem>> -> memref<80xi32, #tpu.memory_space<vmem>>
        %dma_start3A_340 = arith.constant 0 : i32
        %dma_start3A_341 = arith.constant 0 : i32
        %dma_start3A_342 = tpu.memref_slice %arg2[%dma_start3A_340, %dma_start3A_341] : memref<10000x128xf32, #tpu.memory_space<hbm>> -> memref<10000x128xf32, #tpu.memory_space<hbm>>
        tpu.enqueue_indirect_dma source(%dma_start3A_342 : memref<10000x128xf32, #tpu.memory_space<hbm>>) target(%arg11 : memref<80x128xf32, #tpu.memory_space<vmem>>) offsets(%dma_start3A_339 : memref<80xi32, #tpu.memory_space<vmem>>) semaphore(%arg15 : memref<!tpu.dma_semaphore, #tpu.memory_space<semaphore_mem>>)
      } else {
      }
      %eq3A = arith.constant 0 : i32
      %eq3A_277 = arith.cmpi eq, %add3A_263, %eq3A : i32
      %convert_element_type3A_278 = arith.extui %eq3A_277 : i1 to i32
      %cond3A_279 = arith.constant 0 : i32
      %cond3A_280 = arith.cmpi ne, %convert_element_type3A_278, %cond3A_279 : i32
      scf.if %cond3A_280 {
        %dma_start3A_329 = arith.constant 160 : i32
        %dma_start3A_330 = tpu.memref_slice %arg7[%dma_start3A_329] : memref<5120xi32, #tpu.memory_space<vmem>> -> memref<80xi32, #tpu.memory_space<vmem>>
        %dma_start3A_331 = arith.constant 0 : i32
        %dma_start3A_332 = arith.constant 0 : i32
        %dma_start3A_333 = tpu.memref_slice %arg2[%dma_start3A_331, %dma_start3A_332] : memref<10000x128xf32, #tpu.memory_space<hbm>> -> memref<10000x128xf32, #tpu.memory_space<hbm>>
        tpu.enqueue_indirect_dma source(%dma_start3A_333 : memref<10000x128xf32, #tpu.memory_space<hbm>>) target(%arg11 : memref<80x128xf32, #tpu.memory_space<vmem>>) offsets(%dma_start3A_330 : memref<80xi32, #tpu.memory_space<vmem>>) semaphore(%arg15 : memref<!tpu.dma_semaphore, #tpu.memory_space<semaphore_mem>>)
      } else {
      }
      %mul3A_281 = arith.constant 3 : i32
      %mul3A_282 = arith.muli %scan3A_259, %mul3A_281 : i32
      %add3A_283 = arith.constant 1 : i32
      %add3A_284 = arith.addi %mul3A_282, %add3A_283 : i32
      %lt3A_285 = arith.constant 64 : i32
      %lt3A_286 = arith.cmpi slt, %add3A_284, %lt3A_285 : i32
      %convert_element_type3A_287 = arith.extui %lt3A_286 : i1 to i32
      %cond3A_288 = arith.constant 0 : i32
      %cond3A_289 = arith.cmpi ne, %convert_element_type3A_287, %cond3A_288 : i32
      scf.if %cond3A_289 {
        %dma_wait3A_329 = arith.constant 0 : i32
        %dma_wait3A_330 = arith.constant 0 : i32
        %dma_wait3A_331 = tpu.memref_slice %arg2[%dma_wait3A_329, %dma_wait3A_330] : memref<10000x128xf32, #tpu.memory_space<hbm>> -> memref<80x128xf32, #tpu.memory_space<hbm>>
        %dma_wait3A_332 = arith.constant 0 : i32
        %dma_wait3A_333 = arith.constant 0 : i32
        %dma_wait3A_334 = tpu.memref_slice %arg2[%dma_wait3A_332, %dma_wait3A_333] : memref<10000x128xf32, #tpu.memory_space<hbm>> -> memref<80x128xf32, #tpu.memory_space<hbm>>
        tpu.wait_dma2 semaphore(%arg14 : memref<!tpu.dma_semaphore, #tpu.memory_space<semaphore_mem>>) src(%dma_wait3A_334 : memref<80x128xf32, #tpu.memory_space<hbm>>) dst(%arg10 : memref<80x128xf32, #tpu.memory_space<vmem>>)
        %dma_start3A_335 = arith.constant 0 : i32
        %dma_start3A_336 = tpu.memref_slice %arg8[%add3A_284, %dma_start3A_335] : memref<64x80xi32, #tpu.memory_space<vmem>> -> memref<1x80xi32, #tpu.memory_space<vmem>>
        %dma_start3A_337 = tpu.memref_squeeze %dma_start3A_336 : memref<1x80xi32, #tpu.memory_space<vmem>> -> memref<80xi32, #tpu.memory_space<vmem>>
        %dma_start3A_338 = arith.constant 0 : i32
        %dma_start3A_339 = arith.constant 0 : i32
        %dma_start3A_340 = tpu.memref_slice %arg12[%dma_start3A_338, %dma_start3A_339] : memref<10000x128xf32, #tpu.memory_space<vmem_shared>> -> memref<10000x128xf32, #tpu.memory_space<vmem_shared>>
        tpu.enqueue_indirect_dma source(%arg10 : memref<80x128xf32, #tpu.memory_space<vmem>>) target(%dma_start3A_340 : memref<10000x128xf32, #tpu.memory_space<vmem_shared>>) offsets(%dma_start3A_337 : memref<80xi32, #tpu.memory_space<vmem>>) semaphore(%arg17 : memref<!tpu.dma_semaphore, #tpu.memory_space<semaphore_mem>>) {add = true}
      } else {
      }
      %add3A_290 = arith.constant 2 : i32
      %add3A_291 = arith.addi %add3A_284, %add3A_290 : i32
      %lt3A_292 = arith.constant 64 : i32
      %lt3A_293 = arith.cmpi slt, %add3A_291, %lt3A_292 : i32
      %gt3A_294 = arith.constant 0 : i32
      %gt3A_295 = arith.cmpi sgt, %add3A_284, %gt3A_294 : i32
      %and3A_296 = arith.andi %lt3A_293, %gt3A_295 : i1
      %convert_element_type3A_297 = arith.extui %and3A_296 : i1 to i32
      %cond3A_298 = arith.constant 0 : i32
      %cond3A_299 = arith.cmpi ne, %convert_element_type3A_297, %cond3A_298 : i32
      scf.if %cond3A_299 {
        %dma_wait3A_329 = arith.constant 0 : i32
        %dma_wait3A_330 = arith.constant 0 : i32
        %dma_wait3A_331 = tpu.memref_slice %arg2[%dma_wait3A_329, %dma_wait3A_330] : memref<10000x128xf32, #tpu.memory_space<hbm>> -> memref<80x128xf32, #tpu.memory_space<hbm>>
        %dma_wait3A_332 = arith.constant 0 : i32
        %dma_wait3A_333 = arith.constant 0 : i32
        %dma_wait3A_334 = tpu.memref_slice %arg2[%dma_wait3A_332, %dma_wait3A_333] : memref<10000x128xf32, #tpu.memory_space<hbm>> -> memref<80x128xf32, #tpu.memory_space<hbm>>
        tpu.wait_dma2 semaphore(%arg16 : memref<!tpu.dma_semaphore, #tpu.memory_space<semaphore_mem>>) src(%dma_wait3A_334 : memref<80x128xf32, #tpu.memory_space<hbm>>) dst(%arg9 : memref<80x128xf32, #tpu.memory_space<vmem>>)
        %add3A_335 = arith.constant 2 : i32
        %add3A_336 = arith.addi %add3A_284, %add3A_335 : i32
        %mul3A_337 = arith.constant 80 : i32
        %mul3A_338 = arith.muli %add3A_336, %mul3A_337 : i32
        %dma_start3A_339 = tpu.memref_slice %arg7[%mul3A_338] : memref<5120xi32, #tpu.memory_space<vmem>> -> memref<80xi32, #tpu.memory_space<vmem>>
        %dma_start3A_340 = arith.constant 0 : i32
        %dma_start3A_341 = arith.constant 0 : i32
        %dma_start3A_342 = tpu.memref_slice %arg2[%dma_start3A_340, %dma_start3A_341] : memref<10000x128xf32, #tpu.memory_space<hbm>> -> memref<10000x128xf32, #tpu.memory_space<hbm>>
        tpu.enqueue_indirect_dma source(%dma_start3A_342 : memref<10000x128xf32, #tpu.memory_space<hbm>>) target(%arg9 : memref<80x128xf32, #tpu.memory_space<vmem>>) offsets(%dma_start3A_339 : memref<80xi32, #tpu.memory_space<vmem>>) semaphore(%arg13 : memref<!tpu.dma_semaphore, #tpu.memory_space<semaphore_mem>>)
      } else {
      }
      %eq3A_300 = arith.constant 0 : i32
      %eq3A_301 = arith.cmpi eq, %add3A_284, %eq3A_300 : i32
      %convert_element_type3A_302 = arith.extui %eq3A_301 : i1 to i32
      %cond3A_303 = arith.constant 0 : i32
      %cond3A_304 = arith.cmpi ne, %convert_element_type3A_302, %cond3A_303 : i32
      scf.if %cond3A_304 {
        %dma_start3A_329 = arith.constant 160 : i32
        %dma_start3A_330 = tpu.memref_slice %arg7[%dma_start3A_329] : memref<5120xi32, #tpu.memory_space<vmem>> -> memref<80xi32, #tpu.memory_space<vmem>>
        %dma_start3A_331 = arith.constant 0 : i32
        %dma_start3A_332 = arith.constant 0 : i32
        %dma_start3A_333 = tpu.memref_slice %arg2[%dma_start3A_331, %dma_start3A_332] : memref<10000x128xf32, #tpu.memory_space<hbm>> -> memref<10000x128xf32, #tpu.memory_space<hbm>>
        tpu.enqueue_indirect_dma source(%dma_start3A_333 : memref<10000x128xf32, #tpu.memory_space<hbm>>) target(%arg11 : memref<80x128xf32, #tpu.memory_space<vmem>>) offsets(%dma_start3A_330 : memref<80xi32, #tpu.memory_space<vmem>>) semaphore(%arg15 : memref<!tpu.dma_semaphore, #tpu.memory_space<semaphore_mem>>)
      } else {
      }
      %mul3A_305 = arith.constant 3 : i32
      %mul3A_306 = arith.muli %scan3A_259, %mul3A_305 : i32
      %add3A_307 = arith.constant 2 : i32
      %add3A_308 = arith.addi %mul3A_306, %add3A_307 : i32
      %lt3A_309 = arith.constant 64 : i32
      %lt3A_310 = arith.cmpi slt, %add3A_308, %lt3A_309 : i32
      %convert_element_type3A_311 = arith.extui %lt3A_310 : i1 to i32
      %cond3A_312 = arith.constant 0 : i32
      %cond3A_313 = arith.cmpi ne, %convert_element_type3A_311, %cond3A_312 : i32
      scf.if %cond3A_313 {
        %dma_wait3A_329 = arith.constant 0 : i32
        %dma_wait3A_330 = arith.constant 0 : i32
        %dma_wait3A_331 = tpu.memref_slice %arg2[%dma_wait3A_329, %dma_wait3A_330] : memref<10000x128xf32, #tpu.memory_space<hbm>> -> memref<80x128xf32, #tpu.memory_space<hbm>>
        %dma_wait3A_332 = arith.constant 0 : i32
        %dma_wait3A_333 = arith.constant 0 : i32
        %dma_wait3A_334 = tpu.memref_slice %arg2[%dma_wait3A_332, %dma_wait3A_333] : memref<10000x128xf32, #tpu.memory_space<hbm>> -> memref<80x128xf32, #tpu.memory_space<hbm>>
        tpu.wait_dma2 semaphore(%arg15 : memref<!tpu.dma_semaphore, #tpu.memory_space<semaphore_mem>>) src(%dma_wait3A_334 : memref<80x128xf32, #tpu.memory_space<hbm>>) dst(%arg11 : memref<80x128xf32, #tpu.memory_space<vmem>>)
        %dma_start3A_335 = arith.constant 0 : i32
        %dma_start3A_336 = tpu.memref_slice %arg8[%add3A_308, %dma_start3A_335] : memref<64x80xi32, #tpu.memory_space<vmem>> -> memref<1x80xi32, #tpu.memory_space<vmem>>
        %dma_start3A_337 = tpu.memref_squeeze %dma_start3A_336 : memref<1x80xi32, #tpu.memory_space<vmem>> -> memref<80xi32, #tpu.memory_space<vmem>>
        %dma_start3A_338 = arith.constant 0 : i32
        %dma_start3A_339 = arith.constant 0 : i32
        %dma_start3A_340 = tpu.memref_slice %arg12[%dma_start3A_338, %dma_start3A_339] : memref<10000x128xf32, #tpu.memory_space<vmem_shared>> -> memref<10000x128xf32, #tpu.memory_space<vmem_shared>>
        tpu.enqueue_indirect_dma source(%arg11 : memref<80x128xf32, #tpu.memory_space<vmem>>) target(%dma_start3A_340 : memref<10000x128xf32, #tpu.memory_space<vmem_shared>>) offsets(%dma_start3A_337 : memref<80xi32, #tpu.memory_space<vmem>>) semaphore(%arg18 : memref<!tpu.dma_semaphore, #tpu.memory_space<semaphore_mem>>) {add = true}
      } else {
      }
      %add3A_314 = arith.constant 2 : i32
      %add3A_315 = arith.addi %add3A_308, %add3A_314 : i32
      %lt3A_316 = arith.constant 64 : i32
      %lt3A_317 = arith.cmpi slt, %add3A_315, %lt3A_316 : i32
      %gt3A_318 = arith.constant 0 : i32
      %gt3A_319 = arith.cmpi sgt, %add3A_308, %gt3A_318 : i32
      %and3A_320 = arith.andi %lt3A_317, %gt3A_319 : i1
      %convert_element_type3A_321 = arith.extui %and3A_320 : i1 to i32
      %cond3A_322 = arith.constant 0 : i32
      %cond3A_323 = arith.cmpi ne, %convert_element_type3A_321, %cond3A_322 : i32
      scf.if %cond3A_323 {
        %dma_wait3A_329 = arith.constant 0 : i32
        %dma_wait3A_330 = arith.constant 0 : i32
        %dma_wait3A_331 = tpu.memref_slice %arg2[%dma_wait3A_329, %dma_wait3A_330] : memref<10000x128xf32, #tpu.memory_space<hbm>> -> memref<80x128xf32, #tpu.memory_space<hbm>>
        %dma_wait3A_332 = arith.constant 0 : i32
        %dma_wait3A_333 = arith.constant 0 : i32
        %dma_wait3A_334 = tpu.memref_slice %arg2[%dma_wait3A_332, %dma_wait3A_333] : memref<10000x128xf32, #tpu.memory_space<hbm>> -> memref<80x128xf32, #tpu.memory_space<hbm>>
        tpu.wait_dma2 semaphore(%arg17 : memref<!tpu.dma_semaphore, #tpu.memory_space<semaphore_mem>>) src(%dma_wait3A_334 : memref<80x128xf32, #tpu.memory_space<hbm>>) dst(%arg10 : memref<80x128xf32, #tpu.memory_space<vmem>>)
        %add3A_335 = arith.constant 2 : i32
        %add3A_336 = arith.addi %add3A_308, %add3A_335 : i32
        %mul3A_337 = arith.constant 80 : i32
        %mul3A_338 = arith.muli %add3A_336, %mul3A_337 : i32
        %dma_start3A_339 = tpu.memref_slice %arg7[%mul3A_338] : memref<5120xi32, #tpu.memory_space<vmem>> -> memref<80xi32, #tpu.memory_space<vmem>>
        %dma_start3A_340 = arith.constant 0 : i32
        %dma_start3A_341 = arith.constant 0 : i32
        %dma_start3A_342 = tpu.memref_slice %arg2[%dma_start3A_340, %dma_start3A_341] : memref<10000x128xf32, #tpu.memory_space<hbm>> -> memref<10000x128xf32, #tpu.memory_space<hbm>>
        tpu.enqueue_indirect_dma source(%dma_start3A_342 : memref<10000x128xf32, #tpu.memory_space<hbm>>) target(%arg10 : memref<80x128xf32, #tpu.memory_space<vmem>>) offsets(%dma_start3A_339 : memref<80xi32, #tpu.memory_space<vmem>>) semaphore(%arg14 : memref<!tpu.dma_semaphore, #tpu.memory_space<semaphore_mem>>)
      } else {
      }
      %eq3A_324 = arith.constant 0 : i32
      %eq3A_325 = arith.cmpi eq, %add3A_308, %eq3A_324 : i32
      %convert_element_type3A_326 = arith.extui %eq3A_325 : i1 to i32
      %cond3A_327 = arith.constant 0 : i32
      %cond3A_328 = arith.cmpi ne, %convert_element_type3A_326, %cond3A_327 : i32
      scf.if %cond3A_328 {
        %dma_start3A_329 = arith.constant 160 : i32
        %dma_start3A_330 = tpu.memref_slice %arg7[%dma_start3A_329] : memref<5120xi32, #tpu.memory_space<vmem>> -> memref<80xi32, #tpu.memory_space<vmem>>
        %dma_start3A_331 = arith.constant 0 : i32
        %dma_start3A_332 = arith.constant 0 : i32
        %dma_start3A_333 = tpu.memref_slice %arg2[%dma_start3A_331, %dma_start3A_332] : memref<10000x128xf32, #tpu.memory_space<hbm>> -> memref<10000x128xf32, #tpu.memory_space<hbm>>
        tpu.enqueue_indirect_dma source(%dma_start3A_333 : memref<10000x128xf32, #tpu.memory_space<hbm>>) target(%arg11 : memref<80x128xf32, #tpu.memory_space<vmem>>) offsets(%dma_start3A_330 : memref<80xi32, #tpu.memory_space<vmem>>) semaphore(%arg15 : memref<!tpu.dma_semaphore, #tpu.memory_space<semaphore_mem>>)
      } else {
      }
    }
    %scan3A_127 = arith.constant 22 : i32
    %dma_wait3A = arith.constant 0 : i32
    %dma_wait3A_128 = arith.constant 0 : i32
    %dma_wait3A_129 = tpu.memref_slice %arg2[%dma_wait3A, %dma_wait3A_128] : memref<10000x128xf32, #tpu.memory_space<hbm>> -> memref<80x128xf32, #tpu.memory_space<hbm>>
    %dma_wait3A_130 = arith.constant 0 : i32
    %dma_wait3A_131 = arith.constant 0 : i32
    %dma_wait3A_132 = tpu.memref_slice %arg2[%dma_wait3A_130, %dma_wait3A_131] : memref<10000x128xf32, #tpu.memory_space<hbm>> -> memref<80x128xf32, #tpu.memory_space<hbm>>
    tpu.wait_dma2 semaphore(%arg17 : memref<!tpu.dma_semaphore, #tpu.memory_space<semaphore_mem>>) src(%dma_wait3A_132 : memref<80x128xf32, #tpu.memory_space<hbm>>) dst(%arg9 : memref<80x128xf32, #tpu.memory_space<vmem>>)
    %dma_wait3A_133 = arith.constant 0 : i32
    %dma_wait3A_134 = arith.constant 0 : i32
    %dma_wait3A_135 = tpu.memref_slice %arg2[%dma_wait3A_133, %dma_wait3A_134] : memref<10000x128xf32, #tpu.memory_space<hbm>> -> memref<80x128xf32, #tpu.memory_space<hbm>>
    %dma_wait3A_136 = arith.constant 0 : i32
    %dma_wait3A_137 = arith.constant 0 : i32
    %dma_wait3A_138 = tpu.memref_slice %arg2[%dma_wait3A_136, %dma_wait3A_137] : memref<10000x128xf32, #tpu.memory_space<hbm>> -> memref<80x128xf32, #tpu.memory_space<hbm>>
    tpu.wait_dma2 semaphore(%arg18 : memref<!tpu.dma_semaphore, #tpu.memory_space<semaphore_mem>>) src(%dma_wait3A_138 : memref<80x128xf32, #tpu.memory_space<hbm>>) dst(%arg10 : memref<80x128xf32, #tpu.memory_space<vmem>>)
    %dma_wait3A_139 = arith.constant 0 : i32
    %dma_wait3A_140 = arith.constant 0 : i32
    %dma_wait3A_141 = tpu.memref_slice %arg2[%dma_wait3A_139, %dma_wait3A_140] : memref<10000x128xf32, #tpu.memory_space<hbm>> -> memref<80x128xf32, #tpu.memory_space<hbm>>
    %dma_wait3A_142 = arith.constant 0 : i32
    %dma_wait3A_143 = arith.constant 0 : i32
    %dma_wait3A_144 = tpu.memref_slice %arg2[%dma_wait3A_142, %dma_wait3A_143] : memref<10000x128xf32, #tpu.memory_space<hbm>> -> memref<80x128xf32, #tpu.memory_space<hbm>>
    tpu.wait_dma2 semaphore(%arg16 : memref<!tpu.dma_semaphore, #tpu.memory_space<semaphore_mem>>) src(%dma_wait3A_144 : memref<80x128xf32, #tpu.memory_space<hbm>>) dst(%arg11 : memref<80x128xf32, #tpu.memory_space<vmem>>)
    %add3A_145 = arith.constant 5120 : i32
    %add3A_146 = arith.addi %mul3A_2, %add3A_145 : i32
    "tpu.region"() ({
      %run_scoped3A = tpu.sem_alloc : memref<!tpu.dma_semaphore, #tpu.memory_space<semaphore_mem>>
      %dma_start3A_259 = arith.constant 0 : i32
      %dma_start3A_260 = tpu.memref_slice %arg7[%dma_start3A_259] : memref<5120xi32, #tpu.memory_space<vmem>> -> memref<4880xi32, #tpu.memory_space<vmem>>
      %dma_start3A_261 = tpu.memref_slice %arg3[%add3A_146] : memref<320000xi32, #tpu.memory_space<hbm>> -> memref<4880xi32, #tpu.memory_space<hbm>>
      %dma_start3A_262 = arith.constant 0 : i32
      %dma_start3A_263 = tpu.memref_slice %arg7[%dma_start3A_262] : memref<5120xi32, #tpu.memory_space<vmem>> -> memref<4880xi32, #tpu.memory_space<vmem>>
      %dma_start3A_264 = tpu.memref_slice %arg3[%add3A_146] : memref<320000xi32, #tpu.memory_space<hbm>> -> memref<4880xi32, #tpu.memory_space<hbm>>
      tpu.enqueue_dma source(%dma_start3A_264 : memref<4880xi32, #tpu.memory_space<hbm>>) target(%dma_start3A_263 : memref<4880xi32, #tpu.memory_space<vmem>>) target_semaphore(%run_scoped3A : memref<!tpu.dma_semaphore, #tpu.memory_space<semaphore_mem>>)
      %dma_wait3A_265 = arith.constant 0 : i32
      %dma_wait3A_266 = tpu.memref_slice %arg7[%dma_wait3A_265] : memref<5120xi32, #tpu.memory_space<vmem>> -> memref<4880xi32, #tpu.memory_space<vmem>>
      %dma_wait3A_267 = tpu.memref_slice %arg3[%add3A_146] : memref<320000xi32, #tpu.memory_space<hbm>> -> memref<4880xi32, #tpu.memory_space<hbm>>
      %dma_wait3A_268 = arith.constant 0 : i32
      %dma_wait3A_269 = tpu.memref_slice %arg7[%dma_wait3A_268] : memref<5120xi32, #tpu.memory_space<vmem>> -> memref<4880xi32, #tpu.memory_space<vmem>>
      %dma_wait3A_270 = tpu.memref_slice %arg3[%add3A_146] : memref<320000xi32, #tpu.memory_space<hbm>> -> memref<4880xi32, #tpu.memory_space<hbm>>
      tpu.wait_dma2 semaphore(%run_scoped3A : memref<!tpu.dma_semaphore, #tpu.memory_space<semaphore_mem>>) src(%dma_wait3A_270 : memref<4880xi32, #tpu.memory_space<hbm>>) dst(%dma_wait3A_269 : memref<4880xi32, #tpu.memory_space<vmem>>)
      tpu.yield
    }) : () -> ()
    "tpu.region"() ({
      %run_scoped3A = tpu.sem_alloc : memref<!tpu.dma_semaphore, #tpu.memory_space<semaphore_mem>>
      %dma_start3A_259 = arith.constant 0 : i32
      %dma_start3A_260 = arith.constant 0 : i32
      %dma_start3A_261 = tpu.memref_slice %arg8[%dma_start3A_259, %dma_start3A_260] : memref<64x80xi32, #tpu.memory_space<vmem>> -> memref<61x80xi32, #tpu.memory_space<vmem>>
      %dma_start3A_262 = arith.constant 64 : i32
      %dma_start3A_263 = arith.constant 0 : i32
      %dma_start3A_264 = tpu.memref_slice %arg4[%add3A, %dma_start3A_262, %dma_start3A_263] : memref<32x125x80xi32, #tpu.memory_space<hbm>> -> memref<1x61x80xi32, #tpu.memory_space<hbm>>
      %dma_start3A_265 = tpu.memref_squeeze %dma_start3A_264 : memref<1x61x80xi32, #tpu.memory_space<hbm>> -> memref<61x80xi32, #tpu.memory_space<hbm>>
      %dma_start3A_266 = arith.constant 0 : i32
      %dma_start3A_267 = arith.constant 0 : i32
      %dma_start3A_268 = tpu.memref_slice %arg8[%dma_start3A_266, %dma_start3A_267] : memref<64x80xi32, #tpu.memory_space<vmem>> -> memref<61x80xi32, #tpu.memory_space<vmem>>
      %dma_start3A_269 = arith.constant 64 : i32
      %dma_start3A_270 = arith.constant 0 : i32
      %dma_start3A_271 = tpu.memref_slice %arg4[%add3A, %dma_start3A_269, %dma_start3A_270] : memref<32x125x80xi32, #tpu.memory_space<hbm>> -> memref<1x61x80xi32, #tpu.memory_space<hbm>>
      %dma_start3A_272 = tpu.memref_squeeze %dma_start3A_271 : memref<1x61x80xi32, #tpu.memory_space<hbm>> -> memref<61x80xi32, #tpu.memory_space<hbm>>
      tpu.enqueue_dma source(%dma_start3A_272 : memref<61x80xi32, #tpu.memory_space<hbm>>) target(%dma_start3A_268 : memref<61x80xi32, #tpu.memory_space<vmem>>) target_semaphore(%run_scoped3A : memref<!tpu.dma_semaphore, #tpu.memory_space<semaphore_mem>>)
      %dma_wait3A_273 = arith.constant 0 : i32
      %dma_wait3A_274 = arith.constant 0 : i32
      %dma_wait3A_275 = tpu.memref_slice %arg8[%dma_wait3A_273, %dma_wait3A_274] : memref<64x80xi32, #tpu.memory_space<vmem>> -> memref<61x80xi32, #tpu.memory_space<vmem>>
      %dma_wait3A_276 = arith.constant 64 : i32
      %dma_wait3A_277 = arith.constant 0 : i32
      %dma_wait3A_278 = tpu.memref_slice %arg4[%add3A, %dma_wait3A_276, %dma_wait3A_277] : memref<32x125x80xi32, #tpu.memory_space<hbm>> -> memref<1x61x80xi32, #tpu.memory_space<hbm>>
      %dma_wait3A_279 = tpu.memref_squeeze %dma_wait3A_278 : memref<1x61x80xi32, #tpu.memory_space<hbm>> -> memref<61x80xi32, #tpu.memory_space<hbm>>
      %dma_wait3A_280 = arith.constant 0 : i32
      %dma_wait3A_281 = arith.constant 0 : i32
      %dma_wait3A_282 = tpu.memref_slice %arg8[%dma_wait3A_280, %dma_wait3A_281] : memref<64x80xi32, #tpu.memory_space<vmem>> -> memref<61x80xi32, #tpu.memory_space<vmem>>
      %dma_wait3A_283 = arith.constant 64 : i32
      %dma_wait3A_284 = arith.constant 0 : i32
      %dma_wait3A_285 = tpu.memref_slice %arg4[%add3A, %dma_wait3A_283, %dma_wait3A_284] : memref<32x125x80xi32, #tpu.memory_space<hbm>> -> memref<1x61x80xi32, #tpu.memory_space<hbm>>
      %dma_wait3A_286 = tpu.memref_squeeze %dma_wait3A_285 : memref<1x61x80xi32, #tpu.memory_space<hbm>> -> memref<61x80xi32, #tpu.memory_space<hbm>>
      tpu.wait_dma2 semaphore(%run_scoped3A : memref<!tpu.dma_semaphore, #tpu.memory_space<semaphore_mem>>) src(%dma_wait3A_286 : memref<61x80xi32, #tpu.memory_space<hbm>>) dst(%dma_wait3A_282 : memref<61x80xi32, #tpu.memory_space<vmem>>)
      tpu.yield
    }) : () -> ()
    %dma_start3A_147 = arith.constant 0 : i32
    %dma_start3A_148 = tpu.memref_slice %arg7[%dma_start3A_147] : memref<5120xi32, #tpu.memory_space<vmem>> -> memref<80xi32, #tpu.memory_space<vmem>>
    %dma_start3A_149 = arith.constant 0 : i32
    %dma_start3A_150 = arith.constant 0 : i32
    %dma_start3A_151 = tpu.memref_slice %arg2[%dma_start3A_149, %dma_start3A_150] : memref<10000x128xf32, #tpu.memory_space<hbm>> -> memref<10000x128xf32, #tpu.memory_space<hbm>>
    tpu.enqueue_indirect_dma source(%dma_start3A_151 : memref<10000x128xf32, #tpu.memory_space<hbm>>) target(%arg9 : memref<80x128xf32, #tpu.memory_space<vmem>>) offsets(%dma_start3A_148 : memref<80xi32, #tpu.memory_space<vmem>>) semaphore(%arg13 : memref<!tpu.dma_semaphore, #tpu.memory_space<semaphore_mem>>)
    %dma_start3A_152 = arith.constant 80 : i32
    %dma_start3A_153 = tpu.memref_slice %arg7[%dma_start3A_152] : memref<5120xi32, #tpu.memory_space<vmem>> -> memref<80xi32, #tpu.memory_space<vmem>>
    %dma_start3A_154 = arith.constant 0 : i32
    %dma_start3A_155 = arith.constant 0 : i32
    %dma_start3A_156 = tpu.memref_slice %arg2[%dma_start3A_154, %dma_start3A_155] : memref<10000x128xf32, #tpu.memory_space<hbm>> -> memref<10000x128xf32, #tpu.memory_space<hbm>>
    tpu.enqueue_indirect_dma source(%dma_start3A_156 : memref<10000x128xf32, #tpu.memory_space<hbm>>) target(%arg10 : memref<80x128xf32, #tpu.memory_space<vmem>>) offsets(%dma_start3A_153 : memref<80xi32, #tpu.memory_space<vmem>>) semaphore(%arg14 : memref<!tpu.dma_semaphore, #tpu.memory_space<semaphore_mem>>)
    %scan3A_157 = arith.constant 0 : i32
    %scan3A_158 = arith.constant 0 : i32
    %scan3A_159 = arith.constant 21 : i32
    %scan3A_160 = arith.addi %scan3A_158, %scan3A_159 : i32
    %scan3A_161 = arith.constant 1 : i32
    scf.for %scan3A_259 = %scan3A_158 to %scan3A_160 step %scan3A_161  : i32 {
      %mul3A_260 = arith.constant 3 : i32
      %mul3A_261 = arith.muli %scan3A_259, %mul3A_260 : i32
      %add3A_262 = arith.constant 0 : i32
      %add3A_263 = arith.addi %mul3A_261, %add3A_262 : i32
      %lt3A_264 = arith.constant 61 : i32
      %lt3A_265 = arith.cmpi slt, %add3A_263, %lt3A_264 : i32
      %convert_element_type3A_266 = arith.extui %lt3A_265 : i1 to i32
      %cond3A_267 = arith.constant 0 : i32
      %cond3A_268 = arith.cmpi ne, %convert_element_type3A_266, %cond3A_267 : i32
      scf.if %cond3A_268 {
        %dma_wait3A_329 = arith.constant 0 : i32
        %dma_wait3A_330 = arith.constant 0 : i32
        %dma_wait3A_331 = tpu.memref_slice %arg2[%dma_wait3A_329, %dma_wait3A_330] : memref<10000x128xf32, #tpu.memory_space<hbm>> -> memref<80x128xf32, #tpu.memory_space<hbm>>
        %dma_wait3A_332 = arith.constant 0 : i32
        %dma_wait3A_333 = arith.constant 0 : i32
        %dma_wait3A_334 = tpu.memref_slice %arg2[%dma_wait3A_332, %dma_wait3A_333] : memref<10000x128xf32, #tpu.memory_space<hbm>> -> memref<80x128xf32, #tpu.memory_space<hbm>>
        tpu.wait_dma2 semaphore(%arg13 : memref<!tpu.dma_semaphore, #tpu.memory_space<semaphore_mem>>) src(%dma_wait3A_334 : memref<80x128xf32, #tpu.memory_space<hbm>>) dst(%arg9 : memref<80x128xf32, #tpu.memory_space<vmem>>)
        %dma_start3A_335 = arith.constant 0 : i32
        %dma_start3A_336 = tpu.memref_slice %arg8[%add3A_263, %dma_start3A_335] : memref<64x80xi32, #tpu.memory_space<vmem>> -> memref<1x80xi32, #tpu.memory_space<vmem>>
        %dma_start3A_337 = tpu.memref_squeeze %dma_start3A_336 : memref<1x80xi32, #tpu.memory_space<vmem>> -> memref<80xi32, #tpu.memory_space<vmem>>
        %dma_start3A_338 = arith.constant 0 : i32
        %dma_start3A_339 = arith.constant 0 : i32
        %dma_start3A_340 = tpu.memref_slice %arg12[%dma_start3A_338, %dma_start3A_339] : memref<10000x128xf32, #tpu.memory_space<vmem_shared>> -> memref<10000x128xf32, #tpu.memory_space<vmem_shared>>
        tpu.enqueue_indirect_dma source(%arg9 : memref<80x128xf32, #tpu.memory_space<vmem>>) target(%dma_start3A_340 : memref<10000x128xf32, #tpu.memory_space<vmem_shared>>) offsets(%dma_start3A_337 : memref<80xi32, #tpu.memory_space<vmem>>) semaphore(%arg16 : memref<!tpu.dma_semaphore, #tpu.memory_space<semaphore_mem>>) {add = true}
      } else {
      }
      %add3A_269 = arith.constant 2 : i32
      %add3A_270 = arith.addi %add3A_263, %add3A_269 : i32
      %lt3A_271 = arith.constant 61 : i32
      %lt3A_272 = arith.cmpi slt, %add3A_270, %lt3A_271 : i32
      %gt3A = arith.constant 0 : i32
      %gt3A_273 = arith.cmpi sgt, %add3A_263, %gt3A : i32
      %and3A = arith.andi %lt3A_272, %gt3A_273 : i1
      %convert_element_type3A_274 = arith.extui %and3A : i1 to i32
      %cond3A_275 = arith.constant 0 : i32
      %cond3A_276 = arith.cmpi ne, %convert_element_type3A_274, %cond3A_275 : i32
      scf.if %cond3A_276 {
        %dma_wait3A_329 = arith.constant 0 : i32
        %dma_wait3A_330 = arith.constant 0 : i32
        %dma_wait3A_331 = tpu.memref_slice %arg2[%dma_wait3A_329, %dma_wait3A_330] : memref<10000x128xf32, #tpu.memory_space<hbm>> -> memref<80x128xf32, #tpu.memory_space<hbm>>
        %dma_wait3A_332 = arith.constant 0 : i32
        %dma_wait3A_333 = arith.constant 0 : i32
        %dma_wait3A_334 = tpu.memref_slice %arg2[%dma_wait3A_332, %dma_wait3A_333] : memref<10000x128xf32, #tpu.memory_space<hbm>> -> memref<80x128xf32, #tpu.memory_space<hbm>>
        tpu.wait_dma2 semaphore(%arg18 : memref<!tpu.dma_semaphore, #tpu.memory_space<semaphore_mem>>) src(%dma_wait3A_334 : memref<80x128xf32, #tpu.memory_space<hbm>>) dst(%arg11 : memref<80x128xf32, #tpu.memory_space<vmem>>)
        %add3A_335 = arith.constant 2 : i32
        %add3A_336 = arith.addi %add3A_263, %add3A_335 : i32
        %mul3A_337 = arith.constant 80 : i32
        %mul3A_338 = arith.muli %add3A_336, %mul3A_337 : i32
        %dma_start3A_339 = tpu.memref_slice %arg7[%mul3A_338] : memref<5120xi32, #tpu.memory_space<vmem>> -> memref<80xi32, #tpu.memory_space<vmem>>
        %dma_start3A_340 = arith.constant 0 : i32
        %dma_start3A_341 = arith.constant 0 : i32
        %dma_start3A_342 = tpu.memref_slice %arg2[%dma_start3A_340, %dma_start3A_341] : memref<10000x128xf32, #tpu.memory_space<hbm>> -> memref<10000x128xf32, #tpu.memory_space<hbm>>
        tpu.enqueue_indirect_dma source(%dma_start3A_342 : memref<10000x128xf32, #tpu.memory_space<hbm>>) target(%arg11 : memref<80x128xf32, #tpu.memory_space<vmem>>) offsets(%dma_start3A_339 : memref<80xi32, #tpu.memory_space<vmem>>) semaphore(%arg15 : memref<!tpu.dma_semaphore, #tpu.memory_space<semaphore_mem>>)
      } else {
      }
      %eq3A = arith.constant 0 : i32
      %eq3A_277 = arith.cmpi eq, %add3A_263, %eq3A : i32
      %convert_element_type3A_278 = arith.extui %eq3A_277 : i1 to i32
      %cond3A_279 = arith.constant 0 : i32
      %cond3A_280 = arith.cmpi ne, %convert_element_type3A_278, %cond3A_279 : i32
      scf.if %cond3A_280 {
        %dma_start3A_329 = arith.constant 160 : i32
        %dma_start3A_330 = tpu.memref_slice %arg7[%dma_start3A_329] : memref<5120xi32, #tpu.memory_space<vmem>> -> memref<80xi32, #tpu.memory_space<vmem>>
        %dma_start3A_331 = arith.constant 0 : i32
        %dma_start3A_332 = arith.constant 0 : i32
        %dma_start3A_333 = tpu.memref_slice %arg2[%dma_start3A_331, %dma_start3A_332] : memref<10000x128xf32, #tpu.memory_space<hbm>> -> memref<10000x128xf32, #tpu.memory_space<hbm>>
        tpu.enqueue_indirect_dma source(%dma_start3A_333 : memref<10000x128xf32, #tpu.memory_space<hbm>>) target(%arg11 : memref<80x128xf32, #tpu.memory_space<vmem>>) offsets(%dma_start3A_330 : memref<80xi32, #tpu.memory_space<vmem>>) semaphore(%arg15 : memref<!tpu.dma_semaphore, #tpu.memory_space<semaphore_mem>>)
      } else {
      }
      %mul3A_281 = arith.constant 3 : i32
      %mul3A_282 = arith.muli %scan3A_259, %mul3A_281 : i32
      %add3A_283 = arith.constant 1 : i32
      %add3A_284 = arith.addi %mul3A_282, %add3A_283 : i32
      %lt3A_285 = arith.constant 61 : i32
      %lt3A_286 = arith.cmpi slt, %add3A_284, %lt3A_285 : i32
      %convert_element_type3A_287 = arith.extui %lt3A_286 : i1 to i32
      %cond3A_288 = arith.constant 0 : i32
      %cond3A_289 = arith.cmpi ne, %convert_element_type3A_287, %cond3A_288 : i32
      scf.if %cond3A_289 {
        %dma_wait3A_329 = arith.constant 0 : i32
        %dma_wait3A_330 = arith.constant 0 : i32
        %dma_wait3A_331 = tpu.memref_slice %arg2[%dma_wait3A_329, %dma_wait3A_330] : memref<10000x128xf32, #tpu.memory_space<hbm>> -> memref<80x128xf32, #tpu.memory_space<hbm>>
        %dma_wait3A_332 = arith.constant 0 : i32
        %dma_wait3A_333 = arith.constant 0 : i32
        %dma_wait3A_334 = tpu.memref_slice %arg2[%dma_wait3A_332, %dma_wait3A_333] : memref<10000x128xf32, #tpu.memory_space<hbm>> -> memref<80x128xf32, #tpu.memory_space<hbm>>
        tpu.wait_dma2 semaphore(%arg14 : memref<!tpu.dma_semaphore, #tpu.memory_space<semaphore_mem>>) src(%dma_wait3A_334 : memref<80x128xf32, #tpu.memory_space<hbm>>) dst(%arg10 : memref<80x128xf32, #tpu.memory_space<vmem>>)
        %dma_start3A_335 = arith.constant 0 : i32
        %dma_start3A_336 = tpu.memref_slice %arg8[%add3A_284, %dma_start3A_335] : memref<64x80xi32, #tpu.memory_space<vmem>> -> memref<1x80xi32, #tpu.memory_space<vmem>>
        %dma_start3A_337 = tpu.memref_squeeze %dma_start3A_336 : memref<1x80xi32, #tpu.memory_space<vmem>> -> memref<80xi32, #tpu.memory_space<vmem>>
        %dma_start3A_338 = arith.constant 0 : i32
        %dma_start3A_339 = arith.constant 0 : i32
        %dma_start3A_340 = tpu.memref_slice %arg12[%dma_start3A_338, %dma_start3A_339] : memref<10000x128xf32, #tpu.memory_space<vmem_shared>> -> memref<10000x128xf32, #tpu.memory_space<vmem_shared>>
        tpu.enqueue_indirect_dma source(%arg10 : memref<80x128xf32, #tpu.memory_space<vmem>>) target(%dma_start3A_340 : memref<10000x128xf32, #tpu.memory_space<vmem_shared>>) offsets(%dma_start3A_337 : memref<80xi32, #tpu.memory_space<vmem>>) semaphore(%arg17 : memref<!tpu.dma_semaphore, #tpu.memory_space<semaphore_mem>>) {add = true}
      } else {
      }
      %add3A_290 = arith.constant 2 : i32
      %add3A_291 = arith.addi %add3A_284, %add3A_290 : i32
      %lt3A_292 = arith.constant 61 : i32
      %lt3A_293 = arith.cmpi slt, %add3A_291, %lt3A_292 : i32
      %gt3A_294 = arith.constant 0 : i32
      %gt3A_295 = arith.cmpi sgt, %add3A_284, %gt3A_294 : i32
      %and3A_296 = arith.andi %lt3A_293, %gt3A_295 : i1
      %convert_element_type3A_297 = arith.extui %and3A_296 : i1 to i32
      %cond3A_298 = arith.constant 0 : i32
      %cond3A_299 = arith.cmpi ne, %convert_element_type3A_297, %cond3A_298 : i32
      scf.if %cond3A_299 {
        %dma_wait3A_329 = arith.constant 0 : i32
        %dma_wait3A_330 = arith.constant 0 : i32
        %dma_wait3A_331 = tpu.memref_slice %arg2[%dma_wait3A_329, %dma_wait3A_330] : memref<10000x128xf32, #tpu.memory_space<hbm>> -> memref<80x128xf32, #tpu.memory_space<hbm>>
        %dma_wait3A_332 = arith.constant 0 : i32
        %dma_wait3A_333 = arith.constant 0 : i32
        %dma_wait3A_334 = tpu.memref_slice %arg2[%dma_wait3A_332, %dma_wait3A_333] : memref<10000x128xf32, #tpu.memory_space<hbm>> -> memref<80x128xf32, #tpu.memory_space<hbm>>
        tpu.wait_dma2 semaphore(%arg16 : memref<!tpu.dma_semaphore, #tpu.memory_space<semaphore_mem>>) src(%dma_wait3A_334 : memref<80x128xf32, #tpu.memory_space<hbm>>) dst(%arg9 : memref<80x128xf32, #tpu.memory_space<vmem>>)
        %add3A_335 = arith.constant 2 : i32
        %add3A_336 = arith.addi %add3A_284, %add3A_335 : i32
        %mul3A_337 = arith.constant 80 : i32
        %mul3A_338 = arith.muli %add3A_336, %mul3A_337 : i32
        %dma_start3A_339 = tpu.memref_slice %arg7[%mul3A_338] : memref<5120xi32, #tpu.memory_space<vmem>> -> memref<80xi32, #tpu.memory_space<vmem>>
        %dma_start3A_340 = arith.constant 0 : i32
        %dma_start3A_341 = arith.constant 0 : i32
        %dma_start3A_342 = tpu.memref_slice %arg2[%dma_start3A_340, %dma_start3A_341] : memref<10000x128xf32, #tpu.memory_space<hbm>> -> memref<10000x128xf32, #tpu.memory_space<hbm>>
        tpu.enqueue_indirect_dma source(%dma_start3A_342 : memref<10000x128xf32, #tpu.memory_space<hbm>>) target(%arg9 : memref<80x128xf32, #tpu.memory_space<vmem>>) offsets(%dma_start3A_339 : memref<80xi32, #tpu.memory_space<vmem>>) semaphore(%arg13 : memref<!tpu.dma_semaphore, #tpu.memory_space<semaphore_mem>>)
      } else {
      }
      %eq3A_300 = arith.constant 0 : i32
      %eq3A_301 = arith.cmpi eq, %add3A_284, %eq3A_300 : i32
      %convert_element_type3A_302 = arith.extui %eq3A_301 : i1 to i32
      %cond3A_303 = arith.constant 0 : i32
      %cond3A_304 = arith.cmpi ne, %convert_element_type3A_302, %cond3A_303 : i32
      scf.if %cond3A_304 {
        %dma_start3A_329 = arith.constant 160 : i32
        %dma_start3A_330 = tpu.memref_slice %arg7[%dma_start3A_329] : memref<5120xi32, #tpu.memory_space<vmem>> -> memref<80xi32, #tpu.memory_space<vmem>>
        %dma_start3A_331 = arith.constant 0 : i32
        %dma_start3A_332 = arith.constant 0 : i32
        %dma_start3A_333 = tpu.memref_slice %arg2[%dma_start3A_331, %dma_start3A_332] : memref<10000x128xf32, #tpu.memory_space<hbm>> -> memref<10000x128xf32, #tpu.memory_space<hbm>>
        tpu.enqueue_indirect_dma source(%dma_start3A_333 : memref<10000x128xf32, #tpu.memory_space<hbm>>) target(%arg11 : memref<80x128xf32, #tpu.memory_space<vmem>>) offsets(%dma_start3A_330 : memref<80xi32, #tpu.memory_space<vmem>>) semaphore(%arg15 : memref<!tpu.dma_semaphore, #tpu.memory_space<semaphore_mem>>)
      } else {
      }
      %mul3A_305 = arith.constant 3 : i32
      %mul3A_306 = arith.muli %scan3A_259, %mul3A_305 : i32
      %add3A_307 = arith.constant 2 : i32
      %add3A_308 = arith.addi %mul3A_306, %add3A_307 : i32
      %lt3A_309 = arith.constant 61 : i32
      %lt3A_310 = arith.cmpi slt, %add3A_308, %lt3A_309 : i32
      %convert_element_type3A_311 = arith.extui %lt3A_310 : i1 to i32
      %cond3A_312 = arith.constant 0 : i32
      %cond3A_313 = arith.cmpi ne, %convert_element_type3A_311, %cond3A_312 : i32
      scf.if %cond3A_313 {
        %dma_wait3A_329 = arith.constant 0 : i32
        %dma_wait3A_330 = arith.constant 0 : i32
        %dma_wait3A_331 = tpu.memref_slice %arg2[%dma_wait3A_329, %dma_wait3A_330] : memref<10000x128xf32, #tpu.memory_space<hbm>> -> memref<80x128xf32, #tpu.memory_space<hbm>>
        %dma_wait3A_332 = arith.constant 0 : i32
        %dma_wait3A_333 = arith.constant 0 : i32
        %dma_wait3A_334 = tpu.memref_slice %arg2[%dma_wait3A_332, %dma_wait3A_333] : memref<10000x128xf32, #tpu.memory_space<hbm>> -> memref<80x128xf32, #tpu.memory_space<hbm>>
        tpu.wait_dma2 semaphore(%arg15 : memref<!tpu.dma_semaphore, #tpu.memory_space<semaphore_mem>>) src(%dma_wait3A_334 : memref<80x128xf32, #tpu.memory_space<hbm>>) dst(%arg11 : memref<80x128xf32, #tpu.memory_space<vmem>>)
        %dma_start3A_335 = arith.constant 0 : i32
        %dma_start3A_336 = tpu.memref_slice %arg8[%add3A_308, %dma_start3A_335] : memref<64x80xi32, #tpu.memory_space<vmem>> -> memref<1x80xi32, #tpu.memory_space<vmem>>
        %dma_start3A_337 = tpu.memref_squeeze %dma_start3A_336 : memref<1x80xi32, #tpu.memory_space<vmem>> -> memref<80xi32, #tpu.memory_space<vmem>>
        %dma_start3A_338 = arith.constant 0 : i32
        %dma_start3A_339 = arith.constant 0 : i32
        %dma_start3A_340 = tpu.memref_slice %arg12[%dma_start3A_338, %dma_start3A_339] : memref<10000x128xf32, #tpu.memory_space<vmem_shared>> -> memref<10000x128xf32, #tpu.memory_space<vmem_shared>>
        tpu.enqueue_indirect_dma source(%arg11 : memref<80x128xf32, #tpu.memory_space<vmem>>) target(%dma_start3A_340 : memref<10000x128xf32, #tpu.memory_space<vmem_shared>>) offsets(%dma_start3A_337 : memref<80xi32, #tpu.memory_space<vmem>>) semaphore(%arg18 : memref<!tpu.dma_semaphore, #tpu.memory_space<semaphore_mem>>) {add = true}
      } else {
      }
      %add3A_314 = arith.constant 2 : i32
      %add3A_315 = arith.addi %add3A_308, %add3A_314 : i32
      %lt3A_316 = arith.constant 61 : i32
      %lt3A_317 = arith.cmpi slt, %add3A_315, %lt3A_316 : i32
      %gt3A_318 = arith.constant 0 : i32
      %gt3A_319 = arith.cmpi sgt, %add3A_308, %gt3A_318 : i32
      %and3A_320 = arith.andi %lt3A_317, %gt3A_319 : i1
      %convert_element_type3A_321 = arith.extui %and3A_320 : i1 to i32
      %cond3A_322 = arith.constant 0 : i32
      %cond3A_323 = arith.cmpi ne, %convert_element_type3A_321, %cond3A_322 : i32
      scf.if %cond3A_323 {
        %dma_wait3A_329 = arith.constant 0 : i32
        %dma_wait3A_330 = arith.constant 0 : i32
        %dma_wait3A_331 = tpu.memref_slice %arg2[%dma_wait3A_329, %dma_wait3A_330] : memref<10000x128xf32, #tpu.memory_space<hbm>> -> memref<80x128xf32, #tpu.memory_space<hbm>>
        %dma_wait3A_332 = arith.constant 0 : i32
        %dma_wait3A_333 = arith.constant 0 : i32
        %dma_wait3A_334 = tpu.memref_slice %arg2[%dma_wait3A_332, %dma_wait3A_333] : memref<10000x128xf32, #tpu.memory_space<hbm>> -> memref<80x128xf32, #tpu.memory_space<hbm>>
        tpu.wait_dma2 semaphore(%arg17 : memref<!tpu.dma_semaphore, #tpu.memory_space<semaphore_mem>>) src(%dma_wait3A_334 : memref<80x128xf32, #tpu.memory_space<hbm>>) dst(%arg10 : memref<80x128xf32, #tpu.memory_space<vmem>>)
        %add3A_335 = arith.constant 2 : i32
        %add3A_336 = arith.addi %add3A_308, %add3A_335 : i32
        %mul3A_337 = arith.constant 80 : i32
        %mul3A_338 = arith.muli %add3A_336, %mul3A_337 : i32
        %dma_start3A_339 = tpu.memref_slice %arg7[%mul3A_338] : memref<5120xi32, #tpu.memory_space<vmem>> -> memref<80xi32, #tpu.memory_space<vmem>>
        %dma_start3A_340 = arith.constant 0 : i32
        %dma_start3A_341 = arith.constant 0 : i32
        %dma_start3A_342 = tpu.memref_slice %arg2[%dma_start3A_340, %dma_start3A_341] : memref<10000x128xf32, #tpu.memory_space<hbm>> -> memref<10000x128xf32, #tpu.memory_space<hbm>>
        tpu.enqueue_indirect_dma source(%dma_start3A_342 : memref<10000x128xf32, #tpu.memory_space<hbm>>) target(%arg10 : memref<80x128xf32, #tpu.memory_space<vmem>>) offsets(%dma_start3A_339 : memref<80xi32, #tpu.memory_space<vmem>>) semaphore(%arg14 : memref<!tpu.dma_semaphore, #tpu.memory_space<semaphore_mem>>)
      } else {
      }
      %eq3A_324 = arith.constant 0 : i32
      %eq3A_325 = arith.cmpi eq, %add3A_308, %eq3A_324 : i32
      %convert_element_type3A_326 = arith.extui %eq3A_325 : i1 to i32
      %cond3A_327 = arith.constant 0 : i32
      %cond3A_328 = arith.cmpi ne, %convert_element_type3A_326, %cond3A_327 : i32
      scf.if %cond3A_328 {
        %dma_start3A_329 = arith.constant 160 : i32
        %dma_start3A_330 = tpu.memref_slice %arg7[%dma_start3A_329] : memref<5120xi32, #tpu.memory_space<vmem>> -> memref<80xi32, #tpu.memory_space<vmem>>
        %dma_start3A_331 = arith.constant 0 : i32
        %dma_start3A_332 = arith.constant 0 : i32
        %dma_start3A_333 = tpu.memref_slice %arg2[%dma_start3A_331, %dma_start3A_332] : memref<10000x128xf32, #tpu.memory_space<hbm>> -> memref<10000x128xf32, #tpu.memory_space<hbm>>
        tpu.enqueue_indirect_dma source(%dma_start3A_333 : memref<10000x128xf32, #tpu.memory_space<hbm>>) target(%arg11 : memref<80x128xf32, #tpu.memory_space<vmem>>) offsets(%dma_start3A_330 : memref<80xi32, #tpu.memory_space<vmem>>) semaphore(%arg15 : memref<!tpu.dma_semaphore, #tpu.memory_space<semaphore_mem>>)
      } else {
      }
    }
    %scan3A_162 = arith.constant 21 : i32
    %dma_wait3A_163 = arith.constant 0 : i32
    %dma_wait3A_164 = arith.constant 0 : i32
    %dma_wait3A_165 = tpu.memref_slice %arg2[%dma_wait3A_163, %dma_wait3A_164] : memref<10000x128xf32, #tpu.memory_space<hbm>> -> memref<80x128xf32, #tpu.memory_space<hbm>>
    %dma_wait3A_166 = arith.constant 0 : i32
    %dma_wait3A_167 = arith.constant 0 : i32
    %dma_wait3A_168 = tpu.memref_slice %arg2[%dma_wait3A_166, %dma_wait3A_167] : memref<10000x128xf32, #tpu.memory_space<hbm>> -> memref<80x128xf32, #tpu.memory_space<hbm>>
    tpu.wait_dma2 semaphore(%arg17 : memref<!tpu.dma_semaphore, #tpu.memory_space<semaphore_mem>>) src(%dma_wait3A_168 : memref<80x128xf32, #tpu.memory_space<hbm>>) dst(%arg9 : memref<80x128xf32, #tpu.memory_space<vmem>>)
    %dma_wait3A_169 = arith.constant 0 : i32
    %dma_wait3A_170 = arith.constant 0 : i32
    %dma_wait3A_171 = tpu.memref_slice %arg2[%dma_wait3A_169, %dma_wait3A_170] : memref<10000x128xf32, #tpu.memory_space<hbm>> -> memref<80x128xf32, #tpu.memory_space<hbm>>
    %dma_wait3A_172 = arith.constant 0 : i32
    %dma_wait3A_173 = arith.constant 0 : i32
    %dma_wait3A_174 = tpu.memref_slice %arg2[%dma_wait3A_172, %dma_wait3A_173] : memref<10000x128xf32, #tpu.memory_space<hbm>> -> memref<80x128xf32, #tpu.memory_space<hbm>>
    tpu.wait_dma2 semaphore(%arg18 : memref<!tpu.dma_semaphore, #tpu.memory_space<semaphore_mem>>) src(%dma_wait3A_174 : memref<80x128xf32, #tpu.memory_space<hbm>>) dst(%arg10 : memref<80x128xf32, #tpu.memory_space<vmem>>)
    %dma_wait3A_175 = arith.constant 0 : i32
    %dma_wait3A_176 = arith.constant 0 : i32
    %dma_wait3A_177 = tpu.memref_slice %arg2[%dma_wait3A_175, %dma_wait3A_176] : memref<10000x128xf32, #tpu.memory_space<hbm>> -> memref<80x128xf32, #tpu.memory_space<hbm>>
    %dma_wait3A_178 = arith.constant 0 : i32
    %dma_wait3A_179 = arith.constant 0 : i32
    %dma_wait3A_180 = tpu.memref_slice %arg2[%dma_wait3A_178, %dma_wait3A_179] : memref<10000x128xf32, #tpu.memory_space<hbm>> -> memref<80x128xf32, #tpu.memory_space<hbm>>
    tpu.wait_dma2 semaphore(%arg16 : memref<!tpu.dma_semaphore, #tpu.memory_space<semaphore_mem>>) src(%dma_wait3A_180 : memref<80x128xf32, #tpu.memory_space<hbm>>) dst(%arg11 : memref<80x128xf32, #tpu.memory_space<vmem>>)
    %barrier3A_181 = arith.constant 0 : index
    tpu.barrier barrier_id(%barrier3A_181)
    %add3A_182 = arith.constant 0 : i32
    %add3A_183 = arith.addi %arg1, %add3A_182 : i32
    %lt3A_184 = arith.constant 125 : i32
    %lt3A_185 = arith.cmpi slt, %add3A_183, %lt3A_184 : i32
    %convert_element_type3A_186 = arith.extui %lt3A_185 : i1 to i32
    %cond3A_187 = arith.constant 0 : i32
    %cond3A_188 = arith.cmpi ne, %convert_element_type3A_186, %cond3A_187 : i32
    scf.if %cond3A_188 {
      %mul3A_259 = arith.constant 80 : i32
      %mul3A_260 = arith.muli %add3A_183, %mul3A_259 : i32
      "tpu.region"() ({
        %run_scoped3A = tpu.sem_alloc : memref<!tpu.dma_semaphore, #tpu.memory_space<semaphore_mem>>
        %dma_start3A_270 = arith.constant 0 : i32
        %dma_start3A_271 = tpu.memref_slice %arg12[%mul3A_260, %dma_start3A_270] : memref<10000x128xf32, #tpu.memory_space<vmem_shared>> -> memref<80x128xf32, #tpu.memory_space<vmem_shared>>
        %dma_start3A_272 = arith.constant 0 : i32
        %dma_start3A_273 = tpu.memref_slice %arg12[%mul3A_260, %dma_start3A_272] : memref<10000x128xf32, #tpu.memory_space<vmem_shared>> -> memref<80x128xf32, #tpu.memory_space<vmem_shared>>
        tpu.enqueue_dma source(%dma_start3A_273 : memref<80x128xf32, #tpu.memory_space<vmem_shared>>) target(%arg9 : memref<80x128xf32, #tpu.memory_space<vmem>>) target_semaphore(%run_scoped3A : memref<!tpu.dma_semaphore, #tpu.memory_space<semaphore_mem>>)
        %dma_wait3A_274 = arith.constant 0 : i32
        %dma_wait3A_275 = tpu.memref_slice %arg12[%mul3A_260, %dma_wait3A_274] : memref<10000x128xf32, #tpu.memory_space<vmem_shared>> -> memref<80x128xf32, #tpu.memory_space<vmem_shared>>
        %dma_wait3A_276 = arith.constant 0 : i32
        %dma_wait3A_277 = tpu.memref_slice %arg12[%mul3A_260, %dma_wait3A_276] : memref<10000x128xf32, #tpu.memory_space<vmem_shared>> -> memref<80x128xf32, #tpu.memory_space<vmem_shared>>
        tpu.wait_dma2 semaphore(%run_scoped3A : memref<!tpu.dma_semaphore, #tpu.memory_space<semaphore_mem>>) src(%dma_wait3A_277 : memref<80x128xf32, #tpu.memory_space<vmem_shared>>) dst(%arg9 : memref<80x128xf32, #tpu.memory_space<vmem>>)
        tpu.yield
      }) : () -> ()
      %mul3A_261 = arith.constant 10000 : i32
      %mul3A_262 = arith.muli %arg0, %mul3A_261 : i32
      %mul3A_263 = arith.constant 80 : i32
      %mul3A_264 = arith.muli %add3A_183, %mul3A_263 : i32
      %add3A_265 = arith.addi %mul3A_262, %mul3A_264 : i32
      %dma_start3A_266 = arith.constant 0 : i32
      %dma_start3A_267 = tpu.memref_slice %arg6[%add3A_265, %dma_start3A_266] : memref<20000x128xf32, #tpu.memory_space<hbm>> -> memref<80x128xf32, #tpu.memory_space<hbm>>
      %dma_start3A_268 = arith.constant 0 : i32
      %dma_start3A_269 = tpu.memref_slice %arg6[%add3A_265, %dma_start3A_268] : memref<20000x128xf32, #tpu.memory_space<hbm>> -> memref<80x128xf32, #tpu.memory_space<hbm>>
      tpu.enqueue_dma source(%arg9 : memref<80x128xf32, #tpu.memory_space<vmem>>) target(%dma_start3A_269 : memref<80x128xf32, #tpu.memory_space<hbm>>) target_semaphore(%arg16 : memref<!tpu.dma_semaphore, #tpu.memory_space<semaphore_mem>>)
    } else {
    }
    %add3A_189 = arith.constant 16 : i32
    %add3A_190 = arith.addi %arg1, %add3A_189 : i32
    %lt3A_191 = arith.constant 125 : i32
    %lt3A_192 = arith.cmpi slt, %add3A_190, %lt3A_191 : i32
    %convert_element_type3A_193 = arith.extui %lt3A_192 : i1 to i32
    %cond3A_194 = arith.constant 0 : i32
    %cond3A_195 = arith.cmpi ne, %convert_element_type3A_193, %cond3A_194 : i32
    scf.if %cond3A_195 {
      %mul3A_259 = arith.constant 80 : i32
      %mul3A_260 = arith.muli %add3A_190, %mul3A_259 : i32
      "tpu.region"() ({
        %run_scoped3A = tpu.sem_alloc : memref<!tpu.dma_semaphore, #tpu.memory_space<semaphore_mem>>
        %dma_start3A_270 = arith.constant 0 : i32
        %dma_start3A_271 = tpu.memref_slice %arg12[%mul3A_260, %dma_start3A_270] : memref<10000x128xf32, #tpu.memory_space<vmem_shared>> -> memref<80x128xf32, #tpu.memory_space<vmem_shared>>
        %dma_start3A_272 = arith.constant 0 : i32
        %dma_start3A_273 = tpu.memref_slice %arg12[%mul3A_260, %dma_start3A_272] : memref<10000x128xf32, #tpu.memory_space<vmem_shared>> -> memref<80x128xf32, #tpu.memory_space<vmem_shared>>
        tpu.enqueue_dma source(%dma_start3A_273 : memref<80x128xf32, #tpu.memory_space<vmem_shared>>) target(%arg10 : memref<80x128xf32, #tpu.memory_space<vmem>>) target_semaphore(%run_scoped3A : memref<!tpu.dma_semaphore, #tpu.memory_space<semaphore_mem>>)
        %dma_wait3A_274 = arith.constant 0 : i32
        %dma_wait3A_275 = tpu.memref_slice %arg12[%mul3A_260, %dma_wait3A_274] : memref<10000x128xf32, #tpu.memory_space<vmem_shared>> -> memref<80x128xf32, #tpu.memory_space<vmem_shared>>
        %dma_wait3A_276 = arith.constant 0 : i32
        %dma_wait3A_277 = tpu.memref_slice %arg12[%mul3A_260, %dma_wait3A_276] : memref<10000x128xf32, #tpu.memory_space<vmem_shared>> -> memref<80x128xf32, #tpu.memory_space<vmem_shared>>
        tpu.wait_dma2 semaphore(%run_scoped3A : memref<!tpu.dma_semaphore, #tpu.memory_space<semaphore_mem>>) src(%dma_wait3A_277 : memref<80x128xf32, #tpu.memory_space<vmem_shared>>) dst(%arg10 : memref<80x128xf32, #tpu.memory_space<vmem>>)
        tpu.yield
      }) : () -> ()
      %mul3A_261 = arith.constant 10000 : i32
      %mul3A_262 = arith.muli %arg0, %mul3A_261 : i32
      %mul3A_263 = arith.constant 80 : i32
      %mul3A_264 = arith.muli %add3A_190, %mul3A_263 : i32
      %add3A_265 = arith.addi %mul3A_262, %mul3A_264 : i32
      %dma_start3A_266 = arith.constant 0 : i32
      %dma_start3A_267 = tpu.memref_slice %arg6[%add3A_265, %dma_start3A_266] : memref<20000x128xf32, #tpu.memory_space<hbm>> -> memref<80x128xf32, #tpu.memory_space<hbm>>
      %dma_start3A_268 = arith.constant 0 : i32
      %dma_start3A_269 = tpu.memref_slice %arg6[%add3A_265, %dma_start3A_268] : memref<20000x128xf32, #tpu.memory_space<hbm>> -> memref<80x128xf32, #tpu.memory_space<hbm>>
      tpu.enqueue_dma source(%arg10 : memref<80x128xf32, #tpu.memory_space<vmem>>) target(%dma_start3A_269 : memref<80x128xf32, #tpu.memory_space<hbm>>) target_semaphore(%arg17 : memref<!tpu.dma_semaphore, #tpu.memory_space<semaphore_mem>>)
    } else {
    }
    %add3A_196 = arith.constant 32 : i32
    %add3A_197 = arith.addi %arg1, %add3A_196 : i32
    %lt3A_198 = arith.constant 125 : i32
    %lt3A_199 = arith.cmpi slt, %add3A_197, %lt3A_198 : i32
    %convert_element_type3A_200 = arith.extui %lt3A_199 : i1 to i32
    %cond3A_201 = arith.constant 0 : i32
    %cond3A_202 = arith.cmpi ne, %convert_element_type3A_200, %cond3A_201 : i32
    scf.if %cond3A_202 {
      %mul3A_259 = arith.constant 80 : i32
      %mul3A_260 = arith.muli %add3A_197, %mul3A_259 : i32
      "tpu.region"() ({
        %run_scoped3A = tpu.sem_alloc : memref<!tpu.dma_semaphore, #tpu.memory_space<semaphore_mem>>
        %dma_start3A_270 = arith.constant 0 : i32
        %dma_start3A_271 = tpu.memref_slice %arg12[%mul3A_260, %dma_start3A_270] : memref<10000x128xf32, #tpu.memory_space<vmem_shared>> -> memref<80x128xf32, #tpu.memory_space<vmem_shared>>
        %dma_start3A_272 = arith.constant 0 : i32
        %dma_start3A_273 = tpu.memref_slice %arg12[%mul3A_260, %dma_start3A_272] : memref<10000x128xf32, #tpu.memory_space<vmem_shared>> -> memref<80x128xf32, #tpu.memory_space<vmem_shared>>
        tpu.enqueue_dma source(%dma_start3A_273 : memref<80x128xf32, #tpu.memory_space<vmem_shared>>) target(%arg11 : memref<80x128xf32, #tpu.memory_space<vmem>>) target_semaphore(%run_scoped3A : memref<!tpu.dma_semaphore, #tpu.memory_space<semaphore_mem>>)
        %dma_wait3A_274 = arith.constant 0 : i32
        %dma_wait3A_275 = tpu.memref_slice %arg12[%mul3A_260, %dma_wait3A_274] : memref<10000x128xf32, #tpu.memory_space<vmem_shared>> -> memref<80x128xf32, #tpu.memory_space<vmem_shared>>
        %dma_wait3A_276 = arith.constant 0 : i32
        %dma_wait3A_277 = tpu.memref_slice %arg12[%mul3A_260, %dma_wait3A_276] : memref<10000x128xf32, #tpu.memory_space<vmem_shared>> -> memref<80x128xf32, #tpu.memory_space<vmem_shared>>
        tpu.wait_dma2 semaphore(%run_scoped3A : memref<!tpu.dma_semaphore, #tpu.memory_space<semaphore_mem>>) src(%dma_wait3A_277 : memref<80x128xf32, #tpu.memory_space<vmem_shared>>) dst(%arg11 : memref<80x128xf32, #tpu.memory_space<vmem>>)
        tpu.yield
      }) : () -> ()
      %mul3A_261 = arith.constant 10000 : i32
      %mul3A_262 = arith.muli %arg0, %mul3A_261 : i32
      %mul3A_263 = arith.constant 80 : i32
      %mul3A_264 = arith.muli %add3A_197, %mul3A_263 : i32
      %add3A_265 = arith.addi %mul3A_262, %mul3A_264 : i32
      %dma_start3A_266 = arith.constant 0 : i32
      %dma_start3A_267 = tpu.memref_slice %arg6[%add3A_265, %dma_start3A_266] : memref<20000x128xf32, #tpu.memory_space<hbm>> -> memref<80x128xf32, #tpu.memory_space<hbm>>
      %dma_start3A_268 = arith.constant 0 : i32
      %dma_start3A_269 = tpu.memref_slice %arg6[%add3A_265, %dma_start3A_268] : memref<20000x128xf32, #tpu.memory_space<hbm>> -> memref<80x128xf32, #tpu.memory_space<hbm>>
      tpu.enqueue_dma source(%arg11 : memref<80x128xf32, #tpu.memory_space<vmem>>) target(%dma_start3A_269 : memref<80x128xf32, #tpu.memory_space<hbm>>) target_semaphore(%arg18 : memref<!tpu.dma_semaphore, #tpu.memory_space<semaphore_mem>>)
    } else {
    }
    %add3A_203 = arith.constant 48 : i32
    %add3A_204 = arith.addi %arg1, %add3A_203 : i32
    %lt3A_205 = arith.constant 125 : i32
    %lt3A_206 = arith.cmpi slt, %add3A_204, %lt3A_205 : i32
    %convert_element_type3A_207 = arith.extui %lt3A_206 : i1 to i32
    %cond3A_208 = arith.constant 0 : i32
    %cond3A_209 = arith.cmpi ne, %convert_element_type3A_207, %cond3A_208 : i32
    scf.if %cond3A_209 {
      tpu.wait_dma2 semaphore(%arg16 : memref<!tpu.dma_semaphore, #tpu.memory_space<semaphore_mem>>) src(%arg5 : memref<80x128xf32, #tpu.memory_space<hbm>>) dst(%arg9 : memref<80x128xf32, #tpu.memory_space<vmem>>)
      %mul3A_259 = arith.constant 80 : i32
      %mul3A_260 = arith.muli %add3A_204, %mul3A_259 : i32
      "tpu.region"() ({
        %run_scoped3A = tpu.sem_alloc : memref<!tpu.dma_semaphore, #tpu.memory_space<semaphore_mem>>
        %dma_start3A_270 = arith.constant 0 : i32
        %dma_start3A_271 = tpu.memref_slice %arg12[%mul3A_260, %dma_start3A_270] : memref<10000x128xf32, #tpu.memory_space<vmem_shared>> -> memref<80x128xf32, #tpu.memory_space<vmem_shared>>
        %dma_start3A_272 = arith.constant 0 : i32
        %dma_start3A_273 = tpu.memref_slice %arg12[%mul3A_260, %dma_start3A_272] : memref<10000x128xf32, #tpu.memory_space<vmem_shared>> -> memref<80x128xf32, #tpu.memory_space<vmem_shared>>
        tpu.enqueue_dma source(%dma_start3A_273 : memref<80x128xf32, #tpu.memory_space<vmem_shared>>) target(%arg9 : memref<80x128xf32, #tpu.memory_space<vmem>>) target_semaphore(%run_scoped3A : memref<!tpu.dma_semaphore, #tpu.memory_space<semaphore_mem>>)
        %dma_wait3A_274 = arith.constant 0 : i32
        %dma_wait3A_275 = tpu.memref_slice %arg12[%mul3A_260, %dma_wait3A_274] : memref<10000x128xf32, #tpu.memory_space<vmem_shared>> -> memref<80x128xf32, #tpu.memory_space<vmem_shared>>
        %dma_wait3A_276 = arith.constant 0 : i32
        %dma_wait3A_277 = tpu.memref_slice %arg12[%mul3A_260, %dma_wait3A_276] : memref<10000x128xf32, #tpu.memory_space<vmem_shared>> -> memref<80x128xf32, #tpu.memory_space<vmem_shared>>
        tpu.wait_dma2 semaphore(%run_scoped3A : memref<!tpu.dma_semaphore, #tpu.memory_space<semaphore_mem>>) src(%dma_wait3A_277 : memref<80x128xf32, #tpu.memory_space<vmem_shared>>) dst(%arg9 : memref<80x128xf32, #tpu.memory_space<vmem>>)
        tpu.yield
      }) : () -> ()
      %mul3A_261 = arith.constant 10000 : i32
      %mul3A_262 = arith.muli %arg0, %mul3A_261 : i32
      %mul3A_263 = arith.constant 80 : i32
      %mul3A_264 = arith.muli %add3A_204, %mul3A_263 : i32
      %add3A_265 = arith.addi %mul3A_262, %mul3A_264 : i32
      %dma_start3A_266 = arith.constant 0 : i32
      %dma_start3A_267 = tpu.memref_slice %arg6[%add3A_265, %dma_start3A_266] : memref<20000x128xf32, #tpu.memory_space<hbm>> -> memref<80x128xf32, #tpu.memory_space<hbm>>
      %dma_start3A_268 = arith.constant 0 : i32
      %dma_start3A_269 = tpu.memref_slice %arg6[%add3A_265, %dma_start3A_268] : memref<20000x128xf32, #tpu.memory_space<hbm>> -> memref<80x128xf32, #tpu.memory_space<hbm>>
      tpu.enqueue_dma source(%arg9 : memref<80x128xf32, #tpu.memory_space<vmem>>) target(%dma_start3A_269 : memref<80x128xf32, #tpu.memory_space<hbm>>) target_semaphore(%arg16 : memref<!tpu.dma_semaphore, #tpu.memory_space<semaphore_mem>>)
    } else {
    }
    %add3A_210 = arith.constant 64 : i32
    %add3A_211 = arith.addi %arg1, %add3A_210 : i32
    %lt3A_212 = arith.constant 125 : i32
    %lt3A_213 = arith.cmpi slt, %add3A_211, %lt3A_212 : i32
    %convert_element_type3A_214 = arith.extui %lt3A_213 : i1 to i32
    %cond3A_215 = arith.constant 0 : i32
    %cond3A_216 = arith.cmpi ne, %convert_element_type3A_214, %cond3A_215 : i32
    scf.if %cond3A_216 {
      tpu.wait_dma2 semaphore(%arg17 : memref<!tpu.dma_semaphore, #tpu.memory_space<semaphore_mem>>) src(%arg5 : memref<80x128xf32, #tpu.memory_space<hbm>>) dst(%arg10 : memref<80x128xf32, #tpu.memory_space<vmem>>)
      %mul3A_259 = arith.constant 80 : i32
      %mul3A_260 = arith.muli %add3A_211, %mul3A_259 : i32
      "tpu.region"() ({
        %run_scoped3A = tpu.sem_alloc : memref<!tpu.dma_semaphore, #tpu.memory_space<semaphore_mem>>
        %dma_start3A_270 = arith.constant 0 : i32
        %dma_start3A_271 = tpu.memref_slice %arg12[%mul3A_260, %dma_start3A_270] : memref<10000x128xf32, #tpu.memory_space<vmem_shared>> -> memref<80x128xf32, #tpu.memory_space<vmem_shared>>
        %dma_start3A_272 = arith.constant 0 : i32
        %dma_start3A_273 = tpu.memref_slice %arg12[%mul3A_260, %dma_start3A_272] : memref<10000x128xf32, #tpu.memory_space<vmem_shared>> -> memref<80x128xf32, #tpu.memory_space<vmem_shared>>
        tpu.enqueue_dma source(%dma_start3A_273 : memref<80x128xf32, #tpu.memory_space<vmem_shared>>) target(%arg10 : memref<80x128xf32, #tpu.memory_space<vmem>>) target_semaphore(%run_scoped3A : memref<!tpu.dma_semaphore, #tpu.memory_space<semaphore_mem>>)
        %dma_wait3A_274 = arith.constant 0 : i32
        %dma_wait3A_275 = tpu.memref_slice %arg12[%mul3A_260, %dma_wait3A_274] : memref<10000x128xf32, #tpu.memory_space<vmem_shared>> -> memref<80x128xf32, #tpu.memory_space<vmem_shared>>
        %dma_wait3A_276 = arith.constant 0 : i32
        %dma_wait3A_277 = tpu.memref_slice %arg12[%mul3A_260, %dma_wait3A_276] : memref<10000x128xf32, #tpu.memory_space<vmem_shared>> -> memref<80x128xf32, #tpu.memory_space<vmem_shared>>
        tpu.wait_dma2 semaphore(%run_scoped3A : memref<!tpu.dma_semaphore, #tpu.memory_space<semaphore_mem>>) src(%dma_wait3A_277 : memref<80x128xf32, #tpu.memory_space<vmem_shared>>) dst(%arg10 : memref<80x128xf32, #tpu.memory_space<vmem>>)
        tpu.yield
      }) : () -> ()
      %mul3A_261 = arith.constant 10000 : i32
      %mul3A_262 = arith.muli %arg0, %mul3A_261 : i32
      %mul3A_263 = arith.constant 80 : i32
      %mul3A_264 = arith.muli %add3A_211, %mul3A_263 : i32
      %add3A_265 = arith.addi %mul3A_262, %mul3A_264 : i32
      %dma_start3A_266 = arith.constant 0 : i32
      %dma_start3A_267 = tpu.memref_slice %arg6[%add3A_265, %dma_start3A_266] : memref<20000x128xf32, #tpu.memory_space<hbm>> -> memref<80x128xf32, #tpu.memory_space<hbm>>
      %dma_start3A_268 = arith.constant 0 : i32
      %dma_start3A_269 = tpu.memref_slice %arg6[%add3A_265, %dma_start3A_268] : memref<20000x128xf32, #tpu.memory_space<hbm>> -> memref<80x128xf32, #tpu.memory_space<hbm>>
      tpu.enqueue_dma source(%arg10 : memref<80x128xf32, #tpu.memory_space<vmem>>) target(%dma_start3A_269 : memref<80x128xf32, #tpu.memory_space<hbm>>) target_semaphore(%arg17 : memref<!tpu.dma_semaphore, #tpu.memory_space<semaphore_mem>>)
    } else {
    }
    %add3A_217 = arith.constant 80 : i32
    %add3A_218 = arith.addi %arg1, %add3A_217 : i32
    %lt3A_219 = arith.constant 125 : i32
    %lt3A_220 = arith.cmpi slt, %add3A_218, %lt3A_219 : i32
    %convert_element_type3A_221 = arith.extui %lt3A_220 : i1 to i32
    %cond3A_222 = arith.constant 0 : i32
    %cond3A_223 = arith.cmpi ne, %convert_element_type3A_221, %cond3A_222 : i32
    scf.if %cond3A_223 {
      tpu.wait_dma2 semaphore(%arg18 : memref<!tpu.dma_semaphore, #tpu.memory_space<semaphore_mem>>) src(%arg5 : memref<80x128xf32, #tpu.memory_space<hbm>>) dst(%arg11 : memref<80x128xf32, #tpu.memory_space<vmem>>)
      %mul3A_259 = arith.constant 80 : i32
      %mul3A_260 = arith.muli %add3A_218, %mul3A_259 : i32
      "tpu.region"() ({
        %run_scoped3A = tpu.sem_alloc : memref<!tpu.dma_semaphore, #tpu.memory_space<semaphore_mem>>
        %dma_start3A_270 = arith.constant 0 : i32
        %dma_start3A_271 = tpu.memref_slice %arg12[%mul3A_260, %dma_start3A_270] : memref<10000x128xf32, #tpu.memory_space<vmem_shared>> -> memref<80x128xf32, #tpu.memory_space<vmem_shared>>
        %dma_start3A_272 = arith.constant 0 : i32
        %dma_start3A_273 = tpu.memref_slice %arg12[%mul3A_260, %dma_start3A_272] : memref<10000x128xf32, #tpu.memory_space<vmem_shared>> -> memref<80x128xf32, #tpu.memory_space<vmem_shared>>
        tpu.enqueue_dma source(%dma_start3A_273 : memref<80x128xf32, #tpu.memory_space<vmem_shared>>) target(%arg11 : memref<80x128xf32, #tpu.memory_space<vmem>>) target_semaphore(%run_scoped3A : memref<!tpu.dma_semaphore, #tpu.memory_space<semaphore_mem>>)
        %dma_wait3A_274 = arith.constant 0 : i32
        %dma_wait3A_275 = tpu.memref_slice %arg12[%mul3A_260, %dma_wait3A_274] : memref<10000x128xf32, #tpu.memory_space<vmem_shared>> -> memref<80x128xf32, #tpu.memory_space<vmem_shared>>
        %dma_wait3A_276 = arith.constant 0 : i32
        %dma_wait3A_277 = tpu.memref_slice %arg12[%mul3A_260, %dma_wait3A_276] : memref<10000x128xf32, #tpu.memory_space<vmem_shared>> -> memref<80x128xf32, #tpu.memory_space<vmem_shared>>
        tpu.wait_dma2 semaphore(%run_scoped3A : memref<!tpu.dma_semaphore, #tpu.memory_space<semaphore_mem>>) src(%dma_wait3A_277 : memref<80x128xf32, #tpu.memory_space<vmem_shared>>) dst(%arg11 : memref<80x128xf32, #tpu.memory_space<vmem>>)
        tpu.yield
      }) : () -> ()
      %mul3A_261 = arith.constant 10000 : i32
      %mul3A_262 = arith.muli %arg0, %mul3A_261 : i32
      %mul3A_263 = arith.constant 80 : i32
      %mul3A_264 = arith.muli %add3A_218, %mul3A_263 : i32
      %add3A_265 = arith.addi %mul3A_262, %mul3A_264 : i32
      %dma_start3A_266 = arith.constant 0 : i32
      %dma_start3A_267 = tpu.memref_slice %arg6[%add3A_265, %dma_start3A_266] : memref<20000x128xf32, #tpu.memory_space<hbm>> -> memref<80x128xf32, #tpu.memory_space<hbm>>
      %dma_start3A_268 = arith.constant 0 : i32
      %dma_start3A_269 = tpu.memref_slice %arg6[%add3A_265, %dma_start3A_268] : memref<20000x128xf32, #tpu.memory_space<hbm>> -> memref<80x128xf32, #tpu.memory_space<hbm>>
      tpu.enqueue_dma source(%arg11 : memref<80x128xf32, #tpu.memory_space<vmem>>) target(%dma_start3A_269 : memref<80x128xf32, #tpu.memory_space<hbm>>) target_semaphore(%arg18 : memref<!tpu.dma_semaphore, #tpu.memory_space<semaphore_mem>>)
    } else {
    }
    %add3A_224 = arith.constant 96 : i32
    %add3A_225 = arith.addi %arg1, %add3A_224 : i32
    %lt3A_226 = arith.constant 125 : i32
    %lt3A_227 = arith.cmpi slt, %add3A_225, %lt3A_226 : i32
    %convert_element_type3A_228 = arith.extui %lt3A_227 : i1 to i32
    %cond3A_229 = arith.constant 0 : i32
    %cond3A_230 = arith.cmpi ne, %convert_element_type3A_228, %cond3A_229 : i32
    scf.if %cond3A_230 {
      tpu.wait_dma2 semaphore(%arg16 : memref<!tpu.dma_semaphore, #tpu.memory_space<semaphore_mem>>) src(%arg5 : memref<80x128xf32, #tpu.memory_space<hbm>>) dst(%arg9 : memref<80x128xf32, #tpu.memory_space<vmem>>)
      %mul3A_259 = arith.constant 80 : i32
      %mul3A_260 = arith.muli %add3A_225, %mul3A_259 : i32
      "tpu.region"() ({
        %run_scoped3A = tpu.sem_alloc : memref<!tpu.dma_semaphore, #tpu.memory_space<semaphore_mem>>
        %dma_start3A_270 = arith.constant 0 : i32
        %dma_start3A_271 = tpu.memref_slice %arg12[%mul3A_260, %dma_start3A_270] : memref<10000x128xf32, #tpu.memory_space<vmem_shared>> -> memref<80x128xf32, #tpu.memory_space<vmem_shared>>
        %dma_start3A_272 = arith.constant 0 : i32
        %dma_start3A_273 = tpu.memref_slice %arg12[%mul3A_260, %dma_start3A_272] : memref<10000x128xf32, #tpu.memory_space<vmem_shared>> -> memref<80x128xf32, #tpu.memory_space<vmem_shared>>
        tpu.enqueue_dma source(%dma_start3A_273 : memref<80x128xf32, #tpu.memory_space<vmem_shared>>) target(%arg9 : memref<80x128xf32, #tpu.memory_space<vmem>>) target_semaphore(%run_scoped3A : memref<!tpu.dma_semaphore, #tpu.memory_space<semaphore_mem>>)
        %dma_wait3A_274 = arith.constant 0 : i32
        %dma_wait3A_275 = tpu.memref_slice %arg12[%mul3A_260, %dma_wait3A_274] : memref<10000x128xf32, #tpu.memory_space<vmem_shared>> -> memref<80x128xf32, #tpu.memory_space<vmem_shared>>
        %dma_wait3A_276 = arith.constant 0 : i32
        %dma_wait3A_277 = tpu.memref_slice %arg12[%mul3A_260, %dma_wait3A_276] : memref<10000x128xf32, #tpu.memory_space<vmem_shared>> -> memref<80x128xf32, #tpu.memory_space<vmem_shared>>
        tpu.wait_dma2 semaphore(%run_scoped3A : memref<!tpu.dma_semaphore, #tpu.memory_space<semaphore_mem>>) src(%dma_wait3A_277 : memref<80x128xf32, #tpu.memory_space<vmem_shared>>) dst(%arg9 : memref<80x128xf32, #tpu.memory_space<vmem>>)
        tpu.yield
      }) : () -> ()
      %mul3A_261 = arith.constant 10000 : i32
      %mul3A_262 = arith.muli %arg0, %mul3A_261 : i32
      %mul3A_263 = arith.constant 80 : i32
      %mul3A_264 = arith.muli %add3A_225, %mul3A_263 : i32
      %add3A_265 = arith.addi %mul3A_262, %mul3A_264 : i32
      %dma_start3A_266 = arith.constant 0 : i32
      %dma_start3A_267 = tpu.memref_slice %arg6[%add3A_265, %dma_start3A_266] : memref<20000x128xf32, #tpu.memory_space<hbm>> -> memref<80x128xf32, #tpu.memory_space<hbm>>
      %dma_start3A_268 = arith.constant 0 : i32
      %dma_start3A_269 = tpu.memref_slice %arg6[%add3A_265, %dma_start3A_268] : memref<20000x128xf32, #tpu.memory_space<hbm>> -> memref<80x128xf32, #tpu.memory_space<hbm>>
      tpu.enqueue_dma source(%arg9 : memref<80x128xf32, #tpu.memory_space<vmem>>) target(%dma_start3A_269 : memref<80x128xf32, #tpu.memory_space<hbm>>) target_semaphore(%arg16 : memref<!tpu.dma_semaphore, #tpu.memory_space<semaphore_mem>>)
    } else {
    }
    %add3A_231 = arith.constant 112 : i32
    %add3A_232 = arith.addi %arg1, %add3A_231 : i32
    %lt3A_233 = arith.constant 125 : i32
    %lt3A_234 = arith.cmpi slt, %add3A_232, %lt3A_233 : i32
    %convert_element_type3A_235 = arith.extui %lt3A_234 : i1 to i32
    %cond3A_236 = arith.constant 0 : i32
    %cond3A_237 = arith.cmpi ne, %convert_element_type3A_235, %cond3A_236 : i32
    scf.if %cond3A_237 {
      tpu.wait_dma2 semaphore(%arg17 : memref<!tpu.dma_semaphore, #tpu.memory_space<semaphore_mem>>) src(%arg5 : memref<80x128xf32, #tpu.memory_space<hbm>>) dst(%arg10 : memref<80x128xf32, #tpu.memory_space<vmem>>)
      %mul3A_259 = arith.constant 80 : i32
      %mul3A_260 = arith.muli %add3A_232, %mul3A_259 : i32
      "tpu.region"() ({
        %run_scoped3A = tpu.sem_alloc : memref<!tpu.dma_semaphore, #tpu.memory_space<semaphore_mem>>
        %dma_start3A_270 = arith.constant 0 : i32
        %dma_start3A_271 = tpu.memref_slice %arg12[%mul3A_260, %dma_start3A_270] : memref<10000x128xf32, #tpu.memory_space<vmem_shared>> -> memref<80x128xf32, #tpu.memory_space<vmem_shared>>
        %dma_start3A_272 = arith.constant 0 : i32
        %dma_start3A_273 = tpu.memref_slice %arg12[%mul3A_260, %dma_start3A_272] : memref<10000x128xf32, #tpu.memory_space<vmem_shared>> -> memref<80x128xf32, #tpu.memory_space<vmem_shared>>
        tpu.enqueue_dma source(%dma_start3A_273 : memref<80x128xf32, #tpu.memory_space<vmem_shared>>) target(%arg10 : memref<80x128xf32, #tpu.memory_space<vmem>>) target_semaphore(%run_scoped3A : memref<!tpu.dma_semaphore, #tpu.memory_space<semaphore_mem>>)
        %dma_wait3A_274 = arith.constant 0 : i32
        %dma_wait3A_275 = tpu.memref_slice %arg12[%mul3A_260, %dma_wait3A_274] : memref<10000x128xf32, #tpu.memory_space<vmem_shared>> -> memref<80x128xf32, #tpu.memory_space<vmem_shared>>
        %dma_wait3A_276 = arith.constant 0 : i32
        %dma_wait3A_277 = tpu.memref_slice %arg12[%mul3A_260, %dma_wait3A_276] : memref<10000x128xf32, #tpu.memory_space<vmem_shared>> -> memref<80x128xf32, #tpu.memory_space<vmem_shared>>
        tpu.wait_dma2 semaphore(%run_scoped3A : memref<!tpu.dma_semaphore, #tpu.memory_space<semaphore_mem>>) src(%dma_wait3A_277 : memref<80x128xf32, #tpu.memory_space<vmem_shared>>) dst(%arg10 : memref<80x128xf32, #tpu.memory_space<vmem>>)
        tpu.yield
      }) : () -> ()
      %mul3A_261 = arith.constant 10000 : i32
      %mul3A_262 = arith.muli %arg0, %mul3A_261 : i32
      %mul3A_263 = arith.constant 80 : i32
      %mul3A_264 = arith.muli %add3A_232, %mul3A_263 : i32
      %add3A_265 = arith.addi %mul3A_262, %mul3A_264 : i32
      %dma_start3A_266 = arith.constant 0 : i32
      %dma_start3A_267 = tpu.memref_slice %arg6[%add3A_265, %dma_start3A_266] : memref<20000x128xf32, #tpu.memory_space<hbm>> -> memref<80x128xf32, #tpu.memory_space<hbm>>
      %dma_start3A_268 = arith.constant 0 : i32
      %dma_start3A_269 = tpu.memref_slice %arg6[%add3A_265, %dma_start3A_268] : memref<20000x128xf32, #tpu.memory_space<hbm>> -> memref<80x128xf32, #tpu.memory_space<hbm>>
      tpu.enqueue_dma source(%arg10 : memref<80x128xf32, #tpu.memory_space<vmem>>) target(%dma_start3A_269 : memref<80x128xf32, #tpu.memory_space<hbm>>) target_semaphore(%arg17 : memref<!tpu.dma_semaphore, #tpu.memory_space<semaphore_mem>>)
    } else {
    }
    %add3A_238 = arith.constant 0 : i32
    %add3A_239 = arith.addi %arg1, %add3A_238 : i32
    %lt3A_240 = arith.constant 125 : i32
    %lt3A_241 = arith.cmpi slt, %add3A_239, %lt3A_240 : i32
    %convert_element_type3A_242 = arith.extui %lt3A_241 : i1 to i32
    %cond3A_243 = arith.constant 0 : i32
    %cond3A_244 = arith.cmpi ne, %convert_element_type3A_242, %cond3A_243 : i32
    scf.if %cond3A_244 {
      tpu.wait_dma2 semaphore(%arg16 : memref<!tpu.dma_semaphore, #tpu.memory_space<semaphore_mem>>) src(%arg5 : memref<80x128xf32, #tpu.memory_space<hbm>>) dst(%arg9 : memref<80x128xf32, #tpu.memory_space<vmem>>)
    } else {
    }
    %add3A_245 = arith.constant 16 : i32
    %add3A_246 = arith.addi %arg1, %add3A_245 : i32
    %lt3A_247 = arith.constant 125 : i32
    %lt3A_248 = arith.cmpi slt, %add3A_246, %lt3A_247 : i32
    %convert_element_type3A_249 = arith.extui %lt3A_248 : i1 to i32
    %cond3A_250 = arith.constant 0 : i32
    %cond3A_251 = arith.cmpi ne, %convert_element_type3A_249, %cond3A_250 : i32
    scf.if %cond3A_251 {
      tpu.wait_dma2 semaphore(%arg17 : memref<!tpu.dma_semaphore, #tpu.memory_space<semaphore_mem>>) src(%arg5 : memref<80x128xf32, #tpu.memory_space<hbm>>) dst(%arg10 : memref<80x128xf32, #tpu.memory_space<vmem>>)
    } else {
    }
    %add3A_252 = arith.constant 32 : i32
    %add3A_253 = arith.addi %arg1, %add3A_252 : i32
    %lt3A_254 = arith.constant 125 : i32
    %lt3A_255 = arith.cmpi slt, %add3A_253, %lt3A_254 : i32
    %convert_element_type3A_256 = arith.extui %lt3A_255 : i1 to i32
    %cond3A_257 = arith.constant 0 : i32
    %cond3A_258 = arith.cmpi ne, %convert_element_type3A_256, %cond3A_257 : i32
    scf.if %cond3A_258 {
      tpu.wait_dma2 semaphore(%arg18 : memref<!tpu.dma_semaphore, #tpu.memory_space<semaphore_mem>>) src(%arg5 : memref<80x128xf32, #tpu.memory_space<hbm>>) dst(%arg11 : memref<80x128xf32, #tpu.memory_space<vmem>>)
    } else {
    }
    return
  }
}

#map = affine_map<(d0, d1) -> (0, 0, 0)>
#map1 = affine_map<(d0, d1) -> (0)>
module attributes {stable_mosaic.version = 14 : i64} {
  func.func @_sc_degree(%arg0: i32, %arg1: i32, %arg2: memref<32x125x80xi32, #tpu.memory_space<hbm>>, %arg3: memref<80xf32, #tpu.memory_space<hbm>>, %arg4: memref<1000xf32, #tpu.memory_space<hbm>>, %arg5: memref<20000xf32, #tpu.memory_space<hbm>>, %arg6: memref<125x80xi32, #tpu.memory_space<vmem>>, %arg7: memref<80xf32, #tpu.memory_space<vmem>>, %arg8: memref<1000xf32, #tpu.memory_space<vmem>>, %arg9: memref<10000xf32, #tpu.memory_space<vmem_shared>>) attributes {dimension_semantics = [#tpu.dimension_semantics<core_parallel>, #tpu.dimension_semantics<subcore_parallel>], iteration_bounds = array<i64: 2, 16>, scalar_prefetch = 0 : i64, scratch_operands = 4 : i64, tpu.core_type = #tpu.core_type<sc_vector_subcore>, window_params = [{transform_indices = #map}, {transform_indices = #map1}, {transform_indices = #map1}, {transform_indices = #map1}]} {
    %mul3A = arith.constant 16 : i32
    %mul3A_0 = arith.muli %arg0, %mul3A : i32
    %add3A = arith.addi %mul3A_0, %arg1 : i32
    "tpu.region"() ({
      %run_scoped3A = tpu.sem_alloc : memref<!tpu.dma_semaphore, #tpu.memory_space<semaphore_mem>>
      tpu.enqueue_dma source(%arg3 : memref<80xf32, #tpu.memory_space<hbm>>) target(%arg7 : memref<80xf32, #tpu.memory_space<vmem>>) target_semaphore(%run_scoped3A : memref<!tpu.dma_semaphore, #tpu.memory_space<semaphore_mem>>)
      tpu.wait_dma2 semaphore(%run_scoped3A : memref<!tpu.dma_semaphore, #tpu.memory_space<semaphore_mem>>) src(%arg3 : memref<80xf32, #tpu.memory_space<hbm>>) dst(%arg7 : memref<80xf32, #tpu.memory_space<vmem>>)
      tpu.yield
    }) : () -> ()
    "tpu.region"() ({
      %run_scoped3A = tpu.sem_alloc : memref<!tpu.dma_semaphore, #tpu.memory_space<semaphore_mem>>
      %dma_start3A = arith.constant 0 : i32
      %dma_start3A_14 = arith.constant 0 : i32
      %dma_start3A_15 = tpu.memref_slice %arg2[%add3A, %dma_start3A, %dma_start3A_14] : memref<32x125x80xi32, #tpu.memory_space<hbm>> -> memref<1x125x80xi32, #tpu.memory_space<hbm>>
      %dma_start3A_16 = tpu.memref_squeeze %dma_start3A_15 : memref<1x125x80xi32, #tpu.memory_space<hbm>> -> memref<125x80xi32, #tpu.memory_space<hbm>>
      %dma_start3A_17 = arith.constant 0 : i32
      %dma_start3A_18 = arith.constant 0 : i32
      %dma_start3A_19 = tpu.memref_slice %arg2[%add3A, %dma_start3A_17, %dma_start3A_18] : memref<32x125x80xi32, #tpu.memory_space<hbm>> -> memref<1x125x80xi32, #tpu.memory_space<hbm>>
      %dma_start3A_20 = tpu.memref_squeeze %dma_start3A_19 : memref<1x125x80xi32, #tpu.memory_space<hbm>> -> memref<125x80xi32, #tpu.memory_space<hbm>>
      tpu.enqueue_dma source(%dma_start3A_20 : memref<125x80xi32, #tpu.memory_space<hbm>>) target(%arg6 : memref<125x80xi32, #tpu.memory_space<vmem>>) target_semaphore(%run_scoped3A : memref<!tpu.dma_semaphore, #tpu.memory_space<semaphore_mem>>)
      %dma_wait3A = arith.constant 0 : i32
      %dma_wait3A_21 = arith.constant 0 : i32
      %dma_wait3A_22 = tpu.memref_slice %arg2[%add3A, %dma_wait3A, %dma_wait3A_21] : memref<32x125x80xi32, #tpu.memory_space<hbm>> -> memref<1x125x80xi32, #tpu.memory_space<hbm>>
      %dma_wait3A_23 = tpu.memref_squeeze %dma_wait3A_22 : memref<1x125x80xi32, #tpu.memory_space<hbm>> -> memref<125x80xi32, #tpu.memory_space<hbm>>
      %dma_wait3A_24 = arith.constant 0 : i32
      %dma_wait3A_25 = arith.constant 0 : i32
      %dma_wait3A_26 = tpu.memref_slice %arg2[%add3A, %dma_wait3A_24, %dma_wait3A_25] : memref<32x125x80xi32, #tpu.memory_space<hbm>> -> memref<1x125x80xi32, #tpu.memory_space<hbm>>
      %dma_wait3A_27 = tpu.memref_squeeze %dma_wait3A_26 : memref<1x125x80xi32, #tpu.memory_space<hbm>> -> memref<125x80xi32, #tpu.memory_space<hbm>>
      tpu.wait_dma2 semaphore(%run_scoped3A : memref<!tpu.dma_semaphore, #tpu.memory_space<semaphore_mem>>) src(%dma_wait3A_27 : memref<125x80xi32, #tpu.memory_space<hbm>>) dst(%arg6 : memref<125x80xi32, #tpu.memory_space<vmem>>)
      tpu.yield
    }) : () -> ()
    %lt3A = arith.constant 10 : i32
    %lt3A_1 = arith.cmpi slt, %arg1, %lt3A : i32
    %convert_element_type3A = arith.extui %lt3A_1 : i1 to i32
    %cond3A = arith.constant 0 : i32
    %cond3A_2 = arith.cmpi ne, %convert_element_type3A, %cond3A : i32
    scf.if %cond3A_2 {
      "tpu.region"() ({
        %run_scoped3A = tpu.sem_alloc : memref<!tpu.dma_semaphore, #tpu.memory_space<semaphore_mem>>
        tpu.enqueue_dma source(%arg4 : memref<1000xf32, #tpu.memory_space<hbm>>) target(%arg8 : memref<1000xf32, #tpu.memory_space<vmem>>) target_semaphore(%run_scoped3A : memref<!tpu.dma_semaphore, #tpu.memory_space<semaphore_mem>>)
        tpu.wait_dma2 semaphore(%run_scoped3A : memref<!tpu.dma_semaphore, #tpu.memory_space<semaphore_mem>>) src(%arg4 : memref<1000xf32, #tpu.memory_space<hbm>>) dst(%arg8 : memref<1000xf32, #tpu.memory_space<vmem>>)
        tpu.yield
      }) : () -> ()
      %mul3A_14 = arith.constant 1000 : i32
      %mul3A_15 = arith.muli %arg1, %mul3A_14 : i32
      "tpu.region"() ({
        %run_scoped3A = tpu.sem_alloc : memref<!tpu.dma_semaphore, #tpu.memory_space<semaphore_mem>>
        %dma_start3A = tpu.memref_slice %arg9[%mul3A_15] : memref<10000xf32, #tpu.memory_space<vmem_shared>> -> memref<1000xf32, #tpu.memory_space<vmem_shared>>
        %dma_start3A_16 = tpu.memref_slice %arg9[%mul3A_15] : memref<10000xf32, #tpu.memory_space<vmem_shared>> -> memref<1000xf32, #tpu.memory_space<vmem_shared>>
        tpu.enqueue_dma source(%arg8 : memref<1000xf32, #tpu.memory_space<vmem>>) target(%dma_start3A_16 : memref<1000xf32, #tpu.memory_space<vmem_shared>>) target_semaphore(%run_scoped3A : memref<!tpu.dma_semaphore, #tpu.memory_space<semaphore_mem>>)
        %dma_wait3A = tpu.memref_slice %arg9[%mul3A_15] : memref<10000xf32, #tpu.memory_space<vmem_shared>> -> memref<1000xf32, #tpu.memory_space<vmem_shared>>
        %dma_wait3A_17 = tpu.memref_slice %arg9[%mul3A_15] : memref<10000xf32, #tpu.memory_space<vmem_shared>> -> memref<1000xf32, #tpu.memory_space<vmem_shared>>
        tpu.wait_dma2 semaphore(%run_scoped3A : memref<!tpu.dma_semaphore, #tpu.memory_space<semaphore_mem>>) src(%arg8 : memref<1000xf32, #tpu.memory_space<vmem>>) dst(%dma_wait3A_17 : memref<1000xf32, #tpu.memory_space<vmem_shared>>)
        tpu.yield
      }) : () -> ()
    } else {
    }
    %barrier3A = arith.constant 0 : index
    tpu.barrier barrier_id(%barrier3A)
    %scan3A = arith.constant 0 : i32
    %scan3A_3 = arith.constant 0 : i32
    %scan3A_4 = arith.constant 125 : i32
    %scan3A_5 = arith.addi %scan3A_3, %scan3A_4 : i32
    %scan3A_6 = arith.constant 1 : i32
    scf.for %scan3A_14 = %scan3A_3 to %scan3A_5 step %scan3A_6  : i32 {
      "tpu.region"() ({
        %run_scoped3A = tpu.sem_alloc : memref<!tpu.dma_semaphore, #tpu.memory_space<semaphore_mem>>
        %dma_start3A = arith.constant 0 : i32
        %dma_start3A_15 = tpu.memref_slice %arg6[%scan3A_14, %dma_start3A] : memref<125x80xi32, #tpu.memory_space<vmem>> -> memref<1x80xi32, #tpu.memory_space<vmem>>
        %dma_start3A_16 = tpu.memref_squeeze %dma_start3A_15 : memref<1x80xi32, #tpu.memory_space<vmem>> -> memref<80xi32, #tpu.memory_space<vmem>>
        %dma_start3A_17 = arith.constant 0 : i32
        %dma_start3A_18 = tpu.memref_slice %arg9[%dma_start3A_17] : memref<10000xf32, #tpu.memory_space<vmem_shared>> -> memref<10000xf32, #tpu.memory_space<vmem_shared>>
        tpu.enqueue_indirect_dma source(%arg7 : memref<80xf32, #tpu.memory_space<vmem>>) target(%dma_start3A_18 : memref<10000xf32, #tpu.memory_space<vmem_shared>>) offsets(%dma_start3A_16 : memref<80xi32, #tpu.memory_space<vmem>>) semaphore(%run_scoped3A : memref<!tpu.dma_semaphore, #tpu.memory_space<semaphore_mem>>) {add = true}
        %dma_wait3A = arith.constant 0 : i32
        %dma_wait3A_19 = tpu.memref_slice %arg6[%scan3A_14, %dma_wait3A] : memref<125x80xi32, #tpu.memory_space<vmem>> -> memref<1x80xi32, #tpu.memory_space<vmem>>
        %dma_wait3A_20 = tpu.memref_squeeze %dma_wait3A_19 : memref<1x80xi32, #tpu.memory_space<vmem>> -> memref<80xi32, #tpu.memory_space<vmem>>
        %dma_wait3A_21 = arith.constant 0 : i32
        %dma_wait3A_22 = tpu.memref_slice %arg9[%dma_wait3A_21] : memref<10000xf32, #tpu.memory_space<vmem_shared>> -> memref<10000xf32, #tpu.memory_space<vmem_shared>>
        tpu.wait_indirect_dma semaphore(%run_scoped3A : memref<!tpu.dma_semaphore, #tpu.memory_space<semaphore_mem>>) src(%arg7 : memref<80xf32, #tpu.memory_space<vmem>>) dst(%dma_wait3A_22 : memref<10000xf32, #tpu.memory_space<vmem_shared>>)
        tpu.yield
      }) : () -> ()
    }
    %scan3A_7 = arith.constant 125 : i32
    %barrier3A_8 = arith.constant 0 : index
    tpu.barrier barrier_id(%barrier3A_8)
    %lt3A_9 = arith.constant 10 : i32
    %lt3A_10 = arith.cmpi slt, %arg1, %lt3A_9 : i32
    %convert_element_type3A_11 = arith.extui %lt3A_10 : i1 to i32
    %cond3A_12 = arith.constant 0 : i32
    %cond3A_13 = arith.cmpi ne, %convert_element_type3A_11, %cond3A_12 : i32
    scf.if %cond3A_13 {
      %mul3A_14 = arith.constant 1000 : i32
      %mul3A_15 = arith.muli %arg1, %mul3A_14 : i32
      "tpu.region"() ({
        %run_scoped3A = tpu.sem_alloc : memref<!tpu.dma_semaphore, #tpu.memory_space<semaphore_mem>>
        %dma_start3A = tpu.memref_slice %arg9[%mul3A_15] : memref<10000xf32, #tpu.memory_space<vmem_shared>> -> memref<1000xf32, #tpu.memory_space<vmem_shared>>
        %dma_start3A_21 = tpu.memref_slice %arg9[%mul3A_15] : memref<10000xf32, #tpu.memory_space<vmem_shared>> -> memref<1000xf32, #tpu.memory_space<vmem_shared>>
        tpu.enqueue_dma source(%dma_start3A_21 : memref<1000xf32, #tpu.memory_space<vmem_shared>>) target(%arg8 : memref<1000xf32, #tpu.memory_space<vmem>>) target_semaphore(%run_scoped3A : memref<!tpu.dma_semaphore, #tpu.memory_space<semaphore_mem>>)
        %dma_wait3A = tpu.memref_slice %arg9[%mul3A_15] : memref<10000xf32, #tpu.memory_space<vmem_shared>> -> memref<1000xf32, #tpu.memory_space<vmem_shared>>
        %dma_wait3A_22 = tpu.memref_slice %arg9[%mul3A_15] : memref<10000xf32, #tpu.memory_space<vmem_shared>> -> memref<1000xf32, #tpu.memory_space<vmem_shared>>
        tpu.wait_dma2 semaphore(%run_scoped3A : memref<!tpu.dma_semaphore, #tpu.memory_space<semaphore_mem>>) src(%dma_wait3A_22 : memref<1000xf32, #tpu.memory_space<vmem_shared>>) dst(%arg8 : memref<1000xf32, #tpu.memory_space<vmem>>)
        tpu.yield
      }) : () -> ()
      %mul3A_16 = arith.constant 10000 : i32
      %mul3A_17 = arith.muli %arg0, %mul3A_16 : i32
      %mul3A_18 = arith.constant 1000 : i32
      %mul3A_19 = arith.muli %arg1, %mul3A_18 : i32
      %add3A_20 = arith.addi %mul3A_17, %mul3A_19 : i32
      "tpu.region"() ({
        %run_scoped3A = tpu.sem_alloc : memref<!tpu.dma_semaphore, #tpu.memory_space<semaphore_mem>>
        %dma_start3A = tpu.memref_slice %arg5[%add3A_20] : memref<20000xf32, #tpu.memory_space<hbm>> -> memref<1000xf32, #tpu.memory_space<hbm>>
        %dma_start3A_21 = tpu.memref_slice %arg5[%add3A_20] : memref<20000xf32, #tpu.memory_space<hbm>> -> memref<1000xf32, #tpu.memory_space<hbm>>
        tpu.enqueue_dma source(%arg8 : memref<1000xf32, #tpu.memory_space<vmem>>) target(%dma_start3A_21 : memref<1000xf32, #tpu.memory_space<hbm>>) target_semaphore(%run_scoped3A : memref<!tpu.dma_semaphore, #tpu.memory_space<semaphore_mem>>)
        %dma_wait3A = tpu.memref_slice %arg5[%add3A_20] : memref<20000xf32, #tpu.memory_space<hbm>> -> memref<1000xf32, #tpu.memory_space<hbm>>
        %dma_wait3A_22 = tpu.memref_slice %arg5[%add3A_20] : memref<20000xf32, #tpu.memory_space<hbm>> -> memref<1000xf32, #tpu.memory_space<hbm>>
        tpu.wait_dma2 semaphore(%run_scoped3A : memref<!tpu.dma_semaphore, #tpu.memory_space<semaphore_mem>>) src(%arg8 : memref<1000xf32, #tpu.memory_space<vmem>>) dst(%dma_wait3A_22 : memref<1000xf32, #tpu.memory_space<hbm>>)
        tpu.yield
      }) : () -> ()
    } else {
    }
    return
  }
}

#map = affine_map<(d0, d1) -> (0, 0)>
#map1 = affine_map<(d0, d1) -> (0)>
#map2 = affine_map<(d0, d1) -> (0, 0, 0)>
module attributes {stable_mosaic.version = 14 : i64} {
  func.func @_sc_aggregate(%arg0: i32, %arg1: i32, %arg2: memref<10000x128xf32, #tpu.memory_space<hbm>>, %arg3: memref<320000xi32, #tpu.memory_space<hbm>>, %arg4: memref<32x125x80xi32, #tpu.memory_space<hbm>>, %arg5: memref<80x128xf32, #tpu.memory_space<hbm>>, %arg6: memref<20000x128xf32, #tpu.memory_space<hbm>>, %arg7: memref<5120xi32, #tpu.memory_space<vmem>>, %arg8: memref<64x80xi32, #tpu.memory_space<vmem>>, %arg9: memref<80x128xf32, #tpu.memory_space<vmem>>, %arg10: memref<80x128xf32, #tpu.memory_space<vmem>>, %arg11: memref<80x128xf32, #tpu.memory_space<vmem>>, %arg12: memref<10000x128xf32, #tpu.memory_space<vmem_shared>>, %arg13: memref<!tpu.dma_semaphore, #tpu.memory_space<semaphore_mem>>, %arg14: memref<!tpu.dma_semaphore, #tpu.memory_space<semaphore_mem>>, %arg15: memref<!tpu.dma_semaphore, #tpu.memory_space<semaphore_mem>>, %arg16: memref<!tpu.dma_semaphore, #tpu.memory_space<semaphore_mem>>, %arg17: memref<!tpu.dma_semaphore, #tpu.memory_space<semaphore_mem>>, %arg18: memref<!tpu.dma_semaphore, #tpu.memory_space<semaphore_mem>>) attributes {dimension_semantics = [#tpu.dimension_semantics<core_parallel>, #tpu.dimension_semantics<subcore_parallel>], iteration_bounds = array<i64: 2, 16>, scalar_prefetch = 0 : i64, scratch_operands = 12 : i64, tpu.core_type = #tpu.core_type<sc_vector_subcore>, window_params = [{transform_indices = #map}, {transform_indices = #map1}, {transform_indices = #map2}, {transform_indices = #map}, {transform_indices = #map}]} {
    %mul3A = arith.constant 16 : i32
    %mul3A_0 = arith.muli %arg0, %mul3A : i32
    %add3A = arith.addi %mul3A_0, %arg1 : i32
    %mul3A_1 = arith.constant 10000 : i32
    %mul3A_2 = arith.muli %add3A, %mul3A_1 : i32
    "tpu.region"() ({
      %run_scoped3A = tpu.sem_alloc : memref<!tpu.dma_semaphore, #tpu.memory_space<semaphore_mem>>
      tpu.enqueue_dma source(%arg5 : memref<80x128xf32, #tpu.memory_space<hbm>>) target(%arg9 : memref<80x128xf32, #tpu.memory_space<vmem>>) target_semaphore(%run_scoped3A : memref<!tpu.dma_semaphore, #tpu.memory_space<semaphore_mem>>)
      tpu.wait_dma2 semaphore(%run_scoped3A : memref<!tpu.dma_semaphore, #tpu.memory_space<semaphore_mem>>) src(%arg5 : memref<80x128xf32, #tpu.memory_space<hbm>>) dst(%arg9 : memref<80x128xf32, #tpu.memory_space<vmem>>)
      tpu.yield
    }) : () -> ()
    %add3A_3 = arith.constant 0 : i32
    %add3A_4 = arith.addi %arg1, %add3A_3 : i32
    %lt3A = arith.constant 125 : i32
    %lt3A_5 = arith.cmpi slt, %add3A_4, %lt3A : i32
    %convert_element_type3A = arith.extui %lt3A_5 : i1 to i32
    %cond3A = arith.constant 0 : i32
    %cond3A_6 = arith.cmpi ne, %convert_element_type3A, %cond3A : i32
    scf.if %cond3A_6 {
      %mul3A_259 = arith.constant 80 : i32
      %mul3A_260 = arith.muli %add3A_4, %mul3A_259 : i32
      %dma_start3A_261 = arith.constant 0 : i32
      %dma_start3A_262 = tpu.memref_slice %arg12[%mul3A_260, %dma_start3A_261] : memref<10000x128xf32, #tpu.memory_space<vmem_shared>> -> memref<80x128xf32, #tpu.memory_space<vmem_shared>>
      %dma_start3A_263 = arith.constant 0 : i32
      %dma_start3A_264 = tpu.memref_slice %arg12[%mul3A_260, %dma_start3A_263] : memref<10000x128xf32, #tpu.memory_space<vmem_shared>> -> memref<80x128xf32, #tpu.memory_space<vmem_shared>>
      tpu.enqueue_dma source(%arg9 : memref<80x128xf32, #tpu.memory_space<vmem>>) target(%dma_start3A_264 : memref<80x128xf32, #tpu.memory_space<vmem_shared>>) target_semaphore(%arg13 : memref<!tpu.dma_semaphore, #tpu.memory_space<semaphore_mem>>)
    } else {
    }
    %add3A_7 = arith.constant 16 : i32
    %add3A_8 = arith.addi %arg1, %add3A_7 : i32
    %lt3A_9 = arith.constant 125 : i32
    %lt3A_10 = arith.cmpi slt, %add3A_8, %lt3A_9 : i32
    %convert_element_type3A_11 = arith.extui %lt3A_10 : i1 to i32
    %cond3A_12 = arith.constant 0 : i32
    %cond3A_13 = arith.cmpi ne, %convert_element_type3A_11, %cond3A_12 : i32
    scf.if %cond3A_13 {
      %mul3A_259 = arith.constant 80 : i32
      %mul3A_260 = arith.muli %add3A_8, %mul3A_259 : i32
      %dma_start3A_261 = arith.constant 0 : i32
      %dma_start3A_262 = tpu.memref_slice %arg12[%mul3A_260, %dma_start3A_261] : memref<10000x128xf32, #tpu.memory_space<vmem_shared>> -> memref<80x128xf32, #tpu.memory_space<vmem_shared>>
      %dma_start3A_263 = arith.constant 0 : i32
      %dma_start3A_264 = tpu.memref_slice %arg12[%mul3A_260, %dma_start3A_263] : memref<10000x128xf32, #tpu.memory_space<vmem_shared>> -> memref<80x128xf32, #tpu.memory_space<vmem_shared>>
      tpu.enqueue_dma source(%arg9 : memref<80x128xf32, #tpu.memory_space<vmem>>) target(%dma_start3A_264 : memref<80x128xf32, #tpu.memory_space<vmem_shared>>) target_semaphore(%arg13 : memref<!tpu.dma_semaphore, #tpu.memory_space<semaphore_mem>>)
    } else {
    }
    %add3A_14 = arith.constant 32 : i32
    %add3A_15 = arith.addi %arg1, %add3A_14 : i32
    %lt3A_16 = arith.constant 125 : i32
    %lt3A_17 = arith.cmpi slt, %add3A_15, %lt3A_16 : i32
    %convert_element_type3A_18 = arith.extui %lt3A_17 : i1 to i32
    %cond3A_19 = arith.constant 0 : i32
    %cond3A_20 = arith.cmpi ne, %convert_element_type3A_18, %cond3A_19 : i32
    scf.if %cond3A_20 {
      %mul3A_259 = arith.constant 80 : i32
      %mul3A_260 = arith.muli %add3A_15, %mul3A_259 : i32
      %dma_start3A_261 = arith.constant 0 : i32
      %dma_start3A_262 = tpu.memref_slice %arg12[%mul3A_260, %dma_start3A_261] : memref<10000x128xf32, #tpu.memory_space<vmem_shared>> -> memref<80x128xf32, #tpu.memory_space<vmem_shared>>
      %dma_start3A_263 = arith.constant 0 : i32
      %dma_start3A_264 = tpu.memref_slice %arg12[%mul3A_260, %dma_start3A_263] : memref<10000x128xf32, #tpu.memory_space<vmem_shared>> -> memref<80x128xf32, #tpu.memory_space<vmem_shared>>
      tpu.enqueue_dma source(%arg9 : memref<80x128xf32, #tpu.memory_space<vmem>>) target(%dma_start3A_264 : memref<80x128xf32, #tpu.memory_space<vmem_shared>>) target_semaphore(%arg13 : memref<!tpu.dma_semaphore, #tpu.memory_space<semaphore_mem>>)
    } else {
    }
    %add3A_21 = arith.constant 48 : i32
    %add3A_22 = arith.addi %arg1, %add3A_21 : i32
    %lt3A_23 = arith.constant 125 : i32
    %lt3A_24 = arith.cmpi slt, %add3A_22, %lt3A_23 : i32
    %convert_element_type3A_25 = arith.extui %lt3A_24 : i1 to i32
    %cond3A_26 = arith.constant 0 : i32
    %cond3A_27 = arith.cmpi ne, %convert_element_type3A_25, %cond3A_26 : i32
    scf.if %cond3A_27 {
      %mul3A_259 = arith.constant 80 : i32
      %mul3A_260 = arith.muli %add3A_22, %mul3A_259 : i32
      %dma_start3A_261 = arith.constant 0 : i32
      %dma_start3A_262 = tpu.memref_slice %arg12[%mul3A_260, %dma_start3A_261] : memref<10000x128xf32, #tpu.memory_space<vmem_shared>> -> memref<80x128xf32, #tpu.memory_space<vmem_shared>>
      %dma_start3A_263 = arith.constant 0 : i32
      %dma_start3A_264 = tpu.memref_slice %arg12[%mul3A_260, %dma_start3A_263] : memref<10000x128xf32, #tpu.memory_space<vmem_shared>> -> memref<80x128xf32, #tpu.memory_space<vmem_shared>>
      tpu.enqueue_dma source(%arg9 : memref<80x128xf32, #tpu.memory_space<vmem>>) target(%dma_start3A_264 : memref<80x128xf32, #tpu.memory_space<vmem_shared>>) target_semaphore(%arg13 : memref<!tpu.dma_semaphore, #tpu.memory_space<semaphore_mem>>)
    } else {
    }
    %add3A_28 = arith.constant 64 : i32
    %add3A_29 = arith.addi %arg1, %add3A_28 : i32
    %lt3A_30 = arith.constant 125 : i32
    %lt3A_31 = arith.cmpi slt, %add3A_29, %lt3A_30 : i32
    %convert_element_type3A_32 = arith.extui %lt3A_31 : i1 to i32
    %cond3A_33 = arith.constant 0 : i32
    %cond3A_34 = arith.cmpi ne, %convert_element_type3A_32, %cond3A_33 : i32
    scf.if %cond3A_34 {
      %mul3A_259 = arith.constant 80 : i32
      %mul3A_260 = arith.muli %add3A_29, %mul3A_259 : i32
      %dma_start3A_261 = arith.constant 0 : i32
      %dma_start3A_262 = tpu.memref_slice %arg12[%mul3A_260, %dma_start3A_261] : memref<10000x128xf32, #tpu.memory_space<vmem_shared>> -> memref<80x128xf32, #tpu.memory_space<vmem_shared>>
      %dma_start3A_263 = arith.constant 0 : i32
      %dma_start3A_264 = tpu.memref_slice %arg12[%mul3A_260, %dma_start3A_263] : memref<10000x128xf32, #tpu.memory_space<vmem_shared>> -> memref<80x128xf32, #tpu.memory_space<vmem_shared>>
      tpu.enqueue_dma source(%arg9 : memref<80x128xf32, #tpu.memory_space<vmem>>) target(%dma_start3A_264 : memref<80x128xf32, #tpu.memory_space<vmem_shared>>) target_semaphore(%arg13 : memref<!tpu.dma_semaphore, #tpu.memory_space<semaphore_mem>>)
    } else {
    }
    %add3A_35 = arith.constant 80 : i32
    %add3A_36 = arith.addi %arg1, %add3A_35 : i32
    %lt3A_37 = arith.constant 125 : i32
    %lt3A_38 = arith.cmpi slt, %add3A_36, %lt3A_37 : i32
    %convert_element_type3A_39 = arith.extui %lt3A_38 : i1 to i32
    %cond3A_40 = arith.constant 0 : i32
    %cond3A_41 = arith.cmpi ne, %convert_element_type3A_39, %cond3A_40 : i32
    scf.if %cond3A_41 {
      %mul3A_259 = arith.constant 80 : i32
      %mul3A_260 = arith.muli %add3A_36, %mul3A_259 : i32
      %dma_start3A_261 = arith.constant 0 : i32
      %dma_start3A_262 = tpu.memref_slice %arg12[%mul3A_260, %dma_start3A_261] : memref<10000x128xf32, #tpu.memory_space<vmem_shared>> -> memref<80x128xf32, #tpu.memory_space<vmem_shared>>
      %dma_start3A_263 = arith.constant 0 : i32
      %dma_start3A_264 = tpu.memref_slice %arg12[%mul3A_260, %dma_start3A_263] : memref<10000x128xf32, #tpu.memory_space<vmem_shared>> -> memref<80x128xf32, #tpu.memory_space<vmem_shared>>
      tpu.enqueue_dma source(%arg9 : memref<80x128xf32, #tpu.memory_space<vmem>>) target(%dma_start3A_264 : memref<80x128xf32, #tpu.memory_space<vmem_shared>>) target_semaphore(%arg13 : memref<!tpu.dma_semaphore, #tpu.memory_space<semaphore_mem>>)
    } else {
    }
    %add3A_42 = arith.constant 96 : i32
    %add3A_43 = arith.addi %arg1, %add3A_42 : i32
    %lt3A_44 = arith.constant 125 : i32
    %lt3A_45 = arith.cmpi slt, %add3A_43, %lt3A_44 : i32
    %convert_element_type3A_46 = arith.extui %lt3A_45 : i1 to i32
    %cond3A_47 = arith.constant 0 : i32
    %cond3A_48 = arith.cmpi ne, %convert_element_type3A_46, %cond3A_47 : i32
    scf.if %cond3A_48 {
      %mul3A_259 = arith.constant 80 : i32
      %mul3A_260 = arith.muli %add3A_43, %mul3A_259 : i32
      %dma_start3A_261 = arith.constant 0 : i32
      %dma_start3A_262 = tpu.memref_slice %arg12[%mul3A_260, %dma_start3A_261] : memref<10000x128xf32, #tpu.memory_space<vmem_shared>> -> memref<80x128xf32, #tpu.memory_space<vmem_shared>>
      %dma_start3A_263 = arith.constant 0 : i32
      %dma_start3A_264 = tpu.memref_slice %arg12[%mul3A_260, %dma_start3A_263] : memref<10000x128xf32, #tpu.memory_space<vmem_shared>> -> memref<80x128xf32, #tpu.memory_space<vmem_shared>>
      tpu.enqueue_dma source(%arg9 : memref<80x128xf32, #tpu.memory_space<vmem>>) target(%dma_start3A_264 : memref<80x128xf32, #tpu.memory_space<vmem_shared>>) target_semaphore(%arg13 : memref<!tpu.dma_semaphore, #tpu.memory_space<semaphore_mem>>)
    } else {
    }
    %add3A_49 = arith.constant 112 : i32
    %add3A_50 = arith.addi %arg1, %add3A_49 : i32
    %lt3A_51 = arith.constant 125 : i32
    %lt3A_52 = arith.cmpi slt, %add3A_50, %lt3A_51 : i32
    %convert_element_type3A_53 = arith.extui %lt3A_52 : i1 to i32
    %cond3A_54 = arith.constant 0 : i32
    %cond3A_55 = arith.cmpi ne, %convert_element_type3A_53, %cond3A_54 : i32
    scf.if %cond3A_55 {
      %mul3A_259 = arith.constant 80 : i32
      %mul3A_260 = arith.muli %add3A_50, %mul3A_259 : i32
      %dma_start3A_261 = arith.constant 0 : i32
      %dma_start3A_262 = tpu.memref_slice %arg12[%mul3A_260, %dma_start3A_261] : memref<10000x128xf32, #tpu.memory_space<vmem_shared>> -> memref<80x128xf32, #tpu.memory_space<vmem_shared>>
      %dma_start3A_263 = arith.constant 0 : i32
      %dma_start3A_264 = tpu.memref_slice %arg12[%mul3A_260, %dma_start3A_263] : memref<10000x128xf32, #tpu.memory_space<vmem_shared>> -> memref<80x128xf32, #tpu.memory_space<vmem_shared>>
      tpu.enqueue_dma source(%arg9 : memref<80x128xf32, #tpu.memory_space<vmem>>) target(%dma_start3A_264 : memref<80x128xf32, #tpu.memory_space<vmem_shared>>) target_semaphore(%arg13 : memref<!tpu.dma_semaphore, #tpu.memory_space<semaphore_mem>>)
    } else {
    }
    %add3A_56 = arith.constant 0 : i32
    %add3A_57 = arith.addi %arg1, %add3A_56 : i32
    %lt3A_58 = arith.constant 125 : i32
    %lt3A_59 = arith.cmpi slt, %add3A_57, %lt3A_58 : i32
    %convert_element_type3A_60 = arith.extui %lt3A_59 : i1 to i32
    %cond3A_61 = arith.constant 0 : i32
    %cond3A_62 = arith.cmpi ne, %convert_element_type3A_60, %cond3A_61 : i32
    scf.if %cond3A_62 {
      tpu.wait_dma2 semaphore(%arg13 : memref<!tpu.dma_semaphore, #tpu.memory_space<semaphore_mem>>) src(%arg5 : memref<80x128xf32, #tpu.memory_space<hbm>>) dst(%arg10 : memref<80x128xf32, #tpu.memory_space<vmem>>)
    } else {
    }
    %add3A_63 = arith.constant 16 : i32
    %add3A_64 = arith.addi %arg1, %add3A_63 : i32
    %lt3A_65 = arith.constant 125 : i32
    %lt3A_66 = arith.cmpi slt, %add3A_64, %lt3A_65 : i32
    %convert_element_type3A_67 = arith.extui %lt3A_66 : i1 to i32
    %cond3A_68 = arith.constant 0 : i32
    %cond3A_69 = arith.cmpi ne, %convert_element_type3A_67, %cond3A_68 : i32
    scf.if %cond3A_69 {
      tpu.wait_dma2 semaphore(%arg13 : memref<!tpu.dma_semaphore, #tpu.memory_space<semaphore_mem>>) src(%arg5 : memref<80x128xf32, #tpu.memory_space<hbm>>) dst(%arg10 : memref<80x128xf32, #tpu.memory_space<vmem>>)
    } else {
    }
    %add3A_70 = arith.constant 32 : i32
    %add3A_71 = arith.addi %arg1, %add3A_70 : i32
    %lt3A_72 = arith.constant 125 : i32
    %lt3A_73 = arith.cmpi slt, %add3A_71, %lt3A_72 : i32
    %convert_element_type3A_74 = arith.extui %lt3A_73 : i1 to i32
    %cond3A_75 = arith.constant 0 : i32
    %cond3A_76 = arith.cmpi ne, %convert_element_type3A_74, %cond3A_75 : i32
    scf.if %cond3A_76 {
      tpu.wait_dma2 semaphore(%arg13 : memref<!tpu.dma_semaphore, #tpu.memory_space<semaphore_mem>>) src(%arg5 : memref<80x128xf32, #tpu.memory_space<hbm>>) dst(%arg10 : memref<80x128xf32, #tpu.memory_space<vmem>>)
    } else {
    }
    %add3A_77 = arith.constant 48 : i32
    %add3A_78 = arith.addi %arg1, %add3A_77 : i32
    %lt3A_79 = arith.constant 125 : i32
    %lt3A_80 = arith.cmpi slt, %add3A_78, %lt3A_79 : i32
    %convert_element_type3A_81 = arith.extui %lt3A_80 : i1 to i32
    %cond3A_82 = arith.constant 0 : i32
    %cond3A_83 = arith.cmpi ne, %convert_element_type3A_81, %cond3A_82 : i32
    scf.if %cond3A_83 {
      tpu.wait_dma2 semaphore(%arg13 : memref<!tpu.dma_semaphore, #tpu.memory_space<semaphore_mem>>) src(%arg5 : memref<80x128xf32, #tpu.memory_space<hbm>>) dst(%arg10 : memref<80x128xf32, #tpu.memory_space<vmem>>)
    } else {
    }
    %add3A_84 = arith.constant 64 : i32
    %add3A_85 = arith.addi %arg1, %add3A_84 : i32
    %lt3A_86 = arith.constant 125 : i32
    %lt3A_87 = arith.cmpi slt, %add3A_85, %lt3A_86 : i32
    %convert_element_type3A_88 = arith.extui %lt3A_87 : i1 to i32
    %cond3A_89 = arith.constant 0 : i32
    %cond3A_90 = arith.cmpi ne, %convert_element_type3A_88, %cond3A_89 : i32
    scf.if %cond3A_90 {
      tpu.wait_dma2 semaphore(%arg13 : memref<!tpu.dma_semaphore, #tpu.memory_space<semaphore_mem>>) src(%arg5 : memref<80x128xf32, #tpu.memory_space<hbm>>) dst(%arg10 : memref<80x128xf32, #tpu.memory_space<vmem>>)
    } else {
    }
    %add3A_91 = arith.constant 80 : i32
    %add3A_92 = arith.addi %arg1, %add3A_91 : i32
    %lt3A_93 = arith.constant 125 : i32
    %lt3A_94 = arith.cmpi slt, %add3A_92, %lt3A_93 : i32
    %convert_element_type3A_95 = arith.extui %lt3A_94 : i1 to i32
    %cond3A_96 = arith.constant 0 : i32
    %cond3A_97 = arith.cmpi ne, %convert_element_type3A_95, %cond3A_96 : i32
    scf.if %cond3A_97 {
      tpu.wait_dma2 semaphore(%arg13 : memref<!tpu.dma_semaphore, #tpu.memory_space<semaphore_mem>>) src(%arg5 : memref<80x128xf32, #tpu.memory_space<hbm>>) dst(%arg10 : memref<80x128xf32, #tpu.memory_space<vmem>>)
    } else {
    }
    %add3A_98 = arith.constant 96 : i32
    %add3A_99 = arith.addi %arg1, %add3A_98 : i32
    %lt3A_100 = arith.constant 125 : i32
    %lt3A_101 = arith.cmpi slt, %add3A_99, %lt3A_100 : i32
    %convert_element_type3A_102 = arith.extui %lt3A_101 : i1 to i32
    %cond3A_103 = arith.constant 0 : i32
    %cond3A_104 = arith.cmpi ne, %convert_element_type3A_102, %cond3A_103 : i32
    scf.if %cond3A_104 {
      tpu.wait_dma2 semaphore(%arg13 : memref<!tpu.dma_semaphore, #tpu.memory_space<semaphore_mem>>) src(%arg5 : memref<80x128xf32, #tpu.memory_space<hbm>>) dst(%arg10 : memref<80x128xf32, #tpu.memory_space<vmem>>)
    } else {
    }
    %add3A_105 = arith.constant 112 : i32
    %add3A_106 = arith.addi %arg1, %add3A_105 : i32
    %lt3A_107 = arith.constant 125 : i32
    %lt3A_108 = arith.cmpi slt, %add3A_106, %lt3A_107 : i32
    %convert_element_type3A_109 = arith.extui %lt3A_108 : i1 to i32
    %cond3A_110 = arith.constant 0 : i32
    %cond3A_111 = arith.cmpi ne, %convert_element_type3A_109, %cond3A_110 : i32
    scf.if %cond3A_111 {
      tpu.wait_dma2 semaphore(%arg13 : memref<!tpu.dma_semaphore, #tpu.memory_space<semaphore_mem>>) src(%arg5 : memref<80x128xf32, #tpu.memory_space<hbm>>) dst(%arg10 : memref<80x128xf32, #tpu.memory_space<vmem>>)
    } else {
    }
    %barrier3A = arith.constant 0 : index
    tpu.barrier barrier_id(%barrier3A)
    %add3A_112 = arith.constant 0 : i32
    %add3A_113 = arith.addi %mul3A_2, %add3A_112 : i32
    "tpu.region"() ({
      %run_scoped3A = tpu.sem_alloc : memref<!tpu.dma_semaphore, #tpu.memory_space<semaphore_mem>>
      %dma_start3A_259 = arith.constant 0 : i32
      %dma_start3A_260 = tpu.memref_slice %arg7[%dma_start3A_259] : memref<5120xi32, #tpu.memory_space<vmem>> -> memref<5120xi32, #tpu.memory_space<vmem>>
      %dma_start3A_261 = tpu.memref_slice %arg3[%add3A_113] : memref<320000xi32, #tpu.memory_space<hbm>> -> memref<5120xi32, #tpu.memory_space<hbm>>
      %dma_start3A_262 = arith.constant 0 : i32
      %dma_start3A_263 = tpu.memref_slice %arg7[%dma_start3A_262] : memref<5120xi32, #tpu.memory_space<vmem>> -> memref<5120xi32, #tpu.memory_space<vmem>>
      %dma_start3A_264 = tpu.memref_slice %arg3[%add3A_113] : memref<320000xi32, #tpu.memory_space<hbm>> -> memref<5120xi32, #tpu.memory_space<hbm>>
      tpu.enqueue_dma source(%dma_start3A_264 : memref<5120xi32, #tpu.memory_space<hbm>>) target(%dma_start3A_263 : memref<5120xi32, #tpu.memory_space<vmem>>) target_semaphore(%run_scoped3A : memref<!tpu.dma_semaphore, #tpu.memory_space<semaphore_mem>>)
      %dma_wait3A_265 = arith.constant 0 : i32
      %dma_wait3A_266 = tpu.memref_slice %arg7[%dma_wait3A_265] : memref<5120xi32, #tpu.memory_space<vmem>> -> memref<5120xi32, #tpu.memory_space<vmem>>
      %dma_wait3A_267 = tpu.memref_slice %arg3[%add3A_113] : memref<320000xi32, #tpu.memory_space<hbm>> -> memref<5120xi32, #tpu.memory_space<hbm>>
      %dma_wait3A_268 = arith.constant 0 : i32
      %dma_wait3A_269 = tpu.memref_slice %arg7[%dma_wait3A_268] : memref<5120xi32, #tpu.memory_space<vmem>> -> memref<5120xi32, #tpu.memory_space<vmem>>
      %dma_wait3A_270 = tpu.memref_slice %arg3[%add3A_113] : memref<320000xi32, #tpu.memory_space<hbm>> -> memref<5120xi32, #tpu.memory_space<hbm>>
      tpu.wait_dma2 semaphore(%run_scoped3A : memref<!tpu.dma_semaphore, #tpu.memory_space<semaphore_mem>>) src(%dma_wait3A_270 : memref<5120xi32, #tpu.memory_space<hbm>>) dst(%dma_wait3A_269 : memref<5120xi32, #tpu.memory_space<vmem>>)
      tpu.yield
    }) : () -> ()
    "tpu.region"() ({
      %run_scoped3A = tpu.sem_alloc : memref<!tpu.dma_semaphore, #tpu.memory_space<semaphore_mem>>
      %dma_start3A_259 = arith.constant 0 : i32
      %dma_start3A_260 = arith.constant 0 : i32
      %dma_start3A_261 = tpu.memref_slice %arg8[%dma_start3A_259, %dma_start3A_260] : memref<64x80xi32, #tpu.memory_space<vmem>> -> memref<64x80xi32, #tpu.memory_space<vmem>>
      %dma_start3A_262 = arith.constant 0 : i32
      %dma_start3A_263 = arith.constant 0 : i32
      %dma_start3A_264 = tpu.memref_slice %arg4[%add3A, %dma_start3A_262, %dma_start3A_263] : memref<32x125x80xi32, #tpu.memory_space<hbm>> -> memref<1x64x80xi32, #tpu.memory_space<hbm>>
      %dma_start3A_265 = tpu.memref_squeeze %dma_start3A_264 : memref<1x64x80xi32, #tpu.memory_space<hbm>> -> memref<64x80xi32, #tpu.memory_space<hbm>>
      %dma_start3A_266 = arith.constant 0 : i32
      %dma_start3A_267 = arith.constant 0 : i32
      %dma_start3A_268 = tpu.memref_slice %arg8[%dma_start3A_266, %dma_start3A_267] : memref<64x80xi32, #tpu.memory_space<vmem>> -> memref<64x80xi32, #tpu.memory_space<vmem>>
      %dma_start3A_269 = arith.constant 0 : i32
      %dma_start3A_270 = arith.constant 0 : i32
      %dma_start3A_271 = tpu.memref_slice %arg4[%add3A, %dma_start3A_269, %dma_start3A_270] : memref<32x125x80xi32, #tpu.memory_space<hbm>> -> memref<1x64x80xi32, #tpu.memory_space<hbm>>
      %dma_start3A_272 = tpu.memref_squeeze %dma_start3A_271 : memref<1x64x80xi32, #tpu.memory_space<hbm>> -> memref<64x80xi32, #tpu.memory_space<hbm>>
      tpu.enqueue_dma source(%dma_start3A_272 : memref<64x80xi32, #tpu.memory_space<hbm>>) target(%dma_start3A_268 : memref<64x80xi32, #tpu.memory_space<vmem>>) target_semaphore(%run_scoped3A : memref<!tpu.dma_semaphore, #tpu.memory_space<semaphore_mem>>)
      %dma_wait3A_273 = arith.constant 0 : i32
      %dma_wait3A_274 = arith.constant 0 : i32
      %dma_wait3A_275 = tpu.memref_slice %arg8[%dma_wait3A_273, %dma_wait3A_274] : memref<64x80xi32, #tpu.memory_space<vmem>> -> memref<64x80xi32, #tpu.memory_space<vmem>>
      %dma_wait3A_276 = arith.constant 0 : i32
      %dma_wait3A_277 = arith.constant 0 : i32
      %dma_wait3A_278 = tpu.memref_slice %arg4[%add3A, %dma_wait3A_276, %dma_wait3A_277] : memref<32x125x80xi32, #tpu.memory_space<hbm>> -> memref<1x64x80xi32, #tpu.memory_space<hbm>>
      %dma_wait3A_279 = tpu.memref_squeeze %dma_wait3A_278 : memref<1x64x80xi32, #tpu.memory_space<hbm>> -> memref<64x80xi32, #tpu.memory_space<hbm>>
      %dma_wait3A_280 = arith.constant 0 : i32
      %dma_wait3A_281 = arith.constant 0 : i32
      %dma_wait3A_282 = tpu.memref_slice %arg8[%dma_wait3A_280, %dma_wait3A_281] : memref<64x80xi32, #tpu.memory_space<vmem>> -> memref<64x80xi32, #tpu.memory_space<vmem>>
      %dma_wait3A_283 = arith.constant 0 : i32
      %dma_wait3A_284 = arith.constant 0 : i32
      %dma_wait3A_285 = tpu.memref_slice %arg4[%add3A, %dma_wait3A_283, %dma_wait3A_284] : memref<32x125x80xi32, #tpu.memory_space<hbm>> -> memref<1x64x80xi32, #tpu.memory_space<hbm>>
      %dma_wait3A_286 = tpu.memref_squeeze %dma_wait3A_285 : memref<1x64x80xi32, #tpu.memory_space<hbm>> -> memref<64x80xi32, #tpu.memory_space<hbm>>
      tpu.wait_dma2 semaphore(%run_scoped3A : memref<!tpu.dma_semaphore, #tpu.memory_space<semaphore_mem>>) src(%dma_wait3A_286 : memref<64x80xi32, #tpu.memory_space<hbm>>) dst(%dma_wait3A_282 : memref<64x80xi32, #tpu.memory_space<vmem>>)
      tpu.yield
    }) : () -> ()
    %dma_start3A = arith.constant 0 : i32
    %dma_start3A_114 = tpu.memref_slice %arg7[%dma_start3A] : memref<5120xi32, #tpu.memory_space<vmem>> -> memref<80xi32, #tpu.memory_space<vmem>>
    %dma_start3A_115 = arith.constant 0 : i32
    %dma_start3A_116 = arith.constant 0 : i32
    %dma_start3A_117 = tpu.memref_slice %arg2[%dma_start3A_115, %dma_start3A_116] : memref<10000x128xf32, #tpu.memory_space<hbm>> -> memref<10000x128xf32, #tpu.memory_space<hbm>>
    tpu.enqueue_indirect_dma source(%dma_start3A_117 : memref<10000x128xf32, #tpu.memory_space<hbm>>) target(%arg9 : memref<80x128xf32, #tpu.memory_space<vmem>>) offsets(%dma_start3A_114 : memref<80xi32, #tpu.memory_space<vmem>>) semaphore(%arg13 : memref<!tpu.dma_semaphore, #tpu.memory_space<semaphore_mem>>)
    %dma_start3A_118 = arith.constant 80 : i32
    %dma_start3A_119 = tpu.memref_slice %arg7[%dma_start3A_118] : memref<5120xi32, #tpu.memory_space<vmem>> -> memref<80xi32, #tpu.memory_space<vmem>>
    %dma_start3A_120 = arith.constant 0 : i32
    %dma_start3A_121 = arith.constant 0 : i32
    %dma_start3A_122 = tpu.memref_slice %arg2[%dma_start3A_120, %dma_start3A_121] : memref<10000x128xf32, #tpu.memory_space<hbm>> -> memref<10000x128xf32, #tpu.memory_space<hbm>>
    tpu.enqueue_indirect_dma source(%dma_start3A_122 : memref<10000x128xf32, #tpu.memory_space<hbm>>) target(%arg10 : memref<80x128xf32, #tpu.memory_space<vmem>>) offsets(%dma_start3A_119 : memref<80xi32, #tpu.memory_space<vmem>>) semaphore(%arg14 : memref<!tpu.dma_semaphore, #tpu.memory_space<semaphore_mem>>)
    %scan3A = arith.constant 0 : i32
    %scan3A_123 = arith.constant 0 : i32
    %scan3A_124 = arith.constant 22 : i32
    %scan3A_125 = arith.addi %scan3A_123, %scan3A_124 : i32
    %scan3A_126 = arith.constant 1 : i32
    scf.for %scan3A_259 = %scan3A_123 to %scan3A_125 step %scan3A_126  : i32 {
      %mul3A_260 = arith.constant 3 : i32
      %mul3A_261 = arith.muli %scan3A_259, %mul3A_260 : i32
      %add3A_262 = arith.constant 0 : i32
      %add3A_263 = arith.addi %mul3A_261, %add3A_262 : i32
      %lt3A_264 = arith.constant 64 : i32
      %lt3A_265 = arith.cmpi slt, %add3A_263, %lt3A_264 : i32
      %convert_element_type3A_266 = arith.extui %lt3A_265 : i1 to i32
      %cond3A_267 = arith.constant 0 : i32
      %cond3A_268 = arith.cmpi ne, %convert_element_type3A_266, %cond3A_267 : i32
      scf.if %cond3A_268 {
        %dma_wait3A_329 = arith.constant 0 : i32
        %dma_wait3A_330 = arith.constant 0 : i32
        %dma_wait3A_331 = tpu.memref_slice %arg2[%dma_wait3A_329, %dma_wait3A_330] : memref<10000x128xf32, #tpu.memory_space<hbm>> -> memref<80x128xf32, #tpu.memory_space<hbm>>
        %dma_wait3A_332 = arith.constant 0 : i32
        %dma_wait3A_333 = arith.constant 0 : i32
        %dma_wait3A_334 = tpu.memref_slice %arg2[%dma_wait3A_332, %dma_wait3A_333] : memref<10000x128xf32, #tpu.memory_space<hbm>> -> memref<80x128xf32, #tpu.memory_space<hbm>>
        tpu.wait_dma2 semaphore(%arg13 : memref<!tpu.dma_semaphore, #tpu.memory_space<semaphore_mem>>) src(%dma_wait3A_334 : memref<80x128xf32, #tpu.memory_space<hbm>>) dst(%arg9 : memref<80x128xf32, #tpu.memory_space<vmem>>)
        %dma_start3A_335 = arith.constant 0 : i32
        %dma_start3A_336 = tpu.memref_slice %arg8[%add3A_263, %dma_start3A_335] : memref<64x80xi32, #tpu.memory_space<vmem>> -> memref<1x80xi32, #tpu.memory_space<vmem>>
        %dma_start3A_337 = tpu.memref_squeeze %dma_start3A_336 : memref<1x80xi32, #tpu.memory_space<vmem>> -> memref<80xi32, #tpu.memory_space<vmem>>
        %dma_start3A_338 = arith.constant 0 : i32
        %dma_start3A_339 = arith.constant 0 : i32
        %dma_start3A_340 = tpu.memref_slice %arg12[%dma_start3A_338, %dma_start3A_339] : memref<10000x128xf32, #tpu.memory_space<vmem_shared>> -> memref<10000x128xf32, #tpu.memory_space<vmem_shared>>
        tpu.enqueue_indirect_dma source(%arg9 : memref<80x128xf32, #tpu.memory_space<vmem>>) target(%dma_start3A_340 : memref<10000x128xf32, #tpu.memory_space<vmem_shared>>) offsets(%dma_start3A_337 : memref<80xi32, #tpu.memory_space<vmem>>) semaphore(%arg16 : memref<!tpu.dma_semaphore, #tpu.memory_space<semaphore_mem>>) {add = true}
      } else {
      }
      %add3A_269 = arith.constant 2 : i32
      %add3A_270 = arith.addi %add3A_263, %add3A_269 : i32
      %lt3A_271 = arith.constant 64 : i32
      %lt3A_272 = arith.cmpi slt, %add3A_270, %lt3A_271 : i32
      %gt3A = arith.constant 0 : i32
      %gt3A_273 = arith.cmpi sgt, %add3A_263, %gt3A : i32
      %and3A = arith.andi %lt3A_272, %gt3A_273 : i1
      %convert_element_type3A_274 = arith.extui %and3A : i1 to i32
      %cond3A_275 = arith.constant 0 : i32
      %cond3A_276 = arith.cmpi ne, %convert_element_type3A_274, %cond3A_275 : i32
      scf.if %cond3A_276 {
        %dma_wait3A_329 = arith.constant 0 : i32
        %dma_wait3A_330 = arith.constant 0 : i32
        %dma_wait3A_331 = tpu.memref_slice %arg2[%dma_wait3A_329, %dma_wait3A_330] : memref<10000x128xf32, #tpu.memory_space<hbm>> -> memref<80x128xf32, #tpu.memory_space<hbm>>
        %dma_wait3A_332 = arith.constant 0 : i32
        %dma_wait3A_333 = arith.constant 0 : i32
        %dma_wait3A_334 = tpu.memref_slice %arg2[%dma_wait3A_332, %dma_wait3A_333] : memref<10000x128xf32, #tpu.memory_space<hbm>> -> memref<80x128xf32, #tpu.memory_space<hbm>>
        tpu.wait_dma2 semaphore(%arg18 : memref<!tpu.dma_semaphore, #tpu.memory_space<semaphore_mem>>) src(%dma_wait3A_334 : memref<80x128xf32, #tpu.memory_space<hbm>>) dst(%arg11 : memref<80x128xf32, #tpu.memory_space<vmem>>)
        %add3A_335 = arith.constant 2 : i32
        %add3A_336 = arith.addi %add3A_263, %add3A_335 : i32
        %mul3A_337 = arith.constant 80 : i32
        %mul3A_338 = arith.muli %add3A_336, %mul3A_337 : i32
        %dma_start3A_339 = tpu.memref_slice %arg7[%mul3A_338] : memref<5120xi32, #tpu.memory_space<vmem>> -> memref<80xi32, #tpu.memory_space<vmem>>
        %dma_start3A_340 = arith.constant 0 : i32
        %dma_start3A_341 = arith.constant 0 : i32
        %dma_start3A_342 = tpu.memref_slice %arg2[%dma_start3A_340, %dma_start3A_341] : memref<10000x128xf32, #tpu.memory_space<hbm>> -> memref<10000x128xf32, #tpu.memory_space<hbm>>
        tpu.enqueue_indirect_dma source(%dma_start3A_342 : memref<10000x128xf32, #tpu.memory_space<hbm>>) target(%arg11 : memref<80x128xf32, #tpu.memory_space<vmem>>) offsets(%dma_start3A_339 : memref<80xi32, #tpu.memory_space<vmem>>) semaphore(%arg15 : memref<!tpu.dma_semaphore, #tpu.memory_space<semaphore_mem>>)
      } else {
      }
      %eq3A = arith.constant 0 : i32
      %eq3A_277 = arith.cmpi eq, %add3A_263, %eq3A : i32
      %convert_element_type3A_278 = arith.extui %eq3A_277 : i1 to i32
      %cond3A_279 = arith.constant 0 : i32
      %cond3A_280 = arith.cmpi ne, %convert_element_type3A_278, %cond3A_279 : i32
      scf.if %cond3A_280 {
        %dma_start3A_329 = arith.constant 160 : i32
        %dma_start3A_330 = tpu.memref_slice %arg7[%dma_start3A_329] : memref<5120xi32, #tpu.memory_space<vmem>> -> memref<80xi32, #tpu.memory_space<vmem>>
        %dma_start3A_331 = arith.constant 0 : i32
        %dma_start3A_332 = arith.constant 0 : i32
        %dma_start3A_333 = tpu.memref_slice %arg2[%dma_start3A_331, %dma_start3A_332] : memref<10000x128xf32, #tpu.memory_space<hbm>> -> memref<10000x128xf32, #tpu.memory_space<hbm>>
        tpu.enqueue_indirect_dma source(%dma_start3A_333 : memref<10000x128xf32, #tpu.memory_space<hbm>>) target(%arg11 : memref<80x128xf32, #tpu.memory_space<vmem>>) offsets(%dma_start3A_330 : memref<80xi32, #tpu.memory_space<vmem>>) semaphore(%arg15 : memref<!tpu.dma_semaphore, #tpu.memory_space<semaphore_mem>>)
      } else {
      }
      %mul3A_281 = arith.constant 3 : i32
      %mul3A_282 = arith.muli %scan3A_259, %mul3A_281 : i32
      %add3A_283 = arith.constant 1 : i32
      %add3A_284 = arith.addi %mul3A_282, %add3A_283 : i32
      %lt3A_285 = arith.constant 64 : i32
      %lt3A_286 = arith.cmpi slt, %add3A_284, %lt3A_285 : i32
      %convert_element_type3A_287 = arith.extui %lt3A_286 : i1 to i32
      %cond3A_288 = arith.constant 0 : i32
      %cond3A_289 = arith.cmpi ne, %convert_element_type3A_287, %cond3A_288 : i32
      scf.if %cond3A_289 {
        %dma_wait3A_329 = arith.constant 0 : i32
        %dma_wait3A_330 = arith.constant 0 : i32
        %dma_wait3A_331 = tpu.memref_slice %arg2[%dma_wait3A_329, %dma_wait3A_330] : memref<10000x128xf32, #tpu.memory_space<hbm>> -> memref<80x128xf32, #tpu.memory_space<hbm>>
        %dma_wait3A_332 = arith.constant 0 : i32
        %dma_wait3A_333 = arith.constant 0 : i32
        %dma_wait3A_334 = tpu.memref_slice %arg2[%dma_wait3A_332, %dma_wait3A_333] : memref<10000x128xf32, #tpu.memory_space<hbm>> -> memref<80x128xf32, #tpu.memory_space<hbm>>
        tpu.wait_dma2 semaphore(%arg14 : memref<!tpu.dma_semaphore, #tpu.memory_space<semaphore_mem>>) src(%dma_wait3A_334 : memref<80x128xf32, #tpu.memory_space<hbm>>) dst(%arg10 : memref<80x128xf32, #tpu.memory_space<vmem>>)
        %dma_start3A_335 = arith.constant 0 : i32
        %dma_start3A_336 = tpu.memref_slice %arg8[%add3A_284, %dma_start3A_335] : memref<64x80xi32, #tpu.memory_space<vmem>> -> memref<1x80xi32, #tpu.memory_space<vmem>>
        %dma_start3A_337 = tpu.memref_squeeze %dma_start3A_336 : memref<1x80xi32, #tpu.memory_space<vmem>> -> memref<80xi32, #tpu.memory_space<vmem>>
        %dma_start3A_338 = arith.constant 0 : i32
        %dma_start3A_339 = arith.constant 0 : i32
        %dma_start3A_340 = tpu.memref_slice %arg12[%dma_start3A_338, %dma_start3A_339] : memref<10000x128xf32, #tpu.memory_space<vmem_shared>> -> memref<10000x128xf32, #tpu.memory_space<vmem_shared>>
        tpu.enqueue_indirect_dma source(%arg10 : memref<80x128xf32, #tpu.memory_space<vmem>>) target(%dma_start3A_340 : memref<10000x128xf32, #tpu.memory_space<vmem_shared>>) offsets(%dma_start3A_337 : memref<80xi32, #tpu.memory_space<vmem>>) semaphore(%arg17 : memref<!tpu.dma_semaphore, #tpu.memory_space<semaphore_mem>>) {add = true}
      } else {
      }
      %add3A_290 = arith.constant 2 : i32
      %add3A_291 = arith.addi %add3A_284, %add3A_290 : i32
      %lt3A_292 = arith.constant 64 : i32
      %lt3A_293 = arith.cmpi slt, %add3A_291, %lt3A_292 : i32
      %gt3A_294 = arith.constant 0 : i32
      %gt3A_295 = arith.cmpi sgt, %add3A_284, %gt3A_294 : i32
      %and3A_296 = arith.andi %lt3A_293, %gt3A_295 : i1
      %convert_element_type3A_297 = arith.extui %and3A_296 : i1 to i32
      %cond3A_298 = arith.constant 0 : i32
      %cond3A_299 = arith.cmpi ne, %convert_element_type3A_297, %cond3A_298 : i32
      scf.if %cond3A_299 {
        %dma_wait3A_329 = arith.constant 0 : i32
        %dma_wait3A_330 = arith.constant 0 : i32
        %dma_wait3A_331 = tpu.memref_slice %arg2[%dma_wait3A_329, %dma_wait3A_330] : memref<10000x128xf32, #tpu.memory_space<hbm>> -> memref<80x128xf32, #tpu.memory_space<hbm>>
        %dma_wait3A_332 = arith.constant 0 : i32
        %dma_wait3A_333 = arith.constant 0 : i32
        %dma_wait3A_334 = tpu.memref_slice %arg2[%dma_wait3A_332, %dma_wait3A_333] : memref<10000x128xf32, #tpu.memory_space<hbm>> -> memref<80x128xf32, #tpu.memory_space<hbm>>
        tpu.wait_dma2 semaphore(%arg16 : memref<!tpu.dma_semaphore, #tpu.memory_space<semaphore_mem>>) src(%dma_wait3A_334 : memref<80x128xf32, #tpu.memory_space<hbm>>) dst(%arg9 : memref<80x128xf32, #tpu.memory_space<vmem>>)
        %add3A_335 = arith.constant 2 : i32
        %add3A_336 = arith.addi %add3A_284, %add3A_335 : i32
        %mul3A_337 = arith.constant 80 : i32
        %mul3A_338 = arith.muli %add3A_336, %mul3A_337 : i32
        %dma_start3A_339 = tpu.memref_slice %arg7[%mul3A_338] : memref<5120xi32, #tpu.memory_space<vmem>> -> memref<80xi32, #tpu.memory_space<vmem>>
        %dma_start3A_340 = arith.constant 0 : i32
        %dma_start3A_341 = arith.constant 0 : i32
        %dma_start3A_342 = tpu.memref_slice %arg2[%dma_start3A_340, %dma_start3A_341] : memref<10000x128xf32, #tpu.memory_space<hbm>> -> memref<10000x128xf32, #tpu.memory_space<hbm>>
        tpu.enqueue_indirect_dma source(%dma_start3A_342 : memref<10000x128xf32, #tpu.memory_space<hbm>>) target(%arg9 : memref<80x128xf32, #tpu.memory_space<vmem>>) offsets(%dma_start3A_339 : memref<80xi32, #tpu.memory_space<vmem>>) semaphore(%arg13 : memref<!tpu.dma_semaphore, #tpu.memory_space<semaphore_mem>>)
      } else {
      }
      %eq3A_300 = arith.constant 0 : i32
      %eq3A_301 = arith.cmpi eq, %add3A_284, %eq3A_300 : i32
      %convert_element_type3A_302 = arith.extui %eq3A_301 : i1 to i32
      %cond3A_303 = arith.constant 0 : i32
      %cond3A_304 = arith.cmpi ne, %convert_element_type3A_302, %cond3A_303 : i32
      scf.if %cond3A_304 {
        %dma_start3A_329 = arith.constant 160 : i32
        %dma_start3A_330 = tpu.memref_slice %arg7[%dma_start3A_329] : memref<5120xi32, #tpu.memory_space<vmem>> -> memref<80xi32, #tpu.memory_space<vmem>>
        %dma_start3A_331 = arith.constant 0 : i32
        %dma_start3A_332 = arith.constant 0 : i32
        %dma_start3A_333 = tpu.memref_slice %arg2[%dma_start3A_331, %dma_start3A_332] : memref<10000x128xf32, #tpu.memory_space<hbm>> -> memref<10000x128xf32, #tpu.memory_space<hbm>>
        tpu.enqueue_indirect_dma source(%dma_start3A_333 : memref<10000x128xf32, #tpu.memory_space<hbm>>) target(%arg11 : memref<80x128xf32, #tpu.memory_space<vmem>>) offsets(%dma_start3A_330 : memref<80xi32, #tpu.memory_space<vmem>>) semaphore(%arg15 : memref<!tpu.dma_semaphore, #tpu.memory_space<semaphore_mem>>)
      } else {
      }
      %mul3A_305 = arith.constant 3 : i32
      %mul3A_306 = arith.muli %scan3A_259, %mul3A_305 : i32
      %add3A_307 = arith.constant 2 : i32
      %add3A_308 = arith.addi %mul3A_306, %add3A_307 : i32
      %lt3A_309 = arith.constant 64 : i32
      %lt3A_310 = arith.cmpi slt, %add3A_308, %lt3A_309 : i32
      %convert_element_type3A_311 = arith.extui %lt3A_310 : i1 to i32
      %cond3A_312 = arith.constant 0 : i32
      %cond3A_313 = arith.cmpi ne, %convert_element_type3A_311, %cond3A_312 : i32
      scf.if %cond3A_313 {
        %dma_wait3A_329 = arith.constant 0 : i32
        %dma_wait3A_330 = arith.constant 0 : i32
        %dma_wait3A_331 = tpu.memref_slice %arg2[%dma_wait3A_329, %dma_wait3A_330] : memref<10000x128xf32, #tpu.memory_space<hbm>> -> memref<80x128xf32, #tpu.memory_space<hbm>>
        %dma_wait3A_332 = arith.constant 0 : i32
        %dma_wait3A_333 = arith.constant 0 : i32
        %dma_wait3A_334 = tpu.memref_slice %arg2[%dma_wait3A_332, %dma_wait3A_333] : memref<10000x128xf32, #tpu.memory_space<hbm>> -> memref<80x128xf32, #tpu.memory_space<hbm>>
        tpu.wait_dma2 semaphore(%arg15 : memref<!tpu.dma_semaphore, #tpu.memory_space<semaphore_mem>>) src(%dma_wait3A_334 : memref<80x128xf32, #tpu.memory_space<hbm>>) dst(%arg11 : memref<80x128xf32, #tpu.memory_space<vmem>>)
        %dma_start3A_335 = arith.constant 0 : i32
        %dma_start3A_336 = tpu.memref_slice %arg8[%add3A_308, %dma_start3A_335] : memref<64x80xi32, #tpu.memory_space<vmem>> -> memref<1x80xi32, #tpu.memory_space<vmem>>
        %dma_start3A_337 = tpu.memref_squeeze %dma_start3A_336 : memref<1x80xi32, #tpu.memory_space<vmem>> -> memref<80xi32, #tpu.memory_space<vmem>>
        %dma_start3A_338 = arith.constant 0 : i32
        %dma_start3A_339 = arith.constant 0 : i32
        %dma_start3A_340 = tpu.memref_slice %arg12[%dma_start3A_338, %dma_start3A_339] : memref<10000x128xf32, #tpu.memory_space<vmem_shared>> -> memref<10000x128xf32, #tpu.memory_space<vmem_shared>>
        tpu.enqueue_indirect_dma source(%arg11 : memref<80x128xf32, #tpu.memory_space<vmem>>) target(%dma_start3A_340 : memref<10000x128xf32, #tpu.memory_space<vmem_shared>>) offsets(%dma_start3A_337 : memref<80xi32, #tpu.memory_space<vmem>>) semaphore(%arg18 : memref<!tpu.dma_semaphore, #tpu.memory_space<semaphore_mem>>) {add = true}
      } else {
      }
      %add3A_314 = arith.constant 2 : i32
      %add3A_315 = arith.addi %add3A_308, %add3A_314 : i32
      %lt3A_316 = arith.constant 64 : i32
      %lt3A_317 = arith.cmpi slt, %add3A_315, %lt3A_316 : i32
      %gt3A_318 = arith.constant 0 : i32
      %gt3A_319 = arith.cmpi sgt, %add3A_308, %gt3A_318 : i32
      %and3A_320 = arith.andi %lt3A_317, %gt3A_319 : i1
      %convert_element_type3A_321 = arith.extui %and3A_320 : i1 to i32
      %cond3A_322 = arith.constant 0 : i32
      %cond3A_323 = arith.cmpi ne, %convert_element_type3A_321, %cond3A_322 : i32
      scf.if %cond3A_323 {
        %dma_wait3A_329 = arith.constant 0 : i32
        %dma_wait3A_330 = arith.constant 0 : i32
        %dma_wait3A_331 = tpu.memref_slice %arg2[%dma_wait3A_329, %dma_wait3A_330] : memref<10000x128xf32, #tpu.memory_space<hbm>> -> memref<80x128xf32, #tpu.memory_space<hbm>>
        %dma_wait3A_332 = arith.constant 0 : i32
        %dma_wait3A_333 = arith.constant 0 : i32
        %dma_wait3A_334 = tpu.memref_slice %arg2[%dma_wait3A_332, %dma_wait3A_333] : memref<10000x128xf32, #tpu.memory_space<hbm>> -> memref<80x128xf32, #tpu.memory_space<hbm>>
        tpu.wait_dma2 semaphore(%arg17 : memref<!tpu.dma_semaphore, #tpu.memory_space<semaphore_mem>>) src(%dma_wait3A_334 : memref<80x128xf32, #tpu.memory_space<hbm>>) dst(%arg10 : memref<80x128xf32, #tpu.memory_space<vmem>>)
        %add3A_335 = arith.constant 2 : i32
        %add3A_336 = arith.addi %add3A_308, %add3A_335 : i32
        %mul3A_337 = arith.constant 80 : i32
        %mul3A_338 = arith.muli %add3A_336, %mul3A_337 : i32
        %dma_start3A_339 = tpu.memref_slice %arg7[%mul3A_338] : memref<5120xi32, #tpu.memory_space<vmem>> -> memref<80xi32, #tpu.memory_space<vmem>>
        %dma_start3A_340 = arith.constant 0 : i32
        %dma_start3A_341 = arith.constant 0 : i32
        %dma_start3A_342 = tpu.memref_slice %arg2[%dma_start3A_340, %dma_start3A_341] : memref<10000x128xf32, #tpu.memory_space<hbm>> -> memref<10000x128xf32, #tpu.memory_space<hbm>>
        tpu.enqueue_indirect_dma source(%dma_start3A_342 : memref<10000x128xf32, #tpu.memory_space<hbm>>) target(%arg10 : memref<80x128xf32, #tpu.memory_space<vmem>>) offsets(%dma_start3A_339 : memref<80xi32, #tpu.memory_space<vmem>>) semaphore(%arg14 : memref<!tpu.dma_semaphore, #tpu.memory_space<semaphore_mem>>)
      } else {
      }
      %eq3A_324 = arith.constant 0 : i32
      %eq3A_325 = arith.cmpi eq, %add3A_308, %eq3A_324 : i32
      %convert_element_type3A_326 = arith.extui %eq3A_325 : i1 to i32
      %cond3A_327 = arith.constant 0 : i32
      %cond3A_328 = arith.cmpi ne, %convert_element_type3A_326, %cond3A_327 : i32
      scf.if %cond3A_328 {
        %dma_start3A_329 = arith.constant 160 : i32
        %dma_start3A_330 = tpu.memref_slice %arg7[%dma_start3A_329] : memref<5120xi32, #tpu.memory_space<vmem>> -> memref<80xi32, #tpu.memory_space<vmem>>
        %dma_start3A_331 = arith.constant 0 : i32
        %dma_start3A_332 = arith.constant 0 : i32
        %dma_start3A_333 = tpu.memref_slice %arg2[%dma_start3A_331, %dma_start3A_332] : memref<10000x128xf32, #tpu.memory_space<hbm>> -> memref<10000x128xf32, #tpu.memory_space<hbm>>
        tpu.enqueue_indirect_dma source(%dma_start3A_333 : memref<10000x128xf32, #tpu.memory_space<hbm>>) target(%arg11 : memref<80x128xf32, #tpu.memory_space<vmem>>) offsets(%dma_start3A_330 : memref<80xi32, #tpu.memory_space<vmem>>) semaphore(%arg15 : memref<!tpu.dma_semaphore, #tpu.memory_space<semaphore_mem>>)
      } else {
      }
    }
    %scan3A_127 = arith.constant 22 : i32
    %dma_wait3A = arith.constant 0 : i32
    %dma_wait3A_128 = arith.constant 0 : i32
    %dma_wait3A_129 = tpu.memref_slice %arg2[%dma_wait3A, %dma_wait3A_128] : memref<10000x128xf32, #tpu.memory_space<hbm>> -> memref<80x128xf32, #tpu.memory_space<hbm>>
    %dma_wait3A_130 = arith.constant 0 : i32
    %dma_wait3A_131 = arith.constant 0 : i32
    %dma_wait3A_132 = tpu.memref_slice %arg2[%dma_wait3A_130, %dma_wait3A_131] : memref<10000x128xf32, #tpu.memory_space<hbm>> -> memref<80x128xf32, #tpu.memory_space<hbm>>
    tpu.wait_dma2 semaphore(%arg17 : memref<!tpu.dma_semaphore, #tpu.memory_space<semaphore_mem>>) src(%dma_wait3A_132 : memref<80x128xf32, #tpu.memory_space<hbm>>) dst(%arg9 : memref<80x128xf32, #tpu.memory_space<vmem>>)
    %dma_wait3A_133 = arith.constant 0 : i32
    %dma_wait3A_134 = arith.constant 0 : i32
    %dma_wait3A_135 = tpu.memref_slice %arg2[%dma_wait3A_133, %dma_wait3A_134] : memref<10000x128xf32, #tpu.memory_space<hbm>> -> memref<80x128xf32, #tpu.memory_space<hbm>>
    %dma_wait3A_136 = arith.constant 0 : i32
    %dma_wait3A_137 = arith.constant 0 : i32
    %dma_wait3A_138 = tpu.memref_slice %arg2[%dma_wait3A_136, %dma_wait3A_137] : memref<10000x128xf32, #tpu.memory_space<hbm>> -> memref<80x128xf32, #tpu.memory_space<hbm>>
    tpu.wait_dma2 semaphore(%arg18 : memref<!tpu.dma_semaphore, #tpu.memory_space<semaphore_mem>>) src(%dma_wait3A_138 : memref<80x128xf32, #tpu.memory_space<hbm>>) dst(%arg10 : memref<80x128xf32, #tpu.memory_space<vmem>>)
    %dma_wait3A_139 = arith.constant 0 : i32
    %dma_wait3A_140 = arith.constant 0 : i32
    %dma_wait3A_141 = tpu.memref_slice %arg2[%dma_wait3A_139, %dma_wait3A_140] : memref<10000x128xf32, #tpu.memory_space<hbm>> -> memref<80x128xf32, #tpu.memory_space<hbm>>
    %dma_wait3A_142 = arith.constant 0 : i32
    %dma_wait3A_143 = arith.constant 0 : i32
    %dma_wait3A_144 = tpu.memref_slice %arg2[%dma_wait3A_142, %dma_wait3A_143] : memref<10000x128xf32, #tpu.memory_space<hbm>> -> memref<80x128xf32, #tpu.memory_space<hbm>>
    tpu.wait_dma2 semaphore(%arg16 : memref<!tpu.dma_semaphore, #tpu.memory_space<semaphore_mem>>) src(%dma_wait3A_144 : memref<80x128xf32, #tpu.memory_space<hbm>>) dst(%arg11 : memref<80x128xf32, #tpu.memory_space<vmem>>)
    %add3A_145 = arith.constant 5120 : i32
    %add3A_146 = arith.addi %mul3A_2, %add3A_145 : i32
    "tpu.region"() ({
      %run_scoped3A = tpu.sem_alloc : memref<!tpu.dma_semaphore, #tpu.memory_space<semaphore_mem>>
      %dma_start3A_259 = arith.constant 0 : i32
      %dma_start3A_260 = tpu.memref_slice %arg7[%dma_start3A_259] : memref<5120xi32, #tpu.memory_space<vmem>> -> memref<4880xi32, #tpu.memory_space<vmem>>
      %dma_start3A_261 = tpu.memref_slice %arg3[%add3A_146] : memref<320000xi32, #tpu.memory_space<hbm>> -> memref<4880xi32, #tpu.memory_space<hbm>>
      %dma_start3A_262 = arith.constant 0 : i32
      %dma_start3A_263 = tpu.memref_slice %arg7[%dma_start3A_262] : memref<5120xi32, #tpu.memory_space<vmem>> -> memref<4880xi32, #tpu.memory_space<vmem>>
      %dma_start3A_264 = tpu.memref_slice %arg3[%add3A_146] : memref<320000xi32, #tpu.memory_space<hbm>> -> memref<4880xi32, #tpu.memory_space<hbm>>
      tpu.enqueue_dma source(%dma_start3A_264 : memref<4880xi32, #tpu.memory_space<hbm>>) target(%dma_start3A_263 : memref<4880xi32, #tpu.memory_space<vmem>>) target_semaphore(%run_scoped3A : memref<!tpu.dma_semaphore, #tpu.memory_space<semaphore_mem>>)
      %dma_wait3A_265 = arith.constant 0 : i32
      %dma_wait3A_266 = tpu.memref_slice %arg7[%dma_wait3A_265] : memref<5120xi32, #tpu.memory_space<vmem>> -> memref<4880xi32, #tpu.memory_space<vmem>>
      %dma_wait3A_267 = tpu.memref_slice %arg3[%add3A_146] : memref<320000xi32, #tpu.memory_space<hbm>> -> memref<4880xi32, #tpu.memory_space<hbm>>
      %dma_wait3A_268 = arith.constant 0 : i32
      %dma_wait3A_269 = tpu.memref_slice %arg7[%dma_wait3A_268] : memref<5120xi32, #tpu.memory_space<vmem>> -> memref<4880xi32, #tpu.memory_space<vmem>>
      %dma_wait3A_270 = tpu.memref_slice %arg3[%add3A_146] : memref<320000xi32, #tpu.memory_space<hbm>> -> memref<4880xi32, #tpu.memory_space<hbm>>
      tpu.wait_dma2 semaphore(%run_scoped3A : memref<!tpu.dma_semaphore, #tpu.memory_space<semaphore_mem>>) src(%dma_wait3A_270 : memref<4880xi32, #tpu.memory_space<hbm>>) dst(%dma_wait3A_269 : memref<4880xi32, #tpu.memory_space<vmem>>)
      tpu.yield
    }) : () -> ()
    "tpu.region"() ({
      %run_scoped3A = tpu.sem_alloc : memref<!tpu.dma_semaphore, #tpu.memory_space<semaphore_mem>>
      %dma_start3A_259 = arith.constant 0 : i32
      %dma_start3A_260 = arith.constant 0 : i32
      %dma_start3A_261 = tpu.memref_slice %arg8[%dma_start3A_259, %dma_start3A_260] : memref<64x80xi32, #tpu.memory_space<vmem>> -> memref<61x80xi32, #tpu.memory_space<vmem>>
      %dma_start3A_262 = arith.constant 64 : i32
      %dma_start3A_263 = arith.constant 0 : i32
      %dma_start3A_264 = tpu.memref_slice %arg4[%add3A, %dma_start3A_262, %dma_start3A_263] : memref<32x125x80xi32, #tpu.memory_space<hbm>> -> memref<1x61x80xi32, #tpu.memory_space<hbm>>
      %dma_start3A_265 = tpu.memref_squeeze %dma_start3A_264 : memref<1x61x80xi32, #tpu.memory_space<hbm>> -> memref<61x80xi32, #tpu.memory_space<hbm>>
      %dma_start3A_266 = arith.constant 0 : i32
      %dma_start3A_267 = arith.constant 0 : i32
      %dma_start3A_268 = tpu.memref_slice %arg8[%dma_start3A_266, %dma_start3A_267] : memref<64x80xi32, #tpu.memory_space<vmem>> -> memref<61x80xi32, #tpu.memory_space<vmem>>
      %dma_start3A_269 = arith.constant 64 : i32
      %dma_start3A_270 = arith.constant 0 : i32
      %dma_start3A_271 = tpu.memref_slice %arg4[%add3A, %dma_start3A_269, %dma_start3A_270] : memref<32x125x80xi32, #tpu.memory_space<hbm>> -> memref<1x61x80xi32, #tpu.memory_space<hbm>>
      %dma_start3A_272 = tpu.memref_squeeze %dma_start3A_271 : memref<1x61x80xi32, #tpu.memory_space<hbm>> -> memref<61x80xi32, #tpu.memory_space<hbm>>
      tpu.enqueue_dma source(%dma_start3A_272 : memref<61x80xi32, #tpu.memory_space<hbm>>) target(%dma_start3A_268 : memref<61x80xi32, #tpu.memory_space<vmem>>) target_semaphore(%run_scoped3A : memref<!tpu.dma_semaphore, #tpu.memory_space<semaphore_mem>>)
      %dma_wait3A_273 = arith.constant 0 : i32
      %dma_wait3A_274 = arith.constant 0 : i32
      %dma_wait3A_275 = tpu.memref_slice %arg8[%dma_wait3A_273, %dma_wait3A_274] : memref<64x80xi32, #tpu.memory_space<vmem>> -> memref<61x80xi32, #tpu.memory_space<vmem>>
      %dma_wait3A_276 = arith.constant 64 : i32
      %dma_wait3A_277 = arith.constant 0 : i32
      %dma_wait3A_278 = tpu.memref_slice %arg4[%add3A, %dma_wait3A_276, %dma_wait3A_277] : memref<32x125x80xi32, #tpu.memory_space<hbm>> -> memref<1x61x80xi32, #tpu.memory_space<hbm>>
      %dma_wait3A_279 = tpu.memref_squeeze %dma_wait3A_278 : memref<1x61x80xi32, #tpu.memory_space<hbm>> -> memref<61x80xi32, #tpu.memory_space<hbm>>
      %dma_wait3A_280 = arith.constant 0 : i32
      %dma_wait3A_281 = arith.constant 0 : i32
      %dma_wait3A_282 = tpu.memref_slice %arg8[%dma_wait3A_280, %dma_wait3A_281] : memref<64x80xi32, #tpu.memory_space<vmem>> -> memref<61x80xi32, #tpu.memory_space<vmem>>
      %dma_wait3A_283 = arith.constant 64 : i32
      %dma_wait3A_284 = arith.constant 0 : i32
      %dma_wait3A_285 = tpu.memref_slice %arg4[%add3A, %dma_wait3A_283, %dma_wait3A_284] : memref<32x125x80xi32, #tpu.memory_space<hbm>> -> memref<1x61x80xi32, #tpu.memory_space<hbm>>
      %dma_wait3A_286 = tpu.memref_squeeze %dma_wait3A_285 : memref<1x61x80xi32, #tpu.memory_space<hbm>> -> memref<61x80xi32, #tpu.memory_space<hbm>>
      tpu.wait_dma2 semaphore(%run_scoped3A : memref<!tpu.dma_semaphore, #tpu.memory_space<semaphore_mem>>) src(%dma_wait3A_286 : memref<61x80xi32, #tpu.memory_space<hbm>>) dst(%dma_wait3A_282 : memref<61x80xi32, #tpu.memory_space<vmem>>)
      tpu.yield
    }) : () -> ()
    %dma_start3A_147 = arith.constant 0 : i32
    %dma_start3A_148 = tpu.memref_slice %arg7[%dma_start3A_147] : memref<5120xi32, #tpu.memory_space<vmem>> -> memref<80xi32, #tpu.memory_space<vmem>>
    %dma_start3A_149 = arith.constant 0 : i32
    %dma_start3A_150 = arith.constant 0 : i32
    %dma_start3A_151 = tpu.memref_slice %arg2[%dma_start3A_149, %dma_start3A_150] : memref<10000x128xf32, #tpu.memory_space<hbm>> -> memref<10000x128xf32, #tpu.memory_space<hbm>>
    tpu.enqueue_indirect_dma source(%dma_start3A_151 : memref<10000x128xf32, #tpu.memory_space<hbm>>) target(%arg9 : memref<80x128xf32, #tpu.memory_space<vmem>>) offsets(%dma_start3A_148 : memref<80xi32, #tpu.memory_space<vmem>>) semaphore(%arg13 : memref<!tpu.dma_semaphore, #tpu.memory_space<semaphore_mem>>)
    %dma_start3A_152 = arith.constant 80 : i32
    %dma_start3A_153 = tpu.memref_slice %arg7[%dma_start3A_152] : memref<5120xi32, #tpu.memory_space<vmem>> -> memref<80xi32, #tpu.memory_space<vmem>>
    %dma_start3A_154 = arith.constant 0 : i32
    %dma_start3A_155 = arith.constant 0 : i32
    %dma_start3A_156 = tpu.memref_slice %arg2[%dma_start3A_154, %dma_start3A_155] : memref<10000x128xf32, #tpu.memory_space<hbm>> -> memref<10000x128xf32, #tpu.memory_space<hbm>>
    tpu.enqueue_indirect_dma source(%dma_start3A_156 : memref<10000x128xf32, #tpu.memory_space<hbm>>) target(%arg10 : memref<80x128xf32, #tpu.memory_space<vmem>>) offsets(%dma_start3A_153 : memref<80xi32, #tpu.memory_space<vmem>>) semaphore(%arg14 : memref<!tpu.dma_semaphore, #tpu.memory_space<semaphore_mem>>)
    %scan3A_157 = arith.constant 0 : i32
    %scan3A_158 = arith.constant 0 : i32
    %scan3A_159 = arith.constant 21 : i32
    %scan3A_160 = arith.addi %scan3A_158, %scan3A_159 : i32
    %scan3A_161 = arith.constant 1 : i32
    scf.for %scan3A_259 = %scan3A_158 to %scan3A_160 step %scan3A_161  : i32 {
      %mul3A_260 = arith.constant 3 : i32
      %mul3A_261 = arith.muli %scan3A_259, %mul3A_260 : i32
      %add3A_262 = arith.constant 0 : i32
      %add3A_263 = arith.addi %mul3A_261, %add3A_262 : i32
      %lt3A_264 = arith.constant 61 : i32
      %lt3A_265 = arith.cmpi slt, %add3A_263, %lt3A_264 : i32
      %convert_element_type3A_266 = arith.extui %lt3A_265 : i1 to i32
      %cond3A_267 = arith.constant 0 : i32
      %cond3A_268 = arith.cmpi ne, %convert_element_type3A_266, %cond3A_267 : i32
      scf.if %cond3A_268 {
        %dma_wait3A_329 = arith.constant 0 : i32
        %dma_wait3A_330 = arith.constant 0 : i32
        %dma_wait3A_331 = tpu.memref_slice %arg2[%dma_wait3A_329, %dma_wait3A_330] : memref<10000x128xf32, #tpu.memory_space<hbm>> -> memref<80x128xf32, #tpu.memory_space<hbm>>
        %dma_wait3A_332 = arith.constant 0 : i32
        %dma_wait3A_333 = arith.constant 0 : i32
        %dma_wait3A_334 = tpu.memref_slice %arg2[%dma_wait3A_332, %dma_wait3A_333] : memref<10000x128xf32, #tpu.memory_space<hbm>> -> memref<80x128xf32, #tpu.memory_space<hbm>>
        tpu.wait_dma2 semaphore(%arg13 : memref<!tpu.dma_semaphore, #tpu.memory_space<semaphore_mem>>) src(%dma_wait3A_334 : memref<80x128xf32, #tpu.memory_space<hbm>>) dst(%arg9 : memref<80x128xf32, #tpu.memory_space<vmem>>)
        %dma_start3A_335 = arith.constant 0 : i32
        %dma_start3A_336 = tpu.memref_slice %arg8[%add3A_263, %dma_start3A_335] : memref<64x80xi32, #tpu.memory_space<vmem>> -> memref<1x80xi32, #tpu.memory_space<vmem>>
        %dma_start3A_337 = tpu.memref_squeeze %dma_start3A_336 : memref<1x80xi32, #tpu.memory_space<vmem>> -> memref<80xi32, #tpu.memory_space<vmem>>
        %dma_start3A_338 = arith.constant 0 : i32
        %dma_start3A_339 = arith.constant 0 : i32
        %dma_start3A_340 = tpu.memref_slice %arg12[%dma_start3A_338, %dma_start3A_339] : memref<10000x128xf32, #tpu.memory_space<vmem_shared>> -> memref<10000x128xf32, #tpu.memory_space<vmem_shared>>
        tpu.enqueue_indirect_dma source(%arg9 : memref<80x128xf32, #tpu.memory_space<vmem>>) target(%dma_start3A_340 : memref<10000x128xf32, #tpu.memory_space<vmem_shared>>) offsets(%dma_start3A_337 : memref<80xi32, #tpu.memory_space<vmem>>) semaphore(%arg16 : memref<!tpu.dma_semaphore, #tpu.memory_space<semaphore_mem>>) {add = true}
      } else {
      }
      %add3A_269 = arith.constant 2 : i32
      %add3A_270 = arith.addi %add3A_263, %add3A_269 : i32
      %lt3A_271 = arith.constant 61 : i32
      %lt3A_272 = arith.cmpi slt, %add3A_270, %lt3A_271 : i32
      %gt3A = arith.constant 0 : i32
      %gt3A_273 = arith.cmpi sgt, %add3A_263, %gt3A : i32
      %and3A = arith.andi %lt3A_272, %gt3A_273 : i1
      %convert_element_type3A_274 = arith.extui %and3A : i1 to i32
      %cond3A_275 = arith.constant 0 : i32
      %cond3A_276 = arith.cmpi ne, %convert_element_type3A_274, %cond3A_275 : i32
      scf.if %cond3A_276 {
        %dma_wait3A_329 = arith.constant 0 : i32
        %dma_wait3A_330 = arith.constant 0 : i32
        %dma_wait3A_331 = tpu.memref_slice %arg2[%dma_wait3A_329, %dma_wait3A_330] : memref<10000x128xf32, #tpu.memory_space<hbm>> -> memref<80x128xf32, #tpu.memory_space<hbm>>
        %dma_wait3A_332 = arith.constant 0 : i32
        %dma_wait3A_333 = arith.constant 0 : i32
        %dma_wait3A_334 = tpu.memref_slice %arg2[%dma_wait3A_332, %dma_wait3A_333] : memref<10000x128xf32, #tpu.memory_space<hbm>> -> memref<80x128xf32, #tpu.memory_space<hbm>>
        tpu.wait_dma2 semaphore(%arg18 : memref<!tpu.dma_semaphore, #tpu.memory_space<semaphore_mem>>) src(%dma_wait3A_334 : memref<80x128xf32, #tpu.memory_space<hbm>>) dst(%arg11 : memref<80x128xf32, #tpu.memory_space<vmem>>)
        %add3A_335 = arith.constant 2 : i32
        %add3A_336 = arith.addi %add3A_263, %add3A_335 : i32
        %mul3A_337 = arith.constant 80 : i32
        %mul3A_338 = arith.muli %add3A_336, %mul3A_337 : i32
        %dma_start3A_339 = tpu.memref_slice %arg7[%mul3A_338] : memref<5120xi32, #tpu.memory_space<vmem>> -> memref<80xi32, #tpu.memory_space<vmem>>
        %dma_start3A_340 = arith.constant 0 : i32
        %dma_start3A_341 = arith.constant 0 : i32
        %dma_start3A_342 = tpu.memref_slice %arg2[%dma_start3A_340, %dma_start3A_341] : memref<10000x128xf32, #tpu.memory_space<hbm>> -> memref<10000x128xf32, #tpu.memory_space<hbm>>
        tpu.enqueue_indirect_dma source(%dma_start3A_342 : memref<10000x128xf32, #tpu.memory_space<hbm>>) target(%arg11 : memref<80x128xf32, #tpu.memory_space<vmem>>) offsets(%dma_start3A_339 : memref<80xi32, #tpu.memory_space<vmem>>) semaphore(%arg15 : memref<!tpu.dma_semaphore, #tpu.memory_space<semaphore_mem>>)
      } else {
      }
      %eq3A = arith.constant 0 : i32
      %eq3A_277 = arith.cmpi eq, %add3A_263, %eq3A : i32
      %convert_element_type3A_278 = arith.extui %eq3A_277 : i1 to i32
      %cond3A_279 = arith.constant 0 : i32
      %cond3A_280 = arith.cmpi ne, %convert_element_type3A_278, %cond3A_279 : i32
      scf.if %cond3A_280 {
        %dma_start3A_329 = arith.constant 160 : i32
        %dma_start3A_330 = tpu.memref_slice %arg7[%dma_start3A_329] : memref<5120xi32, #tpu.memory_space<vmem>> -> memref<80xi32, #tpu.memory_space<vmem>>
        %dma_start3A_331 = arith.constant 0 : i32
        %dma_start3A_332 = arith.constant 0 : i32
        %dma_start3A_333 = tpu.memref_slice %arg2[%dma_start3A_331, %dma_start3A_332] : memref<10000x128xf32, #tpu.memory_space<hbm>> -> memref<10000x128xf32, #tpu.memory_space<hbm>>
        tpu.enqueue_indirect_dma source(%dma_start3A_333 : memref<10000x128xf32, #tpu.memory_space<hbm>>) target(%arg11 : memref<80x128xf32, #tpu.memory_space<vmem>>) offsets(%dma_start3A_330 : memref<80xi32, #tpu.memory_space<vmem>>) semaphore(%arg15 : memref<!tpu.dma_semaphore, #tpu.memory_space<semaphore_mem>>)
      } else {
      }
      %mul3A_281 = arith.constant 3 : i32
      %mul3A_282 = arith.muli %scan3A_259, %mul3A_281 : i32
      %add3A_283 = arith.constant 1 : i32
      %add3A_284 = arith.addi %mul3A_282, %add3A_283 : i32
      %lt3A_285 = arith.constant 61 : i32
      %lt3A_286 = arith.cmpi slt, %add3A_284, %lt3A_285 : i32
      %convert_element_type3A_287 = arith.extui %lt3A_286 : i1 to i32
      %cond3A_288 = arith.constant 0 : i32
      %cond3A_289 = arith.cmpi ne, %convert_element_type3A_287, %cond3A_288 : i32
      scf.if %cond3A_289 {
        %dma_wait3A_329 = arith.constant 0 : i32
        %dma_wait3A_330 = arith.constant 0 : i32
        %dma_wait3A_331 = tpu.memref_slice %arg2[%dma_wait3A_329, %dma_wait3A_330] : memref<10000x128xf32, #tpu.memory_space<hbm>> -> memref<80x128xf32, #tpu.memory_space<hbm>>
        %dma_wait3A_332 = arith.constant 0 : i32
        %dma_wait3A_333 = arith.constant 0 : i32
        %dma_wait3A_334 = tpu.memref_slice %arg2[%dma_wait3A_332, %dma_wait3A_333] : memref<10000x128xf32, #tpu.memory_space<hbm>> -> memref<80x128xf32, #tpu.memory_space<hbm>>
        tpu.wait_dma2 semaphore(%arg14 : memref<!tpu.dma_semaphore, #tpu.memory_space<semaphore_mem>>) src(%dma_wait3A_334 : memref<80x128xf32, #tpu.memory_space<hbm>>) dst(%arg10 : memref<80x128xf32, #tpu.memory_space<vmem>>)
        %dma_start3A_335 = arith.constant 0 : i32
        %dma_start3A_336 = tpu.memref_slice %arg8[%add3A_284, %dma_start3A_335] : memref<64x80xi32, #tpu.memory_space<vmem>> -> memref<1x80xi32, #tpu.memory_space<vmem>>
        %dma_start3A_337 = tpu.memref_squeeze %dma_start3A_336 : memref<1x80xi32, #tpu.memory_space<vmem>> -> memref<80xi32, #tpu.memory_space<vmem>>
        %dma_start3A_338 = arith.constant 0 : i32
        %dma_start3A_339 = arith.constant 0 : i32
        %dma_start3A_340 = tpu.memref_slice %arg12[%dma_start3A_338, %dma_start3A_339] : memref<10000x128xf32, #tpu.memory_space<vmem_shared>> -> memref<10000x128xf32, #tpu.memory_space<vmem_shared>>
        tpu.enqueue_indirect_dma source(%arg10 : memref<80x128xf32, #tpu.memory_space<vmem>>) target(%dma_start3A_340 : memref<10000x128xf32, #tpu.memory_space<vmem_shared>>) offsets(%dma_start3A_337 : memref<80xi32, #tpu.memory_space<vmem>>) semaphore(%arg17 : memref<!tpu.dma_semaphore, #tpu.memory_space<semaphore_mem>>) {add = true}
      } else {
      }
      %add3A_290 = arith.constant 2 : i32
      %add3A_291 = arith.addi %add3A_284, %add3A_290 : i32
      %lt3A_292 = arith.constant 61 : i32
      %lt3A_293 = arith.cmpi slt, %add3A_291, %lt3A_292 : i32
      %gt3A_294 = arith.constant 0 : i32
      %gt3A_295 = arith.cmpi sgt, %add3A_284, %gt3A_294 : i32
      %and3A_296 = arith.andi %lt3A_293, %gt3A_295 : i1
      %convert_element_type3A_297 = arith.extui %and3A_296 : i1 to i32
      %cond3A_298 = arith.constant 0 : i32
      %cond3A_299 = arith.cmpi ne, %convert_element_type3A_297, %cond3A_298 : i32
      scf.if %cond3A_299 {
        %dma_wait3A_329 = arith.constant 0 : i32
        %dma_wait3A_330 = arith.constant 0 : i32
        %dma_wait3A_331 = tpu.memref_slice %arg2[%dma_wait3A_329, %dma_wait3A_330] : memref<10000x128xf32, #tpu.memory_space<hbm>> -> memref<80x128xf32, #tpu.memory_space<hbm>>
        %dma_wait3A_332 = arith.constant 0 : i32
        %dma_wait3A_333 = arith.constant 0 : i32
        %dma_wait3A_334 = tpu.memref_slice %arg2[%dma_wait3A_332, %dma_wait3A_333] : memref<10000x128xf32, #tpu.memory_space<hbm>> -> memref<80x128xf32, #tpu.memory_space<hbm>>
        tpu.wait_dma2 semaphore(%arg16 : memref<!tpu.dma_semaphore, #tpu.memory_space<semaphore_mem>>) src(%dma_wait3A_334 : memref<80x128xf32, #tpu.memory_space<hbm>>) dst(%arg9 : memref<80x128xf32, #tpu.memory_space<vmem>>)
        %add3A_335 = arith.constant 2 : i32
        %add3A_336 = arith.addi %add3A_284, %add3A_335 : i32
        %mul3A_337 = arith.constant 80 : i32
        %mul3A_338 = arith.muli %add3A_336, %mul3A_337 : i32
        %dma_start3A_339 = tpu.memref_slice %arg7[%mul3A_338] : memref<5120xi32, #tpu.memory_space<vmem>> -> memref<80xi32, #tpu.memory_space<vmem>>
        %dma_start3A_340 = arith.constant 0 : i32
        %dma_start3A_341 = arith.constant 0 : i32
        %dma_start3A_342 = tpu.memref_slice %arg2[%dma_start3A_340, %dma_start3A_341] : memref<10000x128xf32, #tpu.memory_space<hbm>> -> memref<10000x128xf32, #tpu.memory_space<hbm>>
        tpu.enqueue_indirect_dma source(%dma_start3A_342 : memref<10000x128xf32, #tpu.memory_space<hbm>>) target(%arg9 : memref<80x128xf32, #tpu.memory_space<vmem>>) offsets(%dma_start3A_339 : memref<80xi32, #tpu.memory_space<vmem>>) semaphore(%arg13 : memref<!tpu.dma_semaphore, #tpu.memory_space<semaphore_mem>>)
      } else {
      }
      %eq3A_300 = arith.constant 0 : i32
      %eq3A_301 = arith.cmpi eq, %add3A_284, %eq3A_300 : i32
      %convert_element_type3A_302 = arith.extui %eq3A_301 : i1 to i32
      %cond3A_303 = arith.constant 0 : i32
      %cond3A_304 = arith.cmpi ne, %convert_element_type3A_302, %cond3A_303 : i32
      scf.if %cond3A_304 {
        %dma_start3A_329 = arith.constant 160 : i32
        %dma_start3A_330 = tpu.memref_slice %arg7[%dma_start3A_329] : memref<5120xi32, #tpu.memory_space<vmem>> -> memref<80xi32, #tpu.memory_space<vmem>>
        %dma_start3A_331 = arith.constant 0 : i32
        %dma_start3A_332 = arith.constant 0 : i32
        %dma_start3A_333 = tpu.memref_slice %arg2[%dma_start3A_331, %dma_start3A_332] : memref<10000x128xf32, #tpu.memory_space<hbm>> -> memref<10000x128xf32, #tpu.memory_space<hbm>>
        tpu.enqueue_indirect_dma source(%dma_start3A_333 : memref<10000x128xf32, #tpu.memory_space<hbm>>) target(%arg11 : memref<80x128xf32, #tpu.memory_space<vmem>>) offsets(%dma_start3A_330 : memref<80xi32, #tpu.memory_space<vmem>>) semaphore(%arg15 : memref<!tpu.dma_semaphore, #tpu.memory_space<semaphore_mem>>)
      } else {
      }
      %mul3A_305 = arith.constant 3 : i32
      %mul3A_306 = arith.muli %scan3A_259, %mul3A_305 : i32
      %add3A_307 = arith.constant 2 : i32
      %add3A_308 = arith.addi %mul3A_306, %add3A_307 : i32
      %lt3A_309 = arith.constant 61 : i32
      %lt3A_310 = arith.cmpi slt, %add3A_308, %lt3A_309 : i32
      %convert_element_type3A_311 = arith.extui %lt3A_310 : i1 to i32
      %cond3A_312 = arith.constant 0 : i32
      %cond3A_313 = arith.cmpi ne, %convert_element_type3A_311, %cond3A_312 : i32
      scf.if %cond3A_313 {
        %dma_wait3A_329 = arith.constant 0 : i32
        %dma_wait3A_330 = arith.constant 0 : i32
        %dma_wait3A_331 = tpu.memref_slice %arg2[%dma_wait3A_329, %dma_wait3A_330] : memref<10000x128xf32, #tpu.memory_space<hbm>> -> memref<80x128xf32, #tpu.memory_space<hbm>>
        %dma_wait3A_332 = arith.constant 0 : i32
        %dma_wait3A_333 = arith.constant 0 : i32
        %dma_wait3A_334 = tpu.memref_slice %arg2[%dma_wait3A_332, %dma_wait3A_333] : memref<10000x128xf32, #tpu.memory_space<hbm>> -> memref<80x128xf32, #tpu.memory_space<hbm>>
        tpu.wait_dma2 semaphore(%arg15 : memref<!tpu.dma_semaphore, #tpu.memory_space<semaphore_mem>>) src(%dma_wait3A_334 : memref<80x128xf32, #tpu.memory_space<hbm>>) dst(%arg11 : memref<80x128xf32, #tpu.memory_space<vmem>>)
        %dma_start3A_335 = arith.constant 0 : i32
        %dma_start3A_336 = tpu.memref_slice %arg8[%add3A_308, %dma_start3A_335] : memref<64x80xi32, #tpu.memory_space<vmem>> -> memref<1x80xi32, #tpu.memory_space<vmem>>
        %dma_start3A_337 = tpu.memref_squeeze %dma_start3A_336 : memref<1x80xi32, #tpu.memory_space<vmem>> -> memref<80xi32, #tpu.memory_space<vmem>>
        %dma_start3A_338 = arith.constant 0 : i32
        %dma_start3A_339 = arith.constant 0 : i32
        %dma_start3A_340 = tpu.memref_slice %arg12[%dma_start3A_338, %dma_start3A_339] : memref<10000x128xf32, #tpu.memory_space<vmem_shared>> -> memref<10000x128xf32, #tpu.memory_space<vmem_shared>>
        tpu.enqueue_indirect_dma source(%arg11 : memref<80x128xf32, #tpu.memory_space<vmem>>) target(%dma_start3A_340 : memref<10000x128xf32, #tpu.memory_space<vmem_shared>>) offsets(%dma_start3A_337 : memref<80xi32, #tpu.memory_space<vmem>>) semaphore(%arg18 : memref<!tpu.dma_semaphore, #tpu.memory_space<semaphore_mem>>) {add = true}
      } else {
      }
      %add3A_314 = arith.constant 2 : i32
      %add3A_315 = arith.addi %add3A_308, %add3A_314 : i32
      %lt3A_316 = arith.constant 61 : i32
      %lt3A_317 = arith.cmpi slt, %add3A_315, %lt3A_316 : i32
      %gt3A_318 = arith.constant 0 : i32
      %gt3A_319 = arith.cmpi sgt, %add3A_308, %gt3A_318 : i32
      %and3A_320 = arith.andi %lt3A_317, %gt3A_319 : i1
      %convert_element_type3A_321 = arith.extui %and3A_320 : i1 to i32
      %cond3A_322 = arith.constant 0 : i32
      %cond3A_323 = arith.cmpi ne, %convert_element_type3A_321, %cond3A_322 : i32
      scf.if %cond3A_323 {
        %dma_wait3A_329 = arith.constant 0 : i32
        %dma_wait3A_330 = arith.constant 0 : i32
        %dma_wait3A_331 = tpu.memref_slice %arg2[%dma_wait3A_329, %dma_wait3A_330] : memref<10000x128xf32, #tpu.memory_space<hbm>> -> memref<80x128xf32, #tpu.memory_space<hbm>>
        %dma_wait3A_332 = arith.constant 0 : i32
        %dma_wait3A_333 = arith.constant 0 : i32
        %dma_wait3A_334 = tpu.memref_slice %arg2[%dma_wait3A_332, %dma_wait3A_333] : memref<10000x128xf32, #tpu.memory_space<hbm>> -> memref<80x128xf32, #tpu.memory_space<hbm>>
        tpu.wait_dma2 semaphore(%arg17 : memref<!tpu.dma_semaphore, #tpu.memory_space<semaphore_mem>>) src(%dma_wait3A_334 : memref<80x128xf32, #tpu.memory_space<hbm>>) dst(%arg10 : memref<80x128xf32, #tpu.memory_space<vmem>>)
        %add3A_335 = arith.constant 2 : i32
        %add3A_336 = arith.addi %add3A_308, %add3A_335 : i32
        %mul3A_337 = arith.constant 80 : i32
        %mul3A_338 = arith.muli %add3A_336, %mul3A_337 : i32
        %dma_start3A_339 = tpu.memref_slice %arg7[%mul3A_338] : memref<5120xi32, #tpu.memory_space<vmem>> -> memref<80xi32, #tpu.memory_space<vmem>>
        %dma_start3A_340 = arith.constant 0 : i32
        %dma_start3A_341 = arith.constant 0 : i32
        %dma_start3A_342 = tpu.memref_slice %arg2[%dma_start3A_340, %dma_start3A_341] : memref<10000x128xf32, #tpu.memory_space<hbm>> -> memref<10000x128xf32, #tpu.memory_space<hbm>>
        tpu.enqueue_indirect_dma source(%dma_start3A_342 : memref<10000x128xf32, #tpu.memory_space<hbm>>) target(%arg10 : memref<80x128xf32, #tpu.memory_space<vmem>>) offsets(%dma_start3A_339 : memref<80xi32, #tpu.memory_space<vmem>>) semaphore(%arg14 : memref<!tpu.dma_semaphore, #tpu.memory_space<semaphore_mem>>)
      } else {
      }
      %eq3A_324 = arith.constant 0 : i32
      %eq3A_325 = arith.cmpi eq, %add3A_308, %eq3A_324 : i32
      %convert_element_type3A_326 = arith.extui %eq3A_325 : i1 to i32
      %cond3A_327 = arith.constant 0 : i32
      %cond3A_328 = arith.cmpi ne, %convert_element_type3A_326, %cond3A_327 : i32
      scf.if %cond3A_328 {
        %dma_start3A_329 = arith.constant 160 : i32
        %dma_start3A_330 = tpu.memref_slice %arg7[%dma_start3A_329] : memref<5120xi32, #tpu.memory_space<vmem>> -> memref<80xi32, #tpu.memory_space<vmem>>
        %dma_start3A_331 = arith.constant 0 : i32
        %dma_start3A_332 = arith.constant 0 : i32
        %dma_start3A_333 = tpu.memref_slice %arg2[%dma_start3A_331, %dma_start3A_332] : memref<10000x128xf32, #tpu.memory_space<hbm>> -> memref<10000x128xf32, #tpu.memory_space<hbm>>
        tpu.enqueue_indirect_dma source(%dma_start3A_333 : memref<10000x128xf32, #tpu.memory_space<hbm>>) target(%arg11 : memref<80x128xf32, #tpu.memory_space<vmem>>) offsets(%dma_start3A_330 : memref<80xi32, #tpu.memory_space<vmem>>) semaphore(%arg15 : memref<!tpu.dma_semaphore, #tpu.memory_space<semaphore_mem>>)
      } else {
      }
    }
    %scan3A_162 = arith.constant 21 : i32
    %dma_wait3A_163 = arith.constant 0 : i32
    %dma_wait3A_164 = arith.constant 0 : i32
    %dma_wait3A_165 = tpu.memref_slice %arg2[%dma_wait3A_163, %dma_wait3A_164] : memref<10000x128xf32, #tpu.memory_space<hbm>> -> memref<80x128xf32, #tpu.memory_space<hbm>>
    %dma_wait3A_166 = arith.constant 0 : i32
    %dma_wait3A_167 = arith.constant 0 : i32
    %dma_wait3A_168 = tpu.memref_slice %arg2[%dma_wait3A_166, %dma_wait3A_167] : memref<10000x128xf32, #tpu.memory_space<hbm>> -> memref<80x128xf32, #tpu.memory_space<hbm>>
    tpu.wait_dma2 semaphore(%arg17 : memref<!tpu.dma_semaphore, #tpu.memory_space<semaphore_mem>>) src(%dma_wait3A_168 : memref<80x128xf32, #tpu.memory_space<hbm>>) dst(%arg9 : memref<80x128xf32, #tpu.memory_space<vmem>>)
    %dma_wait3A_169 = arith.constant 0 : i32
    %dma_wait3A_170 = arith.constant 0 : i32
    %dma_wait3A_171 = tpu.memref_slice %arg2[%dma_wait3A_169, %dma_wait3A_170] : memref<10000x128xf32, #tpu.memory_space<hbm>> -> memref<80x128xf32, #tpu.memory_space<hbm>>
    %dma_wait3A_172 = arith.constant 0 : i32
    %dma_wait3A_173 = arith.constant 0 : i32
    %dma_wait3A_174 = tpu.memref_slice %arg2[%dma_wait3A_172, %dma_wait3A_173] : memref<10000x128xf32, #tpu.memory_space<hbm>> -> memref<80x128xf32, #tpu.memory_space<hbm>>
    tpu.wait_dma2 semaphore(%arg18 : memref<!tpu.dma_semaphore, #tpu.memory_space<semaphore_mem>>) src(%dma_wait3A_174 : memref<80x128xf32, #tpu.memory_space<hbm>>) dst(%arg10 : memref<80x128xf32, #tpu.memory_space<vmem>>)
    %dma_wait3A_175 = arith.constant 0 : i32
    %dma_wait3A_176 = arith.constant 0 : i32
    %dma_wait3A_177 = tpu.memref_slice %arg2[%dma_wait3A_175, %dma_wait3A_176] : memref<10000x128xf32, #tpu.memory_space<hbm>> -> memref<80x128xf32, #tpu.memory_space<hbm>>
    %dma_wait3A_178 = arith.constant 0 : i32
    %dma_wait3A_179 = arith.constant 0 : i32
    %dma_wait3A_180 = tpu.memref_slice %arg2[%dma_wait3A_178, %dma_wait3A_179] : memref<10000x128xf32, #tpu.memory_space<hbm>> -> memref<80x128xf32, #tpu.memory_space<hbm>>
    tpu.wait_dma2 semaphore(%arg16 : memref<!tpu.dma_semaphore, #tpu.memory_space<semaphore_mem>>) src(%dma_wait3A_180 : memref<80x128xf32, #tpu.memory_space<hbm>>) dst(%arg11 : memref<80x128xf32, #tpu.memory_space<vmem>>)
    %barrier3A_181 = arith.constant 0 : index
    tpu.barrier barrier_id(%barrier3A_181)
    %add3A_182 = arith.constant 0 : i32
    %add3A_183 = arith.addi %arg1, %add3A_182 : i32
    %lt3A_184 = arith.constant 125 : i32
    %lt3A_185 = arith.cmpi slt, %add3A_183, %lt3A_184 : i32
    %convert_element_type3A_186 = arith.extui %lt3A_185 : i1 to i32
    %cond3A_187 = arith.constant 0 : i32
    %cond3A_188 = arith.cmpi ne, %convert_element_type3A_186, %cond3A_187 : i32
    scf.if %cond3A_188 {
      %mul3A_259 = arith.constant 80 : i32
      %mul3A_260 = arith.muli %add3A_183, %mul3A_259 : i32
      "tpu.region"() ({
        %run_scoped3A = tpu.sem_alloc : memref<!tpu.dma_semaphore, #tpu.memory_space<semaphore_mem>>
        %dma_start3A_270 = arith.constant 0 : i32
        %dma_start3A_271 = tpu.memref_slice %arg12[%mul3A_260, %dma_start3A_270] : memref<10000x128xf32, #tpu.memory_space<vmem_shared>> -> memref<80x128xf32, #tpu.memory_space<vmem_shared>>
        %dma_start3A_272 = arith.constant 0 : i32
        %dma_start3A_273 = tpu.memref_slice %arg12[%mul3A_260, %dma_start3A_272] : memref<10000x128xf32, #tpu.memory_space<vmem_shared>> -> memref<80x128xf32, #tpu.memory_space<vmem_shared>>
        tpu.enqueue_dma source(%dma_start3A_273 : memref<80x128xf32, #tpu.memory_space<vmem_shared>>) target(%arg9 : memref<80x128xf32, #tpu.memory_space<vmem>>) target_semaphore(%run_scoped3A : memref<!tpu.dma_semaphore, #tpu.memory_space<semaphore_mem>>)
        %dma_wait3A_274 = arith.constant 0 : i32
        %dma_wait3A_275 = tpu.memref_slice %arg12[%mul3A_260, %dma_wait3A_274] : memref<10000x128xf32, #tpu.memory_space<vmem_shared>> -> memref<80x128xf32, #tpu.memory_space<vmem_shared>>
        %dma_wait3A_276 = arith.constant 0 : i32
        %dma_wait3A_277 = tpu.memref_slice %arg12[%mul3A_260, %dma_wait3A_276] : memref<10000x128xf32, #tpu.memory_space<vmem_shared>> -> memref<80x128xf32, #tpu.memory_space<vmem_shared>>
        tpu.wait_dma2 semaphore(%run_scoped3A : memref<!tpu.dma_semaphore, #tpu.memory_space<semaphore_mem>>) src(%dma_wait3A_277 : memref<80x128xf32, #tpu.memory_space<vmem_shared>>) dst(%arg9 : memref<80x128xf32, #tpu.memory_space<vmem>>)
        tpu.yield
      }) : () -> ()
      %mul3A_261 = arith.constant 10000 : i32
      %mul3A_262 = arith.muli %arg0, %mul3A_261 : i32
      %mul3A_263 = arith.constant 80 : i32
      %mul3A_264 = arith.muli %add3A_183, %mul3A_263 : i32
      %add3A_265 = arith.addi %mul3A_262, %mul3A_264 : i32
      %dma_start3A_266 = arith.constant 0 : i32
      %dma_start3A_267 = tpu.memref_slice %arg6[%add3A_265, %dma_start3A_266] : memref<20000x128xf32, #tpu.memory_space<hbm>> -> memref<80x128xf32, #tpu.memory_space<hbm>>
      %dma_start3A_268 = arith.constant 0 : i32
      %dma_start3A_269 = tpu.memref_slice %arg6[%add3A_265, %dma_start3A_268] : memref<20000x128xf32, #tpu.memory_space<hbm>> -> memref<80x128xf32, #tpu.memory_space<hbm>>
      tpu.enqueue_dma source(%arg9 : memref<80x128xf32, #tpu.memory_space<vmem>>) target(%dma_start3A_269 : memref<80x128xf32, #tpu.memory_space<hbm>>) target_semaphore(%arg16 : memref<!tpu.dma_semaphore, #tpu.memory_space<semaphore_mem>>)
    } else {
    }
    %add3A_189 = arith.constant 16 : i32
    %add3A_190 = arith.addi %arg1, %add3A_189 : i32
    %lt3A_191 = arith.constant 125 : i32
    %lt3A_192 = arith.cmpi slt, %add3A_190, %lt3A_191 : i32
    %convert_element_type3A_193 = arith.extui %lt3A_192 : i1 to i32
    %cond3A_194 = arith.constant 0 : i32
    %cond3A_195 = arith.cmpi ne, %convert_element_type3A_193, %cond3A_194 : i32
    scf.if %cond3A_195 {
      %mul3A_259 = arith.constant 80 : i32
      %mul3A_260 = arith.muli %add3A_190, %mul3A_259 : i32
      "tpu.region"() ({
        %run_scoped3A = tpu.sem_alloc : memref<!tpu.dma_semaphore, #tpu.memory_space<semaphore_mem>>
        %dma_start3A_270 = arith.constant 0 : i32
        %dma_start3A_271 = tpu.memref_slice %arg12[%mul3A_260, %dma_start3A_270] : memref<10000x128xf32, #tpu.memory_space<vmem_shared>> -> memref<80x128xf32, #tpu.memory_space<vmem_shared>>
        %dma_start3A_272 = arith.constant 0 : i32
        %dma_start3A_273 = tpu.memref_slice %arg12[%mul3A_260, %dma_start3A_272] : memref<10000x128xf32, #tpu.memory_space<vmem_shared>> -> memref<80x128xf32, #tpu.memory_space<vmem_shared>>
        tpu.enqueue_dma source(%dma_start3A_273 : memref<80x128xf32, #tpu.memory_space<vmem_shared>>) target(%arg10 : memref<80x128xf32, #tpu.memory_space<vmem>>) target_semaphore(%run_scoped3A : memref<!tpu.dma_semaphore, #tpu.memory_space<semaphore_mem>>)
        %dma_wait3A_274 = arith.constant 0 : i32
        %dma_wait3A_275 = tpu.memref_slice %arg12[%mul3A_260, %dma_wait3A_274] : memref<10000x128xf32, #tpu.memory_space<vmem_shared>> -> memref<80x128xf32, #tpu.memory_space<vmem_shared>>
        %dma_wait3A_276 = arith.constant 0 : i32
        %dma_wait3A_277 = tpu.memref_slice %arg12[%mul3A_260, %dma_wait3A_276] : memref<10000x128xf32, #tpu.memory_space<vmem_shared>> -> memref<80x128xf32, #tpu.memory_space<vmem_shared>>
        tpu.wait_dma2 semaphore(%run_scoped3A : memref<!tpu.dma_semaphore, #tpu.memory_space<semaphore_mem>>) src(%dma_wait3A_277 : memref<80x128xf32, #tpu.memory_space<vmem_shared>>) dst(%arg10 : memref<80x128xf32, #tpu.memory_space<vmem>>)
        tpu.yield
      }) : () -> ()
      %mul3A_261 = arith.constant 10000 : i32
      %mul3A_262 = arith.muli %arg0, %mul3A_261 : i32
      %mul3A_263 = arith.constant 80 : i32
      %mul3A_264 = arith.muli %add3A_190, %mul3A_263 : i32
      %add3A_265 = arith.addi %mul3A_262, %mul3A_264 : i32
      %dma_start3A_266 = arith.constant 0 : i32
      %dma_start3A_267 = tpu.memref_slice %arg6[%add3A_265, %dma_start3A_266] : memref<20000x128xf32, #tpu.memory_space<hbm>> -> memref<80x128xf32, #tpu.memory_space<hbm>>
      %dma_start3A_268 = arith.constant 0 : i32
      %dma_start3A_269 = tpu.memref_slice %arg6[%add3A_265, %dma_start3A_268] : memref<20000x128xf32, #tpu.memory_space<hbm>> -> memref<80x128xf32, #tpu.memory_space<hbm>>
      tpu.enqueue_dma source(%arg10 : memref<80x128xf32, #tpu.memory_space<vmem>>) target(%dma_start3A_269 : memref<80x128xf32, #tpu.memory_space<hbm>>) target_semaphore(%arg17 : memref<!tpu.dma_semaphore, #tpu.memory_space<semaphore_mem>>)
    } else {
    }
    %add3A_196 = arith.constant 32 : i32
    %add3A_197 = arith.addi %arg1, %add3A_196 : i32
    %lt3A_198 = arith.constant 125 : i32
    %lt3A_199 = arith.cmpi slt, %add3A_197, %lt3A_198 : i32
    %convert_element_type3A_200 = arith.extui %lt3A_199 : i1 to i32
    %cond3A_201 = arith.constant 0 : i32
    %cond3A_202 = arith.cmpi ne, %convert_element_type3A_200, %cond3A_201 : i32
    scf.if %cond3A_202 {
      %mul3A_259 = arith.constant 80 : i32
      %mul3A_260 = arith.muli %add3A_197, %mul3A_259 : i32
      "tpu.region"() ({
        %run_scoped3A = tpu.sem_alloc : memref<!tpu.dma_semaphore, #tpu.memory_space<semaphore_mem>>
        %dma_start3A_270 = arith.constant 0 : i32
        %dma_start3A_271 = tpu.memref_slice %arg12[%mul3A_260, %dma_start3A_270] : memref<10000x128xf32, #tpu.memory_space<vmem_shared>> -> memref<80x128xf32, #tpu.memory_space<vmem_shared>>
        %dma_start3A_272 = arith.constant 0 : i32
        %dma_start3A_273 = tpu.memref_slice %arg12[%mul3A_260, %dma_start3A_272] : memref<10000x128xf32, #tpu.memory_space<vmem_shared>> -> memref<80x128xf32, #tpu.memory_space<vmem_shared>>
        tpu.enqueue_dma source(%dma_start3A_273 : memref<80x128xf32, #tpu.memory_space<vmem_shared>>) target(%arg11 : memref<80x128xf32, #tpu.memory_space<vmem>>) target_semaphore(%run_scoped3A : memref<!tpu.dma_semaphore, #tpu.memory_space<semaphore_mem>>)
        %dma_wait3A_274 = arith.constant 0 : i32
        %dma_wait3A_275 = tpu.memref_slice %arg12[%mul3A_260, %dma_wait3A_274] : memref<10000x128xf32, #tpu.memory_space<vmem_shared>> -> memref<80x128xf32, #tpu.memory_space<vmem_shared>>
        %dma_wait3A_276 = arith.constant 0 : i32
        %dma_wait3A_277 = tpu.memref_slice %arg12[%mul3A_260, %dma_wait3A_276] : memref<10000x128xf32, #tpu.memory_space<vmem_shared>> -> memref<80x128xf32, #tpu.memory_space<vmem_shared>>
        tpu.wait_dma2 semaphore(%run_scoped3A : memref<!tpu.dma_semaphore, #tpu.memory_space<semaphore_mem>>) src(%dma_wait3A_277 : memref<80x128xf32, #tpu.memory_space<vmem_shared>>) dst(%arg11 : memref<80x128xf32, #tpu.memory_space<vmem>>)
        tpu.yield
      }) : () -> ()
      %mul3A_261 = arith.constant 10000 : i32
      %mul3A_262 = arith.muli %arg0, %mul3A_261 : i32
      %mul3A_263 = arith.constant 80 : i32
      %mul3A_264 = arith.muli %add3A_197, %mul3A_263 : i32
      %add3A_265 = arith.addi %mul3A_262, %mul3A_264 : i32
      %dma_start3A_266 = arith.constant 0 : i32
      %dma_start3A_267 = tpu.memref_slice %arg6[%add3A_265, %dma_start3A_266] : memref<20000x128xf32, #tpu.memory_space<hbm>> -> memref<80x128xf32, #tpu.memory_space<hbm>>
      %dma_start3A_268 = arith.constant 0 : i32
      %dma_start3A_269 = tpu.memref_slice %arg6[%add3A_265, %dma_start3A_268] : memref<20000x128xf32, #tpu.memory_space<hbm>> -> memref<80x128xf32, #tpu.memory_space<hbm>>
      tpu.enqueue_dma source(%arg11 : memref<80x128xf32, #tpu.memory_space<vmem>>) target(%dma_start3A_269 : memref<80x128xf32, #tpu.memory_space<hbm>>) target_semaphore(%arg18 : memref<!tpu.dma_semaphore, #tpu.memory_space<semaphore_mem>>)
    } else {
    }
    %add3A_203 = arith.constant 48 : i32
    %add3A_204 = arith.addi %arg1, %add3A_203 : i32
    %lt3A_205 = arith.constant 125 : i32
    %lt3A_206 = arith.cmpi slt, %add3A_204, %lt3A_205 : i32
    %convert_element_type3A_207 = arith.extui %lt3A_206 : i1 to i32
    %cond3A_208 = arith.constant 0 : i32
    %cond3A_209 = arith.cmpi ne, %convert_element_type3A_207, %cond3A_208 : i32
    scf.if %cond3A_209 {
      tpu.wait_dma2 semaphore(%arg16 : memref<!tpu.dma_semaphore, #tpu.memory_space<semaphore_mem>>) src(%arg5 : memref<80x128xf32, #tpu.memory_space<hbm>>) dst(%arg9 : memref<80x128xf32, #tpu.memory_space<vmem>>)
      %mul3A_259 = arith.constant 80 : i32
      %mul3A_260 = arith.muli %add3A_204, %mul3A_259 : i32
      "tpu.region"() ({
        %run_scoped3A = tpu.sem_alloc : memref<!tpu.dma_semaphore, #tpu.memory_space<semaphore_mem>>
        %dma_start3A_270 = arith.constant 0 : i32
        %dma_start3A_271 = tpu.memref_slice %arg12[%mul3A_260, %dma_start3A_270] : memref<10000x128xf32, #tpu.memory_space<vmem_shared>> -> memref<80x128xf32, #tpu.memory_space<vmem_shared>>
        %dma_start3A_272 = arith.constant 0 : i32
        %dma_start3A_273 = tpu.memref_slice %arg12[%mul3A_260, %dma_start3A_272] : memref<10000x128xf32, #tpu.memory_space<vmem_shared>> -> memref<80x128xf32, #tpu.memory_space<vmem_shared>>
        tpu.enqueue_dma source(%dma_start3A_273 : memref<80x128xf32, #tpu.memory_space<vmem_shared>>) target(%arg9 : memref<80x128xf32, #tpu.memory_space<vmem>>) target_semaphore(%run_scoped3A : memref<!tpu.dma_semaphore, #tpu.memory_space<semaphore_mem>>)
        %dma_wait3A_274 = arith.constant 0 : i32
        %dma_wait3A_275 = tpu.memref_slice %arg12[%mul3A_260, %dma_wait3A_274] : memref<10000x128xf32, #tpu.memory_space<vmem_shared>> -> memref<80x128xf32, #tpu.memory_space<vmem_shared>>
        %dma_wait3A_276 = arith.constant 0 : i32
        %dma_wait3A_277 = tpu.memref_slice %arg12[%mul3A_260, %dma_wait3A_276] : memref<10000x128xf32, #tpu.memory_space<vmem_shared>> -> memref<80x128xf32, #tpu.memory_space<vmem_shared>>
        tpu.wait_dma2 semaphore(%run_scoped3A : memref<!tpu.dma_semaphore, #tpu.memory_space<semaphore_mem>>) src(%dma_wait3A_277 : memref<80x128xf32, #tpu.memory_space<vmem_shared>>) dst(%arg9 : memref<80x128xf32, #tpu.memory_space<vmem>>)
        tpu.yield
      }) : () -> ()
      %mul3A_261 = arith.constant 10000 : i32
      %mul3A_262 = arith.muli %arg0, %mul3A_261 : i32
      %mul3A_263 = arith.constant 80 : i32
      %mul3A_264 = arith.muli %add3A_204, %mul3A_263 : i32
      %add3A_265 = arith.addi %mul3A_262, %mul3A_264 : i32
      %dma_start3A_266 = arith.constant 0 : i32
      %dma_start3A_267 = tpu.memref_slice %arg6[%add3A_265, %dma_start3A_266] : memref<20000x128xf32, #tpu.memory_space<hbm>> -> memref<80x128xf32, #tpu.memory_space<hbm>>
      %dma_start3A_268 = arith.constant 0 : i32
      %dma_start3A_269 = tpu.memref_slice %arg6[%add3A_265, %dma_start3A_268] : memref<20000x128xf32, #tpu.memory_space<hbm>> -> memref<80x128xf32, #tpu.memory_space<hbm>>
      tpu.enqueue_dma source(%arg9 : memref<80x128xf32, #tpu.memory_space<vmem>>) target(%dma_start3A_269 : memref<80x128xf32, #tpu.memory_space<hbm>>) target_semaphore(%arg16 : memref<!tpu.dma_semaphore, #tpu.memory_space<semaphore_mem>>)
    } else {
    }
    %add3A_210 = arith.constant 64 : i32
    %add3A_211 = arith.addi %arg1, %add3A_210 : i32
    %lt3A_212 = arith.constant 125 : i32
    %lt3A_213 = arith.cmpi slt, %add3A_211, %lt3A_212 : i32
    %convert_element_type3A_214 = arith.extui %lt3A_213 : i1 to i32
    %cond3A_215 = arith.constant 0 : i32
    %cond3A_216 = arith.cmpi ne, %convert_element_type3A_214, %cond3A_215 : i32
    scf.if %cond3A_216 {
      tpu.wait_dma2 semaphore(%arg17 : memref<!tpu.dma_semaphore, #tpu.memory_space<semaphore_mem>>) src(%arg5 : memref<80x128xf32, #tpu.memory_space<hbm>>) dst(%arg10 : memref<80x128xf32, #tpu.memory_space<vmem>>)
      %mul3A_259 = arith.constant 80 : i32
      %mul3A_260 = arith.muli %add3A_211, %mul3A_259 : i32
      "tpu.region"() ({
        %run_scoped3A = tpu.sem_alloc : memref<!tpu.dma_semaphore, #tpu.memory_space<semaphore_mem>>
        %dma_start3A_270 = arith.constant 0 : i32
        %dma_start3A_271 = tpu.memref_slice %arg12[%mul3A_260, %dma_start3A_270] : memref<10000x128xf32, #tpu.memory_space<vmem_shared>> -> memref<80x128xf32, #tpu.memory_space<vmem_shared>>
        %dma_start3A_272 = arith.constant 0 : i32
        %dma_start3A_273 = tpu.memref_slice %arg12[%mul3A_260, %dma_start3A_272] : memref<10000x128xf32, #tpu.memory_space<vmem_shared>> -> memref<80x128xf32, #tpu.memory_space<vmem_shared>>
        tpu.enqueue_dma source(%dma_start3A_273 : memref<80x128xf32, #tpu.memory_space<vmem_shared>>) target(%arg10 : memref<80x128xf32, #tpu.memory_space<vmem>>) target_semaphore(%run_scoped3A : memref<!tpu.dma_semaphore, #tpu.memory_space<semaphore_mem>>)
        %dma_wait3A_274 = arith.constant 0 : i32
        %dma_wait3A_275 = tpu.memref_slice %arg12[%mul3A_260, %dma_wait3A_274] : memref<10000x128xf32, #tpu.memory_space<vmem_shared>> -> memref<80x128xf32, #tpu.memory_space<vmem_shared>>
        %dma_wait3A_276 = arith.constant 0 : i32
        %dma_wait3A_277 = tpu.memref_slice %arg12[%mul3A_260, %dma_wait3A_276] : memref<10000x128xf32, #tpu.memory_space<vmem_shared>> -> memref<80x128xf32, #tpu.memory_space<vmem_shared>>
        tpu.wait_dma2 semaphore(%run_scoped3A : memref<!tpu.dma_semaphore, #tpu.memory_space<semaphore_mem>>) src(%dma_wait3A_277 : memref<80x128xf32, #tpu.memory_space<vmem_shared>>) dst(%arg10 : memref<80x128xf32, #tpu.memory_space<vmem>>)
        tpu.yield
      }) : () -> ()
      %mul3A_261 = arith.constant 10000 : i32
      %mul3A_262 = arith.muli %arg0, %mul3A_261 : i32
      %mul3A_263 = arith.constant 80 : i32
      %mul3A_264 = arith.muli %add3A_211, %mul3A_263 : i32
      %add3A_265 = arith.addi %mul3A_262, %mul3A_264 : i32
      %dma_start3A_266 = arith.constant 0 : i32
      %dma_start3A_267 = tpu.memref_slice %arg6[%add3A_265, %dma_start3A_266] : memref<20000x128xf32, #tpu.memory_space<hbm>> -> memref<80x128xf32, #tpu.memory_space<hbm>>
      %dma_start3A_268 = arith.constant 0 : i32
      %dma_start3A_269 = tpu.memref_slice %arg6[%add3A_265, %dma_start3A_268] : memref<20000x128xf32, #tpu.memory_space<hbm>> -> memref<80x128xf32, #tpu.memory_space<hbm>>
      tpu.enqueue_dma source(%arg10 : memref<80x128xf32, #tpu.memory_space<vmem>>) target(%dma_start3A_269 : memref<80x128xf32, #tpu.memory_space<hbm>>) target_semaphore(%arg17 : memref<!tpu.dma_semaphore, #tpu.memory_space<semaphore_mem>>)
    } else {
    }
    %add3A_217 = arith.constant 80 : i32
    %add3A_218 = arith.addi %arg1, %add3A_217 : i32
    %lt3A_219 = arith.constant 125 : i32
    %lt3A_220 = arith.cmpi slt, %add3A_218, %lt3A_219 : i32
    %convert_element_type3A_221 = arith.extui %lt3A_220 : i1 to i32
    %cond3A_222 = arith.constant 0 : i32
    %cond3A_223 = arith.cmpi ne, %convert_element_type3A_221, %cond3A_222 : i32
    scf.if %cond3A_223 {
      tpu.wait_dma2 semaphore(%arg18 : memref<!tpu.dma_semaphore, #tpu.memory_space<semaphore_mem>>) src(%arg5 : memref<80x128xf32, #tpu.memory_space<hbm>>) dst(%arg11 : memref<80x128xf32, #tpu.memory_space<vmem>>)
      %mul3A_259 = arith.constant 80 : i32
      %mul3A_260 = arith.muli %add3A_218, %mul3A_259 : i32
      "tpu.region"() ({
        %run_scoped3A = tpu.sem_alloc : memref<!tpu.dma_semaphore, #tpu.memory_space<semaphore_mem>>
        %dma_start3A_270 = arith.constant 0 : i32
        %dma_start3A_271 = tpu.memref_slice %arg12[%mul3A_260, %dma_start3A_270] : memref<10000x128xf32, #tpu.memory_space<vmem_shared>> -> memref<80x128xf32, #tpu.memory_space<vmem_shared>>
        %dma_start3A_272 = arith.constant 0 : i32
        %dma_start3A_273 = tpu.memref_slice %arg12[%mul3A_260, %dma_start3A_272] : memref<10000x128xf32, #tpu.memory_space<vmem_shared>> -> memref<80x128xf32, #tpu.memory_space<vmem_shared>>
        tpu.enqueue_dma source(%dma_start3A_273 : memref<80x128xf32, #tpu.memory_space<vmem_shared>>) target(%arg11 : memref<80x128xf32, #tpu.memory_space<vmem>>) target_semaphore(%run_scoped3A : memref<!tpu.dma_semaphore, #tpu.memory_space<semaphore_mem>>)
        %dma_wait3A_274 = arith.constant 0 : i32
        %dma_wait3A_275 = tpu.memref_slice %arg12[%mul3A_260, %dma_wait3A_274] : memref<10000x128xf32, #tpu.memory_space<vmem_shared>> -> memref<80x128xf32, #tpu.memory_space<vmem_shared>>
        %dma_wait3A_276 = arith.constant 0 : i32
        %dma_wait3A_277 = tpu.memref_slice %arg12[%mul3A_260, %dma_wait3A_276] : memref<10000x128xf32, #tpu.memory_space<vmem_shared>> -> memref<80x128xf32, #tpu.memory_space<vmem_shared>>
        tpu.wait_dma2 semaphore(%run_scoped3A : memref<!tpu.dma_semaphore, #tpu.memory_space<semaphore_mem>>) src(%dma_wait3A_277 : memref<80x128xf32, #tpu.memory_space<vmem_shared>>) dst(%arg11 : memref<80x128xf32, #tpu.memory_space<vmem>>)
        tpu.yield
      }) : () -> ()
      %mul3A_261 = arith.constant 10000 : i32
      %mul3A_262 = arith.muli %arg0, %mul3A_261 : i32
      %mul3A_263 = arith.constant 80 : i32
      %mul3A_264 = arith.muli %add3A_218, %mul3A_263 : i32
      %add3A_265 = arith.addi %mul3A_262, %mul3A_264 : i32
      %dma_start3A_266 = arith.constant 0 : i32
      %dma_start3A_267 = tpu.memref_slice %arg6[%add3A_265, %dma_start3A_266] : memref<20000x128xf32, #tpu.memory_space<hbm>> -> memref<80x128xf32, #tpu.memory_space<hbm>>
      %dma_start3A_268 = arith.constant 0 : i32
      %dma_start3A_269 = tpu.memref_slice %arg6[%add3A_265, %dma_start3A_268] : memref<20000x128xf32, #tpu.memory_space<hbm>> -> memref<80x128xf32, #tpu.memory_space<hbm>>
      tpu.enqueue_dma source(%arg11 : memref<80x128xf32, #tpu.memory_space<vmem>>) target(%dma_start3A_269 : memref<80x128xf32, #tpu.memory_space<hbm>>) target_semaphore(%arg18 : memref<!tpu.dma_semaphore, #tpu.memory_space<semaphore_mem>>)
    } else {
    }
    %add3A_224 = arith.constant 96 : i32
    %add3A_225 = arith.addi %arg1, %add3A_224 : i32
    %lt3A_226 = arith.constant 125 : i32
    %lt3A_227 = arith.cmpi slt, %add3A_225, %lt3A_226 : i32
    %convert_element_type3A_228 = arith.extui %lt3A_227 : i1 to i32
    %cond3A_229 = arith.constant 0 : i32
    %cond3A_230 = arith.cmpi ne, %convert_element_type3A_228, %cond3A_229 : i32
    scf.if %cond3A_230 {
      tpu.wait_dma2 semaphore(%arg16 : memref<!tpu.dma_semaphore, #tpu.memory_space<semaphore_mem>>) src(%arg5 : memref<80x128xf32, #tpu.memory_space<hbm>>) dst(%arg9 : memref<80x128xf32, #tpu.memory_space<vmem>>)
      %mul3A_259 = arith.constant 80 : i32
      %mul3A_260 = arith.muli %add3A_225, %mul3A_259 : i32
      "tpu.region"() ({
        %run_scoped3A = tpu.sem_alloc : memref<!tpu.dma_semaphore, #tpu.memory_space<semaphore_mem>>
        %dma_start3A_270 = arith.constant 0 : i32
        %dma_start3A_271 = tpu.memref_slice %arg12[%mul3A_260, %dma_start3A_270] : memref<10000x128xf32, #tpu.memory_space<vmem_shared>> -> memref<80x128xf32, #tpu.memory_space<vmem_shared>>
        %dma_start3A_272 = arith.constant 0 : i32
        %dma_start3A_273 = tpu.memref_slice %arg12[%mul3A_260, %dma_start3A_272] : memref<10000x128xf32, #tpu.memory_space<vmem_shared>> -> memref<80x128xf32, #tpu.memory_space<vmem_shared>>
        tpu.enqueue_dma source(%dma_start3A_273 : memref<80x128xf32, #tpu.memory_space<vmem_shared>>) target(%arg9 : memref<80x128xf32, #tpu.memory_space<vmem>>) target_semaphore(%run_scoped3A : memref<!tpu.dma_semaphore, #tpu.memory_space<semaphore_mem>>)
        %dma_wait3A_274 = arith.constant 0 : i32
        %dma_wait3A_275 = tpu.memref_slice %arg12[%mul3A_260, %dma_wait3A_274] : memref<10000x128xf32, #tpu.memory_space<vmem_shared>> -> memref<80x128xf32, #tpu.memory_space<vmem_shared>>
        %dma_wait3A_276 = arith.constant 0 : i32
        %dma_wait3A_277 = tpu.memref_slice %arg12[%mul3A_260, %dma_wait3A_276] : memref<10000x128xf32, #tpu.memory_space<vmem_shared>> -> memref<80x128xf32, #tpu.memory_space<vmem_shared>>
        tpu.wait_dma2 semaphore(%run_scoped3A : memref<!tpu.dma_semaphore, #tpu.memory_space<semaphore_mem>>) src(%dma_wait3A_277 : memref<80x128xf32, #tpu.memory_space<vmem_shared>>) dst(%arg9 : memref<80x128xf32, #tpu.memory_space<vmem>>)
        tpu.yield
      }) : () -> ()
      %mul3A_261 = arith.constant 10000 : i32
      %mul3A_262 = arith.muli %arg0, %mul3A_261 : i32
      %mul3A_263 = arith.constant 80 : i32
      %mul3A_264 = arith.muli %add3A_225, %mul3A_263 : i32
      %add3A_265 = arith.addi %mul3A_262, %mul3A_264 : i32
      %dma_start3A_266 = arith.constant 0 : i32
      %dma_start3A_267 = tpu.memref_slice %arg6[%add3A_265, %dma_start3A_266] : memref<20000x128xf32, #tpu.memory_space<hbm>> -> memref<80x128xf32, #tpu.memory_space<hbm>>
      %dma_start3A_268 = arith.constant 0 : i32
      %dma_start3A_269 = tpu.memref_slice %arg6[%add3A_265, %dma_start3A_268] : memref<20000x128xf32, #tpu.memory_space<hbm>> -> memref<80x128xf32, #tpu.memory_space<hbm>>
      tpu.enqueue_dma source(%arg9 : memref<80x128xf32, #tpu.memory_space<vmem>>) target(%dma_start3A_269 : memref<80x128xf32, #tpu.memory_space<hbm>>) target_semaphore(%arg16 : memref<!tpu.dma_semaphore, #tpu.memory_space<semaphore_mem>>)
    } else {
    }
    %add3A_231 = arith.constant 112 : i32
    %add3A_232 = arith.addi %arg1, %add3A_231 : i32
    %lt3A_233 = arith.constant 125 : i32
    %lt3A_234 = arith.cmpi slt, %add3A_232, %lt3A_233 : i32
    %convert_element_type3A_235 = arith.extui %lt3A_234 : i1 to i32
    %cond3A_236 = arith.constant 0 : i32
    %cond3A_237 = arith.cmpi ne, %convert_element_type3A_235, %cond3A_236 : i32
    scf.if %cond3A_237 {
      tpu.wait_dma2 semaphore(%arg17 : memref<!tpu.dma_semaphore, #tpu.memory_space<semaphore_mem>>) src(%arg5 : memref<80x128xf32, #tpu.memory_space<hbm>>) dst(%arg10 : memref<80x128xf32, #tpu.memory_space<vmem>>)
      %mul3A_259 = arith.constant 80 : i32
      %mul3A_260 = arith.muli %add3A_232, %mul3A_259 : i32
      "tpu.region"() ({
        %run_scoped3A = tpu.sem_alloc : memref<!tpu.dma_semaphore, #tpu.memory_space<semaphore_mem>>
        %dma_start3A_270 = arith.constant 0 : i32
        %dma_start3A_271 = tpu.memref_slice %arg12[%mul3A_260, %dma_start3A_270] : memref<10000x128xf32, #tpu.memory_space<vmem_shared>> -> memref<80x128xf32, #tpu.memory_space<vmem_shared>>
        %dma_start3A_272 = arith.constant 0 : i32
        %dma_start3A_273 = tpu.memref_slice %arg12[%mul3A_260, %dma_start3A_272] : memref<10000x128xf32, #tpu.memory_space<vmem_shared>> -> memref<80x128xf32, #tpu.memory_space<vmem_shared>>
        tpu.enqueue_dma source(%dma_start3A_273 : memref<80x128xf32, #tpu.memory_space<vmem_shared>>) target(%arg10 : memref<80x128xf32, #tpu.memory_space<vmem>>) target_semaphore(%run_scoped3A : memref<!tpu.dma_semaphore, #tpu.memory_space<semaphore_mem>>)
        %dma_wait3A_274 = arith.constant 0 : i32
        %dma_wait3A_275 = tpu.memref_slice %arg12[%mul3A_260, %dma_wait3A_274] : memref<10000x128xf32, #tpu.memory_space<vmem_shared>> -> memref<80x128xf32, #tpu.memory_space<vmem_shared>>
        %dma_wait3A_276 = arith.constant 0 : i32
        %dma_wait3A_277 = tpu.memref_slice %arg12[%mul3A_260, %dma_wait3A_276] : memref<10000x128xf32, #tpu.memory_space<vmem_shared>> -> memref<80x128xf32, #tpu.memory_space<vmem_shared>>
        tpu.wait_dma2 semaphore(%run_scoped3A : memref<!tpu.dma_semaphore, #tpu.memory_space<semaphore_mem>>) src(%dma_wait3A_277 : memref<80x128xf32, #tpu.memory_space<vmem_shared>>) dst(%arg10 : memref<80x128xf32, #tpu.memory_space<vmem>>)
        tpu.yield
      }) : () -> ()
      %mul3A_261 = arith.constant 10000 : i32
      %mul3A_262 = arith.muli %arg0, %mul3A_261 : i32
      %mul3A_263 = arith.constant 80 : i32
      %mul3A_264 = arith.muli %add3A_232, %mul3A_263 : i32
      %add3A_265 = arith.addi %mul3A_262, %mul3A_264 : i32
      %dma_start3A_266 = arith.constant 0 : i32
      %dma_start3A_267 = tpu.memref_slice %arg6[%add3A_265, %dma_start3A_266] : memref<20000x128xf32, #tpu.memory_space<hbm>> -> memref<80x128xf32, #tpu.memory_space<hbm>>
      %dma_start3A_268 = arith.constant 0 : i32
      %dma_start3A_269 = tpu.memref_slice %arg6[%add3A_265, %dma_start3A_268] : memref<20000x128xf32, #tpu.memory_space<hbm>> -> memref<80x128xf32, #tpu.memory_space<hbm>>
      tpu.enqueue_dma source(%arg10 : memref<80x128xf32, #tpu.memory_space<vmem>>) target(%dma_start3A_269 : memref<80x128xf32, #tpu.memory_space<hbm>>) target_semaphore(%arg17 : memref<!tpu.dma_semaphore, #tpu.memory_space<semaphore_mem>>)
    } else {
    }
    %add3A_238 = arith.constant 0 : i32
    %add3A_239 = arith.addi %arg1, %add3A_238 : i32
    %lt3A_240 = arith.constant 125 : i32
    %lt3A_241 = arith.cmpi slt, %add3A_239, %lt3A_240 : i32
    %convert_element_type3A_242 = arith.extui %lt3A_241 : i1 to i32
    %cond3A_243 = arith.constant 0 : i32
    %cond3A_244 = arith.cmpi ne, %convert_element_type3A_242, %cond3A_243 : i32
    scf.if %cond3A_244 {
      tpu.wait_dma2 semaphore(%arg16 : memref<!tpu.dma_semaphore, #tpu.memory_space<semaphore_mem>>) src(%arg5 : memref<80x128xf32, #tpu.memory_space<hbm>>) dst(%arg9 : memref<80x128xf32, #tpu.memory_space<vmem>>)
    } else {
    }
    %add3A_245 = arith.constant 16 : i32
    %add3A_246 = arith.addi %arg1, %add3A_245 : i32
    %lt3A_247 = arith.constant 125 : i32
    %lt3A_248 = arith.cmpi slt, %add3A_246, %lt3A_247 : i32
    %convert_element_type3A_249 = arith.extui %lt3A_248 : i1 to i32
    %cond3A_250 = arith.constant 0 : i32
    %cond3A_251 = arith.cmpi ne, %convert_element_type3A_249, %cond3A_250 : i32
    scf.if %cond3A_251 {
      tpu.wait_dma2 semaphore(%arg17 : memref<!tpu.dma_semaphore, #tpu.memory_space<semaphore_mem>>) src(%arg5 : memref<80x128xf32, #tpu.memory_space<hbm>>) dst(%arg10 : memref<80x128xf32, #tpu.memory_space<vmem>>)
    } else {
    }
    %add3A_252 = arith.constant 32 : i32
    %add3A_253 = arith.addi %arg1, %add3A_252 : i32
    %lt3A_254 = arith.constant 125 : i32
    %lt3A_255 = arith.cmpi slt, %add3A_253, %lt3A_254 : i32
    %convert_element_type3A_256 = arith.extui %lt3A_255 : i1 to i32
    %cond3A_257 = arith.constant 0 : i32
    %cond3A_258 = arith.cmpi ne, %convert_element_type3A_256, %cond3A_257 : i32
    scf.if %cond3A_258 {
      tpu.wait_dma2 semaphore(%arg18 : memref<!tpu.dma_semaphore, #tpu.memory_space<semaphore_mem>>) src(%arg5 : memref<80x128xf32, #tpu.memory_space<hbm>>) dst(%arg11 : memref<80x128xf32, #tpu.memory_space<vmem>>)
    } else {
    }
    return
  }
}

module attributes {stable_mosaic.version = 14 : i64} {
  func.func @_tc1_body(%arg0: i32, %arg1: memref<400x128xf32, #tpu.memory_space<vmem>>, %arg2: memref<400x1xf32, #tpu.memory_space<vmem>>, %arg3: memref<400x1xf32, #tpu.memory_space<vmem>>, %arg4: memref<400x5xf32, #tpu.memory_space<vmem>>, %arg5: memref<128x128xf32, #tpu.memory_space<vmem>>, %arg6: memref<1x128xf32, #tpu.memory_space<vmem>>, %arg7: memref<128x128xf32, #tpu.memory_space<vmem>>, %arg8: memref<5x128xf32, #tpu.memory_space<vmem>>, %arg9: memref<1x128xf32, #tpu.memory_space<vmem>>, %arg10: memref<128x128xf32, #tpu.memory_space<vmem>>, %arg11: memref<1x128xf32, #tpu.memory_space<vmem>>, %arg12: memref<128x128xf32, #tpu.memory_space<vmem>>, %arg13: memref<1x128xf32, #tpu.memory_space<vmem>>, %arg14: memref<128x128xf32, #tpu.memory_space<vmem>>, %arg15: memref<1x128xf32, #tpu.memory_space<vmem>>, %arg16: memref<128x1xf32, #tpu.memory_space<vmem>>, %arg17: memref<400x128xf32, #tpu.memory_space<vmem>>, %arg18: memref<400x1xf32, #tpu.memory_space<vmem>>, %arg19: memref<400x1xf32, #tpu.memory_space<vmem>>) attributes {dimension_semantics = [#tpu.dimension_semantics<arbitrary>], iteration_bounds = array<i64: 25>, scalar_prefetch = 0 : i64, scratch_operands = 0 : i64, tpu.core_type = #tpu.core_type<tc>, window_params = [{transform_indices = @transform_0, window_bounds = array<i64: 400, 128>}, {transform_indices = @transform_1, window_bounds = array<i64: 400, 1>}, {transform_indices = @transform_2, window_bounds = array<i64: 400, 1>}, {transform_indices = @transform_3, window_bounds = array<i64: 400, 5>}, {pipeline_mode = #tpu.pipeline_mode<synchronous>, transform_indices = @transform_4, window_bounds = array<i64: 128, 128>}, {pipeline_mode = #tpu.pipeline_mode<synchronous>, transform_indices = @transform_5, window_bounds = array<i64: 1, 128>}, {pipeline_mode = #tpu.pipeline_mode<synchronous>, transform_indices = @transform_6, window_bounds = array<i64: 128, 128>}, {pipeline_mode = #tpu.pipeline_mode<synchronous>, transform_indices = @transform_7, window_bounds = array<i64: 5, 128>}, {pipeline_mode = #tpu.pipeline_mode<synchronous>, transform_indices = @transform_8, window_bounds = array<i64: 1, 128>}, {pipeline_mode = #tpu.pipeline_mode<synchronous>, transform_indices = @transform_9, window_bounds = array<i64: 128, 128>}, {pipeline_mode = #tpu.pipeline_mode<synchronous>, transform_indices = @transform_10, window_bounds = array<i64: 1, 128>}, {pipeline_mode = #tpu.pipeline_mode<synchronous>, transform_indices = @transform_11, window_bounds = array<i64: 128, 128>}, {pipeline_mode = #tpu.pipeline_mode<synchronous>, transform_indices = @transform_12, window_bounds = array<i64: 1, 128>}, {pipeline_mode = #tpu.pipeline_mode<synchronous>, transform_indices = @transform_13, window_bounds = array<i64: 128, 128>}, {pipeline_mode = #tpu.pipeline_mode<synchronous>, transform_indices = @transform_14, window_bounds = array<i64: 1, 128>}, {pipeline_mode = #tpu.pipeline_mode<synchronous>, transform_indices = @transform_15, window_bounds = array<i64: 128, 1>}, {transform_indices = @transform_16, window_bounds = array<i64: 400, 128>}, {transform_indices = @transform_17, window_bounds = array<i64: 400, 1>}, {transform_indices = @transform_18, window_bounds = array<i64: 400, 1>}]} {
    %get3A = arith.constant 0 : index
    %get3A_0 = arith.constant 0 : index
    %get3A_1 = vector.load %arg2[%get3A, %get3A_0] : memref<400x1xf32, #tpu.memory_space<vmem>>, vector<400x1xf32>
    %get3A_2 = arith.constant 0 : index
    %get3A_3 = arith.constant 0 : index
    %get3A_4 = vector.load %arg3[%get3A_2, %get3A_3] : memref<400x1xf32, #tpu.memory_space<vmem>>, vector<400x1xf32>
    %add3A = arith.addf %get3A_1, %get3A_4 : vector<400x1xf32>
    %add3A_5 = arith.constant 1.000000e+00 : f32
    %add3A_6 = vector.broadcast %add3A_5 : f32 to vector<400x1xf32>
    %add3A_7 = arith.addf %add3A, %add3A_6 : vector<400x1xf32>
    %rsqrt3A = math.rsqrt %add3A_7 : vector<400x1xf32>
    %swap3A = arith.constant 0 : index
    %swap3A_8 = arith.constant 0 : index
    %swap3A_9 = vector.load %arg18[%swap3A, %swap3A_8] : memref<400x1xf32, #tpu.memory_space<vmem>>, vector<400x1xf32>
    tpu.vector_store %arg18[%swap3A, %swap3A_8], %rsqrt3A {strides = array<i32>} : memref<400x1xf32, #tpu.memory_space<vmem>>, vector<400x1xf32>,
    %get3A_10 = arith.constant 0 : index
    %get3A_11 = arith.constant 0 : index
    %get3A_12 = vector.load %arg1[%get3A_10, %get3A_11] : memref<400x128xf32, #tpu.memory_space<vmem>>, vector<400x128xf32>
    %get3A_13 = arith.constant 0 : index
    %get3A_14 = arith.constant 0 : index
    %get3A_15 = vector.load %arg5[%get3A_13, %get3A_14] : memref<128x128xf32, #tpu.memory_space<vmem>>, vector<128x128xf32>
    %dot_general3A = arith.constant dense<0.000000e+00> : vector<400x128xf32>
    %dot_general3A_16 = tpu.matmul %get3A_12, %get3A_15, %dot_general3A {dimension_numbers = #tpu.dot_dimension_numbers<[1], [0], [0], [1], [0, 0, 1, 1], [], []>, transpose_lhs_hint = false} : vector<400x128xf32>, vector<128x128xf32>, vector<400x128xf32> -> vector<400x128xf32>
    %get3A_17 = arith.constant 0 : index
    %get3A_18 = arith.constant 0 : index
    %get3A_19 = vector.load %arg6[%get3A_17, %get3A_18] : memref<1x128xf32, #tpu.memory_space<vmem>>, vector<1x128xf32>
    %add3A_20 = vector.broadcast %get3A_19 : vector<1x128xf32> to vector<400x128xf32>
    %add3A_21 = arith.addf %dot_general3A_16, %add3A_20 : vector<400x128xf32>
    %get3A_22 = arith.constant 0 : index
    %get3A_23 = arith.constant 0 : index
    %get3A_24 = vector.load %arg7[%get3A_22, %get3A_23] : memref<128x128xf32, #tpu.memory_space<vmem>>, vector<128x128xf32>
    %dot_general3A_25 = arith.constant dense<0.000000e+00> : vector<400x128xf32>
    %dot_general3A_26 = tpu.matmul %add3A_21, %get3A_24, %dot_general3A_25 {dimension_numbers = #tpu.dot_dimension_numbers<[1], [0], [0], [1], [0, 0, 1, 1], [], []>, transpose_lhs_hint = false} : vector<400x128xf32>, vector<128x128xf32>, vector<400x128xf32> -> vector<400x128xf32>
    %mul3A = vector.broadcast %rsqrt3A : vector<400x1xf32> to vector<400x128xf32>
    %mul3A_27 = arith.mulf %dot_general3A_26, %mul3A : vector<400x128xf32>
    %swap3A_28 = arith.constant 0 : index
    %swap3A_29 = arith.constant 0 : index
    %swap3A_30 = vector.load %arg17[%swap3A_28, %swap3A_29] : memref<400x128xf32, #tpu.memory_space<vmem>>, vector<400x128xf32>
    tpu.vector_store %arg17[%swap3A_28, %swap3A_29], %mul3A_27 {strides = array<i32>} : memref<400x128xf32, #tpu.memory_space<vmem>>, vector<400x128xf32>,
    %get3A_31 = arith.constant 0 : index
    %get3A_32 = arith.constant 0 : index
    %get3A_33 = vector.load %arg4[%get3A_31, %get3A_32] : memref<400x5xf32, #tpu.memory_space<vmem>>, vector<400x5xf32>
    %get3A_34 = arith.constant 0 : index
    %get3A_35 = arith.constant 0 : index
    %get3A_36 = vector.load %arg8[%get3A_34, %get3A_35] : memref<5x128xf32, #tpu.memory_space<vmem>>, vector<5x128xf32>
    %dot_general3A_37 = arith.constant dense<0.000000e+00> : vector<400x128xf32>
    %dot_general3A_38 = tpu.matmul %get3A_33, %get3A_36, %dot_general3A_37 {dimension_numbers = #tpu.dot_dimension_numbers<[1], [0], [0], [1], [0, 0, 1, 1], [], []>, transpose_lhs_hint = false} : vector<400x5xf32>, vector<5x128xf32>, vector<400x128xf32> -> vector<400x128xf32>
    %get3A_39 = arith.constant 0 : index
    %get3A_40 = arith.constant 0 : index
    %get3A_41 = vector.load %arg9[%get3A_39, %get3A_40] : memref<1x128xf32, #tpu.memory_space<vmem>>, vector<1x128xf32>
    %add3A_42 = vector.broadcast %get3A_41 : vector<1x128xf32> to vector<400x128xf32>
    %add3A_43 = arith.addf %dot_general3A_38, %add3A_42 : vector<400x128xf32>
    %max3A = arith.constant 0.000000e+00 : f32
    %max3A_44 = vector.broadcast %max3A : f32 to vector<400x128xf32>
    %max3A_45 = arith.maximumf %add3A_43, %max3A_44 : vector<400x128xf32>
    %get3A_46 = arith.constant 0 : index
    %get3A_47 = arith.constant 0 : index
    %get3A_48 = vector.load %arg10[%get3A_46, %get3A_47] : memref<128x128xf32, #tpu.memory_space<vmem>>, vector<128x128xf32>
    %dot_general3A_49 = arith.constant dense<0.000000e+00> : vector<400x128xf32>
    %dot_general3A_50 = tpu.matmul %max3A_45, %get3A_48, %dot_general3A_49 {dimension_numbers = #tpu.dot_dimension_numbers<[1], [0], [0], [1], [0, 0, 1, 1], [], []>, transpose_lhs_hint = false} : vector<400x128xf32>, vector<128x128xf32>, vector<400x128xf32> -> vector<400x128xf32>
    %get3A_51 = arith.constant 0 : index
    %get3A_52 = arith.constant 0 : index
    %get3A_53 = vector.load %arg11[%get3A_51, %get3A_52] : memref<1x128xf32, #tpu.memory_space<vmem>>, vector<1x128xf32>
    %add3A_54 = vector.broadcast %get3A_53 : vector<1x128xf32> to vector<400x128xf32>
    %add3A_55 = arith.addf %dot_general3A_50, %add3A_54 : vector<400x128xf32>
    %max3A_56 = arith.constant 0.000000e+00 : f32
    %max3A_57 = vector.broadcast %max3A_56 : f32 to vector<400x128xf32>
    %max3A_58 = arith.maximumf %add3A_55, %max3A_57 : vector<400x128xf32>
    %get3A_59 = arith.constant 0 : index
    %get3A_60 = arith.constant 0 : index
    %get3A_61 = vector.load %arg12[%get3A_59, %get3A_60] : memref<128x128xf32, #tpu.memory_space<vmem>>, vector<128x128xf32>
    %dot_general3A_62 = arith.constant dense<0.000000e+00> : vector<400x128xf32>
    %dot_general3A_63 = tpu.matmul %max3A_58, %get3A_61, %dot_general3A_62 {dimension_numbers = #tpu.dot_dimension_numbers<[1], [0], [0], [1], [0, 0, 1, 1], [], []>, transpose_lhs_hint = false} : vector<400x128xf32>, vector<128x128xf32>, vector<400x128xf32> -> vector<400x128xf32>
    %get3A_64 = arith.constant 0 : index
    %get3A_65 = arith.constant 0 : index
    %get3A_66 = vector.load %arg13[%get3A_64, %get3A_65] : memref<1x128xf32, #tpu.memory_space<vmem>>, vector<1x128xf32>
    %add3A_67 = vector.broadcast %get3A_66 : vector<1x128xf32> to vector<400x128xf32>
    %add3A_68 = arith.addf %dot_general3A_63, %add3A_67 : vector<400x128xf32>
    %max3A_69 = arith.constant 0.000000e+00 : f32
    %max3A_70 = vector.broadcast %max3A_69 : f32 to vector<400x128xf32>
    %max3A_71 = arith.maximumf %add3A_68, %max3A_70 : vector<400x128xf32>
    %get3A_72 = arith.constant 0 : index
    %get3A_73 = arith.constant 0 : index
    %get3A_74 = vector.load %arg14[%get3A_72, %get3A_73] : memref<128x128xf32, #tpu.memory_space<vmem>>, vector<128x128xf32>
    %dot_general3A_75 = arith.constant dense<0.000000e+00> : vector<400x128xf32>
    %dot_general3A_76 = tpu.matmul %max3A_71, %get3A_74, %dot_general3A_75 {dimension_numbers = #tpu.dot_dimension_numbers<[1], [0], [0], [1], [0, 0, 1, 1], [], []>, transpose_lhs_hint = false} : vector<400x128xf32>, vector<128x128xf32>, vector<400x128xf32> -> vector<400x128xf32>
    %get3A_77 = arith.constant 0 : index
    %get3A_78 = arith.constant 0 : index
    %get3A_79 = vector.load %arg15[%get3A_77, %get3A_78] : memref<1x128xf32, #tpu.memory_space<vmem>>, vector<1x128xf32>
    %add3A_80 = vector.broadcast %get3A_79 : vector<1x128xf32> to vector<400x128xf32>
    %add3A_81 = arith.addf %dot_general3A_76, %add3A_80 : vector<400x128xf32>
    %get3A_82 = arith.constant 0 : index
    %get3A_83 = arith.constant 0 : index
    %get3A_84 = vector.load %arg16[%get3A_82, %get3A_83] : memref<128x1xf32, #tpu.memory_space<vmem>>, vector<128x1xf32>
    %dot_general3A_85 = arith.constant dense<0.000000e+00> : vector<400x1xf32>
    %dot_general3A_86 = tpu.matmul %add3A_81, %get3A_84, %dot_general3A_85 {dimension_numbers = #tpu.dot_dimension_numbers<[1], [0], [0], [1], [0, 0, 1, 1], [], []>, transpose_lhs_hint = false} : vector<400x128xf32>, vector<128x1xf32>, vector<400x1xf32> -> vector<400x1xf32>
    %swap3A_87 = arith.constant 0 : index
    %swap3A_88 = arith.constant 0 : index
    %swap3A_89 = vector.load %arg19[%swap3A_87, %swap3A_88] : memref<400x1xf32, #tpu.memory_space<vmem>>, vector<400x1xf32>
    tpu.vector_store %arg19[%swap3A_87, %swap3A_88], %dot_general3A_86 {strides = array<i32>} : memref<400x1xf32, #tpu.memory_space<vmem>>, vector<400x1xf32>,
    return
  }
  func.func @transform_0(%arg0: i32) -> (i32, i32) {
    %c0_i32 = arith.constant 0 : i32
    %c0_i32_0 = arith.constant 0 : i32
    return %arg0, %c0_i32 : i32, i32
  }
  func.func @transform_1(%arg0: i32) -> (i32, i32) {
    %c0_i32 = arith.constant 0 : i32
    %c0_i32_0 = arith.constant 0 : i32
    return %arg0, %c0_i32 : i32, i32
  }
  func.func @transform_2(%arg0: i32) -> (i32, i32) {
    %c0_i32 = arith.constant 0 : i32
    %c0_i32_0 = arith.constant 0 : i32
    return %arg0, %c0_i32 : i32, i32
  }
  func.func @transform_3(%arg0: i32) -> (i32, i32) {
    %c0_i32 = arith.constant 0 : i32
    %c0_i32_0 = arith.constant 0 : i32
    return %arg0, %c0_i32 : i32, i32
  }
  func.func @transform_4(%arg0: i32) -> (i32, i32) {
    %c0_i32 = arith.constant 0 : i32
    %c0_i32_0 = arith.constant 0 : i32
    %c0_i32_1 = arith.constant 0 : i32
    return %c0_i32, %c0_i32_0 : i32, i32
  }
  func.func @transform_5(%arg0: i32) -> (i32, i32) {
    %c0_i32 = arith.constant 0 : i32
    %c0_i32_0 = arith.constant 0 : i32
    %c0_i32_1 = arith.constant 0 : i32
    return %c0_i32, %c0_i32_0 : i32, i32
  }
  func.func @transform_6(%arg0: i32) -> (i32, i32) {
    %c0_i32 = arith.constant 0 : i32
    %c0_i32_0 = arith.constant 0 : i32
    %c0_i32_1 = arith.constant 0 : i32
    return %c0_i32, %c0_i32_0 : i32, i32
  }
  func.func @transform_7(%arg0: i32) -> (i32, i32) {
    %c0_i32 = arith.constant 0 : i32
    %c0_i32_0 = arith.constant 0 : i32
    %c0_i32_1 = arith.constant 0 : i32
    return %c0_i32, %c0_i32_0 : i32, i32
  }
  func.func @transform_8(%arg0: i32) -> (i32, i32) {
    %c0_i32 = arith.constant 0 : i32
    %c0_i32_0 = arith.constant 0 : i32
    %c0_i32_1 = arith.constant 0 : i32
    return %c0_i32, %c0_i32_0 : i32, i32
  }
  func.func @transform_9(%arg0: i32) -> (i32, i32) {
    %c0_i32 = arith.constant 0 : i32
    %c0_i32_0 = arith.constant 0 : i32
    %c0_i32_1 = arith.constant 0 : i32
    return %c0_i32, %c0_i32_0 : i32, i32
  }
  func.func @transform_10(%arg0: i32) -> (i32, i32) {
    %c0_i32 = arith.constant 0 : i32
    %c0_i32_0 = arith.constant 0 : i32
    %c0_i32_1 = arith.constant 0 : i32
    return %c0_i32, %c0_i32_0 : i32, i32
  }
  func.func @transform_11(%arg0: i32) -> (i32, i32) {
    %c0_i32 = arith.constant 0 : i32
    %c0_i32_0 = arith.constant 0 : i32
    %c0_i32_1 = arith.constant 0 : i32
    return %c0_i32, %c0_i32_0 : i32, i32
  }
  func.func @transform_12(%arg0: i32) -> (i32, i32) {
    %c0_i32 = arith.constant 0 : i32
    %c0_i32_0 = arith.constant 0 : i32
    %c0_i32_1 = arith.constant 0 : i32
    return %c0_i32, %c0_i32_0 : i32, i32
  }
  func.func @transform_13(%arg0: i32) -> (i32, i32) {
    %c0_i32 = arith.constant 0 : i32
    %c0_i32_0 = arith.constant 0 : i32
    %c0_i32_1 = arith.constant 0 : i32
    return %c0_i32, %c0_i32_0 : i32, i32
  }
  func.func @transform_14(%arg0: i32) -> (i32, i32) {
    %c0_i32 = arith.constant 0 : i32
    %c0_i32_0 = arith.constant 0 : i32
    %c0_i32_1 = arith.constant 0 : i32
    return %c0_i32, %c0_i32_0 : i32, i32
  }
  func.func @transform_15(%arg0: i32) -> (i32, i32) {
    %c0_i32 = arith.constant 0 : i32
    %c0_i32_0 = arith.constant 0 : i32
    %c0_i32_1 = arith.constant 0 : i32
    return %c0_i32, %c0_i32_0 : i32, i32
  }
  func.func @transform_16(%arg0: i32) -> (i32, i32) {
    %c0_i32 = arith.constant 0 : i32
    %c0_i32_0 = arith.constant 0 : i32
    return %arg0, %c0_i32 : i32, i32
  }
  func.func @transform_17(%arg0: i32) -> (i32, i32) {
    %c0_i32 = arith.constant 0 : i32
    %c0_i32_0 = arith.constant 0 : i32
    return %arg0, %c0_i32 : i32, i32
  }
  func.func @transform_18(%arg0: i32) -> (i32, i32) {
    %c0_i32 = arith.constant 0 : i32
    %c0_i32_0 = arith.constant 0 : i32
    return %arg0, %c0_i32 : i32, i32
  }
}

module attributes {stable_mosaic.version = 14 : i64} {
  func.func @_tc2_body(%arg0: i32, %arg1: memref<400x128xf32, #tpu.memory_space<vmem>>, %arg2: memref<400x128xf32, #tpu.memory_space<vmem>>, %arg3: memref<400x128xf32, #tpu.memory_space<vmem>>, %arg4: memref<400x1xf32, #tpu.memory_space<vmem>>, %arg5: memref<1x128xf32, #tpu.memory_space<vmem>>, %arg6: memref<128x128xf32, #tpu.memory_space<vmem>>, %arg7: memref<400x128xf32, #tpu.memory_space<vmem>>) attributes {dimension_semantics = [#tpu.dimension_semantics<arbitrary>], iteration_bounds = array<i64: 25>, scalar_prefetch = 0 : i64, scratch_operands = 0 : i64, tpu.core_type = #tpu.core_type<tc>, window_params = [{transform_indices = @transform_0, window_bounds = array<i64: 400, 128>}, {transform_indices = @transform_1, window_bounds = array<i64: 400, 128>}, {transform_indices = @transform_2, window_bounds = array<i64: 400, 128>}, {transform_indices = @transform_3, window_bounds = array<i64: 400, 1>}, {pipeline_mode = #tpu.pipeline_mode<synchronous>, transform_indices = @transform_4, window_bounds = array<i64: 1, 128>}, {pipeline_mode = #tpu.pipeline_mode<synchronous>, transform_indices = @transform_5, window_bounds = array<i64: 128, 128>}, {transform_indices = @transform_6, window_bounds = array<i64: 400, 128>}]} {
    %get3A = arith.constant 0 : index
    %get3A_0 = arith.constant 0 : index
    %get3A_1 = vector.load %arg1[%get3A, %get3A_0] : memref<400x128xf32, #tpu.memory_space<vmem>>, vector<400x128xf32>
    %get3A_2 = arith.constant 0 : index
    %get3A_3 = arith.constant 0 : index
    %get3A_4 = vector.load %arg2[%get3A_2, %get3A_3] : memref<400x128xf32, #tpu.memory_space<vmem>>, vector<400x128xf32>
    %add3A = arith.addf %get3A_1, %get3A_4 : vector<400x128xf32>
    %get3A_5 = arith.constant 0 : index
    %get3A_6 = arith.constant 0 : index
    %get3A_7 = vector.load %arg3[%get3A_5, %get3A_6] : memref<400x128xf32, #tpu.memory_space<vmem>>, vector<400x128xf32>
    %add3A_8 = arith.addf %add3A, %get3A_7 : vector<400x128xf32>
    %get3A_9 = arith.constant 0 : index
    %get3A_10 = arith.constant 0 : index
    %get3A_11 = vector.load %arg4[%get3A_9, %get3A_10] : memref<400x1xf32, #tpu.memory_space<vmem>>, vector<400x1xf32>
    %mul3A = vector.broadcast %get3A_11 : vector<400x1xf32> to vector<400x128xf32>
    %mul3A_12 = arith.mulf %add3A_8, %mul3A : vector<400x128xf32>
    %get3A_13 = arith.constant 0 : index
    %get3A_14 = arith.constant 0 : index
    %get3A_15 = vector.load %arg5[%get3A_13, %get3A_14] : memref<1x128xf32, #tpu.memory_space<vmem>>, vector<1x128xf32>
    %add3A_16 = vector.broadcast %get3A_15 : vector<1x128xf32> to vector<400x128xf32>
    %add3A_17 = arith.addf %mul3A_12, %add3A_16 : vector<400x128xf32>
    %max3A = arith.constant 0.000000e+00 : f32
    %max3A_18 = vector.broadcast %max3A : f32 to vector<400x128xf32>
    %max3A_19 = arith.maximumf %add3A_17, %max3A_18 : vector<400x128xf32>
    %get3A_20 = arith.constant 0 : index
    %get3A_21 = arith.constant 0 : index
    %get3A_22 = vector.load %arg6[%get3A_20, %get3A_21] : memref<128x128xf32, #tpu.memory_space<vmem>>, vector<128x128xf32>
    %dot_general3A = arith.constant dense<0.000000e+00> : vector<400x128xf32>
    %dot_general3A_23 = tpu.matmul %max3A_19, %get3A_22, %dot_general3A {dimension_numbers = #tpu.dot_dimension_numbers<[1], [0], [0], [1], [0, 0, 1, 1], [], []>, transpose_lhs_hint = false} : vector<400x128xf32>, vector<128x128xf32>, vector<400x128xf32> -> vector<400x128xf32>
    %get3A_24 = arith.constant 0 : index
    %get3A_25 = arith.constant 0 : index
    %get3A_26 = vector.load %arg4[%get3A_24, %get3A_25] : memref<400x1xf32, #tpu.memory_space<vmem>>, vector<400x1xf32>
    %mul3A_27 = vector.broadcast %get3A_26 : vector<400x1xf32> to vector<400x128xf32>
    %mul3A_28 = arith.mulf %dot_general3A_23, %mul3A_27 : vector<400x128xf32>
    %swap3A = arith.constant 0 : index
    %swap3A_29 = arith.constant 0 : index
    %swap3A_30 = vector.load %arg7[%swap3A, %swap3A_29] : memref<400x128xf32, #tpu.memory_space<vmem>>, vector<400x128xf32>
    tpu.vector_store %arg7[%swap3A, %swap3A_29], %mul3A_28 {strides = array<i32>} : memref<400x128xf32, #tpu.memory_space<vmem>>, vector<400x128xf32>,
    return
  }
  func.func @transform_0(%arg0: i32) -> (i32, i32) {
    %c0_i32 = arith.constant 0 : i32
    %c0_i32_0 = arith.constant 0 : i32
    return %arg0, %c0_i32 : i32, i32
  }
  func.func @transform_1(%arg0: i32) -> (i32, i32) {
    %c0_i32 = arith.constant 0 : i32
    %c0_i32_0 = arith.constant 0 : i32
    return %arg0, %c0_i32 : i32, i32
  }
  func.func @transform_2(%arg0: i32) -> (i32, i32) {
    %c0_i32 = arith.constant 0 : i32
    %c0_i32_0 = arith.constant 0 : i32
    return %arg0, %c0_i32 : i32, i32
  }
  func.func @transform_3(%arg0: i32) -> (i32, i32) {
    %c0_i32 = arith.constant 0 : i32
    %c0_i32_0 = arith.constant 0 : i32
    return %arg0, %c0_i32 : i32, i32
  }
  func.func @transform_4(%arg0: i32) -> (i32, i32) {
    %c0_i32 = arith.constant 0 : i32
    %c0_i32_0 = arith.constant 0 : i32
    %c0_i32_1 = arith.constant 0 : i32
    return %c0_i32, %c0_i32_0 : i32, i32
  }
  func.func @transform_5(%arg0: i32) -> (i32, i32) {
    %c0_i32 = arith.constant 0 : i32
    %c0_i32_0 = arith.constant 0 : i32
    %c0_i32_1 = arith.constant 0 : i32
    return %c0_i32, %c0_i32_0 : i32, i32
  }
  func.func @transform_6(%arg0: i32) -> (i32, i32) {
    %c0_i32 = arith.constant 0 : i32
    %c0_i32_0 = arith.constant 0 : i32
    return %arg0, %c0_i32 : i32, i32
  }
}

module attributes {stable_mosaic.version = 14 : i64} {
  func.func @_tc3_body(%arg0: i32, %arg1: memref<400x128xf32, #tpu.memory_space<vmem>>, %arg2: memref<400x128xf32, #tpu.memory_space<vmem>>, %arg3: memref<400x128xf32, #tpu.memory_space<vmem>>, %arg4: memref<400x1xf32, #tpu.memory_space<vmem>>, %arg5: memref<1x128xf32, #tpu.memory_space<vmem>>, %arg6: memref<128x128xf32, #tpu.memory_space<vmem>>, %arg7: memref<1x128xf32, #tpu.memory_space<vmem>>, %arg8: memref<128x1xf32, #tpu.memory_space<vmem>>, %arg9: memref<400x1xf32, #tpu.memory_space<vmem>>, %arg10: memref<1x1xf32, #tpu.memory_space<vmem>>, %arg11: memref<400x1xf32, #tpu.memory_space<vmem>>) attributes {dimension_semantics = [#tpu.dimension_semantics<arbitrary>], iteration_bounds = array<i64: 25>, scalar_prefetch = 0 : i64, scratch_operands = 0 : i64, tpu.core_type = #tpu.core_type<tc>, window_params = [{transform_indices = @transform_0, window_bounds = array<i64: 400, 128>}, {transform_indices = @transform_1, window_bounds = array<i64: 400, 128>}, {transform_indices = @transform_2, window_bounds = array<i64: 400, 128>}, {transform_indices = @transform_3, window_bounds = array<i64: 400, 1>}, {pipeline_mode = #tpu.pipeline_mode<synchronous>, transform_indices = @transform_4, window_bounds = array<i64: 1, 128>}, {pipeline_mode = #tpu.pipeline_mode<synchronous>, transform_indices = @transform_5, window_bounds = array<i64: 128, 128>}, {pipeline_mode = #tpu.pipeline_mode<synchronous>, transform_indices = @transform_6, window_bounds = array<i64: 1, 128>}, {pipeline_mode = #tpu.pipeline_mode<synchronous>, transform_indices = @transform_7, window_bounds = array<i64: 128, 1>}, {transform_indices = @transform_8, window_bounds = array<i64: 400, 1>}, {pipeline_mode = #tpu.pipeline_mode<synchronous>, transform_indices = @transform_9, window_bounds = array<i64: 1, 1>}, {transform_indices = @transform_10, window_bounds = array<i64: 400, 1>}]} {
    %get3A = arith.constant 0 : index
    %get3A_0 = arith.constant 0 : index
    %get3A_1 = vector.load %arg1[%get3A, %get3A_0] : memref<400x128xf32, #tpu.memory_space<vmem>>, vector<400x128xf32>
    %get3A_2 = arith.constant 0 : index
    %get3A_3 = arith.constant 0 : index
    %get3A_4 = vector.load %arg2[%get3A_2, %get3A_3] : memref<400x128xf32, #tpu.memory_space<vmem>>, vector<400x128xf32>
    %add3A = arith.addf %get3A_1, %get3A_4 : vector<400x128xf32>
    %get3A_5 = arith.constant 0 : index
    %get3A_6 = arith.constant 0 : index
    %get3A_7 = vector.load %arg3[%get3A_5, %get3A_6] : memref<400x128xf32, #tpu.memory_space<vmem>>, vector<400x128xf32>
    %add3A_8 = arith.addf %add3A, %get3A_7 : vector<400x128xf32>
    %get3A_9 = arith.constant 0 : index
    %get3A_10 = arith.constant 0 : index
    %get3A_11 = vector.load %arg4[%get3A_9, %get3A_10] : memref<400x1xf32, #tpu.memory_space<vmem>>, vector<400x1xf32>
    %mul3A = vector.broadcast %get3A_11 : vector<400x1xf32> to vector<400x128xf32>
    %mul3A_12 = arith.mulf %add3A_8, %mul3A : vector<400x128xf32>
    %get3A_13 = arith.constant 0 : index
    %get3A_14 = arith.constant 0 : index
    %get3A_15 = vector.load %arg5[%get3A_13, %get3A_14] : memref<1x128xf32, #tpu.memory_space<vmem>>, vector<1x128xf32>
    %add3A_16 = vector.broadcast %get3A_15 : vector<1x128xf32> to vector<400x128xf32>
    %add3A_17 = arith.addf %mul3A_12, %add3A_16 : vector<400x128xf32>
    %max3A = arith.constant 0.000000e+00 : f32
    %max3A_18 = vector.broadcast %max3A : f32 to vector<400x128xf32>
    %max3A_19 = arith.maximumf %add3A_17, %max3A_18 : vector<400x128xf32>
    %get3A_20 = arith.constant 0 : index
    %get3A_21 = arith.constant 0 : index
    %get3A_22 = vector.load %arg6[%get3A_20, %get3A_21] : memref<128x128xf32, #tpu.memory_space<vmem>>, vector<128x128xf32>
    %dot_general3A = arith.constant dense<0.000000e+00> : vector<400x128xf32>
    %dot_general3A_23 = tpu.matmul %max3A_19, %get3A_22, %dot_general3A {dimension_numbers = #tpu.dot_dimension_numbers<[1], [0], [0], [1], [0, 0, 1, 1], [], []>, transpose_lhs_hint = false} : vector<400x128xf32>, vector<128x128xf32>, vector<400x128xf32> -> vector<400x128xf32>
    %get3A_24 = arith.constant 0 : index
    %get3A_25 = arith.constant 0 : index
    %get3A_26 = vector.load %arg7[%get3A_24, %get3A_25] : memref<1x128xf32, #tpu.memory_space<vmem>>, vector<1x128xf32>
    %add3A_27 = vector.broadcast %get3A_26 : vector<1x128xf32> to vector<400x128xf32>
    %add3A_28 = arith.addf %dot_general3A_23, %add3A_27 : vector<400x128xf32>
    %get3A_29 = arith.constant 0 : index
    %get3A_30 = arith.constant 0 : index
    %get3A_31 = vector.load %arg8[%get3A_29, %get3A_30] : memref<128x1xf32, #tpu.memory_space<vmem>>, vector<128x1xf32>
    %dot_general3A_32 = arith.constant dense<0.000000e+00> : vector<400x1xf32>
    %dot_general3A_33 = tpu.matmul %add3A_28, %get3A_31, %dot_general3A_32 {dimension_numbers = #tpu.dot_dimension_numbers<[1], [0], [0], [1], [0, 0, 1, 1], [], []>, transpose_lhs_hint = false} : vector<400x128xf32>, vector<128x1xf32>, vector<400x1xf32> -> vector<400x1xf32>
    %get3A_34 = arith.constant 0 : index
    %get3A_35 = arith.constant 0 : index
    %get3A_36 = vector.load %arg9[%get3A_34, %get3A_35] : memref<400x1xf32, #tpu.memory_space<vmem>>, vector<400x1xf32>
    %add3A_37 = arith.addf %dot_general3A_33, %get3A_36 : vector<400x1xf32>
    %get3A_38 = arith.constant 0 : index
    %get3A_39 = arith.constant 0 : index
    %get3A_40 = vector.load %arg10[%get3A_38, %get3A_39] : memref<1x1xf32, #tpu.memory_space<vmem>>, vector<1x1xf32>
    %add3A_41 = vector.broadcast %get3A_40 : vector<1x1xf32> to vector<400x1xf32>
    %add3A_42 = arith.addf %add3A_37, %add3A_41 : vector<400x1xf32>
    %logistic3A = arith.negf %add3A_42 : vector<400x1xf32>
    %logistic3A_43 = math.exp %logistic3A : vector<400x1xf32>
    %logistic3A_44 = arith.constant 1.000000e+00 : f32
    %logistic3A_45 = vector.broadcast %logistic3A_44 : f32 to vector<400x1xf32>
    %logistic3A_46 = arith.addf %logistic3A_45, %logistic3A_43 : vector<400x1xf32>
    %logistic3A_47 = arith.divf %logistic3A_45, %logistic3A_46 : vector<400x1xf32>
    %swap3A = arith.constant 0 : index
    %swap3A_48 = arith.constant 0 : index
    %swap3A_49 = vector.load %arg11[%swap3A, %swap3A_48] : memref<400x1xf32, #tpu.memory_space<vmem>>, vector<400x1xf32>
    tpu.vector_store %arg11[%swap3A, %swap3A_48], %logistic3A_47 {strides = array<i32>} : memref<400x1xf32, #tpu.memory_space<vmem>>, vector<400x1xf32>,
    return
  }
  func.func @transform_0(%arg0: i32) -> (i32, i32) {
    %c0_i32 = arith.constant 0 : i32
    %c0_i32_0 = arith.constant 0 : i32
    return %arg0, %c0_i32 : i32, i32
  }
  func.func @transform_1(%arg0: i32) -> (i32, i32) {
    %c0_i32 = arith.constant 0 : i32
    %c0_i32_0 = arith.constant 0 : i32
    return %arg0, %c0_i32 : i32, i32
  }
  func.func @transform_2(%arg0: i32) -> (i32, i32) {
    %c0_i32 = arith.constant 0 : i32
    %c0_i32_0 = arith.constant 0 : i32
    return %arg0, %c0_i32 : i32, i32
  }
  func.func @transform_3(%arg0: i32) -> (i32, i32) {
    %c0_i32 = arith.constant 0 : i32
    %c0_i32_0 = arith.constant 0 : i32
    return %arg0, %c0_i32 : i32, i32
  }
  func.func @transform_4(%arg0: i32) -> (i32, i32) {
    %c0_i32 = arith.constant 0 : i32
    %c0_i32_0 = arith.constant 0 : i32
    %c0_i32_1 = arith.constant 0 : i32
    return %c0_i32, %c0_i32_0 : i32, i32
  }
  func.func @transform_5(%arg0: i32) -> (i32, i32) {
    %c0_i32 = arith.constant 0 : i32
    %c0_i32_0 = arith.constant 0 : i32
    %c0_i32_1 = arith.constant 0 : i32
    return %c0_i32, %c0_i32_0 : i32, i32
  }
  func.func @transform_6(%arg0: i32) -> (i32, i32) {
    %c0_i32 = arith.constant 0 : i32
    %c0_i32_0 = arith.constant 0 : i32
    %c0_i32_1 = arith.constant 0 : i32
    return %c0_i32, %c0_i32_0 : i32, i32
  }
  func.func @transform_7(%arg0: i32) -> (i32, i32) {
    %c0_i32 = arith.constant 0 : i32
    %c0_i32_0 = arith.constant 0 : i32
    %c0_i32_1 = arith.constant 0 : i32
    return %c0_i32, %c0_i32_0 : i32, i32
  }
  func.func @transform_8(%arg0: i32) -> (i32, i32) {
    %c0_i32 = arith.constant 0 : i32
    %c0_i32_0 = arith.constant 0 : i32
    return %arg0, %c0_i32 : i32, i32
  }
  func.func @transform_9(%arg0: i32) -> (i32, i32) {
    %c0_i32 = arith.constant 0 : i32
    %c0_i32_0 = arith.constant 0 : i32
    %c0_i32_1 = arith.constant 0 : i32
    return %c0_i32, %c0_i32_0 : i32, i32
  }
  func.func @transform_10(%arg0: i32) -> (i32, i32) {
    %c0_i32 = arith.constant 0 : i32
    %c0_i32_0 = arith.constant 0 : i32
    return %arg0, %c0_i32 : i32, i32
  }
}

</mosaic_0001>

<sc_bundles>
// kernel: kernel.11.cloned.1.call-start
scs
__scs_entry_jumppad:
0x0: {  	(pc) =	sbr.rel $0x88, $3  }
0x1: {  	(tag) =	ssettag $0x0;
	lr =	simm.s32 $0x1  }
0x2: {  	[smem:$0x3F8C] =	sst lr;
	_ =	strace $0xD0000000  }
0x3: {  	_ = 	snop  }
0x4: {  	_ = 	snop  }
0x5: {  	_ = 	snop  }
0x6: {  	_ = 	snop  }
0x7: {  	_ = 	snop  }
__scs_overlays_trampoline_lowered:
0x8: {  	[smem:$0x3F9B] =	sst s0  }
0x9: {  	[smem:$0x3F9C] =	sst s1  }
0xa: {  	[smem:$0x3F9D] =	sst s2  }
0xb: {  	[smem:$0x3F9E] =	sst s3  }
0xc: {  	[smem:$0x3F9F] =	sst s4  }
0xd: {  	[smem:$0x3FA0] =	sst s5  }
0xe: {  	[smem:$0x3FA1] =	sst s6  }
0xf: {  	[smem:$0x3FA2] =	sst s7  }
0x10: {  	[smem:$0x3FA3] =	sst s8  }
0x11: {  	[smem:$0x3FA4] =	sst s9;
	s0 =	simm.s32 @!p0 $0x0  }
0x12: {  	s1 =	sld [smem:$0x3F8A];
	s0 =	simm.s32 @p0 $0x1  }
0x13: {  	[smem:$0x3FA5] =	sst s0;
	s0 =	simm.s32 @!p1 $0x0  }
0x14: {  	s2 =	sld [smem:$0x3F89];
	s0 =	simm.s32 @p1 $0x1  }
0x15: {  	[smem:$0x3FA6] =	sst s0;
	s0 =	simm.s32 @!p2 $0x0  }
0x16: {  	s3 =	sld [smem:$0x3FDB];
	s0 =	simm.s32 @p2 $0x1  }
0x17: {  	s4 =	simm.s32 $0x1BF5;
	[smem:$0x3FA8] =	sst s0  }
0x18: {  	s0 =	sld [smem:$0x3F8B];
	_ =	swait.ge [sflag:s4], $0x0  }
0x19: {  	s7 =	sld [smem:$0x3F8C]  }
0x1a: {  	s8 =	sadd.s32 $0xFFFFE003, lr  }
0x1b: {  	s9 =	sadd.s32 $0xFFFFFEF7, lr;
	s5 =	simm.s32 $0xFFFFFFFF;
	p2 =	slt.u32 s8, $0xFFFFF086  }
0x1c: {  	p1 =	slt.u32 s9, $0xF7A;
	s5 =	simm.s32 @!p2 $0x0  }
0x1d: {  	s5 =	simm.s32 @p1 $0x1;
	p0 =	seq.s32 s7, s2  }
0x1e: {  	s7 =	smul.u32 @!p0 $0xF7A, s2;
	p2 =	seq.s32 @!p0 s5, $0x0  }
0x1f: {  	s9 =	smul.u32 $0xF7A, s1;
	s8 =	simm.s32 @!p0 $0x1BF5;
	p2 =	por !p2, p0  }
0x20: {  	[sflag:s8] =	ssyncset.s32 @!p0 $0xFFFFF086;
	s6 =	sadd.s32 @!p0 s3, s7;
	s7 =	simm.s32 @!p0 $0x108  }
0x21: {  	s3 =	sadd.s32 s3, s9;
	s6 =	sadd.s32 @!p0 $0x88, s6;
	s7 =	simm.s32 @p2 $0x1082  }
0x22: {  	[simem:s7], [sflag:s8] =	dma.local @!p0 [hbm:s6], $0xF7A  }
0x23: {  	s9 =	sor.u32 $0xD0000000, s2;
	s6 =	simm.s32 $0x108;
	_ =	swait.ge @!p0 [sflag:s8], $0x0  }
0x24: {  	s3 =	sadd.s32 $0x88, s3;
	s6 =	simm.s32 @!p1 $0x1082;
	[sflag:s4] =	ssyncset.s32 $0xFFFFF086  }
0x25: {  	[simem:s6], [sflag:s4] =	dma.local [hbm:s3], $0xF7A  }
0x26: {  	[smem:$0x3F8C] =	sst s1;
	(tag) =	ssettag s2;
	_ =	strace s9  }
0x27: {  	s1 =	sld [smem:$0x3F9C]  }
0x28: {  	s2 =	sld [smem:$0x3F9D]  }
0x29: {  	s4 =	sld [smem:$0x3F9F]  }
0x2a: {  	p0 =	seq.s32 s5, $0x0;
	s5 =	sld [smem:$0x3FA0]  }
0x2b: {  	s6 =	sld [smem:$0x3FA1]  }
0x2c: {  	s7 =	sld [smem:$0x3FA2]  }
0x2d: {  	s3 =	simm.s32 $0x108;
	s8 =	sld [smem:$0x3FA3]  }
0x2e: {  	s3 =	simm.s32 @!p0 $0x1082;
	s9 =	sld [smem:$0x3FA4]  }
0x2f: {  	lr =	sadd.s32 s0, s3;
	s0 =	sld [smem:$0x3F9B]  }
0x30: {  	s3 =	sld [smem:$0x3F9E]  }
0x31: {  	[smem:$0x3FA7] =	sst s10  }
0x32: {  	s10 =	sld [smem:$0x3FA5];
	_ =	sdelay $0x3  }
0x33: {  	p0 =	seq.s32 s10, $0x1;
	s10 =	sld [smem:$0x3FA7];
	_ =	sdelay $0x3  }
0x34: {  	[smem:$0x3FA7] =	sst s10  }
0x35: {  	s10 =	sld [smem:$0x3FA6];
	_ =	sdelay $0x3  }
0x36: {  	p1 =	seq.s32 s10, $0x1;
	s10 =	sld [smem:$0x3FA7];
	_ =	sdelay $0x3  }
0x37: {  	[smem:$0x3FA7] =	sst s10  }
0x38: {  	s10 =	sld [smem:$0x3FA8]  }
0x39: {  	_ = 	snop;
	(pc) =	sbr.ind lr, $3  }
0x3a: {  	_ = 	snop  }
0x3b: {  	_ = 	snop  }
0x3c: {  	p2 =	seq.s32 s10, $0x1;
	s10 =	sld [smem:$0x3FA7]  }
0x3d: {  	_ =	shalt  }
0x3e: {  	_ =	shalt  }
0x3f: {  	_ =	shalt  }
0x40: {  	_ =	shalt  }
0x41: {  	_ =	shalt  }
0x42: {  	_ =	shalt  }
0x43: {  	_ =	shalt  }
0x44: {  	_ =	shalt  }
0x45: {  	_ =	shalt  }
0x46: {  	_ =	shalt  }
0x47: {  	_ =	shalt  }
0x48: {  	_ =	shalt  }
0x49: {  	_ =	shalt  }
0x4a: {  	_ =	shalt  }
0x4b: {  	_ =	shalt  }
0x4c: {  	_ =	shalt  }
0x4d: {  	_ =	shalt  }
0x4e: {  	_ =	shalt  }
0x4f: {  	_ =	shalt  }
0x50: {  	_ =	shalt  }
0x51: {  	_ =	shalt  }
0x52: {  	_ =	shalt  }
0x53: {  	_ =	shalt  }
0x54: {  	_ =	shalt  }
0x55: {  	_ =	shalt  }
0x56: {  	_ =	shalt  }
0x57: {  	_ =	shalt  }
0x58: {  	_ =	shalt  }
0x59: {  	_ =	shalt  }
0x5a: {  	_ =	shalt  }
0x5b: {  	_ =	shalt  }
0x5c: {  	_ =	shalt  }
0x5d: {  	_ =	shalt  }
0x5e: {  	_ =	shalt  }
0x5f: {  	_ =	shalt  }
0x60: {  	_ =	shalt  }
0x61: {  	_ =	shalt  }
0x62: {  	_ =	shalt  }
0x63: {  	_ =	shalt  }
0x64: {  	_ =	shalt  }
0x65: {  	_ =	shalt  }
0x66: {  	_ =	shalt  }
0x67: {  	_ =	shalt  }
0x68: {  	_ =	shalt  }
0x69: {  	_ =	shalt  }
0x6a: {  	_ =	shalt  }
0x6b: {  	_ =	shalt  }
0x6c: {  	_ =	shalt  }
0x6d: {  	_ =	shalt  }
0x6e: {  	_ =	shalt  }
0x6f: {  	_ =	shalt  }
0x70: {  	_ =	shalt  }
0x71: {  	_ =	shalt  }
0x72: {  	_ =	shalt  }
0x73: {  	_ =	shalt  }
0x74: {  	_ =	shalt  }
0x75: {  	_ =	shalt  }
0x76: {  	_ =	shalt  }
0x77: {  	_ =	shalt  }
0x78: {  	_ =	shalt  }
0x79: {  	_ =	shalt  }
0x7a: {  	_ =	shalt  }
0x7b: {  	_ =	shalt  }
0x7c: {  	_ =	shalt  }
0x7d: {  	_ =	shalt  }
0x7e: {  	_ =	shalt  }
0x7f: {  	_ =	shalt  }
0x80: {  	_ =	shalt  }
0x81: {  	_ =	shalt  }
0x82: {  	_ =	shalt  }
0x83: {  	_ =	shalt  }
0x84: {  	_ =	shalt  }
0x85: {  	_ =	shalt  }
0x86: {  	_ =	shalt  }
0x87: {  	_ =	shalt  }
.Lfunc_end0:
.L_simem_size_0:
called_computation.1_lowered:
.L_overlay_start_0:
0x88: {  	s2 =	sld [smem:$0x3FD9]  }
0x89: {  	s3 =	sld [smem:$0x3FFE];
	_ =	sdelay $0x1  }
0x8a: {  	s1 =	srdreg.scid  }
0x8b: {  	s0 =	sand.u32 $0x1, s1  }
0x8c: {  	s17 =	sshll.u32 s0, $0xA;
	s2 =	sadd.s32 s3, s2  }
0x8d: {  	s2 =	sadd.s32 s2, s17  }
0x8e: {  	[smem:$0x3FB3] =	sst s2  }
0x8f: {  	_ = 	snop  }
0x90: {  	s2 =	sld [smem:$0x3FD0];
	(tm) =	ssettm $0x1  }
0x91: {  	s18 =	sld [smem:$0x3FFB];
	_ =	sdelay $0x3  }
0x92: {  	_ =	strace s18  }
0x93: {  	s3 =	sld [smem:$0x3FFC];
	_ =	sdelay $0x3  }
0x94: {  	_ =	strace s3  }
0x95: {  	s3 =	sld [smem:$0x3FFD];
	_ =	sdelay $0x3  }
0x96: {  	_ =	strace s3  }
0x97: {  	_ =	strace $0x8FFFFFFF  }
0x98: {  	s19 =	sld [smem:$0x3FDB];
	_ =	sdelay $0x1  }
0x99: {  	s4 =	simm.s32 $_scs_section_size  }
0x9a: {  	s5 =	simm.s32 $_size__tile_overlayer_lowered;
	s6 =	simm.s32 $_tile_overlayer_lowered  }
0x9b: {  	s22 =	simm.s32 $0x1BFF;
	s21 =	sshll.u32 s6, $0x1;
	s3 =	sadd.s32 s4, s19  }
0x9c: {  	s7 =	simm.s32 $0x0;
	s20 =	sshll.u32 s5, $0x1;
	s5 =	sadd.s32 s21, s3  }
0x9d: {  	[timem:s7], [sflag:s22] =	dma.local [hbm:s5], s20  }
0x9e: {  	_ =	swait.ge [sflag:s22], s20  }
0x9f: {  	s4 =	ssub.s32 $0x0, s20;
	[sflag:s22] =	ssyncset.done $0x0  }
0xa0: {  	[sflag:s22] =	ssyncadd.s32 s4;
	_ =	sdelay $0x1  }
0xa1: {  	s23 =	simm.s32 $0x1B8B  }
0xa2: {  	_ =	swait.ge [sflag:s23], $0x1  }
0xa3: {  	[sflag:s23] =	ssyncset.done $0x0  }
0xa4: {  	s25 =	simm.s32 $0x1B8E;
	s24 =	sld [smem:$0x3FFE];
	[sflag:s23] =	ssyncadd.s32 $0xFFFFFFFF  }
0xa5: {  	s26 =	simm.s32 $execute0_lowered;
	[smem:$0x3FD2] =	sst s25  }
0xa6: {  	s5 =	sshll.u32 s26, $0x1;
	_ =	strace $0x80000049;
	[dreg:$0x1] =	wrdreg $0xFFFFFFFF  }
0xa7: {  	s28 =	simm.s32 $_size_execute0_lowered;
	s3 =	sadd.s32 s3, s5;
	[dreg:$0x0] =	wrdreg $0x0  }
0xa8: {  	s5 =	sshll.u32 s28, $0x1;
	[dreg:$0x2] =	wrdreg s3  }
0xa9: {  	[dreg:$0x3] =	wrdreg s5  }
0xaa: {  	[dreg:$0x4] =	wrdreg $0xC0  }
0xab: {  	_ =	task [dreg:s7], $0x5FFFF  }
0xac: {  	[dreg:$0x1] =	wrdreg $0xFFFFFFFF  }
0xad: {  	[dreg:$0x0] =	wrdreg $0x60  }
0xae: {  	[dreg:$0x2] =	wrdreg s24  }
0xaf: {  	[dreg:$0x3] =	wrdreg s2  }
0xb0: {  	[dreg:$0x4] =	wrdreg $0xAC000  }
0xb1: {  	[dreg:$0x5] =	wrdreg $0x9  }
0xb2: {  	_ =	task.clear_ibuf [dreg:s7], $0x6FFFF;
	_ =	strace $0x90000049  }
0xb3: {  	s29 =	simm.s32 $0x9;
	_ =	strace $0x8000004B  }
0xb4: {  	_ =	swait.ge [sflag:s29], $0x1  }
0xb5: {  	[sflag:s29] =	ssyncadd.s32 $0xFFFFFFFF  }
0xb6: {  	_ =	strace $0x9000004B  }
0xb7: {  	_ =	sfence  }
0xb8: {  	s30 =	sld [smem:$0x0];
	_ =	sdelay $0x2  }
0xb9: {  	s31 =	sshll.u32 s1, $0xD;
	s1 =	sshrl.u32 s1, $0x2  }
0xba: {  	s3 =	sand.u32 $0x4000, s31;
	s1 =	sadd.s32 s1, s30  }
0xbb: {  	s0 =	sor.u32 s3, s0;
	s1 =	sshll.u32 s1, $0x11  }
0xbc: {  	s0 =	sor.u32 s1, s0  }
0xbd: {  	s0 =	sadd.s32 $0x8F2B, s0  }
0xbe: {  	[sflag:s0] =	ssyncadd.remote.s32 $0x1  }
0xbf: {  	_ =	sfence.sel $0xFFFF  }
0xc0: {  	[dreg:$0x0] =	wrdreg $0xFFFFFFFF;
	(pc) =	sbr.abs _section_cstart, $3  }
0xc1: {  	[dreg:$0x1] =	wrdreg $0xFFFFFFFF  }
0xc2: {  	_ =	task.clear_ibuf [dreg:s7], $0x2FFFF;
	_ =	strace $0x9FFFFFFF  }
0xc3: {  	(tm) =	ssettm $0x7FFFFFFF  }
tec
execute0_lowered:
.L_overlay_start_1:
0x0: {  	(tag) =	ssettag $0x1  }
0x1: {  	s0 =	srdreg.scid;
	s28 =	stileid.u32  }
0x2: {  	s1 =	rddreg [dreg:$0x0];
	s0 =	sand.u32 $0x1, s0;
	s9 =	smul.u32 $0x50, s28  }
0x3: {  	s3 =	rddreg [dreg:$0x2];
	s8 =	sor.u32 $0x10, s28;
	s7 =	smul.u32 $0x2710, s0  }
0x4: {  	s4 =	simm.s32 $0x0;
	s10 =	sor.u32 $0x20, s28;
	s11 =	smul.u32 $0x50, s8  }
0x5: {  	s29 =	simm.s32 $0x7;
	s12 =	sor.u32 $0x30, s28;
	s13 =	smul.u32 $0x50, s10  }
0x6: {  	s30 =	simm.s32 $0x1;
	s14 =	sor.u32 $0x40, s28;
	s15 =	smul.u32 $0x50, s12  }
0x7: {  	s31 =	simm.s32 $0x1400;
	s17 =	sor.u32 $0x50, s28;
	s18 =	smul.u32 $0x50, s14  }
0x8: {  	[smem:$0x7FF] =	sst s4;
	s20 =	sor.u32 $0x70, s28;
	s19 =	smul.u32 $0x50, s17  }
0x9: {  	s5 =	sadd.s32 $0x1EA00, s1;
	p0 =	sgt.u32 s28, $0xC;
	s26 =	smul.u32 $0x50, s20  }
0xa: {  	s2 =	sshll.u32 s0, $0x4;
	s0 =	ssub.s32 $0x2, s0;
	s8 =	smul.u32 $0xA000, s8  }
0xb: {  	s20 =	smul.u32 $0xA000, s20;
	s2 =	sor.u32 s28, s2;
	s16 =	sshrl.u32 s0, $0x1  }
0xc: {  	_ =	strace $0x8000004A;
	s6 =	smul.u32 $0x2710, s2;
	s0 =	ssub.s32 s0, s16  }
0xd: {  	s16 =	sor.u32 $0x60, s28;
	s21 =	sadd.s32 s9, s7;
	s22 =	sadd.s32 s7, s11  }
0xe: {  	s23 =	sadd.s32 s7, s13;
	s15 =	sadd.s32 s7, s15;
	s11 =	smul.u32 $0xA000, s28  }
0xf: {  	s18 =	sadd.s32 s7, s18;
	s19 =	sadd.s32 s7, s19;
	s13 =	smul.u32 $0xA000, s10  }
0x10: {  	s2 =	sshll.u32 s2, $0xB;
	s10 =	smul.u32 $0xA000, s12;
	s8 =	sshrl.u32 s8, $0x2  }
0x11: {  	s28 =	simm.s32 $0x3400;
	s25 =	smul.u32 $0x50, s16;
	s2 =	sadd.s32 s2, s1  }
0x12: {  	s16 =	smul.u32 $0xA000, s16;
	s23 =	sshll.u32 s23, $0x4;
	s6 =	sshrl.u32 s6, $0x3  }
0x13: {  	s12 =	sshrl.u32 s13, $0x2;
	s13 =	smul.u32 $0xA000, s17;
	s24 =	sadd.s32 s7, s25  }
0x14: {  	s25 =	sadd.s32 s7, s26;
	s26 =	sadd.s32 s6, s1;
	s1 =	sadd.s32 $0x94000, s1  }
0x15: {  	s7 =	sshrl.u32 s11, $0x2;
	s11 =	smul.u32 $0xA000, s14;
	s14 =	sshrl.u32 s10, $0x2  }
0x16: {  	s16 =	sshrl.u32 s16, $0x2;
	s6 =	sadd.s32 s7, s3;
	s7 =	sadd.s32 s8, s3  }
0x17: {  	s8 =	sadd.s32 s12, s3;
	s9 =	sadd.s32 s14, s3;
	s12 =	sshrl.u32 s13, $0x2  }
0x18: {  	s17 =	sshrl.u32 s11, $0x2;
	s11 =	sadd.s32 s12, s3;
	s12 =	sadd.s32 s16, s3  }
0x19: {  	s16 =	sshll.u32 s15, $0x4;
	s15 =	simm.s32 $0x4;
	s10 =	sadd.s32 s17, s3  }
0x1a: {  	s17 =	sshrl.u32 s20, $0x2;
	s20 =	sshll.u32 s21, $0x4;
	s21 =	sshll.u32 s22, $0x4  }
0x1b: {  	s13 =	sadd.s32 s17, s3;
	s14 =	sadd.s32 s1, s20;
	s22 =	sadd.s32 s1, s21  }
0x1c: {  	s17 =	sshll.u32 s18, $0x4;
	s20 =	sshll.u32 s19, $0x4;
	[dreg:$0x4] =	wrdreg s14  }
0x1d: {  	s21 =	sshll.u32 s24, $0x4;
	s24 =	sadd.s32 $0x4E80, s26;
	[dreg:$0x5] =	wrdreg s22  }
0x1e: {  	s19 =	simm.s32 $0x0;
	s14 =	sadd.s32 s1, s23;
	[dreg:$0xd] =	wrdreg s24  }
0x1f: {  	s18 =	sadd.s32 s1, s17;
	s22 =	sshll.u32 s25, $0x4;
	[dreg:$0x6] =	wrdreg s14  }
0x20: {  	s23 =	sadd.s32 $0x4C00, s26;
	s25 =	sadd.s32 $0xEA00, s2;
	[dreg:$0x8] =	wrdreg s18  }
0x21: {  	s26 =	sadd.s32 $0xEE00, s2;
	s2 =	simm.s32 $0x8400;
	[dreg:$0xc] =	wrdreg s23  }
0x22: {  	s17 =	simm.s32 $0x5;
	s14 =	sadd.s32 s1, s16;
	[dreg:$0xe] =	wrdreg s25  }
.Ltmp0:
0x23: {  	[dreg:$0xf] =	wrdreg s26;
	s26 =	smax.u32 s0, $0x1;
	(pc) =	sbr.rel .LBB2_1-.Ltmp0, $4  }
0x24: {  	s0 =	simm.s32 $0x5C00;
	[dreg:$0x7] =	wrdreg s14;
	s14 =	sadd.s32 s1, s20  }
0x25: {  	s16 =	simm.s32 $0x3;
	[dreg:$0x9] =	wrdreg s14;
	s14 =	sadd.s32 s1, s21  }
0x26: {  	s18 =	simm.s32 $0x6;
	s1 =	sadd.s32 s1, s22;
	[dreg:$0xa] =	wrdreg s14  }
0x27: {  	[dreg:$0xb] =	wrdreg s1;
	s1 =	simm.s32 $0x50;
	s14 =	simm.s32 $0x2  }
.LBB2_11:
0x28: {  	_ =	swait.ge [sflag:s17], $0x2800  }
0x29: {  	[sflag:s17] =	ssyncset.done $0x0  }
0x2a: {  	[sflag:s17] =	ssyncadd.s32 $0xFFFFD800  }
0x2b: {  	_ =	swait.ge [sflag:s18], $0x2800  }
0x2c: {  	[sflag:s18] =	ssyncset.done $0x0  }
0x2d: {  	[sflag:s18] =	ssyncadd.s32 $0xFFFFD800  }
0x2e: {  	_ =	swait.ge [sflag:s15], $0x2800  }
0x2f: {  	[sflag:s15] =	ssyncset.done $0x0  }
0x30: {  	[sflag:s15] =	ssyncadd.s32 $0xFFFFD800  }
0x31: {  	[bflag:$0x0] =	sbarrier.arrive $0xFFFF  }
0x32: {  	[tilespmem:s28], [sflag:$0x7] =	stream.linear.gather [spmem:s6], $0x2800, $0x38;
	[tilespmem:$0x1E480] =	vst v63  }
0x33: {  	_ =	swait.ge [sflag:s29], $0x2800  }
0x34: {  	[sflag:s29] =	ssyncset.done $0x0  }
0x35: {  	s20 =	rddreg [dreg:$0x4];
	[sflag:s29] =	ssyncadd.s32 $0xFFFFD800  }
0x36: {  	[hbm4b:s20+s4] =	stream.linear.scatter [tilespmem:s28], [sflag:$0x4], $0x2800, $0x38;
	[tilespmem:$0x1E480] =	vst v63  }
0x37: {  	_ = 	snop  }
0x38: {  	[tilespmem:s0], [sflag:$0x7] =	stream.linear.gather [spmem:s7], $0x2800, $0x38;
	[tilespmem:$0x1E480] =	vst v63  }
0x39: {  	_ =	swait.ge [sflag:s29], $0x2800  }
0x3a: {  	[sflag:s29] =	ssyncset.done $0x0  }
0x3b: {  	s25 =	rddreg [dreg:$0x5];
	[sflag:s29] =	ssyncadd.s32 $0xFFFFD800  }
0x3c: {  	[hbm4b:s25+s4] =	stream.linear.scatter [tilespmem:s0], [sflag:$0x5], $0x2800, $0x38;
	[tilespmem:$0x1E480] =	vst v63  }
0x3d: {  	_ = 	snop  }
0x3e: {  	[tilespmem:s2], [sflag:$0x7] =	stream.linear.gather [spmem:s8], $0x2800, $0x38;
	[tilespmem:$0x1E480] =	vst v63  }
0x3f: {  	_ =	swait.ge [sflag:s29], $0x2800  }
0x40: {  	[sflag:s29] =	ssyncset.done $0x0  }
0x41: {  	s21 =	rddreg [dreg:$0x6];
	[sflag:s29] =	ssyncadd.s32 $0xFFFFD800  }
0x42: {  	[hbm4b:s21+s4] =	stream.linear.scatter [tilespmem:s2], [sflag:$0x6], $0x2800, $0x38;
	[tilespmem:$0x1E480] =	vst v63  }
0x43: {  	_ =	swait.ge [sflag:s15], $0x2800  }
0x44: {  	[sflag:s15] =	ssyncset.done $0x0  }
0x45: {  	[sflag:s15] =	ssyncadd.s32 $0xFFFFD800  }
0x46: {  	[tilespmem:s28], [sflag:$0x7] =	stream.linear.gather [spmem:s9], $0x2800, $0x38;
	[tilespmem:$0x1E480] =	vst v63  }
0x47: {  	_ =	swait.ge [sflag:s29], $0x2800  }
0x48: {  	[sflag:s29] =	ssyncset.done $0x0  }
0x49: {  	s22 =	rddreg [dreg:$0x7];
	[sflag:s29] =	ssyncadd.s32 $0xFFFFD800  }
0x4a: {  	[hbm4b:s22+s4] =	stream.linear.scatter [tilespmem:s28], [sflag:$0x4], $0x2800, $0x38;
	[tilespmem:$0x1E480] =	vst v63  }
0x4b: {  	_ =	swait.ge [sflag:s17], $0x2800  }
0x4c: {  	[sflag:s17] =	ssyncset.done $0x0  }
0x4d: {  	[sflag:s17] =	ssyncadd.s32 $0xFFFFD800  }
0x4e: {  	[tilespmem:s0], [sflag:$0x7] =	stream.linear.gather [spmem:s10], $0x2800, $0x38;
	[tilespmem:$0x1E480] =	vst v63  }
0x4f: {  	_ =	swait.ge [sflag:s29], $0x2800  }
0x50: {  	[sflag:s29] =	ssyncset.done $0x0  }
0x51: {  	s23 =	rddreg [dreg:$0x8];
	[sflag:s29] =	ssyncadd.s32 $0xFFFFD800  }
0x52: {  	[hbm4b:s23+s4] =	stream.linear.scatter [tilespmem:s0], [sflag:$0x5], $0x2800, $0x38;
	[tilespmem:$0x1E480] =	vst v63  }
0x53: {  	_ =	swait.ge [sflag:s18], $0x2800  }
0x54: {  	[sflag:s18] =	ssyncset.done $0x0  }
0x55: {  	[sflag:s18] =	ssyncadd.s32 $0xFFFFD800  }
0x56: {  	[tilespmem:s2], [sflag:$0x7] =	stream.linear.gather [spmem:s11], $0x2800, $0x38;
	[tilespmem:$0x1E480] =	vst v63  }
0x57: {  	_ =	swait.ge [sflag:s29], $0x2800  }
0x58: {  	[sflag:s29] =	ssyncset.done $0x0  }
0x59: {  	s24 =	rddreg [dreg:$0x9];
	[sflag:s29] =	ssyncadd.s32 $0xFFFFD800  }
0x5a: {  	[hbm4b:s24+s4] =	stream.linear.scatter [tilespmem:s2], [sflag:$0x6], $0x2800, $0x38;
	[tilespmem:$0x1E480] =	vst v63  }
0x5b: {  	_ =	swait.ge [sflag:s15], $0x2800  }
0x5c: {  	[sflag:s15] =	ssyncset.done $0x0  }
0x5d: {  	[sflag:s15] =	ssyncadd.s32 $0xFFFFD800  }
0x5e: {  	[tilespmem:s28], [sflag:$0x7] =	stream.linear.gather [spmem:s12], $0x2800, $0x38;
	[tilespmem:$0x1E480] =	vst v63  }
0x5f: {  	_ =	swait.ge [sflag:s29], $0x2800  }
0x60: {  	[sflag:s29] =	ssyncset.done $0x0  }
0x61: {  	s20 =	simm.s32 @!p0 $0x5;
	s25 =	rddreg [dreg:$0xa];
	[sflag:s29] =	ssyncadd.s32 $0xFFFFD800  }
0x62: {  	[hbm4b:s25+s4] =	stream.linear.scatter [tilespmem:s28], [sflag:$0x4], $0x2800, $0x38;
	[tilespmem:$0x1E480] =	vst v63  }
0x63: {  	_ =	swait.ge @!p0 [sflag:s20], $0x2800  }
0x64: {  	[sflag:s20] =	ssyncset.done @!p0 $0x0  }
0x65: {  	s21 =	simm.s32 @!p0 $0x7;
	[sflag:s20] =	ssyncadd.s32 @!p0 $0xFFFFD800;
	s20 =	simm.s32 @!p0 $0x5C00  }
0x66: {  	[tilespmem:s20], [sflag:$0x7] =	stream.linear.gather @!p0 [spmem:s13], $0x2800, $0x38;
	[tilespmem:$0x1E480] =	vst v63  }
0x67: {  	_ =	swait.ge @!p0 [sflag:s21], $0x2800  }
0x68: {  	[sflag:s21] =	ssyncset.done @!p0 $0x0  }
0x69: {  	s22 =	rddreg [dreg:$0xb];
	[sflag:s21] =	ssyncadd.s32 @!p0 $0xFFFFD800;
	s21 =	simm.s32 @!p0 $0x0  }
0x6a: {  	[hbm4b:s22+s21] =	stream.linear.scatter @!p0 [tilespmem:s20], [sflag:$0x5], $0x2800, $0x38;
	[tilespmem:$0x1E480] =	vst v63  }
0x6b: {  	_ =	swait.ge [sflag:s15], $0x2800  }
0x6c: {  	[sflag:s15] =	ssyncset.done $0x0  }
0x6d: {  	s19 =	sadd.s32 $0x1, s19;
	[sflag:s15] =	ssyncadd.s32 $0xFFFFD800  }
0x6e: {  	p1 =	sne.s32 s19, s26;
	_ =	swait.ge [sflag:s17], $0x2800  }
.Ltmp1:
0x6f: {  	[sflag:s17] =	ssyncset.done $0x0;
	(pc) =	sbr.rel @!p1 .LBB2_12-.Ltmp1, $4  }
0x70: {  	[sflag:s17] =	ssyncadd.s32 $0xFFFFD800  }
0x71: {  	_ =	swait.ge [sflag:s18], $0x2800  }
0x72: {  	[sflag:s18] =	ssyncset.done $0x0  }
0x73: {  	[sflag:s18] =	ssyncadd.s32 $0xFFFFD800  }
.LBB2_1:
0x74: {  	s20 =	rddreg [dreg:$0x1]  }
0x75: {  	[tilespmem:s28], [sflag:$0x7] =	stream.linear.gather [hbm4b:s20+s4], $0x2800, $0x38;
	[tilespmem:$0x1E480] =	vst v63  }
0x76: {  	_ =	swait.ge [sflag:s29], $0x2800  }
0x77: {  	[sflag:s29] =	ssyncset.done $0x0  }
0x78: {  	[sflag:s29] =	ssyncadd.s32 $0xFFFFD800  }
0x79: {  	[spmem:s6] =	stream.linear.scatter [tilespmem:s28], [sflag:$0x1], $0x2800, $0x38;
	[tilespmem:$0x1E480] =	vst v63  }
0x7a: {  	_ = 	snop  }
0x7b: {  	[spmem:s7] =	stream.linear.scatter [tilespmem:s28], [sflag:$0x1], $0x2800, $0x38;
	[tilespmem:$0x1E480] =	vst v63  }
0x7c: {  	_ = 	snop  }
0x7d: {  	[spmem:s8] =	stream.linear.scatter [tilespmem:s28], [sflag:$0x1], $0x2800, $0x38;
	[tilespmem:$0x1E480] =	vst v63  }
0x7e: {  	_ = 	snop  }
0x7f: {  	[spmem:s9] =	stream.linear.scatter [tilespmem:s28], [sflag:$0x1], $0x2800, $0x38;
	[tilespmem:$0x1E480] =	vst v63  }
0x80: {  	_ = 	snop  }
0x81: {  	[spmem:s10] =	stream.linear.scatter [tilespmem:s28], [sflag:$0x1], $0x2800, $0x38;
	[tilespmem:$0x1E480] =	vst v63  }
0x82: {  	_ = 	snop  }
0x83: {  	[spmem:s11] =	stream.linear.scatter [tilespmem:s28], [sflag:$0x1], $0x2800, $0x38;
	[tilespmem:$0x1E480] =	vst v63  }
0x84: {  	_ = 	snop  }
0x85: {  	[spmem:s12] =	stream.linear.scatter [tilespmem:s28], [sflag:$0x1], $0x2800, $0x38;
	[tilespmem:$0x1E480] =	vst v63  }
0x86: {  	s20 =	simm.s32 @!p0 $0x3400  }
0x87: {  	[spmem:s13] =	stream.linear.scatter @!p0 [tilespmem:s20], [sflag:$0x1], $0x2800, $0x38;
	[tilespmem:$0x1E480] =	vst v63  }
0x88: {  	_ =	swait.ge [sflag:s30], $0x2800  }
0x89: {  	[sflag:s30] =	ssyncset.done $0x0  }
0x8a: {  	[sflag:s30] =	ssyncadd.s32 $0xFFFFD800  }
0x8b: {  	_ =	swait.ge [sflag:s30], $0x2800  }
0x8c: {  	[sflag:s30] =	ssyncset.done $0x0  }
0x8d: {  	[sflag:s30] =	ssyncadd.s32 $0xFFFFD800  }
0x8e: {  	_ =	swait.ge [sflag:s30], $0x2800  }
0x8f: {  	[sflag:s30] =	ssyncset.done $0x0  }
0x90: {  	[sflag:s30] =	ssyncadd.s32 $0xFFFFD800  }
0x91: {  	_ =	swait.ge [sflag:s30], $0x2800  }
0x92: {  	[sflag:s30] =	ssyncset.done $0x0  }
0x93: {  	[sflag:s30] =	ssyncadd.s32 $0xFFFFD800  }
0x94: {  	_ =	swait.ge [sflag:s30], $0x2800  }
0x95: {  	[sflag:s30] =	ssyncset.done $0x0  }
0x96: {  	[sflag:s30] =	ssyncadd.s32 $0xFFFFD800  }
0x97: {  	_ =	swait.ge [sflag:s30], $0x2800  }
0x98: {  	[sflag:s30] =	ssyncset.done $0x0  }
0x99: {  	[sflag:s30] =	ssyncadd.s32 $0xFFFFD800  }
0x9a: {  	_ =	swait.ge [sflag:s30], $0x2800  }
0x9b: {  	[sflag:s30] =	ssyncset.done $0x0  }
0x9c: {  	s20 =	simm.s32 @!p0 $0x1;
	[sflag:s30] =	ssyncadd.s32 $0xFFFFD800  }
0x9d: {  	_ =	swait.ge @!p0 [sflag:s20], $0x2800  }
0x9e: {  	[sflag:s20] =	ssyncset.done @!p0 $0x0  }
0x9f: {  	[sflag:s20] =	ssyncadd.s32 @!p0 $0xFFFFD800  }
0xa0: {  	[bflag:$0x0] =	sbarrier.arrive $0xFFFF  }
0xa1: {  	s24 =	rddreg [dreg:$0xc]  }
0xa2: {  	[tilespmem:s4], [sflag:$0x7] =	stream.linear.gather [hbm4b:s24+s4], $0x1400, $0x38;
	[tilespmem:$0x1E480] =	vst v63  }
0xa3: {  	_ =	swait.ge [sflag:s29], $0x1400  }
0xa4: {  	[sflag:s29] =	ssyncset.done $0x0  }
0xa5: {  	s25 =	rddreg [dreg:$0xe];
	[sflag:s29] =	ssyncadd.s32 $0xFFFFEC00  }
0xa6: {  	[tilespmem:s31], [sflag:$0x7] =	stream.linear.gather [hbm4b:s25+s4], $0x2000, $0x38;
	[tilespmem:$0x1E480] =	vst v63  }
0xa7: {  	_ =	swait.ge [sflag:s29], $0x2000  }
.Ltmp2:
0xa8: {  	[sflag:s29] =	ssyncset.done $0x0;
	(pc) =	sbr.rel .LBB2_2-.Ltmp2, $4  }
0xa9: {  	[sflag:s29] =	ssyncadd.s32 $0xFFFFE000  }
0xaa: {  	[tilespmem:s28], [sflag:$0x1] =	stream.indirect.gather [hbm4b:s5+s1], $0x80, s4, s1, $0xb8;
	[tilespmem:$0x1E480] =	vst v63  }
0xab: {  	s21 =	simm.s32 $0x0;
	s22 =	simm.s32 $0x0;
	s20 =	simm.s32 $0xA0  }
0xac: {  	[tilespmem:s0], [sflag:$0x2] =	stream.indirect.gather [hbm4b:s5+s1], $0x80, s1, s1, $0xb8;
	[tilespmem:$0x1E480] =	vst v63  }
.LBB2_5:
0xad: {  	[tilespmem:s2], [sflag:$0x3] =	stream.indirect.gather [hbm4b:s5+s1], $0x80, s24, s1, $0xb8;
	[tilespmem:$0x1E480] =	vst v63  }
0xae: {  	_ =	swait.ge [sflag:s14], $0x2800  }
0xaf: {  	[sflag:s14] =	ssyncset.done $0x0  }
0xb0: {  	s25 =	sadd.s32 $0x1480, s23;
	[sflag:s14] =	ssyncadd.s32 $0xFFFFD800  }
0xb1: {  	[spmem:s3] =	stream.indirect.scatter.add.f32 [tilespmem:s0], [sflag:$0x5], $0x80, s25, s1, $0xb8;
	[tilespmem:$0x1E480] =	vst v63  }
0xb2: {  	_ =	swait.ge [sflag:s15], $0x2800  }
0xb3: {  	[sflag:s15] =	ssyncset.done $0x0  }
0xb4: {  	s25 =	sadd.s32 $0x50, s20;
	[sflag:s15] =	ssyncadd.s32 $0xFFFFD800  }
0xb5: {  	[tilespmem:s28], [sflag:$0x1] =	stream.indirect.gather [hbm4b:s5+s1], $0x80, s25, s1, $0xb8;
	[tilespmem:$0x1E480] =	vst v63  }
0xb6: {  	_ =	swait.ge [sflag:s16], $0x2800  }
0xb7: {  	p1 =	sgt.u32 s22, $0x13;
	[sflag:s16] =	ssyncset.done $0x0  }
0xb8: {  	s25 =	sadd.s32 $0x1500, s23;
	s23 =	simm.s32 @!p1 $0x5;
	[sflag:s16] =	ssyncadd.s32 $0xFFFFD800  }
0xb9: {  	[spmem:s3] =	stream.indirect.scatter.add.f32 [tilespmem:s2], [sflag:$0x6], $0x80, s25, s1, $0xb8;
	[tilespmem:$0x1E480] =	vst v63  }
0xba: {  	_ =	swait.ge @!p1 [sflag:s23], $0x2800  }
0xbb: {  	s21 =	sadd.s32 $0x600, s21;
	s24 =	simm.s32 @!p1 $0x50;
	[sflag:s23] =	ssyncset.done @!p1 $0x0  }
0xbc: {  	s25 =	simm.s32 @!p1 $0x5C00;
	[sflag:s23] =	ssyncadd.s32 @!p1 $0xFFFFD800;
	s23 =	sadd.s32 @!p1 $0xA0, s20  }
0xbd: {  	[tilespmem:s25], [sflag:$0x2] =	stream.indirect.gather @!p1 [hbm4b:s5+s24], $0x80, s23, s24, $0xb8;
	[tilespmem:$0x1E480] =	vst v63  }
0xbe: {  	p1 =	sne.s32 s21, $0x8400  }
.Ltmp3:
0xbf: {  	_ = 	snop;
	(pc) =	sbr.rel @!p1 .LBB2_6-.Ltmp3, $2  }
0xc0: {  	_ =	sdelay $0x2  }
0xc1: {  	s22 =	sadd.s32 $0x1, s22;
	s20 =	sadd.s32 $0xF0, s20  }
.LBB2_2:
0xc2: {  	p1 =	seq.s32 s22, $0x0  }
.Ltmp4:
0xc3: {  	_ =	swait.ge [sflag:s30], $0x2800;
	(pc) =	sbr.rel @p1 .LBB2_5-.Ltmp4, $4  }
0xc4: {  	s23 =	sshra.s32 s21, $0x2;
	[sflag:s30] =	ssyncset.done $0x0  }
0xc5: {  	s24 =	sadd.s32 $0x1400, s23;
	[sflag:s30] =	ssyncadd.s32 $0xFFFFD800  }
0xc6: {  	[spmem:s3] =	stream.indirect.scatter.add.f32 [tilespmem:s28], [sflag:$0x4], $0x80, s24, s1, $0xb8;
	[tilespmem:$0x1E480] =	vst v63  }
0xc7: {  	s24 =	simm.s32 $0xA0  }
0xc8: {  	p1 =	seq.s32 s22, $0x15  }
.Ltmp5:
0xc9: {  	_ = 	snop;
	(pc) =	sbr.rel @p1 .LBB2_6-.Ltmp5, $1  }
0xca: {  	_ =	sdelay $0x3  }
.Ltmp6:
0xcb: {  	(pc) =	sbr.rel .LBB2_5-.Ltmp6, $4  }
0xcc: {  	_ = 	snop  }
0xcd: {  	_ =	swait.ge [sflag:s18], $0x2800  }
0xce: {  	[sflag:s18] =	ssyncset.done $0x0  }
0xcf: {  	s24 =	smov.u32 s20;
	[sflag:s18] =	ssyncadd.s32 $0xFFFFD800  }
.LBB2_6:
0xd0: {  	_ =	swait.ge [sflag:s17], $0x2800  }
0xd1: {  	[sflag:s17] =	ssyncset.done $0x0  }
0xd2: {  	[sflag:s17] =	ssyncadd.s32 $0xFFFFD800  }
0xd3: {  	_ =	swait.ge [sflag:s18], $0x2800  }
0xd4: {  	[sflag:s18] =	ssyncset.done $0x0  }
0xd5: {  	[sflag:s18] =	ssyncadd.s32 $0xFFFFD800  }
0xd6: {  	_ =	swait.ge [sflag:s15], $0x2800  }
0xd7: {  	[sflag:s15] =	ssyncset.done $0x0  }
0xd8: {  	s20 =	simm.s32 $0x0;
	s21 =	rddreg [dreg:$0xd];
	[sflag:s15] =	ssyncadd.s32 $0xFFFFD800  }
0xd9: {  	[tilespmem:s20], [sflag:$0x7] =	stream.linear.gather [hbm4b:s21+s20], $0x1310, $0x38;
	[tilespmem:$0x1E480] =	vst v63  }
0xda: {  	_ =	swait.ge [sflag:s29], $0x1310  }
0xdb: {  	[sflag:s29] =	ssyncset.done $0x0  }
0xdc: {  	s25 =	rddreg [dreg:$0xf];
	[sflag:s29] =	ssyncadd.s32 $0xFFFFECF0  }
0xdd: {  	[tilespmem:s31], [sflag:$0x7] =	stream.linear.gather [hbm4b:s25+s20], $0x1E80, $0x38;
	[tilespmem:$0x1E480] =	vst v63  }
0xde: {  	_ =	swait.ge [sflag:s29], $0x1E80  }
.Ltmp7:
0xdf: {  	[sflag:s29] =	ssyncset.done $0x0;
	(pc) =	sbr.rel .LBB2_7-.Ltmp7, $4  }
0xe0: {  	[sflag:s29] =	ssyncadd.s32 $0xFFFFE180  }
0xe1: {  	[tilespmem:s28], [sflag:$0x1] =	stream.indirect.gather [hbm4b:s5+s1], $0x80, s20, s1, $0xb8;
	[tilespmem:$0x1E480] =	vst v63  }
0xe2: {  	s22 =	simm.s32 $0x0;
	s21 =	simm.s32 $0xA0  }
0xe3: {  	[tilespmem:s0], [sflag:$0x2] =	stream.indirect.gather [hbm4b:s5+s1], $0x80, s1, s1, $0xb8;
	[tilespmem:$0x1E480] =	vst v63  }
.LBB2_10:
0xe4: {  	[tilespmem:s2], [sflag:$0x3] =	stream.indirect.gather [hbm4b:s5+s1], $0x80, s24, s1, $0xb8;
	[tilespmem:$0x1E480] =	vst v63  }
0xe5: {  	_ =	swait.ge [sflag:s14], $0x2800  }
0xe6: {  	[sflag:s14] =	ssyncset.done $0x0  }
0xe7: {  	s25 =	sadd.s32 $0x1480, s23;
	[sflag:s14] =	ssyncadd.s32 $0xFFFFD800  }
0xe8: {  	[spmem:s3] =	stream.indirect.scatter.add.f32 [tilespmem:s0], [sflag:$0x5], $0x80, s25, s1, $0xb8;
	[tilespmem:$0x1E480] =	vst v63  }
0xe9: {  	_ =	swait.ge [sflag:s15], $0x2800  }
0xea: {  	[sflag:s15] =	ssyncset.done $0x0  }
0xeb: {  	s25 =	sadd.s32 $0x50, s21;
	[sflag:s15] =	ssyncadd.s32 $0xFFFFD800  }
0xec: {  	[tilespmem:s28], [sflag:$0x1] =	stream.indirect.gather [hbm4b:s5+s1], $0x80, s25, s1, $0xb8;
	[tilespmem:$0x1E480] =	vst v63  }
0xed: {  	_ =	swait.ge [sflag:s16], $0x2800  }
0xee: {  	p1 =	sgt.u32 s22, $0x12;
	[sflag:s16] =	ssyncset.done $0x0  }
0xef: {  	s25 =	sadd.s32 $0x1500, s23;
	s23 =	simm.s32 @!p1 $0x5;
	[sflag:s16] =	ssyncadd.s32 $0xFFFFD800  }
0xf0: {  	[spmem:s3] =	stream.indirect.scatter.add.f32 [tilespmem:s2], [sflag:$0x6], $0x80, s25, s1, $0xb8;
	[tilespmem:$0x1E480] =	vst v63  }
0xf1: {  	_ =	swait.ge @!p1 [sflag:s23], $0x2800  }
0xf2: {  	s20 =	sadd.s32 $0x600, s20;
	s24 =	simm.s32 @!p1 $0x50;
	[sflag:s23] =	ssyncset.done @!p1 $0x0  }
0xf3: {  	s25 =	simm.s32 @!p1 $0x5C00;
	[sflag:s23] =	ssyncadd.s32 @!p1 $0xFFFFD800;
	s23 =	sadd.s32 @!p1 $0xA0, s21  }
0xf4: {  	[tilespmem:s25], [sflag:$0x2] =	stream.indirect.gather @!p1 [hbm4b:s5+s24], $0x80, s23, s24, $0xb8;
	[tilespmem:$0x1E480] =	vst v63  }
0xf5: {  	p1 =	sne.s32 s20, $0x7E00  }
.Ltmp8:
0xf6: {  	_ = 	snop;
	(pc) =	sbr.rel @!p1 .LBB2_11-.Ltmp8, $2  }
0xf7: {  	_ =	sdelay $0x2  }
0xf8: {  	s22 =	sadd.s32 $0x1, s22;
	s21 =	sadd.s32 $0xF0, s21  }
.LBB2_7:
0xf9: {  	p1 =	seq.s32 s22, $0x0  }
.Ltmp9:
0xfa: {  	_ =	swait.ge [sflag:s30], $0x2800;
	(pc) =	sbr.rel @p1 .LBB2_10-.Ltmp9, $4  }
0xfb: {  	s23 =	sshra.s32 s20, $0x2;
	[sflag:s30] =	ssyncset.done $0x0  }
0xfc: {  	s24 =	sadd.s32 $0x1400, s23;
	[sflag:s30] =	ssyncadd.s32 $0xFFFFD800  }
0xfd: {  	[spmem:s3] =	stream.indirect.scatter.add.f32 [tilespmem:s28], [sflag:$0x4], $0x80, s24, s1, $0xb8;
	[tilespmem:$0x1E480] =	vst v63  }
0xfe: {  	s24 =	simm.s32 $0xA0  }
0xff: {  	p1 =	seq.s32 s22, $0x14  }
.Ltmp10:
0x100: {  	_ = 	snop;
	(pc) =	sbr.rel @p1 .LBB2_11-.Ltmp10, $1  }
0x101: {  	_ =	sdelay $0x3  }
.Ltmp11:
0x102: {  	(pc) =	sbr.rel .LBB2_10-.Ltmp11, $4  }
0x103: {  	_ = 	snop  }
0x104: {  	_ =	swait.ge [sflag:s18], $0x2800  }
0x105: {  	[sflag:s18] =	ssyncset.done $0x0  }
0x106: {  	s24 =	smov.u32 s21;
	[sflag:s18] =	ssyncadd.s32 $0xFFFFD800  }
.LBB2_12:
0x107: {  	_ =	sfence.sel $0x180000  }
0x108: {  	[bflag:$0x0] =	sbarrier.arrive $0xFFFF  }
0x109: {  	_ =	strace $0x9000004A  }
0x10a: {  	s0 =	stileid.u32;
	[bflag:$0x2] =	sbarrier.arrive $0xFFFF  }
0x10b: {  	p0 =	sne.s32 s0, $0x0;
	s0 =	rddreg [dreg:$0x3]  }
0x10c: {  	s0 =	sadd.s32 @!p0 $0x100000, s0  }
0x10d: {  	[sflag:s0] =	ssyncadd.tile.s32 @!p0 $0x1;
	_ =	shalt  }
.Lfunc_end2:
_tile_overlayer_lowered:
.L_overlay_start_2:
0x10e: {  	(tag) =	ssettag $0x2  }
0x10f: {  	s0 =	rddreg [dreg:$0x0];
	s2 =	stileid.u32  }
0x110: {  	s1 =	rddreg [dreg:$0x1];
	p0 =	sne.s32 s2, $0x0  }
0x111: {  	s3 =	rddreg [dreg:$0x2];
	[bflag:$0x3] =	sbarrier.arrive $0xFFFF;
	s2 =	simm.s32 @!p0 $0x1C07  }
0x112: {  	[timem:s3], [sflag:s2] =	dma.local @!p0 [hbm:s0], s1  }
0x113: {  	s0 =	simm.s32 @!p0 $0x7  }
0x114: {  	_ =	swait.ge @!p0 [sflag:s0], s1  }
0x115: {  	s1 =	ssub.s32 @!p0 $0x0, s1;
	[sflag:s0] =	ssyncset.done @!p0 $0x0  }
0x116: {  	[sflag:s0] =	ssyncadd.s32 @!p0 s1  }
0x117: {  	[bflag:$0x3] =	sbarrier.arrive $0xFFFF  }
0x118: {  	_ =	shalt  }

// kernel: kernel.14.cloned.1.call-start
scs
__scs_entry_jumppad:
0x0: {  	(pc) =	sbr.rel $0x88, $3  }
0x1: {  	(tag) =	ssettag $0x0;
	lr =	simm.s32 $0x1  }
0x2: {  	[smem:$0x3F8C] =	sst lr;
	_ =	strace $0xD0000000  }
0x3: {  	_ = 	snop  }
0x4: {  	_ = 	snop  }
0x5: {  	_ = 	snop  }
0x6: {  	_ = 	snop  }
0x7: {  	_ = 	snop  }
__scs_overlays_trampoline_lowered:
0x8: {  	[smem:$0x3F9B] =	sst s0  }
0x9: {  	[smem:$0x3F9C] =	sst s1  }
0xa: {  	[smem:$0x3F9D] =	sst s2  }
0xb: {  	[smem:$0x3F9E] =	sst s3  }
0xc: {  	[smem:$0x3F9F] =	sst s4  }
0xd: {  	[smem:$0x3FA0] =	sst s5  }
0xe: {  	[smem:$0x3FA1] =	sst s6  }
0xf: {  	[smem:$0x3FA2] =	sst s7  }
0x10: {  	[smem:$0x3FA3] =	sst s8  }
0x11: {  	[smem:$0x3FA4] =	sst s9;
	s0 =	simm.s32 @!p0 $0x0  }
0x12: {  	s1 =	sld [smem:$0x3F8A];
	s0 =	simm.s32 @p0 $0x1  }
0x13: {  	[smem:$0x3FA5] =	sst s0;
	s0 =	simm.s32 @!p1 $0x0  }
0x14: {  	s2 =	sld [smem:$0x3F89];
	s0 =	simm.s32 @p1 $0x1  }
0x15: {  	[smem:$0x3FA6] =	sst s0;
	s0 =	simm.s32 @!p2 $0x0  }
0x16: {  	s3 =	sld [smem:$0x3FDB];
	s0 =	simm.s32 @p2 $0x1  }
0x17: {  	s4 =	simm.s32 $0x1BF5;
	[smem:$0x3FA8] =	sst s0  }
0x18: {  	s0 =	sld [smem:$0x3F8B];
	_ =	swait.ge [sflag:s4], $0x0  }
0x19: {  	s7 =	sld [smem:$0x3F8C]  }
0x1a: {  	s8 =	sadd.s32 $0xFFFFE003, lr  }
0x1b: {  	s9 =	sadd.s32 $0xFFFFFEF7, lr;
	s5 =	simm.s32 $0xFFFFFFFF;
	p2 =	slt.u32 s8, $0xFFFFF086  }
0x1c: {  	p1 =	slt.u32 s9, $0xF7A;
	s5 =	simm.s32 @!p2 $0x0  }
0x1d: {  	s5 =	simm.s32 @p1 $0x1;
	p0 =	seq.s32 s7, s2  }
0x1e: {  	s7 =	smul.u32 @!p0 $0xF7A, s2;
	p2 =	seq.s32 @!p0 s5, $0x0  }
0x1f: {  	s9 =	smul.u32 $0xF7A, s1;
	s8 =	simm.s32 @!p0 $0x1BF5;
	p2 =	por !p2, p0  }
0x20: {  	[sflag:s8] =	ssyncset.s32 @!p0 $0xFFFFF086;
	s6 =	sadd.s32 @!p0 s3, s7;
	s7 =	simm.s32 @!p0 $0x108  }
0x21: {  	s3 =	sadd.s32 s3, s9;
	s6 =	sadd.s32 @!p0 $0x88, s6;
	s7 =	simm.s32 @p2 $0x1082  }
0x22: {  	[simem:s7], [sflag:s8] =	dma.local @!p0 [hbm:s6], $0xF7A  }
0x23: {  	s9 =	sor.u32 $0xD0000000, s2;
	s6 =	simm.s32 $0x108;
	_ =	swait.ge @!p0 [sflag:s8], $0x0  }
0x24: {  	s3 =	sadd.s32 $0x88, s3;
	s6 =	simm.s32 @!p1 $0x1082;
	[sflag:s4] =	ssyncset.s32 $0xFFFFF086  }
0x25: {  	[simem:s6], [sflag:s4] =	dma.local [hbm:s3], $0xF7A  }
0x26: {  	[smem:$0x3F8C] =	sst s1;
	(tag) =	ssettag s2;
	_ =	strace s9  }
0x27: {  	s1 =	sld [smem:$0x3F9C]  }
0x28: {  	s2 =	sld [smem:$0x3F9D]  }
0x29: {  	s4 =	sld [smem:$0x3F9F]  }
0x2a: {  	p0 =	seq.s32 s5, $0x0;
	s5 =	sld [smem:$0x3FA0]  }
0x2b: {  	s6 =	sld [smem:$0x3FA1]  }
0x2c: {  	s7 =	sld [smem:$0x3FA2]  }
0x2d: {  	s3 =	simm.s32 $0x108;
	s8 =	sld [smem:$0x3FA3]  }
0x2e: {  	s3 =	simm.s32 @!p0 $0x1082;
	s9 =	sld [smem:$0x3FA4]  }
0x2f: {  	lr =	sadd.s32 s0, s3;
	s0 =	sld [smem:$0x3F9B]  }
0x30: {  	s3 =	sld [smem:$0x3F9E]  }
0x31: {  	[smem:$0x3FA7] =	sst s10  }
0x32: {  	s10 =	sld [smem:$0x3FA5];
	_ =	sdelay $0x3  }
0x33: {  	p0 =	seq.s32 s10, $0x1;
	s10 =	sld [smem:$0x3FA7];
	_ =	sdelay $0x3  }
0x34: {  	[smem:$0x3FA7] =	sst s10  }
0x35: {  	s10 =	sld [smem:$0x3FA6];
	_ =	sdelay $0x3  }
0x36: {  	p1 =	seq.s32 s10, $0x1;
	s10 =	sld [smem:$0x3FA7];
	_ =	sdelay $0x3  }
0x37: {  	[smem:$0x3FA7] =	sst s10  }
0x38: {  	s10 =	sld [smem:$0x3FA8]  }
0x39: {  	_ = 	snop;
	(pc) =	sbr.ind lr, $3  }
0x3a: {  	_ = 	snop  }
0x3b: {  	_ = 	snop  }
0x3c: {  	p2 =	seq.s32 s10, $0x1;
	s10 =	sld [smem:$0x3FA7]  }
0x3d: {  	_ =	shalt  }
0x3e: {  	_ =	shalt  }
0x3f: {  	_ =	shalt  }
0x40: {  	_ =	shalt  }
0x41: {  	_ =	shalt  }
0x42: {  	_ =	shalt  }
0x43: {  	_ =	shalt  }
0x44: {  	_ =	shalt  }
0x45: {  	_ =	shalt  }
0x46: {  	_ =	shalt  }
0x47: {  	_ =	shalt  }
0x48: {  	_ =	shalt  }
0x49: {  	_ =	shalt  }
0x4a: {  	_ =	shalt  }
0x4b: {  	_ =	shalt  }
0x4c: {  	_ =	shalt  }
0x4d: {  	_ =	shalt  }
0x4e: {  	_ =	shalt  }
0x4f: {  	_ =	shalt  }
0x50: {  	_ =	shalt  }
0x51: {  	_ =	shalt  }
0x52: {  	_ =	shalt  }
0x53: {  	_ =	shalt  }
0x54: {  	_ =	shalt  }
0x55: {  	_ =	shalt  }
0x56: {  	_ =	shalt  }
0x57: {  	_ =	shalt  }
0x58: {  	_ =	shalt  }
0x59: {  	_ =	shalt  }
0x5a: {  	_ =	shalt  }
0x5b: {  	_ =	shalt  }
0x5c: {  	_ =	shalt  }
0x5d: {  	_ =	shalt  }
0x5e: {  	_ =	shalt  }
0x5f: {  	_ =	shalt  }
0x60: {  	_ =	shalt  }
0x61: {  	_ =	shalt  }
0x62: {  	_ =	shalt  }
0x63: {  	_ =	shalt  }
0x64: {  	_ =	shalt  }
0x65: {  	_ =	shalt  }
0x66: {  	_ =	shalt  }
0x67: {  	_ =	shalt  }
0x68: {  	_ =	shalt  }
0x69: {  	_ =	shalt  }
0x6a: {  	_ =	shalt  }
0x6b: {  	_ =	shalt  }
0x6c: {  	_ =	shalt  }
0x6d: {  	_ =	shalt  }
0x6e: {  	_ =	shalt  }
0x6f: {  	_ =	shalt  }
0x70: {  	_ =	shalt  }
0x71: {  	_ =	shalt  }
0x72: {  	_ =	shalt  }
0x73: {  	_ =	shalt  }
0x74: {  	_ =	shalt  }
0x75: {  	_ =	shalt  }
0x76: {  	_ =	shalt  }
0x77: {  	_ =	shalt  }
0x78: {  	_ =	shalt  }
0x79: {  	_ =	shalt  }
0x7a: {  	_ =	shalt  }
0x7b: {  	_ =	shalt  }
0x7c: {  	_ =	shalt  }
0x7d: {  	_ =	shalt  }
0x7e: {  	_ =	shalt  }
0x7f: {  	_ =	shalt  }
0x80: {  	_ =	shalt  }
0x81: {  	_ =	shalt  }
0x82: {  	_ =	shalt  }
0x83: {  	_ =	shalt  }
0x84: {  	_ =	shalt  }
0x85: {  	_ =	shalt  }
0x86: {  	_ =	shalt  }
0x87: {  	_ =	shalt  }
.Lfunc_end0:
.L_simem_size_0:
called_computation.2_lowered:
.L_overlay_start_0:
0x88: {  	s2 =	sld [smem:$0x3FD9]  }
0x89: {  	s3 =	sld [smem:$0x3FFE];
	_ =	sdelay $0x1  }
0x8a: {  	s1 =	srdreg.scid  }
0x8b: {  	s0 =	sand.u32 $0x1, s1  }
0x8c: {  	s17 =	sshll.u32 s0, $0xA;
	s2 =	sadd.s32 s3, s2  }
0x8d: {  	s2 =	sadd.s32 s2, s17  }
0x8e: {  	[smem:$0x3FB3] =	sst s2  }
0x8f: {  	_ = 	snop  }
0x90: {  	s2 =	sld [smem:$0x3FD0];
	(tm) =	ssettm $0x1  }
0x91: {  	s18 =	sld [smem:$0x3FFB];
	_ =	sdelay $0x3  }
0x92: {  	_ =	strace s18  }
0x93: {  	s3 =	sld [smem:$0x3FFC];
	_ =	sdelay $0x3  }
0x94: {  	_ =	strace s3  }
0x95: {  	s3 =	sld [smem:$0x3FFD];
	_ =	sdelay $0x3  }
0x96: {  	_ =	strace s3  }
0x97: {  	_ =	strace $0x8FFFFFFF  }
0x98: {  	s19 =	sld [smem:$0x3FDB];
	_ =	sdelay $0x1  }
0x99: {  	s4 =	simm.s32 $_scs_section_size  }
0x9a: {  	s5 =	simm.s32 $_size__tile_overlayer_lowered;
	s6 =	simm.s32 $_tile_overlayer_lowered  }
0x9b: {  	s22 =	simm.s32 $0x1BFF;
	s21 =	sshll.u32 s6, $0x1;
	s3 =	sadd.s32 s4, s19  }
0x9c: {  	s7 =	simm.s32 $0x0;
	s20 =	sshll.u32 s5, $0x1;
	s5 =	sadd.s32 s21, s3  }
0x9d: {  	[timem:s7], [sflag:s22] =	dma.local [hbm:s5], s20  }
0x9e: {  	_ =	swait.ge [sflag:s22], s20  }
0x9f: {  	s4 =	ssub.s32 $0x0, s20;
	[sflag:s22] =	ssyncset.done $0x0  }
0xa0: {  	[sflag:s22] =	ssyncadd.s32 s4;
	_ =	sdelay $0x1  }
0xa1: {  	s23 =	simm.s32 $0x1B8B  }
0xa2: {  	_ =	swait.ge [sflag:s23], $0x1  }
0xa3: {  	[sflag:s23] =	ssyncset.done $0x0  }
0xa4: {  	s25 =	simm.s32 $0x1B8E;
	s24 =	sld [smem:$0x3FFE];
	[sflag:s23] =	ssyncadd.s32 $0xFFFFFFFF  }
0xa5: {  	s26 =	simm.s32 $execute0_lowered;
	[smem:$0x3FD2] =	sst s25  }
0xa6: {  	s5 =	sshll.u32 s26, $0x1;
	_ =	strace $0x8000004C;
	[dreg:$0x1] =	wrdreg $0xFFFFFFFF  }
0xa7: {  	s28 =	simm.s32 $_size_execute0_lowered;
	s3 =	sadd.s32 s3, s5;
	[dreg:$0x0] =	wrdreg $0x0  }
0xa8: {  	s5 =	sshll.u32 s28, $0x1;
	[dreg:$0x2] =	wrdreg s3  }
0xa9: {  	[dreg:$0x3] =	wrdreg s5  }
0xaa: {  	[dreg:$0x4] =	wrdreg $0xC0  }
0xab: {  	_ =	task [dreg:s7], $0x5FFFF  }
0xac: {  	[dreg:$0x1] =	wrdreg $0xFFFFFFFF  }
0xad: {  	[dreg:$0x0] =	wrdreg $0x60  }
0xae: {  	[dreg:$0x2] =	wrdreg s24  }
0xaf: {  	[dreg:$0x3] =	wrdreg s2  }
0xb0: {  	[dreg:$0x4] =	wrdreg $0xAC000  }
0xb1: {  	[dreg:$0x5] =	wrdreg $0x9  }
0xb2: {  	_ =	task.clear_ibuf [dreg:s7], $0x6FFFF;
	_ =	strace $0x9000004C  }
0xb3: {  	s29 =	simm.s32 $0x9;
	_ =	strace $0x8000004E  }
0xb4: {  	_ =	swait.ge [sflag:s29], $0x1  }
0xb5: {  	[sflag:s29] =	ssyncadd.s32 $0xFFFFFFFF  }
0xb6: {  	_ =	strace $0x9000004E  }
0xb7: {  	_ =	sfence  }
0xb8: {  	s30 =	sld [smem:$0x0];
	_ =	sdelay $0x2  }
0xb9: {  	s31 =	sshll.u32 s1, $0xD;
	s1 =	sshrl.u32 s1, $0x2  }
0xba: {  	s3 =	sand.u32 $0x4000, s31;
	s1 =	sadd.s32 s1, s30  }
0xbb: {  	s0 =	sor.u32 s3, s0;
	s1 =	sshll.u32 s1, $0x11  }
0xbc: {  	s0 =	sor.u32 s1, s0  }
0xbd: {  	s0 =	sadd.s32 $0x8F2B, s0  }
0xbe: {  	[sflag:s0] =	ssyncadd.remote.s32 $0x1  }
0xbf: {  	_ =	sfence.sel $0xFFFF  }
0xc0: {  	[dreg:$0x0] =	wrdreg $0xFFFFFFFF;
	(pc) =	sbr.abs _section_cstart, $3  }
0xc1: {  	[dreg:$0x1] =	wrdreg $0xFFFFFFFF  }
0xc2: {  	_ =	task.clear_ibuf [dreg:s7], $0x2FFFF;
	_ =	strace $0x9FFFFFFF  }
0xc3: {  	(tm) =	ssettm $0x7FFFFFFF  }
tec
execute0_lowered:
.L_overlay_start_1:
0x0: {  	(tag) =	ssettag $0x1  }
0x1: {  	s0 =	srdreg.scid;
	s28 =	stileid.u32  }
0x2: {  	s1 =	rddreg [dreg:$0x0];
	s0 =	sand.u32 $0x1, s0;
	s9 =	smul.u32 $0x50, s28  }
0x3: {  	s3 =	rddreg [dreg:$0x2];
	s8 =	sor.u32 $0x10, s28;
	s7 =	smul.u32 $0x2710, s0  }
0x4: {  	s4 =	simm.s32 $0x0;
	s10 =	sor.u32 $0x20, s28;
	s11 =	smul.u32 $0x50, s8  }
0x5: {  	s29 =	simm.s32 $0x7;
	s12 =	sor.u32 $0x30, s28;
	s13 =	smul.u32 $0x50, s10  }
0x6: {  	s30 =	simm.s32 $0x1;
	s14 =	sor.u32 $0x40, s28;
	s15 =	smul.u32 $0x50, s12  }
0x7: {  	s31 =	simm.s32 $0x1400;
	s17 =	sor.u32 $0x50, s28;
	s18 =	smul.u32 $0x50, s14  }
0x8: {  	[smem:$0x7FF] =	sst s4;
	s20 =	sor.u32 $0x70, s28;
	s19 =	smul.u32 $0x50, s17  }
0x9: {  	s5 =	sadd.s32 $0x1EA00, s1;
	p0 =	sgt.u32 s28, $0xC;
	s26 =	smul.u32 $0x50, s20  }
0xa: {  	s2 =	sshll.u32 s0, $0x4;
	s0 =	ssub.s32 $0x2, s0;
	s8 =	smul.u32 $0xA000, s8  }
0xb: {  	s20 =	smul.u32 $0xA000, s20;
	s2 =	sor.u32 s28, s2;
	s16 =	sshrl.u32 s0, $0x1  }
0xc: {  	_ =	strace $0x8000004D;
	s6 =	smul.u32 $0x2710, s2;
	s0 =	ssub.s32 s0, s16  }
0xd: {  	s16 =	sor.u32 $0x60, s28;
	s21 =	sadd.s32 s9, s7;
	s22 =	sadd.s32 s7, s11  }
0xe: {  	s23 =	sadd.s32 s7, s13;
	s15 =	sadd.s32 s7, s15;
	s11 =	smul.u32 $0xA000, s28  }
0xf: {  	s18 =	sadd.s32 s7, s18;
	s19 =	sadd.s32 s7, s19;
	s13 =	smul.u32 $0xA000, s10  }
0x10: {  	s2 =	sshll.u32 s2, $0xB;
	s10 =	smul.u32 $0xA000, s12;
	s8 =	sshrl.u32 s8, $0x2  }
0x11: {  	s28 =	simm.s32 $0x3400;
	s25 =	smul.u32 $0x50, s16;
	s2 =	sadd.s32 s2, s1  }
0x12: {  	s16 =	smul.u32 $0xA000, s16;
	s23 =	sshll.u32 s23, $0x4;
	s6 =	sshrl.u32 s6, $0x3  }
0x13: {  	s12 =	sshrl.u32 s13, $0x2;
	s13 =	smul.u32 $0xA000, s17;
	s24 =	sadd.s32 s7, s25  }
0x14: {  	s25 =	sadd.s32 s7, s26;
	s26 =	sadd.s32 s6, s1;
	s1 =	sadd.s32 $0x94000, s1  }
0x15: {  	s7 =	sshrl.u32 s11, $0x2;
	s11 =	smul.u32 $0xA000, s14;
	s14 =	sshrl.u32 s10, $0x2  }
0x16: {  	s16 =	sshrl.u32 s16, $0x2;
	s6 =	sadd.s32 s7, s3;
	s7 =	sadd.s32 s8, s3  }
0x17: {  	s8 =	sadd.s32 s12, s3;
	s9 =	sadd.s32 s14, s3;
	s12 =	sshrl.u32 s13, $0x2  }
0x18: {  	s17 =	sshrl.u32 s11, $0x2;
	s11 =	sadd.s32 s12, s3;
	s12 =	sadd.s32 s16, s3  }
0x19: {  	s16 =	sshll.u32 s15, $0x4;
	s15 =	simm.s32 $0x4;
	s10 =	sadd.s32 s17, s3  }
0x1a: {  	s17 =	sshrl.u32 s20, $0x2;
	s20 =	sshll.u32 s21, $0x4;
	s21 =	sshll.u32 s22, $0x4  }
0x1b: {  	s13 =	sadd.s32 s17, s3;
	s14 =	sadd.s32 s1, s20;
	s22 =	sadd.s32 s1, s21  }
0x1c: {  	s17 =	sshll.u32 s18, $0x4;
	s20 =	sshll.u32 s19, $0x4;
	[dreg:$0x4] =	wrdreg s14  }
0x1d: {  	s21 =	sshll.u32 s24, $0x4;
	s24 =	sadd.s32 $0x4E80, s26;
	[dreg:$0x5] =	wrdreg s22  }
0x1e: {  	s19 =	simm.s32 $0x0;
	s14 =	sadd.s32 s1, s23;
	[dreg:$0xd] =	wrdreg s24  }
0x1f: {  	s18 =	sadd.s32 s1, s17;
	s22 =	sshll.u32 s25, $0x4;
	[dreg:$0x6] =	wrdreg s14  }
0x20: {  	s23 =	sadd.s32 $0x4C00, s26;
	s25 =	sadd.s32 $0xEA00, s2;
	[dreg:$0x8] =	wrdreg s18  }
0x21: {  	s26 =	sadd.s32 $0xEE00, s2;
	s2 =	simm.s32 $0x8400;
	[dreg:$0xc] =	wrdreg s23  }
0x22: {  	s17 =	simm.s32 $0x5;
	s14 =	sadd.s32 s1, s16;
	[dreg:$0xe] =	wrdreg s25  }
.Ltmp0:
0x23: {  	[dreg:$0xf] =	wrdreg s26;
	s26 =	smax.u32 s0, $0x1;
	(pc) =	sbr.rel .LBB2_1-.Ltmp0, $4  }
0x24: {  	s0 =	simm.s32 $0x5C00;
	[dreg:$0x7] =	wrdreg s14;
	s14 =	sadd.s32 s1, s20  }
0x25: {  	s16 =	simm.s32 $0x3;
	[dreg:$0x9] =	wrdreg s14;
	s14 =	sadd.s32 s1, s21  }
0x26: {  	s18 =	simm.s32 $0x6;
	s1 =	sadd.s32 s1, s22;
	[dreg:$0xa] =	wrdreg s14  }
0x27: {  	[dreg:$0xb] =	wrdreg s1;
	s1 =	simm.s32 $0x50;
	s14 =	simm.s32 $0x2  }
.LBB2_11:
0x28: {  	_ =	swait.ge [sflag:s17], $0x2800  }
0x29: {  	[sflag:s17] =	ssyncset.done $0x0  }
0x2a: {  	[sflag:s17] =	ssyncadd.s32 $0xFFFFD800  }
0x2b: {  	_ =	swait.ge [sflag:s18], $0x2800  }
0x2c: {  	[sflag:s18] =	ssyncset.done $0x0  }
0x2d: {  	[sflag:s18] =	ssyncadd.s32 $0xFFFFD800  }
0x2e: {  	_ =	swait.ge [sflag:s15], $0x2800  }
0x2f: {  	[sflag:s15] =	ssyncset.done $0x0  }
0x30: {  	[sflag:s15] =	ssyncadd.s32 $0xFFFFD800  }
0x31: {  	[bflag:$0x0] =	sbarrier.arrive $0xFFFF  }
0x32: {  	[tilespmem:s28], [sflag:$0x7] =	stream.linear.gather [spmem:s6], $0x2800, $0x38;
	[tilespmem:$0x1E480] =	vst v63  }
0x33: {  	_ =	swait.ge [sflag:s29], $0x2800  }
0x34: {  	[sflag:s29] =	ssyncset.done $0x0  }
0x35: {  	s20 =	rddreg [dreg:$0x4];
	[sflag:s29] =	ssyncadd.s32 $0xFFFFD800  }
0x36: {  	[hbm4b:s20+s4] =	stream.linear.scatter [tilespmem:s28], [sflag:$0x4], $0x2800, $0x38;
	[tilespmem:$0x1E480] =	vst v63  }
0x37: {  	_ = 	snop  }
0x38: {  	[tilespmem:s0], [sflag:$0x7] =	stream.linear.gather [spmem:s7], $0x2800, $0x38;
	[tilespmem:$0x1E480] =	vst v63  }
0x39: {  	_ =	swait.ge [sflag:s29], $0x2800  }
0x3a: {  	[sflag:s29] =	ssyncset.done $0x0  }
0x3b: {  	s25 =	rddreg [dreg:$0x5];
	[sflag:s29] =	ssyncadd.s32 $0xFFFFD800  }
0x3c: {  	[hbm4b:s25+s4] =	stream.linear.scatter [tilespmem:s0], [sflag:$0x5], $0x2800, $0x38;
	[tilespmem:$0x1E480] =	vst v63  }
0x3d: {  	_ = 	snop  }
0x3e: {  	[tilespmem:s2], [sflag:$0x7] =	stream.linear.gather [spmem:s8], $0x2800, $0x38;
	[tilespmem:$0x1E480] =	vst v63  }
0x3f: {  	_ =	swait.ge [sflag:s29], $0x2800  }
0x40: {  	[sflag:s29] =	ssyncset.done $0x0  }
0x41: {  	s21 =	rddreg [dreg:$0x6];
	[sflag:s29] =	ssyncadd.s32 $0xFFFFD800  }
0x42: {  	[hbm4b:s21+s4] =	stream.linear.scatter [tilespmem:s2], [sflag:$0x6], $0x2800, $0x38;
	[tilespmem:$0x1E480] =	vst v63  }
0x43: {  	_ =	swait.ge [sflag:s15], $0x2800  }
0x44: {  	[sflag:s15] =	ssyncset.done $0x0  }
0x45: {  	[sflag:s15] =	ssyncadd.s32 $0xFFFFD800  }
0x46: {  	[tilespmem:s28], [sflag:$0x7] =	stream.linear.gather [spmem:s9], $0x2800, $0x38;
	[tilespmem:$0x1E480] =	vst v63  }
0x47: {  	_ =	swait.ge [sflag:s29], $0x2800  }
0x48: {  	[sflag:s29] =	ssyncset.done $0x0  }
0x49: {  	s22 =	rddreg [dreg:$0x7];
	[sflag:s29] =	ssyncadd.s32 $0xFFFFD800  }
0x4a: {  	[hbm4b:s22+s4] =	stream.linear.scatter [tilespmem:s28], [sflag:$0x4], $0x2800, $0x38;
	[tilespmem:$0x1E480] =	vst v63  }
0x4b: {  	_ =	swait.ge [sflag:s17], $0x2800  }
0x4c: {  	[sflag:s17] =	ssyncset.done $0x0  }
0x4d: {  	[sflag:s17] =	ssyncadd.s32 $0xFFFFD800  }
0x4e: {  	[tilespmem:s0], [sflag:$0x7] =	stream.linear.gather [spmem:s10], $0x2800, $0x38;
	[tilespmem:$0x1E480] =	vst v63  }
0x4f: {  	_ =	swait.ge [sflag:s29], $0x2800  }
0x50: {  	[sflag:s29] =	ssyncset.done $0x0  }
0x51: {  	s23 =	rddreg [dreg:$0x8];
	[sflag:s29] =	ssyncadd.s32 $0xFFFFD800  }
0x52: {  	[hbm4b:s23+s4] =	stream.linear.scatter [tilespmem:s0], [sflag:$0x5], $0x2800, $0x38;
	[tilespmem:$0x1E480] =	vst v63  }
0x53: {  	_ =	swait.ge [sflag:s18], $0x2800  }
0x54: {  	[sflag:s18] =	ssyncset.done $0x0  }
0x55: {  	[sflag:s18] =	ssyncadd.s32 $0xFFFFD800  }
0x56: {  	[tilespmem:s2], [sflag:$0x7] =	stream.linear.gather [spmem:s11], $0x2800, $0x38;
	[tilespmem:$0x1E480] =	vst v63  }
0x57: {  	_ =	swait.ge [sflag:s29], $0x2800  }
0x58: {  	[sflag:s29] =	ssyncset.done $0x0  }
0x59: {  	s24 =	rddreg [dreg:$0x9];
	[sflag:s29] =	ssyncadd.s32 $0xFFFFD800  }
0x5a: {  	[hbm4b:s24+s4] =	stream.linear.scatter [tilespmem:s2], [sflag:$0x6], $0x2800, $0x38;
	[tilespmem:$0x1E480] =	vst v63  }
0x5b: {  	_ =	swait.ge [sflag:s15], $0x2800  }
0x5c: {  	[sflag:s15] =	ssyncset.done $0x0  }
0x5d: {  	[sflag:s15] =	ssyncadd.s32 $0xFFFFD800  }
0x5e: {  	[tilespmem:s28], [sflag:$0x7] =	stream.linear.gather [spmem:s12], $0x2800, $0x38;
	[tilespmem:$0x1E480] =	vst v63  }
0x5f: {  	_ =	swait.ge [sflag:s29], $0x2800  }
0x60: {  	[sflag:s29] =	ssyncset.done $0x0  }
0x61: {  	s20 =	simm.s32 @!p0 $0x5;
	s25 =	rddreg [dreg:$0xa];
	[sflag:s29] =	ssyncadd.s32 $0xFFFFD800  }
0x62: {  	[hbm4b:s25+s4] =	stream.linear.scatter [tilespmem:s28], [sflag:$0x4], $0x2800, $0x38;
	[tilespmem:$0x1E480] =	vst v63  }
0x63: {  	_ =	swait.ge @!p0 [sflag:s20], $0x2800  }
0x64: {  	[sflag:s20] =	ssyncset.done @!p0 $0x0  }
0x65: {  	s21 =	simm.s32 @!p0 $0x7;
	[sflag:s20] =	ssyncadd.s32 @!p0 $0xFFFFD800;
	s20 =	simm.s32 @!p0 $0x5C00  }
0x66: {  	[tilespmem:s20], [sflag:$0x7] =	stream.linear.gather @!p0 [spmem:s13], $0x2800, $0x38;
	[tilespmem:$0x1E480] =	vst v63  }
0x67: {  	_ =	swait.ge @!p0 [sflag:s21], $0x2800  }
0x68: {  	[sflag:s21] =	ssyncset.done @!p0 $0x0  }
0x69: {  	s22 =	rddreg [dreg:$0xb];
	[sflag:s21] =	ssyncadd.s32 @!p0 $0xFFFFD800;
	s21 =	simm.s32 @!p0 $0x0  }
0x6a: {  	[hbm4b:s22+s21] =	stream.linear.scatter @!p0 [tilespmem:s20], [sflag:$0x5], $0x2800, $0x38;
	[tilespmem:$0x1E480] =	vst v63  }
0x6b: {  	_ =	swait.ge [sflag:s15], $0x2800  }
0x6c: {  	[sflag:s15] =	ssyncset.done $0x0  }
0x6d: {  	s19 =	sadd.s32 $0x1, s19;
	[sflag:s15] =	ssyncadd.s32 $0xFFFFD800  }
0x6e: {  	p1 =	sne.s32 s19, s26;
	_ =	swait.ge [sflag:s17], $0x2800  }
.Ltmp1:
0x6f: {  	[sflag:s17] =	ssyncset.done $0x0;
	(pc) =	sbr.rel @!p1 .LBB2_12-.Ltmp1, $4  }
0x70: {  	[sflag:s17] =	ssyncadd.s32 $0xFFFFD800  }
0x71: {  	_ =	swait.ge [sflag:s18], $0x2800  }
0x72: {  	[sflag:s18] =	ssyncset.done $0x0  }
0x73: {  	[sflag:s18] =	ssyncadd.s32 $0xFFFFD800  }
.LBB2_1:
0x74: {  	s20 =	rddreg [dreg:$0x1]  }
0x75: {  	[tilespmem:s28], [sflag:$0x7] =	stream.linear.gather [hbm4b:s20+s4], $0x2800, $0x38;
	[tilespmem:$0x1E480] =	vst v63  }
0x76: {  	_ =	swait.ge [sflag:s29], $0x2800  }
0x77: {  	[sflag:s29] =	ssyncset.done $0x0  }
0x78: {  	[sflag:s29] =	ssyncadd.s32 $0xFFFFD800  }
0x79: {  	[spmem:s6] =	stream.linear.scatter [tilespmem:s28], [sflag:$0x1], $0x2800, $0x38;
	[tilespmem:$0x1E480] =	vst v63  }
0x7a: {  	_ = 	snop  }
0x7b: {  	[spmem:s7] =	stream.linear.scatter [tilespmem:s28], [sflag:$0x1], $0x2800, $0x38;
	[tilespmem:$0x1E480] =	vst v63  }
0x7c: {  	_ = 	snop  }
0x7d: {  	[spmem:s8] =	stream.linear.scatter [tilespmem:s28], [sflag:$0x1], $0x2800, $0x38;
	[tilespmem:$0x1E480] =	vst v63  }
0x7e: {  	_ = 	snop  }
0x7f: {  	[spmem:s9] =	stream.linear.scatter [tilespmem:s28], [sflag:$0x1], $0x2800, $0x38;
	[tilespmem:$0x1E480] =	vst v63  }
0x80: {  	_ = 	snop  }
0x81: {  	[spmem:s10] =	stream.linear.scatter [tilespmem:s28], [sflag:$0x1], $0x2800, $0x38;
	[tilespmem:$0x1E480] =	vst v63  }
0x82: {  	_ = 	snop  }
0x83: {  	[spmem:s11] =	stream.linear.scatter [tilespmem:s28], [sflag:$0x1], $0x2800, $0x38;
	[tilespmem:$0x1E480] =	vst v63  }
0x84: {  	_ = 	snop  }
0x85: {  	[spmem:s12] =	stream.linear.scatter [tilespmem:s28], [sflag:$0x1], $0x2800, $0x38;
	[tilespmem:$0x1E480] =	vst v63  }
0x86: {  	s20 =	simm.s32 @!p0 $0x3400  }
0x87: {  	[spmem:s13] =	stream.linear.scatter @!p0 [tilespmem:s20], [sflag:$0x1], $0x2800, $0x38;
	[tilespmem:$0x1E480] =	vst v63  }
0x88: {  	_ =	swait.ge [sflag:s30], $0x2800  }
0x89: {  	[sflag:s30] =	ssyncset.done $0x0  }
0x8a: {  	[sflag:s30] =	ssyncadd.s32 $0xFFFFD800  }
0x8b: {  	_ =	swait.ge [sflag:s30], $0x2800  }
0x8c: {  	[sflag:s30] =	ssyncset.done $0x0  }
0x8d: {  	[sflag:s30] =	ssyncadd.s32 $0xFFFFD800  }
0x8e: {  	_ =	swait.ge [sflag:s30], $0x2800  }
0x8f: {  	[sflag:s30] =	ssyncset.done $0x0  }
0x90: {  	[sflag:s30] =	ssyncadd.s32 $0xFFFFD800  }
0x91: {  	_ =	swait.ge [sflag:s30], $0x2800  }
0x92: {  	[sflag:s30] =	ssyncset.done $0x0  }
0x93: {  	[sflag:s30] =	ssyncadd.s32 $0xFFFFD800  }
0x94: {  	_ =	swait.ge [sflag:s30], $0x2800  }
0x95: {  	[sflag:s30] =	ssyncset.done $0x0  }
0x96: {  	[sflag:s30] =	ssyncadd.s32 $0xFFFFD800  }
0x97: {  	_ =	swait.ge [sflag:s30], $0x2800  }
0x98: {  	[sflag:s30] =	ssyncset.done $0x0  }
0x99: {  	[sflag:s30] =	ssyncadd.s32 $0xFFFFD800  }
0x9a: {  	_ =	swait.ge [sflag:s30], $0x2800  }
0x9b: {  	[sflag:s30] =	ssyncset.done $0x0  }
0x9c: {  	s20 =	simm.s32 @!p0 $0x1;
	[sflag:s30] =	ssyncadd.s32 $0xFFFFD800  }
0x9d: {  	_ =	swait.ge @!p0 [sflag:s20], $0x2800  }
0x9e: {  	[sflag:s20] =	ssyncset.done @!p0 $0x0  }
0x9f: {  	[sflag:s20] =	ssyncadd.s32 @!p0 $0xFFFFD800  }
0xa0: {  	[bflag:$0x0] =	sbarrier.arrive $0xFFFF  }
0xa1: {  	s24 =	rddreg [dreg:$0xc]  }
0xa2: {  	[tilespmem:s4], [sflag:$0x7] =	stream.linear.gather [hbm4b:s24+s4], $0x1400, $0x38;
	[tilespmem:$0x1E480] =	vst v63  }
0xa3: {  	_ =	swait.ge [sflag:s29], $0x1400  }
0xa4: {  	[sflag:s29] =	ssyncset.done $0x0  }
0xa5: {  	s25 =	rddreg [dreg:$0xe];
	[sflag:s29] =	ssyncadd.s32 $0xFFFFEC00  }
0xa6: {  	[tilespmem:s31], [sflag:$0x7] =	stream.linear.gather [hbm4b:s25+s4], $0x2000, $0x38;
	[tilespmem:$0x1E480] =	vst v63  }
0xa7: {  	_ =	swait.ge [sflag:s29], $0x2000  }
.Ltmp2:
0xa8: {  	[sflag:s29] =	ssyncset.done $0x0;
	(pc) =	sbr.rel .LBB2_2-.Ltmp2, $4  }
0xa9: {  	[sflag:s29] =	ssyncadd.s32 $0xFFFFE000  }
0xaa: {  	[tilespmem:s28], [sflag:$0x1] =	stream.indirect.gather [hbm4b:s5+s1], $0x80, s4, s1, $0xb8;
	[tilespmem:$0x1E480] =	vst v63  }
0xab: {  	s21 =	simm.s32 $0x0;
	s22 =	simm.s32 $0x0;
	s20 =	simm.s32 $0xA0  }
0xac: {  	[tilespmem:s0], [sflag:$0x2] =	stream.indirect.gather [hbm4b:s5+s1], $0x80, s1, s1, $0xb8;
	[tilespmem:$0x1E480] =	vst v63  }
.LBB2_5:
0xad: {  	[tilespmem:s2], [sflag:$0x3] =	stream.indirect.gather [hbm4b:s5+s1], $0x80, s24, s1, $0xb8;
	[tilespmem:$0x1E480] =	vst v63  }
0xae: {  	_ =	swait.ge [sflag:s14], $0x2800  }
0xaf: {  	[sflag:s14] =	ssyncset.done $0x0  }
0xb0: {  	s25 =	sadd.s32 $0x1480, s23;
	[sflag:s14] =	ssyncadd.s32 $0xFFFFD800  }
0xb1: {  	[spmem:s3] =	stream.indirect.scatter.add.f32 [tilespmem:s0], [sflag:$0x5], $0x80, s25, s1, $0xb8;
	[tilespmem:$0x1E480] =	vst v63  }
0xb2: {  	_ =	swait.ge [sflag:s15], $0x2800  }
0xb3: {  	[sflag:s15] =	ssyncset.done $0x0  }
0xb4: {  	s25 =	sadd.s32 $0x50, s20;
	[sflag:s15] =	ssyncadd.s32 $0xFFFFD800  }
0xb5: {  	[tilespmem:s28], [sflag:$0x1] =	stream.indirect.gather [hbm4b:s5+s1], $0x80, s25, s1, $0xb8;
	[tilespmem:$0x1E480] =	vst v63  }
0xb6: {  	_ =	swait.ge [sflag:s16], $0x2800  }
0xb7: {  	p1 =	sgt.u32 s22, $0x13;
	[sflag:s16] =	ssyncset.done $0x0  }
0xb8: {  	s25 =	sadd.s32 $0x1500, s23;
	s23 =	simm.s32 @!p1 $0x5;
	[sflag:s16] =	ssyncadd.s32 $0xFFFFD800  }
0xb9: {  	[spmem:s3] =	stream.indirect.scatter.add.f32 [tilespmem:s2], [sflag:$0x6], $0x80, s25, s1, $0xb8;
	[tilespmem:$0x1E480] =	vst v63  }
0xba: {  	_ =	swait.ge @!p1 [sflag:s23], $0x2800  }
0xbb: {  	s21 =	sadd.s32 $0x600, s21;
	s24 =	simm.s32 @!p1 $0x50;
	[sflag:s23] =	ssyncset.done @!p1 $0x0  }
0xbc: {  	s25 =	simm.s32 @!p1 $0x5C00;
	[sflag:s23] =	ssyncadd.s32 @!p1 $0xFFFFD800;
	s23 =	sadd.s32 @!p1 $0xA0, s20  }
0xbd: {  	[tilespmem:s25], [sflag:$0x2] =	stream.indirect.gather @!p1 [hbm4b:s5+s24], $0x80, s23, s24, $0xb8;
	[tilespmem:$0x1E480] =	vst v63  }
0xbe: {  	p1 =	sne.s32 s21, $0x8400  }
.Ltmp3:
0xbf: {  	_ = 	snop;
	(pc) =	sbr.rel @!p1 .LBB2_6-.Ltmp3, $2  }
0xc0: {  	_ =	sdelay $0x2  }
0xc1: {  	s22 =	sadd.s32 $0x1, s22;
	s20 =	sadd.s32 $0xF0, s20  }
.LBB2_2:
0xc2: {  	p1 =	seq.s32 s22, $0x0  }
.Ltmp4:
0xc3: {  	_ =	swait.ge [sflag:s30], $0x2800;
	(pc) =	sbr.rel @p1 .LBB2_5-.Ltmp4, $4  }
0xc4: {  	s23 =	sshra.s32 s21, $0x2;
	[sflag:s30] =	ssyncset.done $0x0  }
0xc5: {  	s24 =	sadd.s32 $0x1400, s23;
	[sflag:s30] =	ssyncadd.s32 $0xFFFFD800  }
0xc6: {  	[spmem:s3] =	stream.indirect.scatter.add.f32 [tilespmem:s28], [sflag:$0x4], $0x80, s24, s1, $0xb8;
	[tilespmem:$0x1E480] =	vst v63  }
0xc7: {  	s24 =	simm.s32 $0xA0  }
0xc8: {  	p1 =	seq.s32 s22, $0x15  }
.Ltmp5:
0xc9: {  	_ = 	snop;
	(pc) =	sbr.rel @p1 .LBB2_6-.Ltmp5, $1  }
0xca: {  	_ =	sdelay $0x3  }
.Ltmp6:
0xcb: {  	(pc) =	sbr.rel .LBB2_5-.Ltmp6, $4  }
0xcc: {  	_ = 	snop  }
0xcd: {  	_ =	swait.ge [sflag:s18], $0x2800  }
0xce: {  	[sflag:s18] =	ssyncset.done $0x0  }
0xcf: {  	s24 =	smov.u32 s20;
	[sflag:s18] =	ssyncadd.s32 $0xFFFFD800  }
.LBB2_6:
0xd0: {  	_ =	swait.ge [sflag:s17], $0x2800  }
0xd1: {  	[sflag:s17] =	ssyncset.done $0x0  }
0xd2: {  	[sflag:s17] =	ssyncadd.s32 $0xFFFFD800  }
0xd3: {  	_ =	swait.ge [sflag:s18], $0x2800  }
0xd4: {  	[sflag:s18] =	ssyncset.done $0x0  }
0xd5: {  	[sflag:s18] =	ssyncadd.s32 $0xFFFFD800  }
0xd6: {  	_ =	swait.ge [sflag:s15], $0x2800  }
0xd7: {  	[sflag:s15] =	ssyncset.done $0x0  }
0xd8: {  	s20 =	simm.s32 $0x0;
	s21 =	rddreg [dreg:$0xd];
	[sflag:s15] =	ssyncadd.s32 $0xFFFFD800  }
0xd9: {  	[tilespmem:s20], [sflag:$0x7] =	stream.linear.gather [hbm4b:s21+s20], $0x1310, $0x38;
	[tilespmem:$0x1E480] =	vst v63  }
0xda: {  	_ =	swait.ge [sflag:s29], $0x1310  }
0xdb: {  	[sflag:s29] =	ssyncset.done $0x0  }
0xdc: {  	s25 =	rddreg [dreg:$0xf];
	[sflag:s29] =	ssyncadd.s32 $0xFFFFECF0  }
0xdd: {  	[tilespmem:s31], [sflag:$0x7] =	stream.linear.gather [hbm4b:s25+s20], $0x1E80, $0x38;
	[tilespmem:$0x1E480] =	vst v63  }
0xde: {  	_ =	swait.ge [sflag:s29], $0x1E80  }
.Ltmp7:
0xdf: {  	[sflag:s29] =	ssyncset.done $0x0;
	(pc) =	sbr.rel .LBB2_7-.Ltmp7, $4  }
0xe0: {  	[sflag:s29] =	ssyncadd.s32 $0xFFFFE180  }
0xe1: {  	[tilespmem:s28], [sflag:$0x1] =	stream.indirect.gather [hbm4b:s5+s1], $0x80, s20, s1, $0xb8;
	[tilespmem:$0x1E480] =	vst v63  }
0xe2: {  	s22 =	simm.s32 $0x0;
	s21 =	simm.s32 $0xA0  }
0xe3: {  	[tilespmem:s0], [sflag:$0x2] =	stream.indirect.gather [hbm4b:s5+s1], $0x80, s1, s1, $0xb8;
	[tilespmem:$0x1E480] =	vst v63  }
.LBB2_10:
0xe4: {  	[tilespmem:s2], [sflag:$0x3] =	stream.indirect.gather [hbm4b:s5+s1], $0x80, s24, s1, $0xb8;
	[tilespmem:$0x1E480] =	vst v63  }
0xe5: {  	_ =	swait.ge [sflag:s14], $0x2800  }
0xe6: {  	[sflag:s14] =	ssyncset.done $0x0  }
0xe7: {  	s25 =	sadd.s32 $0x1480, s23;
	[sflag:s14] =	ssyncadd.s32 $0xFFFFD800  }
0xe8: {  	[spmem:s3] =	stream.indirect.scatter.add.f32 [tilespmem:s0], [sflag:$0x5], $0x80, s25, s1, $0xb8;
	[tilespmem:$0x1E480] =	vst v63  }
0xe9: {  	_ =	swait.ge [sflag:s15], $0x2800  }
0xea: {  	[sflag:s15] =	ssyncset.done $0x0  }
0xeb: {  	s25 =	sadd.s32 $0x50, s21;
	[sflag:s15] =	ssyncadd.s32 $0xFFFFD800  }
0xec: {  	[tilespmem:s28], [sflag:$0x1] =	stream.indirect.gather [hbm4b:s5+s1], $0x80, s25, s1, $0xb8;
	[tilespmem:$0x1E480] =	vst v63  }
0xed: {  	_ =	swait.ge [sflag:s16], $0x2800  }
0xee: {  	p1 =	sgt.u32 s22, $0x12;
	[sflag:s16] =	ssyncset.done $0x0  }
0xef: {  	s25 =	sadd.s32 $0x1500, s23;
	s23 =	simm.s32 @!p1 $0x5;
	[sflag:s16] =	ssyncadd.s32 $0xFFFFD800  }
0xf0: {  	[spmem:s3] =	stream.indirect.scatter.add.f32 [tilespmem:s2], [sflag:$0x6], $0x80, s25, s1, $0xb8;
	[tilespmem:$0x1E480] =	vst v63  }
0xf1: {  	_ =	swait.ge @!p1 [sflag:s23], $0x2800  }
0xf2: {  	s20 =	sadd.s32 $0x600, s20;
	s24 =	simm.s32 @!p1 $0x50;
	[sflag:s23] =	ssyncset.done @!p1 $0x0  }
0xf3: {  	s25 =	simm.s32 @!p1 $0x5C00;
	[sflag:s23] =	ssyncadd.s32 @!p1 $0xFFFFD800;
	s23 =	sadd.s32 @!p1 $0xA0, s21  }
0xf4: {  	[tilespmem:s25], [sflag:$0x2] =	stream.indirect.gather @!p1 [hbm4b:s5+s24], $0x80, s23, s24, $0xb8;
	[tilespmem:$0x1E480] =	vst v63  }
0xf5: {  	p1 =	sne.s32 s20, $0x7E00  }
.Ltmp8:
0xf6: {  	_ = 	snop;
	(pc) =	sbr.rel @!p1 .LBB2_11-.Ltmp8, $2  }
0xf7: {  	_ =	sdelay $0x2  }
0xf8: {  	s22 =	sadd.s32 $0x1, s22;
	s21 =	sadd.s32 $0xF0, s21  }
.LBB2_7:
0xf9: {  	p1 =	seq.s32 s22, $0x0  }
.Ltmp9:
0xfa: {  	_ =	swait.ge [sflag:s30], $0x2800;
	(pc) =	sbr.rel @p1 .LBB2_10-.Ltmp9, $4  }
0xfb: {  	s23 =	sshra.s32 s20, $0x2;
	[sflag:s30] =	ssyncset.done $0x0  }
0xfc: {  	s24 =	sadd.s32 $0x1400, s23;
	[sflag:s30] =	ssyncadd.s32 $0xFFFFD800  }
0xfd: {  	[spmem:s3] =	stream.indirect.scatter.add.f32 [tilespmem:s28], [sflag:$0x4], $0x80, s24, s1, $0xb8;
	[tilespmem:$0x1E480] =	vst v63  }
0xfe: {  	s24 =	simm.s32 $0xA0  }
0xff: {  	p1 =	seq.s32 s22, $0x14  }
.Ltmp10:
0x100: {  	_ = 	snop;
	(pc) =	sbr.rel @p1 .LBB2_11-.Ltmp10, $1  }
0x101: {  	_ =	sdelay $0x3  }
.Ltmp11:
0x102: {  	(pc) =	sbr.rel .LBB2_10-.Ltmp11, $4  }
0x103: {  	_ = 	snop  }
0x104: {  	_ =	swait.ge [sflag:s18], $0x2800  }
0x105: {  	[sflag:s18] =	ssyncset.done $0x0  }
0x106: {  	s24 =	smov.u32 s21;
	[sflag:s18] =	ssyncadd.s32 $0xFFFFD800  }
.LBB2_12:
0x107: {  	_ =	sfence.sel $0x180000  }
0x108: {  	[bflag:$0x0] =	sbarrier.arrive $0xFFFF  }
0x109: {  	_ =	strace $0x9000004D  }
0x10a: {  	s0 =	stileid.u32;
	[bflag:$0x2] =	sbarrier.arrive $0xFFFF  }
0x10b: {  	p0 =	sne.s32 s0, $0x0;
	s0 =	rddreg [dreg:$0x3]  }
0x10c: {  	s0 =	sadd.s32 @!p0 $0x100000, s0  }
0x10d: {  	[sflag:s0] =	ssyncadd.tile.s32 @!p0 $0x1;
	_ =	shalt  }
.Lfunc_end2:
_tile_overlayer_lowered:
.L_overlay_start_2:
0x10e: {  	(tag) =	ssettag $0x2  }
0x10f: {  	s0 =	rddreg [dreg:$0x0];
	s2 =	stileid.u32  }
0x110: {  	s1 =	rddreg [dreg:$0x1];
	p0 =	sne.s32 s2, $0x0  }
0x111: {  	s3 =	rddreg [dreg:$0x2];
	[bflag:$0x3] =	sbarrier.arrive $0xFFFF;
	s2 =	simm.s32 @!p0 $0x1C07  }
0x112: {  	[timem:s3], [sflag:s2] =	dma.local @!p0 [hbm:s0], s1  }
0x113: {  	s0 =	simm.s32 @!p0 $0x7  }
0x114: {  	_ =	swait.ge @!p0 [sflag:s0], s1  }
0x115: {  	s1 =	ssub.s32 @!p0 $0x0, s1;
	[sflag:s0] =	ssyncset.done @!p0 $0x0  }
0x116: {  	[sflag:s0] =	ssyncadd.s32 @!p0 s1  }
0x117: {  	[bflag:$0x3] =	sbarrier.arrive $0xFFFF  }
0x118: {  	_ =	shalt  }

// kernel: kernel.8.cloned.1.call-start
scs
__scs_entry_jumppad:
0x0: {  	(pc) =	sbr.rel $0x88, $3  }
0x1: {  	(tag) =	ssettag $0x0;
	lr =	simm.s32 $0x1  }
0x2: {  	[smem:$0x3F8C] =	sst lr;
	_ =	strace $0xD0000000  }
0x3: {  	_ = 	snop  }
0x4: {  	_ = 	snop  }
0x5: {  	_ = 	snop  }
0x6: {  	_ = 	snop  }
0x7: {  	_ = 	snop  }
__scs_overlays_trampoline_lowered:
0x8: {  	[smem:$0x3F9B] =	sst s0  }
0x9: {  	[smem:$0x3F9C] =	sst s1  }
0xa: {  	[smem:$0x3F9D] =	sst s2  }
0xb: {  	[smem:$0x3F9E] =	sst s3  }
0xc: {  	[smem:$0x3F9F] =	sst s4  }
0xd: {  	[smem:$0x3FA0] =	sst s5  }
0xe: {  	[smem:$0x3FA1] =	sst s6  }
0xf: {  	[smem:$0x3FA2] =	sst s7  }
0x10: {  	[smem:$0x3FA3] =	sst s8  }
0x11: {  	[smem:$0x3FA4] =	sst s9;
	s0 =	simm.s32 @!p0 $0x0  }
0x12: {  	s1 =	sld [smem:$0x3F8A];
	s0 =	simm.s32 @p0 $0x1  }
0x13: {  	[smem:$0x3FA5] =	sst s0;
	s0 =	simm.s32 @!p1 $0x0  }
0x14: {  	s2 =	sld [smem:$0x3F89];
	s0 =	simm.s32 @p1 $0x1  }
0x15: {  	[smem:$0x3FA6] =	sst s0;
	s0 =	simm.s32 @!p2 $0x0  }
0x16: {  	s3 =	sld [smem:$0x3FDB];
	s0 =	simm.s32 @p2 $0x1  }
0x17: {  	s4 =	simm.s32 $0x1BF5;
	[smem:$0x3FA8] =	sst s0  }
0x18: {  	s0 =	sld [smem:$0x3F8B];
	_ =	swait.ge [sflag:s4], $0x0  }
0x19: {  	s7 =	sld [smem:$0x3F8C]  }
0x1a: {  	s8 =	sadd.s32 $0xFFFFE003, lr  }
0x1b: {  	s9 =	sadd.s32 $0xFFFFFEF7, lr;
	s5 =	simm.s32 $0xFFFFFFFF;
	p2 =	slt.u32 s8, $0xFFFFF086  }
0x1c: {  	p1 =	slt.u32 s9, $0xF7A;
	s5 =	simm.s32 @!p2 $0x0  }
0x1d: {  	s5 =	simm.s32 @p1 $0x1;
	p0 =	seq.s32 s7, s2  }
0x1e: {  	s7 =	smul.u32 @!p0 $0xF7A, s2;
	p2 =	seq.s32 @!p0 s5, $0x0  }
0x1f: {  	s9 =	smul.u32 $0xF7A, s1;
	s8 =	simm.s32 @!p0 $0x1BF5;
	p2 =	por !p2, p0  }
0x20: {  	[sflag:s8] =	ssyncset.s32 @!p0 $0xFFFFF086;
	s6 =	sadd.s32 @!p0 s3, s7;
	s7 =	simm.s32 @!p0 $0x108  }
0x21: {  	s3 =	sadd.s32 s3, s9;
	s6 =	sadd.s32 @!p0 $0x88, s6;
	s7 =	simm.s32 @p2 $0x1082  }
0x22: {  	[simem:s7], [sflag:s8] =	dma.local @!p0 [hbm:s6], $0xF7A  }
0x23: {  	s9 =	sor.u32 $0xD0000000, s2;
	s6 =	simm.s32 $0x108;
	_ =	swait.ge @!p0 [sflag:s8], $0x0  }
0x24: {  	s3 =	sadd.s32 $0x88, s3;
	s6 =	simm.s32 @!p1 $0x1082;
	[sflag:s4] =	ssyncset.s32 $0xFFFFF086  }
0x25: {  	[simem:s6], [sflag:s4] =	dma.local [hbm:s3], $0xF7A  }
0x26: {  	[smem:$0x3F8C] =	sst s1;
	(tag) =	ssettag s2;
	_ =	strace s9  }
0x27: {  	s1 =	sld [smem:$0x3F9C]  }
0x28: {  	s2 =	sld [smem:$0x3F9D]  }
0x29: {  	s4 =	sld [smem:$0x3F9F]  }
0x2a: {  	p0 =	seq.s32 s5, $0x0;
	s5 =	sld [smem:$0x3FA0]  }
0x2b: {  	s6 =	sld [smem:$0x3FA1]  }
0x2c: {  	s7 =	sld [smem:$0x3FA2]  }
0x2d: {  	s3 =	simm.s32 $0x108;
	s8 =	sld [smem:$0x3FA3]  }
0x2e: {  	s3 =	simm.s32 @!p0 $0x1082;
	s9 =	sld [smem:$0x3FA4]  }
0x2f: {  	lr =	sadd.s32 s0, s3;
	s0 =	sld [smem:$0x3F9B]  }
0x30: {  	s3 =	sld [smem:$0x3F9E]  }
0x31: {  	[smem:$0x3FA7] =	sst s10  }
0x32: {  	s10 =	sld [smem:$0x3FA5];
	_ =	sdelay $0x3  }
0x33: {  	p0 =	seq.s32 s10, $0x1;
	s10 =	sld [smem:$0x3FA7];
	_ =	sdelay $0x3  }
0x34: {  	[smem:$0x3FA7] =	sst s10  }
0x35: {  	s10 =	sld [smem:$0x3FA6];
	_ =	sdelay $0x3  }
0x36: {  	p1 =	seq.s32 s10, $0x1;
	s10 =	sld [smem:$0x3FA7];
	_ =	sdelay $0x3  }
0x37: {  	[smem:$0x3FA7] =	sst s10  }
0x38: {  	s10 =	sld [smem:$0x3FA8]  }
0x39: {  	_ = 	snop;
	(pc) =	sbr.ind lr, $3  }
0x3a: {  	_ = 	snop  }
0x3b: {  	_ = 	snop  }
0x3c: {  	p2 =	seq.s32 s10, $0x1;
	s10 =	sld [smem:$0x3FA7]  }
0x3d: {  	_ =	shalt  }
0x3e: {  	_ =	shalt  }
0x3f: {  	_ =	shalt  }
0x40: {  	_ =	shalt  }
0x41: {  	_ =	shalt  }
0x42: {  	_ =	shalt  }
0x43: {  	_ =	shalt  }
0x44: {  	_ =	shalt  }
0x45: {  	_ =	shalt  }
0x46: {  	_ =	shalt  }
0x47: {  	_ =	shalt  }
0x48: {  	_ =	shalt  }
0x49: {  	_ =	shalt  }
0x4a: {  	_ =	shalt  }
0x4b: {  	_ =	shalt  }
0x4c: {  	_ =	shalt  }
0x4d: {  	_ =	shalt  }
0x4e: {  	_ =	shalt  }
0x4f: {  	_ =	shalt  }
0x50: {  	_ =	shalt  }
0x51: {  	_ =	shalt  }
0x52: {  	_ =	shalt  }
0x53: {  	_ =	shalt  }
0x54: {  	_ =	shalt  }
0x55: {  	_ =	shalt  }
0x56: {  	_ =	shalt  }
0x57: {  	_ =	shalt  }
0x58: {  	_ =	shalt  }
0x59: {  	_ =	shalt  }
0x5a: {  	_ =	shalt  }
0x5b: {  	_ =	shalt  }
0x5c: {  	_ =	shalt  }
0x5d: {  	_ =	shalt  }
0x5e: {  	_ =	shalt  }
0x5f: {  	_ =	shalt  }
0x60: {  	_ =	shalt  }
0x61: {  	_ =	shalt  }
0x62: {  	_ =	shalt  }
0x63: {  	_ =	shalt  }
0x64: {  	_ =	shalt  }
0x65: {  	_ =	shalt  }
0x66: {  	_ =	shalt  }
0x67: {  	_ =	shalt  }
0x68: {  	_ =	shalt  }
0x69: {  	_ =	shalt  }
0x6a: {  	_ =	shalt  }
0x6b: {  	_ =	shalt  }
0x6c: {  	_ =	shalt  }
0x6d: {  	_ =	shalt  }
0x6e: {  	_ =	shalt  }
0x6f: {  	_ =	shalt  }
0x70: {  	_ =	shalt  }
0x71: {  	_ =	shalt  }
0x72: {  	_ =	shalt  }
0x73: {  	_ =	shalt  }
0x74: {  	_ =	shalt  }
0x75: {  	_ =	shalt  }
0x76: {  	_ =	shalt  }
0x77: {  	_ =	shalt  }
0x78: {  	_ =	shalt  }
0x79: {  	_ =	shalt  }
0x7a: {  	_ =	shalt  }
0x7b: {  	_ =	shalt  }
0x7c: {  	_ =	shalt  }
0x7d: {  	_ =	shalt  }
0x7e: {  	_ =	shalt  }
0x7f: {  	_ =	shalt  }
0x80: {  	_ =	shalt  }
0x81: {  	_ =	shalt  }
0x82: {  	_ =	shalt  }
0x83: {  	_ =	shalt  }
0x84: {  	_ =	shalt  }
0x85: {  	_ =	shalt  }
0x86: {  	_ =	shalt  }
0x87: {  	_ =	shalt  }
.Lfunc_end0:
.L_simem_size_0:
called_computation_lowered:
.L_overlay_start_0:
0x88: {  	s2 =	sld [smem:$0x3FD9]  }
0x89: {  	s3 =	sld [smem:$0x3FFE];
	_ =	sdelay $0x1  }
0x8a: {  	s1 =	srdreg.scid  }
0x8b: {  	s0 =	sand.u32 $0x1, s1  }
0x8c: {  	s17 =	sshll.u32 s0, $0xA;
	s2 =	sadd.s32 s3, s2  }
0x8d: {  	s2 =	sadd.s32 s2, s17  }
0x8e: {  	[smem:$0x3FB3] =	sst s2  }
0x8f: {  	_ = 	snop  }
0x90: {  	s2 =	sld [smem:$0x3FD0];
	(tm) =	ssettm $0x1  }
0x91: {  	s18 =	sld [smem:$0x3FFB];
	_ =	sdelay $0x3  }
0x92: {  	_ =	strace s18  }
0x93: {  	s3 =	sld [smem:$0x3FFC];
	_ =	sdelay $0x3  }
0x94: {  	_ =	strace s3  }
0x95: {  	s3 =	sld [smem:$0x3FFD];
	_ =	sdelay $0x3  }
0x96: {  	_ =	strace s3  }
0x97: {  	_ =	strace $0x8FFFFFFF  }
0x98: {  	s19 =	sld [smem:$0x3FDB];
	_ =	sdelay $0x1  }
0x99: {  	s4 =	simm.s32 $_scs_section_size  }
0x9a: {  	s5 =	simm.s32 $_size__tile_overlayer_lowered;
	s6 =	simm.s32 $_tile_overlayer_lowered  }
0x9b: {  	s22 =	simm.s32 $0x1BFF;
	s21 =	sshll.u32 s6, $0x1;
	s3 =	sadd.s32 s4, s19  }
0x9c: {  	s7 =	simm.s32 $0x0;
	s20 =	sshll.u32 s5, $0x1;
	s5 =	sadd.s32 s21, s3  }
0x9d: {  	[timem:s7], [sflag:s22] =	dma.local [hbm:s5], s20  }
0x9e: {  	_ =	swait.ge [sflag:s22], s20  }
0x9f: {  	s4 =	ssub.s32 $0x0, s20;
	[sflag:s22] =	ssyncset.done $0x0  }
0xa0: {  	[sflag:s22] =	ssyncadd.s32 s4;
	_ =	sdelay $0x1  }
0xa1: {  	s23 =	simm.s32 $0x1B8B  }
0xa2: {  	_ =	swait.ge [sflag:s23], $0x1  }
0xa3: {  	[sflag:s23] =	ssyncset.done $0x0  }
0xa4: {  	s25 =	simm.s32 $0x1B8E;
	s24 =	sld [smem:$0x3FFE];
	[sflag:s23] =	ssyncadd.s32 $0xFFFFFFFF  }
0xa5: {  	s26 =	simm.s32 $execute0_lowered;
	[smem:$0x3FD2] =	sst s25  }
0xa6: {  	s5 =	sshll.u32 s26, $0x1;
	_ =	strace $0x80000046;
	[dreg:$0x1] =	wrdreg $0xFFFFFFFF  }
0xa7: {  	s28 =	simm.s32 $_size_execute0_lowered;
	s3 =	sadd.s32 s3, s5;
	[dreg:$0x0] =	wrdreg $0x0  }
0xa8: {  	s5 =	sshll.u32 s28, $0x1;
	[dreg:$0x2] =	wrdreg s3  }
0xa9: {  	[dreg:$0x3] =	wrdreg s5  }
0xaa: {  	[dreg:$0x4] =	wrdreg $0xC0  }
0xab: {  	_ =	task [dreg:s7], $0x5FFFF  }
0xac: {  	[dreg:$0x1] =	wrdreg $0xFFFFFFFF  }
0xad: {  	[dreg:$0x0] =	wrdreg $0x60  }
0xae: {  	[dreg:$0x2] =	wrdreg s24  }
0xaf: {  	[dreg:$0x3] =	wrdreg s2  }
0xb0: {  	[dreg:$0x4] =	wrdreg $0x44800  }
0xb1: {  	[dreg:$0x5] =	wrdreg $0x9  }
0xb2: {  	_ =	task.clear_ibuf [dreg:s7], $0x6FFFF;
	_ =	strace $0x90000046  }
0xb3: {  	s29 =	simm.s32 $0x9;
	_ =	strace $0x80000048  }
0xb4: {  	_ =	swait.ge [sflag:s29], $0x1  }
0xb5: {  	[sflag:s29] =	ssyncadd.s32 $0xFFFFFFFF  }
0xb6: {  	_ =	strace $0x90000048  }
0xb7: {  	_ =	sfence  }
0xb8: {  	s30 =	sld [smem:$0x0];
	_ =	sdelay $0x2  }
0xb9: {  	s31 =	sshll.u32 s1, $0xD;
	s1 =	sshrl.u32 s1, $0x2  }
0xba: {  	s3 =	sand.u32 $0x4000, s31;
	s1 =	sadd.s32 s1, s30  }
0xbb: {  	s0 =	sor.u32 s3, s0;
	s1 =	sshll.u32 s1, $0x11  }
0xbc: {  	s0 =	sor.u32 s1, s0  }
0xbd: {  	s0 =	sadd.s32 $0x8F2B, s0  }
0xbe: {  	[sflag:s0] =	ssyncadd.remote.s32 $0x1  }
0xbf: {  	_ =	sfence.sel $0xFFFF  }
0xc0: {  	[dreg:$0x0] =	wrdreg $0xFFFFFFFF;
	(pc) =	sbr.abs _section_cstart, $3  }
0xc1: {  	[dreg:$0x1] =	wrdreg $0xFFFFFFFF  }
0xc2: {  	_ =	task.clear_ibuf [dreg:s7], $0x2FFFF;
	_ =	strace $0x9FFFFFFF  }
0xc3: {  	(tm) =	ssettm $0x7FFFFFFF  }
tec
execute0_lowered:
.L_overlay_start_1:
0x0: {  	(tag) =	ssettag $0x1  }
0x1: {  	s6 =	rddreg [dreg:$0x0]  }
0x2: {  	s2 =	rddreg [dreg:$0x1];
	s0 =	stileid.u32  }
0x3: {  	s1 =	srdreg.scid;
	s3 =	rddreg [dreg:$0x2]  }
0x4: {  	s4 =	simm.s32 $0x0;
	s13 =	simm.s32 $0x50;
	s14 =	simm.s32 $0x0  }
0x5: {  	s7 =	sand.u32 $0x1, s1;
	s8 =	smul.u32 $0x3E8, s0;
	s1 =	rddreg [dreg:$0x3]  }
0x6: {  	[smem:$0x7FF] =	sst s4;
	s9 =	sshll.u32 s0, $0xB;
	s12 =	smul.u32 $0xFA0, s0  }
0x7: {  	p0 =	sgt.u32 s0, $0x9;
	s5 =	smul.u32 $0x2710, s7;
	_ =	strace $0x80000047  }
0x8: {  	s9 =	sadd.s32 s9, s6;
	s11 =	ssub.s32 $0x2, s7;
	s7 =	sshll.u32 s7, $0xF  }
0x9: {  	s30 =	sshrl.u32 s11, $0x1;
	s7 =	sadd.s32 s7, s9;
	s31 =	sshrl.u32 s12, $0x2  }
0xa: {  	s12 =	simm.s32 $0x1;
	s10 =	sadd.s32 s8, s5;
	s5 =	sadd.s32 $0x1EA00, s6  }
0xb: {  	s11 =	ssub.s32 s11, s30;
	s8 =	sadd.s32 s8, s3;
	s10 =	sshrl.u32 s10, $0x3  }
0xc: {  	s10 =	sadd.s32 s10, s6;
	s6 =	sadd.s32 $0xEA00, s7;
	s7 =	sadd.s32 s31, s3  }
0xd: {  	s9 =	sadd.s32 $0x1EC00, s10;
	s10 =	smax.u32 s11, $0x1;
	s11 =	simm.s32 $0x4000  }
.LBB2_1:
0xe: {  	[tilespmem:s11], [sflag:$0x1] =	stream.linear.gather [hbm4b:s5+s4], $0x80, $0x38;
	[tilespmem:$0x46F8] =	vst v63  }
0xf: {  	_ =	swait.ge [sflag:s12], $0x80  }
0x10: {  	[sflag:s12] =	ssyncset.done $0x0  }
0x11: {  	[sflag:s12] =	ssyncadd.s32 $0xFFFFFF80  }
0x12: {  	[tilespmem:s4], [sflag:$0x1] =	stream.linear.gather [hbm4b:s6+s4], $0x3E80, $0x38;
	[tilespmem:$0x46F8] =	vst v63  }
0x13: {  	_ =	swait.ge [sflag:s12], $0x3E80  }
0x14: {  	[sflag:s12] =	ssyncset.done $0x0  }
0x15: {  	s15 =	simm.s32 @!p0 $0x0;
	s16 =	simm.s32 @!p0 $0x4080;
	[sflag:s12] =	ssyncadd.s32 $0xFFFFC180  }
0x16: {  	[tilespmem:s16], [sflag:$0x1] =	stream.linear.gather @!p0 [hbm4b:s2+s15], $0x400, $0x38;
	[tilespmem:$0x46F8] =	vst v63  }
0x17: {  	s15 =	simm.s32 @!p0 $0x1  }
0x18: {  	_ =	swait.ge @!p0 [sflag:s15], $0x400  }
0x19: {  	[sflag:s15] =	ssyncset.done @!p0 $0x0  }
0x1a: {  	[sflag:s15] =	ssyncadd.s32 @!p0 $0xFFFFFC00  }
0x1b: {  	[spmem:s7] =	stream.linear.scatter @!p0 [tilespmem:s16], [sflag:$0x1], $0x3E8, $0x38;
	[tilespmem:$0x46F8] =	vst v63  }
0x1c: {  	_ =	swait.ge @!p0 [sflag:s15], $0x3E8  }
0x1d: {  	[sflag:s15] =	ssyncset.done @!p0 $0x0  }
0x1e: {  	[sflag:s15] =	ssyncadd.s32 @!p0 $0xFFFFFC18  }
0x1f: {  	s31 =	simm.s32 $0x0;
	[bflag:$0x0] =	sbarrier.arrive $0xFFFF  }
0x20: {  	[spmem:s3] =	stream.indirect.scatter.add.f32 [tilespmem:s11], [sflag:$0x1], $0x1, s31, s13, $0xb8;
	[tilespmem:$0x46F8] =	vst v63  }
0x21: {  	_ =	swait.ge [sflag:s12], $0x50  }
0x22: {  	s15 =	simm.s32 $0x200;
	[sflag:s12] =	ssyncset.done $0x0  }
.LBB2_2:
0x23: {  	s16 =	sshra.s32 s15, $0x2;
	[sflag:s12] =	ssyncadd.s32 $0xFFFFFFB0;
	p1 =	sne.s32 s15, $0xF800  }
0x24: {  	[spmem:s3] =	stream.indirect.scatter.add.f32 [tilespmem:s11], [sflag:$0x1], $0x1, s16, s13, $0xb8;
	[tilespmem:$0x46F8] =	vst v63  }
.Ltmp0:
0x25: {  	_ = 	snop;
	(pc) =	sbr.rel @p1 .LBB2_2-.Ltmp0, $4  }
0x26: {  	_ = 	snop  }
0x27: {  	s15 =	sadd.s32 $0x200, s15  }
0x28: {  	_ =	swait.ge [sflag:s12], $0x50  }
0x29: {  	[sflag:s12] =	ssyncset.done $0x0  }
0x2a: {  	[sflag:s12] =	ssyncadd.s32 $0xFFFFFFB0  }
0x2b: {  	s15 =	simm.s32 @!p0 $0x4080;
	s16 =	simm.s32 @!p0 $0x1;
	[bflag:$0x0] =	sbarrier.arrive $0xFFFF  }
0x2c: {  	[tilespmem:s15], [sflag:$0x1] =	stream.linear.gather @!p0 [spmem:s8], $0x3E8, $0x38;
	[tilespmem:$0x46F8] =	vst v63  }
0x2d: {  	s14 =	sadd.s32 $0x1, s14;
	_ =	swait.ge @!p0 [sflag:s16], $0x3E8  }
0x2e: {  	p1 =	sne.s32 s14, s10;
	[sflag:s16] =	ssyncset.done @!p0 $0x0  }
.Ltmp1:
0x2f: {  	s17 =	simm.s32 @!p0 $0x0;
	[sflag:s16] =	ssyncadd.s32 @!p0 $0xFFFFFC18;
	(pc) =	sbr.rel @p1 .LBB2_1-.Ltmp1, $4  }
0x30: {  	[hbm4b:s9+s17] =	stream.linear.scatter @!p0 [tilespmem:s15], [sflag:$0x1], $0x3E8, $0x38;
	[tilespmem:$0x46F8] =	vst v63  }
0x31: {  	_ =	swait.ge @!p0 [sflag:s16], $0x3E8  }
0x32: {  	[sflag:s16] =	ssyncset.done @!p0 $0x0  }
0x33: {  	[sflag:s16] =	ssyncadd.s32 @!p0 $0xFFFFFC18  }
0x34: {  	_ =	sfence.sel $0x180000  }
0x35: {  	[bflag:$0x0] =	sbarrier.arrive $0xFFFF  }
0x36: {  	p0 =	sne.s32 s0, $0x0;
	_ =	strace $0x90000047  }
0x37: {  	s0 =	sadd.s32 @!p0 $0x100000, s1;
	[bflag:$0x2] =	sbarrier.arrive $0xFFFF  }
0x38: {  	[sflag:s0] =	ssyncadd.tile.s32 @!p0 $0x1;
	_ =	shalt  }
.Lfunc_end2:
_tile_overlayer_lowered:
.L_overlay_start_2:
0x39: {  	(tag) =	ssettag $0x2  }
0x3a: {  	s0 =	rddreg [dreg:$0x0];
	s2 =	stileid.u32  }
0x3b: {  	s1 =	rddreg [dreg:$0x1];
	p0 =	sne.s32 s2, $0x0  }
0x3c: {  	s3 =	rddreg [dreg:$0x2];
	[bflag:$0x3] =	sbarrier.arrive $0xFFFF;
	s2 =	simm.s32 @!p0 $0x1C01  }
0x3d: {  	[timem:s3], [sflag:s2] =	dma.local @!p0 [hbm:s0], s1  }
0x3e: {  	s0 =	simm.s32 @!p0 $0x1  }
0x3f: {  	_ =	swait.ge @!p0 [sflag:s0], s1  }
0x40: {  	s1 =	ssub.s32 @!p0 $0x0, s1;
	[sflag:s0] =	ssyncset.done @!p0 $0x0  }
0x41: {  	[sflag:s0] =	ssyncadd.s32 @!p0 s1  }
0x42: {  	[bflag:$0x3] =	sbarrier.arrive $0xFFFF  }
0x43: {  	_ =	shalt  }

</sc_bundles>
